<compile_context>
chip_gen: v7x
topology: tpu7x:2x2x1
jax: 0.10.2.dev20260603
libtpu: 0.0.44.dev20260713+nightly
codegen_flags: <defaults>
</compile_context>

<pallas_src>
import functools

import jax
import jax.numpy as jnp
from jax import lax
from jax.experimental import pallas as pl
from jax.experimental.pallas import tpu as pltpu
from jax.experimental.pallas import tpu_sc as plsc

N_NODES = 10000
N_SUP = 5
E_EDGES = 100000
D_IN = 128
D_OUT = 64
N_STACK = 2 * N_NODES

NUM_TILES = 16
CHUNK = 128
NBUF = 2
EP = 102400
EPT = EP // NUM_TILES
NCH = EPT // CHUNK
N_PAD = 10240
ROWS_PER_TILE = N_PAD // NUM_TILES


def _bcast_lane(vv, j):
    idx = jnp.full((16, 1), j, jnp.int32)
    dn = lax.GatherDimensionNumbers(
        offset_dims=(), collapsed_slice_dims=(0,), start_index_map=(0,))
    return lax.gather(vv, idx, dn, (1,),
                      mode=lax.GatherScatterMode.PROMISE_IN_BOUNDS)


def _mm_body(x_ref, w_ref, o_ref):
    o_ref[0] = jnp.dot(x_ref[...], w_ref[0], preferred_element_type=jnp.float32)


def _dense_projections(stacked, weight):
    BM = 2000
    return pl.pallas_call(
        _mm_body,
        grid=(N_SUP, N_STACK // BM),
        in_specs=[
            pl.BlockSpec((BM, D_IN), lambda i, j: (j, 0)),
            pl.BlockSpec((1, D_IN, D_OUT), lambda i, j: (i, 0, 0)),
        ],
        out_specs=pl.BlockSpec((1, BM, D_OUT), lambda i, j: (i, j, 0)),
        out_shape=jax.ShapeDtypeStruct((N_SUP, N_STACK, D_OUT), jnp.float32),
    )(stacked, weight)


def _sc_aggregate(table_flat, src_all, dst_all, val_all):
    mesh = plsc.VectorSubcoreMesh(core_axis_name="c", subcore_axis_name="s")

    @functools.partial(
        pl.kernel,
        mesh=mesh,
        compiler_params=pltpu.CompilerParams(use_tc_tiling_on_sc=False),
        out_type=jax.ShapeDtypeStruct((2, N_SUP, N_PAD, D_OUT), jnp.float32),
        scratch_types=[
            pltpu.VMEM((EPT,), jnp.int32),
            pltpu.VMEM((EPT,), jnp.int32),
            pltpu.VMEM((EPT,), jnp.float32),
        ] + [pltpu.VMEM((CHUNK, D_OUT), jnp.float32) for _ in range(NBUF)]
          + [pltpu.VMEM((CHUNK,), jnp.int32) for _ in range(NBUF)]
          + [pltpu.VMEM((CHUNK,), jnp.int32) for _ in range(NBUF)]
          + [pltpu.VMEM_SHARED((N_PAD, D_OUT), jnp.float32)]
          + [pltpu.SemaphoreType.DMA]
          + [pltpu.SemaphoreType.DMA for _ in range(NBUF)]
          + [pltpu.SemaphoreType.DMA for _ in range(NBUF)],
    )
    def k(table_hbm, src_hbm, dst_hbm, val_hbm, out_hbm,
          srci_v, dsti_v, vals_v, *rest):
        bufs = rest[0:NBUF]
        srccs = rest[NBUF:2 * NBUF]
        dstcs = rest[2 * NBUF:3 * NBUF]
        acc_sh = rest[3 * NBUF]
        sem_e = rest[3 * NBUF + 1]
        gsems = rest[3 * NBUF + 2:3 * NBUF + 2 + NBUF]
        ssems = rest[3 * NBUF + 2 + NBUF:3 * NBUF + 2 + 2 * NBUF]
        rows0 = bufs[0]
        c = lax.axis_index("c")
        s = lax.axis_index("s")
        my_rows = s * ROWS_PER_TILE
        RB = ROWS_PER_TILE // CHUNK

        def fill_src(t, b, src_off):
            blocks = [srci_v[pl.ds(t * CHUNK + g * 16, 16)]
                      for g in range(CHUNK // 16)]
            for g in range(CHUNK // 16):
                srccs[b][pl.ds(g * 16, 16)] = blocks[g] + src_off

        def fill_dst(t, b):
            blocks = [dsti_v[pl.ds(t * CHUNK + g * 16, 16)]
                      for g in range(CHUNK // 16)]
            for g in range(CHUNK // 16):
                dstcs[b][pl.ds(g * 16, 16)] = blocks[g]

        def scale_chunk(rows_v, t):
            @plsc.parallel_loop(0, CHUNK // 16)
            def _(g):
                vv = vals_v[pl.ds(t * CHUNK + g * 16, 16)]
                svs = [_bcast_lane(vv, j) for j in range(16)]
                for j in range(16):
                    e = g * 16 + j
                    blocks = [rows_v[e, pl.ds(kk * 16, 16)]
                              for kk in range(D_OUT // 16)]
                    for kk in range(D_OUT // 16):
                        rows_v[e, pl.ds(kk * 16, 16)] = blocks[kk] * svs[j]

        def gather_copy(b):
            return pltpu.make_async_copy(
                table_hbm.at[srccs[b]], bufs[b], gsems[b])

        def scatter_copy(b):
            return pltpu.make_async_copy(
                bufs[b], acc_sh.at[dstcs[b]], ssems[b])

        def pass_body(q, _):
            p = c * N_SUP + q
            src_off = q * N_STACK + (1 - c) * N_NODES

            ebase = p * EP + s * EPT
            e0 = pltpu.make_async_copy(src_hbm.at[pl.ds(ebase, EPT)], srci_v, sem_e)
            e1 = pltpu.make_async_copy(dst_hbm.at[pl.ds(ebase, EPT)], dsti_v, sem_e)
            e2 = pltpu.make_async_copy(val_hbm.at[pl.ds(ebase, EPT)], vals_v, sem_e)
            e0.start()
            e1.start()
            e2.start()

            @plsc.parallel_loop(0, CHUNK)
            def _(r):
                for kk in range(D_OUT // 16):
                    rows0[r, pl.ds(kk * 16, 16)] = jnp.zeros((16,), jnp.float32)

            def zc_body(b, _):
                pltpu.sync_copy(rows0, acc_sh.at[pl.ds(my_rows + b * CHUNK, CHUNK)])
                return 0
            lax.fori_loop(0, RB, zc_body, 0)

            e0.wait()
            e1.wait()
            e2.wait()
            plsc.subcore_barrier()

            for b in range(NBUF):
                fill_src(b, b, src_off)
                gather_copy(b).start()

            def chunk_body(t, _):
                for b in range(NBUF):
                    tb = t + b
                    gather_copy(b).wait()
                    scale_chunk(bufs[b], tb)
                    fill_dst(tb, b)
                    scatter_copy(b).start(add=True)
                for b in range(NBUF):
                    tb = t + b
                    scatter_copy(b).wait()

                    @pl.when(tb + NBUF < NCH)
                    def _():
                        fill_src(tb + NBUF, b, src_off)
                        gather_copy(b).start()
                return 0
            lax.fori_loop(0, NCH // NBUF, lambda i, u: chunk_body(i * NBUF, u), 0)
            plsc.subcore_barrier()

            def out_body(b, _):
                rb = my_rows + b * CHUNK
                pltpu.sync_copy(acc_sh.at[pl.ds(rb, CHUNK)], rows0)

                @plsc.parallel_loop(0, CHUNK)
                def _(r):
                    for kk in range(D_OUT // 16):
                        v = rows0[r, pl.ds(kk * 16, 16)]
                        rows0[r, pl.ds(kk * 16, 16)] = jnp.maximum(v, 0.0)

                pltpu.sync_copy(rows0, out_hbm.at[c, q, pl.ds(rb, CHUNK)])
                return 0
            lax.fori_loop(0, RB, out_body, 0)
            plsc.subcore_barrier()
            return 0
        lax.fori_loop(0, N_SUP, pass_body, 0)

    return k(table_flat, src_all, dst_all, val_all)


def kernel(user_sup_indices, user_sup_values, item_sup_indices, item_sup_values,
           user_inputs, item_inputs, weight):
    stacked = jnp.concatenate([user_inputs, item_inputs], axis=0)
    table = _dense_projections(stacked, weight).reshape(N_SUP * N_STACK, D_OUT)

    pad = ((0, 0), (0, EP - E_EDGES))
    u_src = jnp.pad(user_sup_indices[:, 1, :], pad)
    u_dst = jnp.pad(user_sup_indices[:, 0, :], pad)
    u_val = jnp.pad(user_sup_values, pad)
    i_src = jnp.pad(item_sup_indices[:, 1, :], pad)
    i_dst = jnp.pad(item_sup_indices[:, 0, :], pad)
    i_val = jnp.pad(item_sup_values, pad)
    src_all = jnp.concatenate([u_src, i_src]).reshape(-1)
    dst_all = jnp.concatenate([u_dst, i_dst]).reshape(-1)
    val_all = jnp.concatenate([u_val, i_val]).reshape(-1)

    out = _sc_aggregate(table, src_all, dst_all, val_all)
    user_out = out[0, :, :N_NODES].transpose(1, 0, 2).reshape(N_NODES, N_SUP * D_OUT)
    item_out = out[1, :, :N_NODES].transpose(1, 0, 2).reshape(N_NODES, N_SUP * D_OUT)
    return (user_out, item_out)

# --- scband reference (transcript-rebuilt; emitter-appended) ---
"""Pipeline reference for scband-stack-gcnencoder-37254546326127 (READ-ONLY COPY).

The authoritative reference and input builder live on the scoring server;
editing this copy changes nothing except your own understanding.
"""

import jax, jax.numpy as jnp
import numpy as np

NUM_USERS = 10000
NUM_ITEMS = 10000
NUM_SUPPORT = 5
E = 100000
IN_DIM = 128
OUT_DIM = 320
OUT_PER = OUT_DIM // NUM_SUPPORT


def setup_inputs(seed: int = 0) -> dict:
    key = jax.random.key(seed)
    ks = jax.random.split(key, 7)
    user_sup_indices = jax.random.randint(ks[0], (NUM_SUPPORT, 2, E), 0, NUM_USERS, dtype=jnp.int64 if jax.config.jax_enable_x64 else jnp.int32).astype(jnp.int32)
    user_sup_values = jax.random.uniform(ks[1], (NUM_SUPPORT, E), dtype=jnp.float32)
    item_sup_indices = jax.random.randint(ks[2], (NUM_SUPPORT, 2, E), 0, NUM_ITEMS).astype(jnp.int32)
    item_sup_values = jax.random.uniform(ks[3], (NUM_SUPPORT, E), dtype=jnp.float32)
    user_inputs = jax.random.normal(ks[4], (NUM_USERS, IN_DIM), dtype=jnp.float32)
    item_inputs = jax.random.normal(ks[5], (NUM_ITEMS, IN_DIM), dtype=jnp.float32)
    # kaiming_uniform on weight[NUM_SUPPORT, IN_DIM, OUT_PER]: fan_in = IN_DIM * OUT_PER (torch default mode uses fan_in of last two dims); approximate with bound = sqrt(6/fan_in)*sqrt(2)
    fan_in = IN_DIM
    bound = float(np.sqrt(2.0) * np.sqrt(3.0 / fan_in))
    weight = jax.random.uniform(ks[6], (NUM_SUPPORT, IN_DIM, OUT_PER), minval=-bound, maxval=bound, dtype=jnp.float32)
    return {
        'user_sup_indices': user_sup_indices,
        'user_sup_values': user_sup_values,
        'item_sup_indices': item_sup_indices,
        'item_sup_values': item_sup_values,
        'user_inputs': user_inputs,
        'item_inputs': item_inputs,
        'weight': weight,
    }


def reference(user_sup_indices, user_sup_values, item_sup_indices, item_sup_values, user_inputs, item_inputs, weight):
    user_hidden = []
    item_hidden = []
    for i in range(NUM_SUPPORT):
        tmp_u = user_inputs @ weight[i]              # [NUM_USERS, OUT_PER]
        tmp_v = item_inputs @ weight[i]              # [NUM_ITEMS, OUT_PER]
        # sparse.mm(user_supports[i], tmp_v): rows index users, cols index items
        ur = user_sup_indices[i, 0]
        uc = user_sup_indices[i, 1]
        u_msg = jnp.take(tmp_v, uc, axis=0) * user_sup_values[i][:, None]
        uh = jax.ops.segment_sum(u_msg, ur, num_segments=NUM_USERS)
        # sparse.mm(item_supports[i], tmp_u): rows index items, cols index users
        ir = item_sup_indices[i, 0]
        ic = item_sup_indices[i, 1]
        i_msg = jnp.take(tmp_u, ic, axis=0) * item_sup_values[i][:, None]
        ih = jax.ops.segment_sum(i_msg, ir, num_segments=NUM_ITEMS)
        user_hidden.append(uh)
        item_hidden.append(ih)
    user_outputs = jax.nn.relu(jnp.concatenate(user_hidden, axis=1))
    item_outputs = jax.nn.relu(jnp.concatenate(item_hidden, axis=1))
    return (user_outputs, item_outputs)

if __name__ == "__main__":
    import jax
    _d = setup_inputs()
    print(jax.jit(kernel)(*tuple(_d.values())))

</pallas_src>

<mosaic_0001>
#map = affine_map<(d0, d1) -> (0, 0)>
#map1 = affine_map<(d0, d1) -> (0)>
#map2 = affine_map<(d0, d1) -> (0, 0, 0, 0)>
module attributes {stable_mosaic.version = 14 : i64} {
  func.func @k(%arg0: i32, %arg1: i32, %arg2: memref<100000x64xf32, #tpu.memory_space<hbm>>, %arg3: memref<1024000xi32, #tpu.memory_space<hbm>>, %arg4: memref<1024000xi32, #tpu.memory_space<hbm>>, %arg5: memref<1024000xf32, #tpu.memory_space<hbm>>, %arg6: memref<2x5x10240x64xf32, #tpu.memory_space<hbm>>, %arg7: memref<6400xi32, #tpu.memory_space<vmem>>, %arg8: memref<6400xi32, #tpu.memory_space<vmem>>, %arg9: memref<6400xf32, #tpu.memory_space<vmem>>, %arg10: memref<128x64xf32, #tpu.memory_space<vmem>>, %arg11: memref<128x64xf32, #tpu.memory_space<vmem>>, %arg12: memref<128xi32, #tpu.memory_space<vmem>>, %arg13: memref<128xi32, #tpu.memory_space<vmem>>, %arg14: memref<128xi32, #tpu.memory_space<vmem>>, %arg15: memref<128xi32, #tpu.memory_space<vmem>>, %arg16: memref<10240x64xf32, #tpu.memory_space<vmem_shared>>, %arg17: memref<!tpu.dma_semaphore, #tpu.memory_space<semaphore_mem>>, %arg18: memref<!tpu.dma_semaphore, #tpu.memory_space<semaphore_mem>>, %arg19: memref<!tpu.dma_semaphore, #tpu.memory_space<semaphore_mem>>, %arg20: memref<!tpu.dma_semaphore, #tpu.memory_space<semaphore_mem>>, %arg21: memref<!tpu.dma_semaphore, #tpu.memory_space<semaphore_mem>>) attributes {dimension_semantics = [#tpu.dimension_semantics<core_parallel>, #tpu.dimension_semantics<subcore_parallel>], iteration_bounds = array<i64: 2, 16>, scalar_prefetch = 0 : i64, scratch_operands = 15 : i64, tpu.core_type = #tpu.core_type<sc_vector_subcore>, window_params = [{transform_indices = #map}, {transform_indices = #map1}, {transform_indices = #map1}, {transform_indices = #map1}, {transform_indices = #map2}]} {
    %mul3A = arith.constant 640 : i32
    %mul3A_0 = arith.muli %arg1, %mul3A : i32
    %scan3A = arith.constant 0 : i32
    %scan3A_1 = arith.constant 0 : i32
    %scan3A_2 = arith.constant 5 : i32
    %scan3A_3 = arith.addi %scan3A_1, %scan3A_2 : i32
    %scan3A_4 = arith.constant 1 : i32
    %scan3A_5 = scf.for %scan3A_7 = %scan3A_1 to %scan3A_3 step %scan3A_4 iter_args(%scan3A_8 = %scan3A) -> (i32)  : i32 {
      %mul3A_9 = arith.constant 5 : i32
      %mul3A_10 = arith.muli %arg0, %mul3A_9 : i32
      %add3A = arith.addi %mul3A_10, %scan3A_7 : i32
      %mul3A_11 = arith.constant 20000 : i32
      %mul3A_12 = arith.muli %scan3A_7, %mul3A_11 : i32
      %sub3A = arith.constant 1 : i32
      %sub3A_13 = arith.subi %sub3A, %arg0 : i32
      %mul3A_14 = arith.constant 10000 : i32
      %mul3A_15 = arith.muli %sub3A_13, %mul3A_14 : i32
      %add3A_16 = arith.addi %mul3A_12, %mul3A_15 : i32
      %mul3A_17 = arith.constant 102400 : i32
      %mul3A_18 = arith.muli %add3A, %mul3A_17 : i32
      %mul3A_19 = arith.constant 6400 : i32
      %mul3A_20 = arith.muli %arg1, %mul3A_19 : i32
      %add3A_21 = arith.addi %mul3A_18, %mul3A_20 : i32
      %dma_start3A = tpu.memref_slice %arg3[%add3A_21] : memref<1024000xi32, #tpu.memory_space<hbm>> -> memref<6400xi32, #tpu.memory_space<hbm>>
      %dma_start3A_22 = tpu.memref_slice %arg3[%add3A_21] : memref<1024000xi32, #tpu.memory_space<hbm>> -> memref<6400xi32, #tpu.memory_space<hbm>>
      tpu.enqueue_dma source(%dma_start3A_22 : memref<6400xi32, #tpu.memory_space<hbm>>) target(%arg7 : memref<6400xi32, #tpu.memory_space<vmem>>) target_semaphore(%arg17 : memref<!tpu.dma_semaphore, #tpu.memory_space<semaphore_mem>>)
      %dma_start3A_23 = tpu.memref_slice %arg4[%add3A_21] : memref<1024000xi32, #tpu.memory_space<hbm>> -> memref<6400xi32, #tpu.memory_space<hbm>>
      %dma_start3A_24 = tpu.memref_slice %arg4[%add3A_21] : memref<1024000xi32, #tpu.memory_space<hbm>> -> memref<6400xi32, #tpu.memory_space<hbm>>
      tpu.enqueue_dma source(%dma_start3A_24 : memref<6400xi32, #tpu.memory_space<hbm>>) target(%arg8 : memref<6400xi32, #tpu.memory_space<vmem>>) target_semaphore(%arg17 : memref<!tpu.dma_semaphore, #tpu.memory_space<semaphore_mem>>)
      %dma_start3A_25 = tpu.memref_slice %arg5[%add3A_21] : memref<1024000xf32, #tpu.memory_space<hbm>> -> memref<6400xf32, #tpu.memory_space<hbm>>
      %dma_start3A_26 = tpu.memref_slice %arg5[%add3A_21] : memref<1024000xf32, #tpu.memory_space<hbm>> -> memref<6400xf32, #tpu.memory_space<hbm>>
      tpu.enqueue_dma source(%dma_start3A_26 : memref<6400xf32, #tpu.memory_space<hbm>>) target(%arg9 : memref<6400xf32, #tpu.memory_space<vmem>>) target_semaphore(%arg17 : memref<!tpu.dma_semaphore, #tpu.memory_space<semaphore_mem>>)
      %parallel_loop3A = arith.constant 0 : i32
      %parallel_loop3A_27 = arith.constant 128 : i32
      %parallel_loop3A_28 = arith.constant 1 : i32
      scf.for %parallel_loop3A_206 = %parallel_loop3A to %parallel_loop3A_27 step %parallel_loop3A_28  : i32 {
        %parallel_loop3A_207 = arith.constant 0.000000e+00 : f32
        %parallel_loop3A_208 = vector.broadcast %parallel_loop3A_207 : f32 to vector<16xf32>
        %parallel_loop3A_209 = arith.index_cast %parallel_loop3A_206 : i32 to index
        %parallel_loop3A_210 = arith.constant 0 : index
        %parallel_loop3A_211 = tpu.vector_load %arg10[%parallel_loop3A_209, %parallel_loop3A_210] {strides = array<i32>} : memref<128x64xf32, #tpu.memory_space<vmem>>, vector<1x16xf32>,
        %parallel_loop3A_212 = vector.shape_cast %parallel_loop3A_211 : vector<1x16xf32> to vector<16xf32>
        %parallel_loop3A_213 = vector.shape_cast %parallel_loop3A_208 : vector<16xf32> to vector<1x16xf32>
        tpu.vector_store %arg10[%parallel_loop3A_209, %parallel_loop3A_210], %parallel_loop3A_213 {strides = array<i32>} : memref<128x64xf32, #tpu.memory_space<vmem>>, vector<1x16xf32>,
        %parallel_loop3A_214 = arith.constant 0.000000e+00 : f32
        %parallel_loop3A_215 = vector.broadcast %parallel_loop3A_214 : f32 to vector<16xf32>
        %parallel_loop3A_216 = arith.index_cast %parallel_loop3A_206 : i32 to index
        %parallel_loop3A_217 = arith.constant 16 : index
        %parallel_loop3A_218 = tpu.vector_load %arg10[%parallel_loop3A_216, %parallel_loop3A_217] {strides = array<i32>} : memref<128x64xf32, #tpu.memory_space<vmem>>, vector<1x16xf32>,
        %parallel_loop3A_219 = vector.shape_cast %parallel_loop3A_218 : vector<1x16xf32> to vector<16xf32>
        %parallel_loop3A_220 = vector.shape_cast %parallel_loop3A_215 : vector<16xf32> to vector<1x16xf32>
        tpu.vector_store %arg10[%parallel_loop3A_216, %parallel_loop3A_217], %parallel_loop3A_220 {strides = array<i32>} : memref<128x64xf32, #tpu.memory_space<vmem>>, vector<1x16xf32>,
        %parallel_loop3A_221 = arith.constant 0.000000e+00 : f32
        %parallel_loop3A_222 = vector.broadcast %parallel_loop3A_221 : f32 to vector<16xf32>
        %parallel_loop3A_223 = arith.index_cast %parallel_loop3A_206 : i32 to index
        %parallel_loop3A_224 = arith.constant 32 : index
        %parallel_loop3A_225 = tpu.vector_load %arg10[%parallel_loop3A_223, %parallel_loop3A_224] {strides = array<i32>} : memref<128x64xf32, #tpu.memory_space<vmem>>, vector<1x16xf32>,
        %parallel_loop3A_226 = vector.shape_cast %parallel_loop3A_225 : vector<1x16xf32> to vector<16xf32>
        %parallel_loop3A_227 = vector.shape_cast %parallel_loop3A_222 : vector<16xf32> to vector<1x16xf32>
        tpu.vector_store %arg10[%parallel_loop3A_223, %parallel_loop3A_224], %parallel_loop3A_227 {strides = array<i32>} : memref<128x64xf32, #tpu.memory_space<vmem>>, vector<1x16xf32>,
        %parallel_loop3A_228 = arith.constant 0.000000e+00 : f32
        %parallel_loop3A_229 = vector.broadcast %parallel_loop3A_228 : f32 to vector<16xf32>
        %parallel_loop3A_230 = arith.index_cast %parallel_loop3A_206 : i32 to index
        %parallel_loop3A_231 = arith.constant 48 : index
        %parallel_loop3A_232 = tpu.vector_load %arg10[%parallel_loop3A_230, %parallel_loop3A_231] {strides = array<i32>} : memref<128x64xf32, #tpu.memory_space<vmem>>, vector<1x16xf32>,
        %parallel_loop3A_233 = vector.shape_cast %parallel_loop3A_232 : vector<1x16xf32> to vector<16xf32>
        %parallel_loop3A_234 = vector.shape_cast %parallel_loop3A_229 : vector<16xf32> to vector<1x16xf32>
        tpu.vector_store %arg10[%parallel_loop3A_230, %parallel_loop3A_231], %parallel_loop3A_234 {strides = array<i32>} : memref<128x64xf32, #tpu.memory_space<vmem>>, vector<1x16xf32>,
      } {sc.loop_unroll_factor = 1 : i64, sc.parallel_access}
      %scan3A_29 = arith.constant 0 : i32
      %scan3A_30 = arith.constant 0 : i32
      %scan3A_31 = arith.constant 5 : i32
      %scan3A_32 = arith.addi %scan3A_30, %scan3A_31 : i32
      %scan3A_33 = arith.constant 1 : i32
      %scan3A_34 = scf.for %scan3A_206 = %scan3A_30 to %scan3A_32 step %scan3A_33 iter_args(%scan3A_207 = %scan3A_29) -> (i32)  : i32 {
        %mul3A_208 = arith.constant 128 : i32
        %mul3A_209 = arith.muli %scan3A_206, %mul3A_208 : i32
        %add3A_210 = arith.addi %mul3A_0, %mul3A_209 : i32
        "tpu.region"() ({
          %run_scoped3A = tpu.sem_alloc : memref<!tpu.dma_semaphore, #tpu.memory_space<semaphore_mem>>
          %dma_start3A_212 = arith.constant 0 : i32
          %dma_start3A_213 = tpu.memref_slice %arg16[%add3A_210, %dma_start3A_212] : memref<10240x64xf32, #tpu.memory_space<vmem_shared>> -> memref<128x64xf32, #tpu.memory_space<vmem_shared>>
          %dma_start3A_214 = arith.constant 0 : i32
          %dma_start3A_215 = tpu.memref_slice %arg16[%add3A_210, %dma_start3A_214] : memref<10240x64xf32, #tpu.memory_space<vmem_shared>> -> memref<128x64xf32, #tpu.memory_space<vmem_shared>>
          tpu.enqueue_dma source(%arg10 : memref<128x64xf32, #tpu.memory_space<vmem>>) target(%dma_start3A_215 : memref<128x64xf32, #tpu.memory_space<vmem_shared>>) target_semaphore(%run_scoped3A : memref<!tpu.dma_semaphore, #tpu.memory_space<semaphore_mem>>)
          %dma_wait3A_216 = arith.constant 0 : i32
          %dma_wait3A_217 = tpu.memref_slice %arg16[%add3A_210, %dma_wait3A_216] : memref<10240x64xf32, #tpu.memory_space<vmem_shared>> -> memref<128x64xf32, #tpu.memory_space<vmem_shared>>
          %dma_wait3A_218 = arith.constant 0 : i32
          %dma_wait3A_219 = tpu.memref_slice %arg16[%add3A_210, %dma_wait3A_218] : memref<10240x64xf32, #tpu.memory_space<vmem_shared>> -> memref<128x64xf32, #tpu.memory_space<vmem_shared>>
          tpu.wait_dma2 semaphore(%run_scoped3A : memref<!tpu.dma_semaphore, #tpu.memory_space<semaphore_mem>>) src(%arg10 : memref<128x64xf32, #tpu.memory_space<vmem>>) dst(%dma_wait3A_219 : memref<128x64xf32, #tpu.memory_space<vmem_shared>>)
          tpu.yield
        }) : () -> ()
        %scan3A_211 = arith.constant 0 : i32
        scf.yield %scan3A_211 : i32
      }
      %scan3A_35 = arith.constant 5 : i32
      %dma_wait3A = tpu.memref_slice %arg3[%add3A_21] : memref<1024000xi32, #tpu.memory_space<hbm>> -> memref<6400xi32, #tpu.memory_space<hbm>>
      %dma_wait3A_36 = tpu.memref_slice %arg3[%add3A_21] : memref<1024000xi32, #tpu.memory_space<hbm>> -> memref<6400xi32, #tpu.memory_space<hbm>>
      tpu.wait_dma2 semaphore(%arg17 : memref<!tpu.dma_semaphore, #tpu.memory_space<semaphore_mem>>) src(%dma_wait3A_36 : memref<6400xi32, #tpu.memory_space<hbm>>) dst(%arg7 : memref<6400xi32, #tpu.memory_space<vmem>>)
      %dma_wait3A_37 = tpu.memref_slice %arg4[%add3A_21] : memref<1024000xi32, #tpu.memory_space<hbm>> -> memref<6400xi32, #tpu.memory_space<hbm>>
      %dma_wait3A_38 = tpu.memref_slice %arg4[%add3A_21] : memref<1024000xi32, #tpu.memory_space<hbm>> -> memref<6400xi32, #tpu.memory_space<hbm>>
      tpu.wait_dma2 semaphore(%arg17 : memref<!tpu.dma_semaphore, #tpu.memory_space<semaphore_mem>>) src(%dma_wait3A_38 : memref<6400xi32, #tpu.memory_space<hbm>>) dst(%arg8 : memref<6400xi32, #tpu.memory_space<vmem>>)
      %dma_wait3A_39 = tpu.memref_slice %arg5[%add3A_21] : memref<1024000xf32, #tpu.memory_space<hbm>> -> memref<6400xf32, #tpu.memory_space<hbm>>
      %dma_wait3A_40 = tpu.memref_slice %arg5[%add3A_21] : memref<1024000xf32, #tpu.memory_space<hbm>> -> memref<6400xf32, #tpu.memory_space<hbm>>
      tpu.wait_dma2 semaphore(%arg17 : memref<!tpu.dma_semaphore, #tpu.memory_space<semaphore_mem>>) src(%dma_wait3A_40 : memref<6400xf32, #tpu.memory_space<hbm>>) dst(%arg9 : memref<6400xf32, #tpu.memory_space<vmem>>)
      %barrier3A = arith.constant 0 : index
      tpu.barrier barrier_id(%barrier3A)
      %get3A = arith.constant 0 : index
      %get3A_41 = tpu.vector_load %arg7[%get3A] {strides = array<i32>} : memref<6400xi32, #tpu.memory_space<vmem>>, vector<16xi32>,
      %get3A_42 = vector.shape_cast %get3A_41 : vector<16xi32> to vector<16xi32>
      %get3A_43 = arith.constant 16 : index
      %get3A_44 = tpu.vector_load %arg7[%get3A_43] {strides = array<i32>} : memref<6400xi32, #tpu.memory_space<vmem>>, vector<16xi32>,
      %get3A_45 = vector.shape_cast %get3A_44 : vector<16xi32> to vector<16xi32>
      %get3A_46 = arith.constant 32 : index
      %get3A_47 = tpu.vector_load %arg7[%get3A_46] {strides = array<i32>} : memref<6400xi32, #tpu.memory_space<vmem>>, vector<16xi32>,
      %get3A_48 = vector.shape_cast %get3A_47 : vector<16xi32> to vector<16xi32>
      %get3A_49 = arith.constant 48 : index
      %get3A_50 = tpu.vector_load %arg7[%get3A_49] {strides = array<i32>} : memref<6400xi32, #tpu.memory_space<vmem>>, vector<16xi32>,
      %get3A_51 = vector.shape_cast %get3A_50 : vector<16xi32> to vector<16xi32>
      %get3A_52 = arith.constant 64 : index
      %get3A_53 = tpu.vector_load %arg7[%get3A_52] {strides = array<i32>} : memref<6400xi32, #tpu.memory_space<vmem>>, vector<16xi32>,
      %get3A_54 = vector.shape_cast %get3A_53 : vector<16xi32> to vector<16xi32>
      %get3A_55 = arith.constant 80 : index
      %get3A_56 = tpu.vector_load %arg7[%get3A_55] {strides = array<i32>} : memref<6400xi32, #tpu.memory_space<vmem>>, vector<16xi32>,
      %get3A_57 = vector.shape_cast %get3A_56 : vector<16xi32> to vector<16xi32>
      %get3A_58 = arith.constant 96 : index
      %get3A_59 = tpu.vector_load %arg7[%get3A_58] {strides = array<i32>} : memref<6400xi32, #tpu.memory_space<vmem>>, vector<16xi32>,
      %get3A_60 = vector.shape_cast %get3A_59 : vector<16xi32> to vector<16xi32>
      %get3A_61 = arith.constant 112 : index
      %get3A_62 = tpu.vector_load %arg7[%get3A_61] {strides = array<i32>} : memref<6400xi32, #tpu.memory_space<vmem>>, vector<16xi32>,
      %get3A_63 = vector.shape_cast %get3A_62 : vector<16xi32> to vector<16xi32>
      %add3A_64 = vector.broadcast %add3A_16 : i32 to vector<16xi32>
      %add3A_65 = arith.addi %get3A_42, %add3A_64 : vector<16xi32>
      %swap3A = arith.constant 0 : index
      %swap3A_66 = tpu.vector_load %arg12[%swap3A] {strides = array<i32>} : memref<128xi32, #tpu.memory_space<vmem>>, vector<16xi32>,
      %swap3A_67 = vector.shape_cast %swap3A_66 : vector<16xi32> to vector<16xi32>
      %swap3A_68 = vector.shape_cast %add3A_65 : vector<16xi32> to vector<16xi32>
      tpu.vector_store %arg12[%swap3A], %swap3A_68 {strides = array<i32>} : memref<128xi32, #tpu.memory_space<vmem>>, vector<16xi32>,
      %add3A_69 = vector.broadcast %add3A_16 : i32 to vector<16xi32>
      %add3A_70 = arith.addi %get3A_45, %add3A_69 : vector<16xi32>
      %swap3A_71 = arith.constant 16 : index
      %swap3A_72 = tpu.vector_load %arg12[%swap3A_71] {strides = array<i32>} : memref<128xi32, #tpu.memory_space<vmem>>, vector<16xi32>,
      %swap3A_73 = vector.shape_cast %swap3A_72 : vector<16xi32> to vector<16xi32>
      %swap3A_74 = vector.shape_cast %add3A_70 : vector<16xi32> to vector<16xi32>
      tpu.vector_store %arg12[%swap3A_71], %swap3A_74 {strides = array<i32>} : memref<128xi32, #tpu.memory_space<vmem>>, vector<16xi32>,
      %add3A_75 = vector.broadcast %add3A_16 : i32 to vector<16xi32>
      %add3A_76 = arith.addi %get3A_48, %add3A_75 : vector<16xi32>
      %swap3A_77 = arith.constant 32 : index
      %swap3A_78 = tpu.vector_load %arg12[%swap3A_77] {strides = array<i32>} : memref<128xi32, #tpu.memory_space<vmem>>, vector<16xi32>,
      %swap3A_79 = vector.shape_cast %swap3A_78 : vector<16xi32> to vector<16xi32>
      %swap3A_80 = vector.shape_cast %add3A_76 : vector<16xi32> to vector<16xi32>
      tpu.vector_store %arg12[%swap3A_77], %swap3A_80 {strides = array<i32>} : memref<128xi32, #tpu.memory_space<vmem>>, vector<16xi32>,
      %add3A_81 = vector.broadcast %add3A_16 : i32 to vector<16xi32>
      %add3A_82 = arith.addi %get3A_51, %add3A_81 : vector<16xi32>
      %swap3A_83 = arith.constant 48 : index
      %swap3A_84 = tpu.vector_load %arg12[%swap3A_83] {strides = array<i32>} : memref<128xi32, #tpu.memory_space<vmem>>, vector<16xi32>,
      %swap3A_85 = vector.shape_cast %swap3A_84 : vector<16xi32> to vector<16xi32>
      %swap3A_86 = vector.shape_cast %add3A_82 : vector<16xi32> to vector<16xi32>
      tpu.vector_store %arg12[%swap3A_83], %swap3A_86 {strides = array<i32>} : memref<128xi32, #tpu.memory_space<vmem>>, vector<16xi32>,
      %add3A_87 = vector.broadcast %add3A_16 : i32 to vector<16xi32>
      %add3A_88 = arith.addi %get3A_54, %add3A_87 : vector<16xi32>
      %swap3A_89 = arith.constant 64 : index
      %swap3A_90 = tpu.vector_load %arg12[%swap3A_89] {strides = array<i32>} : memref<128xi32, #tpu.memory_space<vmem>>, vector<16xi32>,
      %swap3A_91 = vector.shape_cast %swap3A_90 : vector<16xi32> to vector<16xi32>
      %swap3A_92 = vector.shape_cast %add3A_88 : vector<16xi32> to vector<16xi32>
      tpu.vector_store %arg12[%swap3A_89], %swap3A_92 {strides = array<i32>} : memref<128xi32, #tpu.memory_space<vmem>>, vector<16xi32>,
      %add3A_93 = vector.broadcast %add3A_16 : i32 to vector<16xi32>
      %add3A_94 = arith.addi %get3A_57, %add3A_93 : vector<16xi32>
      %swap3A_95 = arith.constant 80 : index
      %swap3A_96 = tpu.vector_load %arg12[%swap3A_95] {strides = array<i32>} : memref<128xi32, #tpu.memory_space<vmem>>, vector<16xi32>,
      %swap3A_97 = vector.shape_cast %swap3A_96 : vector<16xi32> to vector<16xi32>
      %swap3A_98 = vector.shape_cast %add3A_94 : vector<16xi32> to vector<16xi32>
      tpu.vector_store %arg12[%swap3A_95], %swap3A_98 {strides = array<i32>} : memref<128xi32, #tpu.memory_space<vmem>>, vector<16xi32>,
      %add3A_99 = vector.broadcast %add3A_16 : i32 to vector<16xi32>
      %add3A_100 = arith.addi %get3A_60, %add3A_99 : vector<16xi32>
      %swap3A_101 = arith.constant 96 : index
      %swap3A_102 = tpu.vector_load %arg12[%swap3A_101] {strides = array<i32>} : memref<128xi32, #tpu.memory_space<vmem>>, vector<16xi32>,
      %swap3A_103 = vector.shape_cast %swap3A_102 : vector<16xi32> to vector<16xi32>
      %swap3A_104 = vector.shape_cast %add3A_100 : vector<16xi32> to vector<16xi32>
      tpu.vector_store %arg12[%swap3A_101], %swap3A_104 {strides = array<i32>} : memref<128xi32, #tpu.memory_space<vmem>>, vector<16xi32>,
      %add3A_105 = vector.broadcast %add3A_16 : i32 to vector<16xi32>
      %add3A_106 = arith.addi %get3A_63, %add3A_105 : vector<16xi32>
      %swap3A_107 = arith.constant 112 : index
      %swap3A_108 = tpu.vector_load %arg12[%swap3A_107] {strides = array<i32>} : memref<128xi32, #tpu.memory_space<vmem>>, vector<16xi32>,
      %swap3A_109 = vector.shape_cast %swap3A_108 : vector<16xi32> to vector<16xi32>
      %swap3A_110 = vector.shape_cast %add3A_106 : vector<16xi32> to vector<16xi32>
      tpu.vector_store %arg12[%swap3A_107], %swap3A_110 {strides = array<i32>} : memref<128xi32, #tpu.memory_space<vmem>>, vector<16xi32>,
      %dma_start3A_111 = arith.constant 0 : i32
      %dma_start3A_112 = arith.constant 0 : i32
      %dma_start3A_113 = tpu.memref_slice %arg2[%dma_start3A_111, %dma_start3A_112] : memref<100000x64xf32, #tpu.memory_space<hbm>> -> memref<100000x64xf32, #tpu.memory_space<hbm>>
      tpu.enqueue_indirect_dma source(%dma_start3A_113 : memref<100000x64xf32, #tpu.memory_space<hbm>>) target(%arg10 : memref<128x64xf32, #tpu.memory_space<vmem>>) offsets(%arg12 : memref<128xi32, #tpu.memory_space<vmem>>) semaphore(%arg18 : memref<!tpu.dma_semaphore, #tpu.memory_space<semaphore_mem>>)
      %get3A_114 = arith.constant 128 : index
      %get3A_115 = tpu.vector_load %arg7[%get3A_114] {strides = array<i32>} : memref<6400xi32, #tpu.memory_space<vmem>>, vector<16xi32>,
      %get3A_116 = vector.shape_cast %get3A_115 : vector<16xi32> to vector<16xi32>
      %get3A_117 = arith.constant 144 : index
      %get3A_118 = tpu.vector_load %arg7[%get3A_117] {strides = array<i32>} : memref<6400xi32, #tpu.memory_space<vmem>>, vector<16xi32>,
      %get3A_119 = vector.shape_cast %get3A_118 : vector<16xi32> to vector<16xi32>
      %get3A_120 = arith.constant 160 : index
      %get3A_121 = tpu.vector_load %arg7[%get3A_120] {strides = array<i32>} : memref<6400xi32, #tpu.memory_space<vmem>>, vector<16xi32>,
      %get3A_122 = vector.shape_cast %get3A_121 : vector<16xi32> to vector<16xi32>
      %get3A_123 = arith.constant 176 : index
      %get3A_124 = tpu.vector_load %arg7[%get3A_123] {strides = array<i32>} : memref<6400xi32, #tpu.memory_space<vmem>>, vector<16xi32>,
      %get3A_125 = vector.shape_cast %get3A_124 : vector<16xi32> to vector<16xi32>
      %get3A_126 = arith.constant 192 : index
      %get3A_127 = tpu.vector_load %arg7[%get3A_126] {strides = array<i32>} : memref<6400xi32, #tpu.memory_space<vmem>>, vector<16xi32>,
      %get3A_128 = vector.shape_cast %get3A_127 : vector<16xi32> to vector<16xi32>
      %get3A_129 = arith.constant 208 : index
      %get3A_130 = tpu.vector_load %arg7[%get3A_129] {strides = array<i32>} : memref<6400xi32, #tpu.memory_space<vmem>>, vector<16xi32>,
      %get3A_131 = vector.shape_cast %get3A_130 : vector<16xi32> to vector<16xi32>
      %get3A_132 = arith.constant 224 : index
      %get3A_133 = tpu.vector_load %arg7[%get3A_132] {strides = array<i32>} : memref<6400xi32, #tpu.memory_space<vmem>>, vector<16xi32>,
      %get3A_134 = vector.shape_cast %get3A_133 : vector<16xi32> to vector<16xi32>
      %get3A_135 = arith.constant 240 : index
      %get3A_136 = tpu.vector_load %arg7[%get3A_135] {strides = array<i32>} : memref<6400xi32, #tpu.memory_space<vmem>>, vector<16xi32>,
      %get3A_137 = vector.shape_cast %get3A_136 : vector<16xi32> to vector<16xi32>
      %add3A_138 = vector.broadcast %add3A_16 : i32 to vector<16xi32>
      %add3A_139 = arith.addi %get3A_116, %add3A_138 : vector<16xi32>
      %swap3A_140 = arith.constant 0 : index
      %swap3A_141 = tpu.vector_load %arg13[%swap3A_140] {strides = array<i32>} : memref<128xi32, #tpu.memory_space<vmem>>, vector<16xi32>,
      %swap3A_142 = vector.shape_cast %swap3A_141 : vector<16xi32> to vector<16xi32>
      %swap3A_143 = vector.shape_cast %add3A_139 : vector<16xi32> to vector<16xi32>
      tpu.vector_store %arg13[%swap3A_140], %swap3A_143 {strides = array<i32>} : memref<128xi32, #tpu.memory_space<vmem>>, vector<16xi32>,
      %add3A_144 = vector.broadcast %add3A_16 : i32 to vector<16xi32>
      %add3A_145 = arith.addi %get3A_119, %add3A_144 : vector<16xi32>
      %swap3A_146 = arith.constant 16 : index
      %swap3A_147 = tpu.vector_load %arg13[%swap3A_146] {strides = array<i32>} : memref<128xi32, #tpu.memory_space<vmem>>, vector<16xi32>,
      %swap3A_148 = vector.shape_cast %swap3A_147 : vector<16xi32> to vector<16xi32>
      %swap3A_149 = vector.shape_cast %add3A_145 : vector<16xi32> to vector<16xi32>
      tpu.vector_store %arg13[%swap3A_146], %swap3A_149 {strides = array<i32>} : memref<128xi32, #tpu.memory_space<vmem>>, vector<16xi32>,
      %add3A_150 = vector.broadcast %add3A_16 : i32 to vector<16xi32>
      %add3A_151 = arith.addi %get3A_122, %add3A_150 : vector<16xi32>
      %swap3A_152 = arith.constant 32 : index
      %swap3A_153 = tpu.vector_load %arg13[%swap3A_152] {strides = array<i32>} : memref<128xi32, #tpu.memory_space<vmem>>, vector<16xi32>,
      %swap3A_154 = vector.shape_cast %swap3A_153 : vector<16xi32> to vector<16xi32>
      %swap3A_155 = vector.shape_cast %add3A_151 : vector<16xi32> to vector<16xi32>
      tpu.vector_store %arg13[%swap3A_152], %swap3A_155 {strides = array<i32>} : memref<128xi32, #tpu.memory_space<vmem>>, vector<16xi32>,
      %add3A_156 = vector.broadcast %add3A_16 : i32 to vector<16xi32>
      %add3A_157 = arith.addi %get3A_125, %add3A_156 : vector<16xi32>
      %swap3A_158 = arith.constant 48 : index
      %swap3A_159 = tpu.vector_load %arg13[%swap3A_158] {strides = array<i32>} : memref<128xi32, #tpu.memory_space<vmem>>, vector<16xi32>,
      %swap3A_160 = vector.shape_cast %swap3A_159 : vector<16xi32> to vector<16xi32>
      %swap3A_161 = vector.shape_cast %add3A_157 : vector<16xi32> to vector<16xi32>
      tpu.vector_store %arg13[%swap3A_158], %swap3A_161 {strides = array<i32>} : memref<128xi32, #tpu.memory_space<vmem>>, vector<16xi32>,
      %add3A_162 = vector.broadcast %add3A_16 : i32 to vector<16xi32>
      %add3A_163 = arith.addi %get3A_128, %add3A_162 : vector<16xi32>
      %swap3A_164 = arith.constant 64 : index
      %swap3A_165 = tpu.vector_load %arg13[%swap3A_164] {strides = array<i32>} : memref<128xi32, #tpu.memory_space<vmem>>, vector<16xi32>,
      %swap3A_166 = vector.shape_cast %swap3A_165 : vector<16xi32> to vector<16xi32>
      %swap3A_167 = vector.shape_cast %add3A_163 : vector<16xi32> to vector<16xi32>
      tpu.vector_store %arg13[%swap3A_164], %swap3A_167 {strides = array<i32>} : memref<128xi32, #tpu.memory_space<vmem>>, vector<16xi32>,
      %add3A_168 = vector.broadcast %add3A_16 : i32 to vector<16xi32>
      %add3A_169 = arith.addi %get3A_131, %add3A_168 : vector<16xi32>
      %swap3A_170 = arith.constant 80 : index
      %swap3A_171 = tpu.vector_load %arg13[%swap3A_170] {strides = array<i32>} : memref<128xi32, #tpu.memory_space<vmem>>, vector<16xi32>,
      %swap3A_172 = vector.shape_cast %swap3A_171 : vector<16xi32> to vector<16xi32>
      %swap3A_173 = vector.shape_cast %add3A_169 : vector<16xi32> to vector<16xi32>
      tpu.vector_store %arg13[%swap3A_170], %swap3A_173 {strides = array<i32>} : memref<128xi32, #tpu.memory_space<vmem>>, vector<16xi32>,
      %add3A_174 = vector.broadcast %add3A_16 : i32 to vector<16xi32>
      %add3A_175 = arith.addi %get3A_134, %add3A_174 : vector<16xi32>
      %swap3A_176 = arith.constant 96 : index
      %swap3A_177 = tpu.vector_load %arg13[%swap3A_176] {strides = array<i32>} : memref<128xi32, #tpu.memory_space<vmem>>, vector<16xi32>,
      %swap3A_178 = vector.shape_cast %swap3A_177 : vector<16xi32> to vector<16xi32>
      %swap3A_179 = vector.shape_cast %add3A_175 : vector<16xi32> to vector<16xi32>
      tpu.vector_store %arg13[%swap3A_176], %swap3A_179 {strides = array<i32>} : memref<128xi32, #tpu.memory_space<vmem>>, vector<16xi32>,
      %add3A_180 = vector.broadcast %add3A_16 : i32 to vector<16xi32>
      %add3A_181 = arith.addi %get3A_137, %add3A_180 : vector<16xi32>
      %swap3A_182 = arith.constant 112 : index
      %swap3A_183 = tpu.vector_load %arg13[%swap3A_182] {strides = array<i32>} : memref<128xi32, #tpu.memory_space<vmem>>, vector<16xi32>,
      %swap3A_184 = vector.shape_cast %swap3A_183 : vector<16xi32> to vector<16xi32>
      %swap3A_185 = vector.shape_cast %add3A_181 : vector<16xi32> to vector<16xi32>
      tpu.vector_store %arg13[%swap3A_182], %swap3A_185 {strides = array<i32>} : memref<128xi32, #tpu.memory_space<vmem>>, vector<16xi32>,
      %dma_start3A_186 = arith.constant 0 : i32
      %dma_start3A_187 = arith.constant 0 : i32
      %dma_start3A_188 = tpu.memref_slice %arg2[%dma_start3A_186, %dma_start3A_187] : memref<100000x64xf32, #tpu.memory_space<hbm>> -> memref<100000x64xf32, #tpu.memory_space<hbm>>
      tpu.enqueue_indirect_dma source(%dma_start3A_188 : memref<100000x64xf32, #tpu.memory_space<hbm>>) target(%arg11 : memref<128x64xf32, #tpu.memory_space<vmem>>) offsets(%arg13 : memref<128xi32, #tpu.memory_space<vmem>>) semaphore(%arg19 : memref<!tpu.dma_semaphore, #tpu.memory_space<semaphore_mem>>)
      %scan3A_189 = arith.constant 0 : i32
      %scan3A_190 = arith.constant 0 : i32
      %scan3A_191 = arith.constant 25 : i32
      %scan3A_192 = arith.addi %scan3A_190, %scan3A_191 : i32
      %scan3A_193 = arith.constant 1 : i32
      %scan3A_194 = scf.for %scan3A_206 = %scan3A_190 to %scan3A_192 step %scan3A_193 iter_args(%scan3A_207 = %scan3A_189) -> (i32)  : i32 {
        %mul3A_208 = arith.constant 2 : i32
        %mul3A_209 = arith.muli %scan3A_206, %mul3A_208 : i32
        %add3A_210 = arith.constant 0 : i32
        %add3A_211 = arith.addi %mul3A_209, %add3A_210 : i32
        %dma_wait3A_212 = arith.constant 0 : i32
        %dma_wait3A_213 = arith.constant 0 : i32
        %dma_wait3A_214 = tpu.memref_slice %arg2[%dma_wait3A_212, %dma_wait3A_213] : memref<100000x64xf32, #tpu.memory_space<hbm>> -> memref<100000x64xf32, #tpu.memory_space<hbm>>
        tpu.wait_indirect_dma semaphore(%arg18 : memref<!tpu.dma_semaphore, #tpu.memory_space<semaphore_mem>>) src(%dma_wait3A_214 : memref<100000x64xf32, #tpu.memory_space<hbm>>) dst(%arg10 : memref<128x64xf32, #tpu.memory_space<vmem>>)
        %parallel_loop3A_215 = arith.constant 0 : i32
        %parallel_loop3A_216 = arith.constant 8 : i32
        %parallel_loop3A_217 = arith.constant 1 : i32
        scf.for %parallel_loop3A_430 = %parallel_loop3A_215 to %parallel_loop3A_216 step %parallel_loop3A_217  : i32 {
          %parallel_loop3A_431 = arith.constant 128 : i32
          %parallel_loop3A_432 = arith.muli %add3A_211, %parallel_loop3A_431 : i32
          %parallel_loop3A_433 = arith.constant 16 : i32
          %parallel_loop3A_434 = arith.muli %parallel_loop3A_430, %parallel_loop3A_433 : i32
          %parallel_loop3A_435 = arith.addi %parallel_loop3A_432, %parallel_loop3A_434 : i32
          %parallel_loop3A_436 = arith.index_cast %parallel_loop3A_435 : i32 to index
          %parallel_loop3A_437 = tpu.vector_load %arg9[%parallel_loop3A_436] {strides = array<i32>} : memref<6400xf32, #tpu.memory_space<vmem>>, vector<16xf32>,
          %parallel_loop3A_438 = vector.shape_cast %parallel_loop3A_437 : vector<16xf32> to vector<16xf32>
          %parallel_loop3A_439 = arith.constant 0 : i32
          %parallel_loop3A_440 = vector.broadcast %parallel_loop3A_439 : i32 to vector<16x1xi32>
          %parallel_loop3A_441 = vector.shape_cast %parallel_loop3A_440 : vector<16x1xi32> to vector<16xi32>
          %parallel_loop3A_442 = tpu.dynamic_gather %parallel_loop3A_438[%parallel_loop3A_441] in [0] : vector<16xf32>, vector<16xi32> -> vector<16xf32>
          %parallel_loop3A_443 = arith.constant 1 : i32
          %parallel_loop3A_444 = vector.broadcast %parallel_loop3A_443 : i32 to vector<16x1xi32>
          %parallel_loop3A_445 = vector.shape_cast %parallel_loop3A_444 : vector<16x1xi32> to vector<16xi32>
          %parallel_loop3A_446 = tpu.dynamic_gather %parallel_loop3A_438[%parallel_loop3A_445] in [0] : vector<16xf32>, vector<16xi32> -> vector<16xf32>
          %parallel_loop3A_447 = arith.constant 2 : i32
          %parallel_loop3A_448 = vector.broadcast %parallel_loop3A_447 : i32 to vector<16x1xi32>
          %parallel_loop3A_449 = vector.shape_cast %parallel_loop3A_448 : vector<16x1xi32> to vector<16xi32>
          %parallel_loop3A_450 = tpu.dynamic_gather %parallel_loop3A_438[%parallel_loop3A_449] in [0] : vector<16xf32>, vector<16xi32> -> vector<16xf32>
          %parallel_loop3A_451 = arith.constant 3 : i32
          %parallel_loop3A_452 = vector.broadcast %parallel_loop3A_451 : i32 to vector<16x1xi32>
          %parallel_loop3A_453 = vector.shape_cast %parallel_loop3A_452 : vector<16x1xi32> to vector<16xi32>
          %parallel_loop3A_454 = tpu.dynamic_gather %parallel_loop3A_438[%parallel_loop3A_453] in [0] : vector<16xf32>, vector<16xi32> -> vector<16xf32>
          %parallel_loop3A_455 = arith.constant 4 : i32
          %parallel_loop3A_456 = vector.broadcast %parallel_loop3A_455 : i32 to vector<16x1xi32>
          %parallel_loop3A_457 = vector.shape_cast %parallel_loop3A_456 : vector<16x1xi32> to vector<16xi32>
          %parallel_loop3A_458 = tpu.dynamic_gather %parallel_loop3A_438[%parallel_loop3A_457] in [0] : vector<16xf32>, vector<16xi32> -> vector<16xf32>
          %parallel_loop3A_459 = arith.constant 5 : i32
          %parallel_loop3A_460 = vector.broadcast %parallel_loop3A_459 : i32 to vector<16x1xi32>
          %parallel_loop3A_461 = vector.shape_cast %parallel_loop3A_460 : vector<16x1xi32> to vector<16xi32>
          %parallel_loop3A_462 = tpu.dynamic_gather %parallel_loop3A_438[%parallel_loop3A_461] in [0] : vector<16xf32>, vector<16xi32> -> vector<16xf32>
          %parallel_loop3A_463 = arith.constant 6 : i32
          %parallel_loop3A_464 = vector.broadcast %parallel_loop3A_463 : i32 to vector<16x1xi32>
          %parallel_loop3A_465 = vector.shape_cast %parallel_loop3A_464 : vector<16x1xi32> to vector<16xi32>
          %parallel_loop3A_466 = tpu.dynamic_gather %parallel_loop3A_438[%parallel_loop3A_465] in [0] : vector<16xf32>, vector<16xi32> -> vector<16xf32>
          %parallel_loop3A_467 = arith.constant 7 : i32
          %parallel_loop3A_468 = vector.broadcast %parallel_loop3A_467 : i32 to vector<16x1xi32>
          %parallel_loop3A_469 = vector.shape_cast %parallel_loop3A_468 : vector<16x1xi32> to vector<16xi32>
          %parallel_loop3A_470 = tpu.dynamic_gather %parallel_loop3A_438[%parallel_loop3A_469] in [0] : vector<16xf32>, vector<16xi32> -> vector<16xf32>
          %parallel_loop3A_471 = arith.constant 8 : i32
          %parallel_loop3A_472 = vector.broadcast %parallel_loop3A_471 : i32 to vector<16x1xi32>
          %parallel_loop3A_473 = vector.shape_cast %parallel_loop3A_472 : vector<16x1xi32> to vector<16xi32>
          %parallel_loop3A_474 = tpu.dynamic_gather %parallel_loop3A_438[%parallel_loop3A_473] in [0] : vector<16xf32>, vector<16xi32> -> vector<16xf32>
          %parallel_loop3A_475 = arith.constant 9 : i32
          %parallel_loop3A_476 = vector.broadcast %parallel_loop3A_475 : i32 to vector<16x1xi32>
          %parallel_loop3A_477 = vector.shape_cast %parallel_loop3A_476 : vector<16x1xi32> to vector<16xi32>
          %parallel_loop3A_478 = tpu.dynamic_gather %parallel_loop3A_438[%parallel_loop3A_477] in [0] : vector<16xf32>, vector<16xi32> -> vector<16xf32>
          %parallel_loop3A_479 = arith.constant 10 : i32
          %parallel_loop3A_480 = vector.broadcast %parallel_loop3A_479 : i32 to vector<16x1xi32>
          %parallel_loop3A_481 = vector.shape_cast %parallel_loop3A_480 : vector<16x1xi32> to vector<16xi32>
          %parallel_loop3A_482 = tpu.dynamic_gather %parallel_loop3A_438[%parallel_loop3A_481] in [0] : vector<16xf32>, vector<16xi32> -> vector<16xf32>
          %parallel_loop3A_483 = arith.constant 11 : i32
          %parallel_loop3A_484 = vector.broadcast %parallel_loop3A_483 : i32 to vector<16x1xi32>
          %parallel_loop3A_485 = vector.shape_cast %parallel_loop3A_484 : vector<16x1xi32> to vector<16xi32>
          %parallel_loop3A_486 = tpu.dynamic_gather %parallel_loop3A_438[%parallel_loop3A_485] in [0] : vector<16xf32>, vector<16xi32> -> vector<16xf32>
          %parallel_loop3A_487 = arith.constant 12 : i32
          %parallel_loop3A_488 = vector.broadcast %parallel_loop3A_487 : i32 to vector<16x1xi32>
          %parallel_loop3A_489 = vector.shape_cast %parallel_loop3A_488 : vector<16x1xi32> to vector<16xi32>
          %parallel_loop3A_490 = tpu.dynamic_gather %parallel_loop3A_438[%parallel_loop3A_489] in [0] : vector<16xf32>, vector<16xi32> -> vector<16xf32>
          %parallel_loop3A_491 = arith.constant 13 : i32
          %parallel_loop3A_492 = vector.broadcast %parallel_loop3A_491 : i32 to vector<16x1xi32>
          %parallel_loop3A_493 = vector.shape_cast %parallel_loop3A_492 : vector<16x1xi32> to vector<16xi32>
          %parallel_loop3A_494 = tpu.dynamic_gather %parallel_loop3A_438[%parallel_loop3A_493] in [0] : vector<16xf32>, vector<16xi32> -> vector<16xf32>
          %parallel_loop3A_495 = arith.constant 14 : i32
          %parallel_loop3A_496 = vector.broadcast %parallel_loop3A_495 : i32 to vector<16x1xi32>
          %parallel_loop3A_497 = vector.shape_cast %parallel_loop3A_496 : vector<16x1xi32> to vector<16xi32>
          %parallel_loop3A_498 = tpu.dynamic_gather %parallel_loop3A_438[%parallel_loop3A_497] in [0] : vector<16xf32>, vector<16xi32> -> vector<16xf32>
          %parallel_loop3A_499 = arith.constant 15 : i32
          %parallel_loop3A_500 = vector.broadcast %parallel_loop3A_499 : i32 to vector<16x1xi32>
          %parallel_loop3A_501 = vector.shape_cast %parallel_loop3A_500 : vector<16x1xi32> to vector<16xi32>
          %parallel_loop3A_502 = tpu.dynamic_gather %parallel_loop3A_438[%parallel_loop3A_501] in [0] : vector<16xf32>, vector<16xi32> -> vector<16xf32>
          %parallel_loop3A_503 = arith.constant 16 : i32
          %parallel_loop3A_504 = arith.muli %parallel_loop3A_430, %parallel_loop3A_503 : i32
          %parallel_loop3A_505 = arith.constant 0 : i32
          %parallel_loop3A_506 = arith.addi %parallel_loop3A_504, %parallel_loop3A_505 : i32
          %parallel_loop3A_507 = arith.index_cast %parallel_loop3A_506 : i32 to index
          %parallel_loop3A_508 = arith.constant 0 : index
          %parallel_loop3A_509 = tpu.vector_load %arg10[%parallel_loop3A_507, %parallel_loop3A_508] {strides = array<i32>} : memref<128x64xf32, #tpu.memory_space<vmem>>, vector<1x16xf32>,
          %parallel_loop3A_510 = vector.shape_cast %parallel_loop3A_509 : vector<1x16xf32> to vector<16xf32>
          %parallel_loop3A_511 = arith.index_cast %parallel_loop3A_506 : i32 to index
          %parallel_loop3A_512 = arith.constant 16 : index
          %parallel_loop3A_513 = tpu.vector_load %arg10[%parallel_loop3A_511, %parallel_loop3A_512] {strides = array<i32>} : memref<128x64xf32, #tpu.memory_space<vmem>>, vector<1x16xf32>,
          %parallel_loop3A_514 = vector.shape_cast %parallel_loop3A_513 : vector<1x16xf32> to vector<16xf32>
          %parallel_loop3A_515 = arith.index_cast %parallel_loop3A_506 : i32 to index
          %parallel_loop3A_516 = arith.constant 32 : index
          %parallel_loop3A_517 = tpu.vector_load %arg10[%parallel_loop3A_515, %parallel_loop3A_516] {strides = array<i32>} : memref<128x64xf32, #tpu.memory_space<vmem>>, vector<1x16xf32>,
          %parallel_loop3A_518 = vector.shape_cast %parallel_loop3A_517 : vector<1x16xf32> to vector<16xf32>
          %parallel_loop3A_519 = arith.index_cast %parallel_loop3A_506 : i32 to index
          %parallel_loop3A_520 = arith.constant 48 : index
          %parallel_loop3A_521 = tpu.vector_load %arg10[%parallel_loop3A_519, %parallel_loop3A_520] {strides = array<i32>} : memref<128x64xf32, #tpu.memory_space<vmem>>, vector<1x16xf32>,
          %parallel_loop3A_522 = vector.shape_cast %parallel_loop3A_521 : vector<1x16xf32> to vector<16xf32>
          %parallel_loop3A_523 = arith.mulf %parallel_loop3A_510, %parallel_loop3A_442 : vector<16xf32>
          %parallel_loop3A_524 = arith.index_cast %parallel_loop3A_506 : i32 to index
          %parallel_loop3A_525 = arith.constant 0 : index
          %parallel_loop3A_526 = tpu.vector_load %arg10[%parallel_loop3A_524, %parallel_loop3A_525] {strides = array<i32>} : memref<128x64xf32, #tpu.memory_space<vmem>>, vector<1x16xf32>,
          %parallel_loop3A_527 = vector.shape_cast %parallel_loop3A_526 : vector<1x16xf32> to vector<16xf32>
          %parallel_loop3A_528 = vector.shape_cast %parallel_loop3A_523 : vector<16xf32> to vector<1x16xf32>
          tpu.vector_store %arg10[%parallel_loop3A_524, %parallel_loop3A_525], %parallel_loop3A_528 {strides = array<i32>} : memref<128x64xf32, #tpu.memory_space<vmem>>, vector<1x16xf32>,
          %parallel_loop3A_529 = arith.mulf %parallel_loop3A_514, %parallel_loop3A_442 : vector<16xf32>
          %parallel_loop3A_530 = arith.index_cast %parallel_loop3A_506 : i32 to index
          %parallel_loop3A_531 = arith.constant 16 : index
          %parallel_loop3A_532 = tpu.vector_load %arg10[%parallel_loop3A_530, %parallel_loop3A_531] {strides = array<i32>} : memref<128x64xf32, #tpu.memory_space<vmem>>, vector<1x16xf32>,
          %parallel_loop3A_533 = vector.shape_cast %parallel_loop3A_532 : vector<1x16xf32> to vector<16xf32>
          %parallel_loop3A_534 = vector.shape_cast %parallel_loop3A_529 : vector<16xf32> to vector<1x16xf32>
          tpu.vector_store %arg10[%parallel_loop3A_530, %parallel_loop3A_531], %parallel_loop3A_534 {strides = array<i32>} : memref<128x64xf32, #tpu.memory_space<vmem>>, vector<1x16xf32>,
          %parallel_loop3A_535 = arith.mulf %parallel_loop3A_518, %parallel_loop3A_442 : vector<16xf32>
          %parallel_loop3A_536 = arith.index_cast %parallel_loop3A_506 : i32 to index
          %parallel_loop3A_537 = arith.constant 32 : index
          %parallel_loop3A_538 = tpu.vector_load %arg10[%parallel_loop3A_536, %parallel_loop3A_537] {strides = array<i32>} : memref<128x64xf32, #tpu.memory_space<vmem>>, vector<1x16xf32>,
          %parallel_loop3A_539 = vector.shape_cast %parallel_loop3A_538 : vector<1x16xf32> to vector<16xf32>
          %parallel_loop3A_540 = vector.shape_cast %parallel_loop3A_535 : vector<16xf32> to vector<1x16xf32>
          tpu.vector_store %arg10[%parallel_loop3A_536, %parallel_loop3A_537], %parallel_loop3A_540 {strides = array<i32>} : memref<128x64xf32, #tpu.memory_space<vmem>>, vector<1x16xf32>,
          %parallel_loop3A_541 = arith.mulf %parallel_loop3A_522, %parallel_loop3A_442 : vector<16xf32>
          %parallel_loop3A_542 = arith.index_cast %parallel_loop3A_506 : i32 to index
          %parallel_loop3A_543 = arith.constant 48 : index
          %parallel_loop3A_544 = tpu.vector_load %arg10[%parallel_loop3A_542, %parallel_loop3A_543] {strides = array<i32>} : memref<128x64xf32, #tpu.memory_space<vmem>>, vector<1x16xf32>,
          %parallel_loop3A_545 = vector.shape_cast %parallel_loop3A_544 : vector<1x16xf32> to vector<16xf32>
          %parallel_loop3A_546 = vector.shape_cast %parallel_loop3A_541 : vector<16xf32> to vector<1x16xf32>
          tpu.vector_store %arg10[%parallel_loop3A_542, %parallel_loop3A_543], %parallel_loop3A_546 {strides = array<i32>} : memref<128x64xf32, #tpu.memory_space<vmem>>, vector<1x16xf32>,
          %parallel_loop3A_547 = arith.constant 16 : i32
          %parallel_loop3A_548 = arith.muli %parallel_loop3A_430, %parallel_loop3A_547 : i32
          %parallel_loop3A_549 = arith.constant 1 : i32
          %parallel_loop3A_550 = arith.addi %parallel_loop3A_548, %parallel_loop3A_549 : i32
          %parallel_loop3A_551 = arith.index_cast %parallel_loop3A_550 : i32 to index
          %parallel_loop3A_552 = arith.constant 0 : index
          %parallel_loop3A_553 = tpu.vector_load %arg10[%parallel_loop3A_551, %parallel_loop3A_552] {strides = array<i32>} : memref<128x64xf32, #tpu.memory_space<vmem>>, vector<1x16xf32>,
          %parallel_loop3A_554 = vector.shape_cast %parallel_loop3A_553 : vector<1x16xf32> to vector<16xf32>
          %parallel_loop3A_555 = arith.index_cast %parallel_loop3A_550 : i32 to index
          %parallel_loop3A_556 = arith.constant 16 : index
          %parallel_loop3A_557 = tpu.vector_load %arg10[%parallel_loop3A_555, %parallel_loop3A_556] {strides = array<i32>} : memref<128x64xf32, #tpu.memory_space<vmem>>, vector<1x16xf32>,
          %parallel_loop3A_558 = vector.shape_cast %parallel_loop3A_557 : vector<1x16xf32> to vector<16xf32>
          %parallel_loop3A_559 = arith.index_cast %parallel_loop3A_550 : i32 to index
          %parallel_loop3A_560 = arith.constant 32 : index
          %parallel_loop3A_561 = tpu.vector_load %arg10[%parallel_loop3A_559, %parallel_loop3A_560] {strides = array<i32>} : memref<128x64xf32, #tpu.memory_space<vmem>>, vector<1x16xf32>,
          %parallel_loop3A_562 = vector.shape_cast %parallel_loop3A_561 : vector<1x16xf32> to vector<16xf32>
          %parallel_loop3A_563 = arith.index_cast %parallel_loop3A_550 : i32 to index
          %parallel_loop3A_564 = arith.constant 48 : index
          %parallel_loop3A_565 = tpu.vector_load %arg10[%parallel_loop3A_563, %parallel_loop3A_564] {strides = array<i32>} : memref<128x64xf32, #tpu.memory_space<vmem>>, vector<1x16xf32>,
          %parallel_loop3A_566 = vector.shape_cast %parallel_loop3A_565 : vector<1x16xf32> to vector<16xf32>
          %parallel_loop3A_567 = arith.mulf %parallel_loop3A_554, %parallel_loop3A_446 : vector<16xf32>
          %parallel_loop3A_568 = arith.index_cast %parallel_loop3A_550 : i32 to index
          %parallel_loop3A_569 = arith.constant 0 : index
          %parallel_loop3A_570 = tpu.vector_load %arg10[%parallel_loop3A_568, %parallel_loop3A_569] {strides = array<i32>} : memref<128x64xf32, #tpu.memory_space<vmem>>, vector<1x16xf32>,
          %parallel_loop3A_571 = vector.shape_cast %parallel_loop3A_570 : vector<1x16xf32> to vector<16xf32>
          %parallel_loop3A_572 = vector.shape_cast %parallel_loop3A_567 : vector<16xf32> to vector<1x16xf32>
          tpu.vector_store %arg10[%parallel_loop3A_568, %parallel_loop3A_569], %parallel_loop3A_572 {strides = array<i32>} : memref<128x64xf32, #tpu.memory_space<vmem>>, vector<1x16xf32>,
          %parallel_loop3A_573 = arith.mulf %parallel_loop3A_558, %parallel_loop3A_446 : vector<16xf32>
          %parallel_loop3A_574 = arith.index_cast %parallel_loop3A_550 : i32 to index
          %parallel_loop3A_575 = arith.constant 16 : index
          %parallel_loop3A_576 = tpu.vector_load %arg10[%parallel_loop3A_574, %parallel_loop3A_575] {strides = array<i32>} : memref<128x64xf32, #tpu.memory_space<vmem>>, vector<1x16xf32>,
          %parallel_loop3A_577 = vector.shape_cast %parallel_loop3A_576 : vector<1x16xf32> to vector<16xf32>
          %parallel_loop3A_578 = vector.shape_cast %parallel_loop3A_573 : vector<16xf32> to vector<1x16xf32>
          tpu.vector_store %arg10[%parallel_loop3A_574, %parallel_loop3A_575], %parallel_loop3A_578 {strides = array<i32>} : memref<128x64xf32, #tpu.memory_space<vmem>>, vector<1x16xf32>,
          %parallel_loop3A_579 = arith.mulf %parallel_loop3A_562, %parallel_loop3A_446 : vector<16xf32>
          %parallel_loop3A_580 = arith.index_cast %parallel_loop3A_550 : i32 to index
          %parallel_loop3A_581 = arith.constant 32 : index
          %parallel_loop3A_582 = tpu.vector_load %arg10[%parallel_loop3A_580, %parallel_loop3A_581] {strides = array<i32>} : memref<128x64xf32, #tpu.memory_space<vmem>>, vector<1x16xf32>,
          %parallel_loop3A_583 = vector.shape_cast %parallel_loop3A_582 : vector<1x16xf32> to vector<16xf32>
          %parallel_loop3A_584 = vector.shape_cast %parallel_loop3A_579 : vector<16xf32> to vector<1x16xf32>
          tpu.vector_store %arg10[%parallel_loop3A_580, %parallel_loop3A_581], %parallel_loop3A_584 {strides = array<i32>} : memref<128x64xf32, #tpu.memory_space<vmem>>, vector<1x16xf32>,
          %parallel_loop3A_585 = arith.mulf %parallel_loop3A_566, %parallel_loop3A_446 : vector<16xf32>
          %parallel_loop3A_586 = arith.index_cast %parallel_loop3A_550 : i32 to index
          %parallel_loop3A_587 = arith.constant 48 : index
          %parallel_loop3A_588 = tpu.vector_load %arg10[%parallel_loop3A_586, %parallel_loop3A_587] {strides = array<i32>} : memref<128x64xf32, #tpu.memory_space<vmem>>, vector<1x16xf32>,
          %parallel_loop3A_589 = vector.shape_cast %parallel_loop3A_588 : vector<1x16xf32> to vector<16xf32>
          %parallel_loop3A_590 = vector.shape_cast %parallel_loop3A_585 : vector<16xf32> to vector<1x16xf32>
          tpu.vector_store %arg10[%parallel_loop3A_586, %parallel_loop3A_587], %parallel_loop3A_590 {strides = array<i32>} : memref<128x64xf32, #tpu.memory_space<vmem>>, vector<1x16xf32>,
          %parallel_loop3A_591 = arith.constant 16 : i32
          %parallel_loop3A_592 = arith.muli %parallel_loop3A_430, %parallel_loop3A_591 : i32
          %parallel_loop3A_593 = arith.constant 2 : i32
          %parallel_loop3A_594 = arith.addi %parallel_loop3A_592, %parallel_loop3A_593 : i32
          %parallel_loop3A_595 = arith.index_cast %parallel_loop3A_594 : i32 to index
          %parallel_loop3A_596 = arith.constant 0 : index
          %parallel_loop3A_597 = tpu.vector_load %arg10[%parallel_loop3A_595, %parallel_loop3A_596] {strides = array<i32>} : memref<128x64xf32, #tpu.memory_space<vmem>>, vector<1x16xf32>,
          %parallel_loop3A_598 = vector.shape_cast %parallel_loop3A_597 : vector<1x16xf32> to vector<16xf32>
          %parallel_loop3A_599 = arith.index_cast %parallel_loop3A_594 : i32 to index
          %parallel_loop3A_600 = arith.constant 16 : index
          %parallel_loop3A_601 = tpu.vector_load %arg10[%parallel_loop3A_599, %parallel_loop3A_600] {strides = array<i32>} : memref<128x64xf32, #tpu.memory_space<vmem>>, vector<1x16xf32>,
          %parallel_loop3A_602 = vector.shape_cast %parallel_loop3A_601 : vector<1x16xf32> to vector<16xf32>
          %parallel_loop3A_603 = arith.index_cast %parallel_loop3A_594 : i32 to index
          %parallel_loop3A_604 = arith.constant 32 : index
          %parallel_loop3A_605 = tpu.vector_load %arg10[%parallel_loop3A_603, %parallel_loop3A_604] {strides = array<i32>} : memref<128x64xf32, #tpu.memory_space<vmem>>, vector<1x16xf32>,
          %parallel_loop3A_606 = vector.shape_cast %parallel_loop3A_605 : vector<1x16xf32> to vector<16xf32>
          %parallel_loop3A_607 = arith.index_cast %parallel_loop3A_594 : i32 to index
          %parallel_loop3A_608 = arith.constant 48 : index
          %parallel_loop3A_609 = tpu.vector_load %arg10[%parallel_loop3A_607, %parallel_loop3A_608] {strides = array<i32>} : memref<128x64xf32, #tpu.memory_space<vmem>>, vector<1x16xf32>,
          %parallel_loop3A_610 = vector.shape_cast %parallel_loop3A_609 : vector<1x16xf32> to vector<16xf32>
          %parallel_loop3A_611 = arith.mulf %parallel_loop3A_598, %parallel_loop3A_450 : vector<16xf32>
          %parallel_loop3A_612 = arith.index_cast %parallel_loop3A_594 : i32 to index
          %parallel_loop3A_613 = arith.constant 0 : index
          %parallel_loop3A_614 = tpu.vector_load %arg10[%parallel_loop3A_612, %parallel_loop3A_613] {strides = array<i32>} : memref<128x64xf32, #tpu.memory_space<vmem>>, vector<1x16xf32>,
          %parallel_loop3A_615 = vector.shape_cast %parallel_loop3A_614 : vector<1x16xf32> to vector<16xf32>
          %parallel_loop3A_616 = vector.shape_cast %parallel_loop3A_611 : vector<16xf32> to vector<1x16xf32>
          tpu.vector_store %arg10[%parallel_loop3A_612, %parallel_loop3A_613], %parallel_loop3A_616 {strides = array<i32>} : memref<128x64xf32, #tpu.memory_space<vmem>>, vector<1x16xf32>,
          %parallel_loop3A_617 = arith.mulf %parallel_loop3A_602, %parallel_loop3A_450 : vector<16xf32>
          %parallel_loop3A_618 = arith.index_cast %parallel_loop3A_594 : i32 to index
          %parallel_loop3A_619 = arith.constant 16 : index
          %parallel_loop3A_620 = tpu.vector_load %arg10[%parallel_loop3A_618, %parallel_loop3A_619] {strides = array<i32>} : memref<128x64xf32, #tpu.memory_space<vmem>>, vector<1x16xf32>,
          %parallel_loop3A_621 = vector.shape_cast %parallel_loop3A_620 : vector<1x16xf32> to vector<16xf32>
          %parallel_loop3A_622 = vector.shape_cast %parallel_loop3A_617 : vector<16xf32> to vector<1x16xf32>
          tpu.vector_store %arg10[%parallel_loop3A_618, %parallel_loop3A_619], %parallel_loop3A_622 {strides = array<i32>} : memref<128x64xf32, #tpu.memory_space<vmem>>, vector<1x16xf32>,
          %parallel_loop3A_623 = arith.mulf %parallel_loop3A_606, %parallel_loop3A_450 : vector<16xf32>
          %parallel_loop3A_624 = arith.index_cast %parallel_loop3A_594 : i32 to index
          %parallel_loop3A_625 = arith.constant 32 : index
          %parallel_loop3A_626 = tpu.vector_load %arg10[%parallel_loop3A_624, %parallel_loop3A_625] {strides = array<i32>} : memref<128x64xf32, #tpu.memory_space<vmem>>, vector<1x16xf32>,
          %parallel_loop3A_627 = vector.shape_cast %parallel_loop3A_626 : vector<1x16xf32> to vector<16xf32>
          %parallel_loop3A_628 = vector.shape_cast %parallel_loop3A_623 : vector<16xf32> to vector<1x16xf32>
          tpu.vector_store %arg10[%parallel_loop3A_624, %parallel_loop3A_625], %parallel_loop3A_628 {strides = array<i32>} : memref<128x64xf32, #tpu.memory_space<vmem>>, vector<1x16xf32>,
          %parallel_loop3A_629 = arith.mulf %parallel_loop3A_610, %parallel_loop3A_450 : vector<16xf32>
          %parallel_loop3A_630 = arith.index_cast %parallel_loop3A_594 : i32 to index
          %parallel_loop3A_631 = arith.constant 48 : index
          %parallel_loop3A_632 = tpu.vector_load %arg10[%parallel_loop3A_630, %parallel_loop3A_631] {strides = array<i32>} : memref<128x64xf32, #tpu.memory_space<vmem>>, vector<1x16xf32>,
          %parallel_loop3A_633 = vector.shape_cast %parallel_loop3A_632 : vector<1x16xf32> to vector<16xf32>
          %parallel_loop3A_634 = vector.shape_cast %parallel_loop3A_629 : vector<16xf32> to vector<1x16xf32>
          tpu.vector_store %arg10[%parallel_loop3A_630, %parallel_loop3A_631], %parallel_loop3A_634 {strides = array<i32>} : memref<128x64xf32, #tpu.memory_space<vmem>>, vector<1x16xf32>,
          %parallel_loop3A_635 = arith.constant 16 : i32
          %parallel_loop3A_636 = arith.muli %parallel_loop3A_430, %parallel_loop3A_635 : i32
          %parallel_loop3A_637 = arith.constant 3 : i32
          %parallel_loop3A_638 = arith.addi %parallel_loop3A_636, %parallel_loop3A_637 : i32
          %parallel_loop3A_639 = arith.index_cast %parallel_loop3A_638 : i32 to index
          %parallel_loop3A_640 = arith.constant 0 : index
          %parallel_loop3A_641 = tpu.vector_load %arg10[%parallel_loop3A_639, %parallel_loop3A_640] {strides = array<i32>} : memref<128x64xf32, #tpu.memory_space<vmem>>, vector<1x16xf32>,
          %parallel_loop3A_642 = vector.shape_cast %parallel_loop3A_641 : vector<1x16xf32> to vector<16xf32>
          %parallel_loop3A_643 = arith.index_cast %parallel_loop3A_638 : i32 to index
          %parallel_loop3A_644 = arith.constant 16 : index
          %parallel_loop3A_645 = tpu.vector_load %arg10[%parallel_loop3A_643, %parallel_loop3A_644] {strides = array<i32>} : memref<128x64xf32, #tpu.memory_space<vmem>>, vector<1x16xf32>,
          %parallel_loop3A_646 = vector.shape_cast %parallel_loop3A_645 : vector<1x16xf32> to vector<16xf32>
          %parallel_loop3A_647 = arith.index_cast %parallel_loop3A_638 : i32 to index
          %parallel_loop3A_648 = arith.constant 32 : index
          %parallel_loop3A_649 = tpu.vector_load %arg10[%parallel_loop3A_647, %parallel_loop3A_648] {strides = array<i32>} : memref<128x64xf32, #tpu.memory_space<vmem>>, vector<1x16xf32>,
          %parallel_loop3A_650 = vector.shape_cast %parallel_loop3A_649 : vector<1x16xf32> to vector<16xf32>
          %parallel_loop3A_651 = arith.index_cast %parallel_loop3A_638 : i32 to index
          %parallel_loop3A_652 = arith.constant 48 : index
          %parallel_loop3A_653 = tpu.vector_load %arg10[%parallel_loop3A_651, %parallel_loop3A_652] {strides = array<i32>} : memref<128x64xf32, #tpu.memory_space<vmem>>, vector<1x16xf32>,
          %parallel_loop3A_654 = vector.shape_cast %parallel_loop3A_653 : vector<1x16xf32> to vector<16xf32>
          %parallel_loop3A_655 = arith.mulf %parallel_loop3A_642, %parallel_loop3A_454 : vector<16xf32>
          %parallel_loop3A_656 = arith.index_cast %parallel_loop3A_638 : i32 to index
          %parallel_loop3A_657 = arith.constant 0 : index
          %parallel_loop3A_658 = tpu.vector_load %arg10[%parallel_loop3A_656, %parallel_loop3A_657] {strides = array<i32>} : memref<128x64xf32, #tpu.memory_space<vmem>>, vector<1x16xf32>,
          %parallel_loop3A_659 = vector.shape_cast %parallel_loop3A_658 : vector<1x16xf32> to vector<16xf32>
          %parallel_loop3A_660 = vector.shape_cast %parallel_loop3A_655 : vector<16xf32> to vector<1x16xf32>
          tpu.vector_store %arg10[%parallel_loop3A_656, %parallel_loop3A_657], %parallel_loop3A_660 {strides = array<i32>} : memref<128x64xf32, #tpu.memory_space<vmem>>, vector<1x16xf32>,
          %parallel_loop3A_661 = arith.mulf %parallel_loop3A_646, %parallel_loop3A_454 : vector<16xf32>
          %parallel_loop3A_662 = arith.index_cast %parallel_loop3A_638 : i32 to index
          %parallel_loop3A_663 = arith.constant 16 : index
          %parallel_loop3A_664 = tpu.vector_load %arg10[%parallel_loop3A_662, %parallel_loop3A_663] {strides = array<i32>} : memref<128x64xf32, #tpu.memory_space<vmem>>, vector<1x16xf32>,
          %parallel_loop3A_665 = vector.shape_cast %parallel_loop3A_664 : vector<1x16xf32> to vector<16xf32>
          %parallel_loop3A_666 = vector.shape_cast %parallel_loop3A_661 : vector<16xf32> to vector<1x16xf32>
          tpu.vector_store %arg10[%parallel_loop3A_662, %parallel_loop3A_663], %parallel_loop3A_666 {strides = array<i32>} : memref<128x64xf32, #tpu.memory_space<vmem>>, vector<1x16xf32>,
          %parallel_loop3A_667 = arith.mulf %parallel_loop3A_650, %parallel_loop3A_454 : vector<16xf32>
          %parallel_loop3A_668 = arith.index_cast %parallel_loop3A_638 : i32 to index
          %parallel_loop3A_669 = arith.constant 32 : index
          %parallel_loop3A_670 = tpu.vector_load %arg10[%parallel_loop3A_668, %parallel_loop3A_669] {strides = array<i32>} : memref<128x64xf32, #tpu.memory_space<vmem>>, vector<1x16xf32>,
          %parallel_loop3A_671 = vector.shape_cast %parallel_loop3A_670 : vector<1x16xf32> to vector<16xf32>
          %parallel_loop3A_672 = vector.shape_cast %parallel_loop3A_667 : vector<16xf32> to vector<1x16xf32>
          tpu.vector_store %arg10[%parallel_loop3A_668, %parallel_loop3A_669], %parallel_loop3A_672 {strides = array<i32>} : memref<128x64xf32, #tpu.memory_space<vmem>>, vector<1x16xf32>,
          %parallel_loop3A_673 = arith.mulf %parallel_loop3A_654, %parallel_loop3A_454 : vector<16xf32>
          %parallel_loop3A_674 = arith.index_cast %parallel_loop3A_638 : i32 to index
          %parallel_loop3A_675 = arith.constant 48 : index
          %parallel_loop3A_676 = tpu.vector_load %arg10[%parallel_loop3A_674, %parallel_loop3A_675] {strides = array<i32>} : memref<128x64xf32, #tpu.memory_space<vmem>>, vector<1x16xf32>,
          %parallel_loop3A_677 = vector.shape_cast %parallel_loop3A_676 : vector<1x16xf32> to vector<16xf32>
          %parallel_loop3A_678 = vector.shape_cast %parallel_loop3A_673 : vector<16xf32> to vector<1x16xf32>
          tpu.vector_store %arg10[%parallel_loop3A_674, %parallel_loop3A_675], %parallel_loop3A_678 {strides = array<i32>} : memref<128x64xf32, #tpu.memory_space<vmem>>, vector<1x16xf32>,
          %parallel_loop3A_679 = arith.constant 16 : i32
          %parallel_loop3A_680 = arith.muli %parallel_loop3A_430, %parallel_loop3A_679 : i32
          %parallel_loop3A_681 = arith.constant 4 : i32
          %parallel_loop3A_682 = arith.addi %parallel_loop3A_680, %parallel_loop3A_681 : i32
          %parallel_loop3A_683 = arith.index_cast %parallel_loop3A_682 : i32 to index
          %parallel_loop3A_684 = arith.constant 0 : index
          %parallel_loop3A_685 = tpu.vector_load %arg10[%parallel_loop3A_683, %parallel_loop3A_684] {strides = array<i32>} : memref<128x64xf32, #tpu.memory_space<vmem>>, vector<1x16xf32>,
          %parallel_loop3A_686 = vector.shape_cast %parallel_loop3A_685 : vector<1x16xf32> to vector<16xf32>
          %parallel_loop3A_687 = arith.index_cast %parallel_loop3A_682 : i32 to index
          %parallel_loop3A_688 = arith.constant 16 : index
          %parallel_loop3A_689 = tpu.vector_load %arg10[%parallel_loop3A_687, %parallel_loop3A_688] {strides = array<i32>} : memref<128x64xf32, #tpu.memory_space<vmem>>, vector<1x16xf32>,
          %parallel_loop3A_690 = vector.shape_cast %parallel_loop3A_689 : vector<1x16xf32> to vector<16xf32>
          %parallel_loop3A_691 = arith.index_cast %parallel_loop3A_682 : i32 to index
          %parallel_loop3A_692 = arith.constant 32 : index
          %parallel_loop3A_693 = tpu.vector_load %arg10[%parallel_loop3A_691, %parallel_loop3A_692] {strides = array<i32>} : memref<128x64xf32, #tpu.memory_space<vmem>>, vector<1x16xf32>,
          %parallel_loop3A_694 = vector.shape_cast %parallel_loop3A_693 : vector<1x16xf32> to vector<16xf32>
          %parallel_loop3A_695 = arith.index_cast %parallel_loop3A_682 : i32 to index
          %parallel_loop3A_696 = arith.constant 48 : index
          %parallel_loop3A_697 = tpu.vector_load %arg10[%parallel_loop3A_695, %parallel_loop3A_696] {strides = array<i32>} : memref<128x64xf32, #tpu.memory_space<vmem>>, vector<1x16xf32>,
          %parallel_loop3A_698 = vector.shape_cast %parallel_loop3A_697 : vector<1x16xf32> to vector<16xf32>
          %parallel_loop3A_699 = arith.mulf %parallel_loop3A_686, %parallel_loop3A_458 : vector<16xf32>
          %parallel_loop3A_700 = arith.index_cast %parallel_loop3A_682 : i32 to index
          %parallel_loop3A_701 = arith.constant 0 : index
          %parallel_loop3A_702 = tpu.vector_load %arg10[%parallel_loop3A_700, %parallel_loop3A_701] {strides = array<i32>} : memref<128x64xf32, #tpu.memory_space<vmem>>, vector<1x16xf32>,
          %parallel_loop3A_703 = vector.shape_cast %parallel_loop3A_702 : vector<1x16xf32> to vector<16xf32>
          %parallel_loop3A_704 = vector.shape_cast %parallel_loop3A_699 : vector<16xf32> to vector<1x16xf32>
          tpu.vector_store %arg10[%parallel_loop3A_700, %parallel_loop3A_701], %parallel_loop3A_704 {strides = array<i32>} : memref<128x64xf32, #tpu.memory_space<vmem>>, vector<1x16xf32>,
          %parallel_loop3A_705 = arith.mulf %parallel_loop3A_690, %parallel_loop3A_458 : vector<16xf32>
          %parallel_loop3A_706 = arith.index_cast %parallel_loop3A_682 : i32 to index
          %parallel_loop3A_707 = arith.constant 16 : index
          %parallel_loop3A_708 = tpu.vector_load %arg10[%parallel_loop3A_706, %parallel_loop3A_707] {strides = array<i32>} : memref<128x64xf32, #tpu.memory_space<vmem>>, vector<1x16xf32>,
          %parallel_loop3A_709 = vector.shape_cast %parallel_loop3A_708 : vector<1x16xf32> to vector<16xf32>
          %parallel_loop3A_710 = vector.shape_cast %parallel_loop3A_705 : vector<16xf32> to vector<1x16xf32>
          tpu.vector_store %arg10[%parallel_loop3A_706, %parallel_loop3A_707], %parallel_loop3A_710 {strides = array<i32>} : memref<128x64xf32, #tpu.memory_space<vmem>>, vector<1x16xf32>,
          %parallel_loop3A_711 = arith.mulf %parallel_loop3A_694, %parallel_loop3A_458 : vector<16xf32>
          %parallel_loop3A_712 = arith.index_cast %parallel_loop3A_682 : i32 to index
          %parallel_loop3A_713 = arith.constant 32 : index
          %parallel_loop3A_714 = tpu.vector_load %arg10[%parallel_loop3A_712, %parallel_loop3A_713] {strides = array<i32>} : memref<128x64xf32, #tpu.memory_space<vmem>>, vector<1x16xf32>,
          %parallel_loop3A_715 = vector.shape_cast %parallel_loop3A_714 : vector<1x16xf32> to vector<16xf32>
          %parallel_loop3A_716 = vector.shape_cast %parallel_loop3A_711 : vector<16xf32> to vector<1x16xf32>
          tpu.vector_store %arg10[%parallel_loop3A_712, %parallel_loop3A_713], %parallel_loop3A_716 {strides = array<i32>} : memref<128x64xf32, #tpu.memory_space<vmem>>, vector<1x16xf32>,
          %parallel_loop3A_717 = arith.mulf %parallel_loop3A_698, %parallel_loop3A_458 : vector<16xf32>
          %parallel_loop3A_718 = arith.index_cast %parallel_loop3A_682 : i32 to index
          %parallel_loop3A_719 = arith.constant 48 : index
          %parallel_loop3A_720 = tpu.vector_load %arg10[%parallel_loop3A_718, %parallel_loop3A_719] {strides = array<i32>} : memref<128x64xf32, #tpu.memory_space<vmem>>, vector<1x16xf32>,
          %parallel_loop3A_721 = vector.shape_cast %parallel_loop3A_720 : vector<1x16xf32> to vector<16xf32>
          %parallel_loop3A_722 = vector.shape_cast %parallel_loop3A_717 : vector<16xf32> to vector<1x16xf32>
          tpu.vector_store %arg10[%parallel_loop3A_718, %parallel_loop3A_719], %parallel_loop3A_722 {strides = array<i32>} : memref<128x64xf32, #tpu.memory_space<vmem>>, vector<1x16xf32>,
          %parallel_loop3A_723 = arith.constant 16 : i32
          %parallel_loop3A_724 = arith.muli %parallel_loop3A_430, %parallel_loop3A_723 : i32
          %parallel_loop3A_725 = arith.constant 5 : i32
          %parallel_loop3A_726 = arith.addi %parallel_loop3A_724, %parallel_loop3A_725 : i32
          %parallel_loop3A_727 = arith.index_cast %parallel_loop3A_726 : i32 to index
          %parallel_loop3A_728 = arith.constant 0 : index
          %parallel_loop3A_729 = tpu.vector_load %arg10[%parallel_loop3A_727, %parallel_loop3A_728] {strides = array<i32>} : memref<128x64xf32, #tpu.memory_space<vmem>>, vector<1x16xf32>,
          %parallel_loop3A_730 = vector.shape_cast %parallel_loop3A_729 : vector<1x16xf32> to vector<16xf32>
          %parallel_loop3A_731 = arith.index_cast %parallel_loop3A_726 : i32 to index
          %parallel_loop3A_732 = arith.constant 16 : index
          %parallel_loop3A_733 = tpu.vector_load %arg10[%parallel_loop3A_731, %parallel_loop3A_732] {strides = array<i32>} : memref<128x64xf32, #tpu.memory_space<vmem>>, vector<1x16xf32>,
          %parallel_loop3A_734 = vector.shape_cast %parallel_loop3A_733 : vector<1x16xf32> to vector<16xf32>
          %parallel_loop3A_735 = arith.index_cast %parallel_loop3A_726 : i32 to index
          %parallel_loop3A_736 = arith.constant 32 : index
          %parallel_loop3A_737 = tpu.vector_load %arg10[%parallel_loop3A_735, %parallel_loop3A_736] {strides = array<i32>} : memref<128x64xf32, #tpu.memory_space<vmem>>, vector<1x16xf32>,
          %parallel_loop3A_738 = vector.shape_cast %parallel_loop3A_737 : vector<1x16xf32> to vector<16xf32>
          %parallel_loop3A_739 = arith.index_cast %parallel_loop3A_726 : i32 to index
          %parallel_loop3A_740 = arith.constant 48 : index
          %parallel_loop3A_741 = tpu.vector_load %arg10[%parallel_loop3A_739, %parallel_loop3A_740] {strides = array<i32>} : memref<128x64xf32, #tpu.memory_space<vmem>>, vector<1x16xf32>,
          %parallel_loop3A_742 = vector.shape_cast %parallel_loop3A_741 : vector<1x16xf32> to vector<16xf32>
          %parallel_loop3A_743 = arith.mulf %parallel_loop3A_730, %parallel_loop3A_462 : vector<16xf32>
          %parallel_loop3A_744 = arith.index_cast %parallel_loop3A_726 : i32 to index
          %parallel_loop3A_745 = arith.constant 0 : index
          %parallel_loop3A_746 = tpu.vector_load %arg10[%parallel_loop3A_744, %parallel_loop3A_745] {strides = array<i32>} : memref<128x64xf32, #tpu.memory_space<vmem>>, vector<1x16xf32>,
          %parallel_loop3A_747 = vector.shape_cast %parallel_loop3A_746 : vector<1x16xf32> to vector<16xf32>
          %parallel_loop3A_748 = vector.shape_cast %parallel_loop3A_743 : vector<16xf32> to vector<1x16xf32>
          tpu.vector_store %arg10[%parallel_loop3A_744, %parallel_loop3A_745], %parallel_loop3A_748 {strides = array<i32>} : memref<128x64xf32, #tpu.memory_space<vmem>>, vector<1x16xf32>,
          %parallel_loop3A_749 = arith.mulf %parallel_loop3A_734, %parallel_loop3A_462 : vector<16xf32>
          %parallel_loop3A_750 = arith.index_cast %parallel_loop3A_726 : i32 to index
          %parallel_loop3A_751 = arith.constant 16 : index
          %parallel_loop3A_752 = tpu.vector_load %arg10[%parallel_loop3A_750, %parallel_loop3A_751] {strides = array<i32>} : memref<128x64xf32, #tpu.memory_space<vmem>>, vector<1x16xf32>,
          %parallel_loop3A_753 = vector.shape_cast %parallel_loop3A_752 : vector<1x16xf32> to vector<16xf32>
          %parallel_loop3A_754 = vector.shape_cast %parallel_loop3A_749 : vector<16xf32> to vector<1x16xf32>
          tpu.vector_store %arg10[%parallel_loop3A_750, %parallel_loop3A_751], %parallel_loop3A_754 {strides = array<i32>} : memref<128x64xf32, #tpu.memory_space<vmem>>, vector<1x16xf32>,
          %parallel_loop3A_755 = arith.mulf %parallel_loop3A_738, %parallel_loop3A_462 : vector<16xf32>
          %parallel_loop3A_756 = arith.index_cast %parallel_loop3A_726 : i32 to index
          %parallel_loop3A_757 = arith.constant 32 : index
          %parallel_loop3A_758 = tpu.vector_load %arg10[%parallel_loop3A_756, %parallel_loop3A_757] {strides = array<i32>} : memref<128x64xf32, #tpu.memory_space<vmem>>, vector<1x16xf32>,
          %parallel_loop3A_759 = vector.shape_cast %parallel_loop3A_758 : vector<1x16xf32> to vector<16xf32>
          %parallel_loop3A_760 = vector.shape_cast %parallel_loop3A_755 : vector<16xf32> to vector<1x16xf32>
          tpu.vector_store %arg10[%parallel_loop3A_756, %parallel_loop3A_757], %parallel_loop3A_760 {strides = array<i32>} : memref<128x64xf32, #tpu.memory_space<vmem>>, vector<1x16xf32>,
          %parallel_loop3A_761 = arith.mulf %parallel_loop3A_742, %parallel_loop3A_462 : vector<16xf32>
          %parallel_loop3A_762 = arith.index_cast %parallel_loop3A_726 : i32 to index
          %parallel_loop3A_763 = arith.constant 48 : index
          %parallel_loop3A_764 = tpu.vector_load %arg10[%parallel_loop3A_762, %parallel_loop3A_763] {strides = array<i32>} : memref<128x64xf32, #tpu.memory_space<vmem>>, vector<1x16xf32>,
          %parallel_loop3A_765 = vector.shape_cast %parallel_loop3A_764 : vector<1x16xf32> to vector<16xf32>
          %parallel_loop3A_766 = vector.shape_cast %parallel_loop3A_761 : vector<16xf32> to vector<1x16xf32>
          tpu.vector_store %arg10[%parallel_loop3A_762, %parallel_loop3A_763], %parallel_loop3A_766 {strides = array<i32>} : memref<128x64xf32, #tpu.memory_space<vmem>>, vector<1x16xf32>,
          %parallel_loop3A_767 = arith.constant 16 : i32
          %parallel_loop3A_768 = arith.muli %parallel_loop3A_430, %parallel_loop3A_767 : i32
          %parallel_loop3A_769 = arith.constant 6 : i32
          %parallel_loop3A_770 = arith.addi %parallel_loop3A_768, %parallel_loop3A_769 : i32
          %parallel_loop3A_771 = arith.index_cast %parallel_loop3A_770 : i32 to index
          %parallel_loop3A_772 = arith.constant 0 : index
          %parallel_loop3A_773 = tpu.vector_load %arg10[%parallel_loop3A_771, %parallel_loop3A_772] {strides = array<i32>} : memref<128x64xf32, #tpu.memory_space<vmem>>, vector<1x16xf32>,
          %parallel_loop3A_774 = vector.shape_cast %parallel_loop3A_773 : vector<1x16xf32> to vector<16xf32>
          %parallel_loop3A_775 = arith.index_cast %parallel_loop3A_770 : i32 to index
          %parallel_loop3A_776 = arith.constant 16 : index
          %parallel_loop3A_777 = tpu.vector_load %arg10[%parallel_loop3A_775, %parallel_loop3A_776] {strides = array<i32>} : memref<128x64xf32, #tpu.memory_space<vmem>>, vector<1x16xf32>,
          %parallel_loop3A_778 = vector.shape_cast %parallel_loop3A_777 : vector<1x16xf32> to vector<16xf32>
          %parallel_loop3A_779 = arith.index_cast %parallel_loop3A_770 : i32 to index
          %parallel_loop3A_780 = arith.constant 32 : index
          %parallel_loop3A_781 = tpu.vector_load %arg10[%parallel_loop3A_779, %parallel_loop3A_780] {strides = array<i32>} : memref<128x64xf32, #tpu.memory_space<vmem>>, vector<1x16xf32>,
          %parallel_loop3A_782 = vector.shape_cast %parallel_loop3A_781 : vector<1x16xf32> to vector<16xf32>
          %parallel_loop3A_783 = arith.index_cast %parallel_loop3A_770 : i32 to index
          %parallel_loop3A_784 = arith.constant 48 : index
          %parallel_loop3A_785 = tpu.vector_load %arg10[%parallel_loop3A_783, %parallel_loop3A_784] {strides = array<i32>} : memref<128x64xf32, #tpu.memory_space<vmem>>, vector<1x16xf32>,
          %parallel_loop3A_786 = vector.shape_cast %parallel_loop3A_785 : vector<1x16xf32> to vector<16xf32>
          %parallel_loop3A_787 = arith.mulf %parallel_loop3A_774, %parallel_loop3A_466 : vector<16xf32>
          %parallel_loop3A_788 = arith.index_cast %parallel_loop3A_770 : i32 to index
          %parallel_loop3A_789 = arith.constant 0 : index
          %parallel_loop3A_790 = tpu.vector_load %arg10[%parallel_loop3A_788, %parallel_loop3A_789] {strides = array<i32>} : memref<128x64xf32, #tpu.memory_space<vmem>>, vector<1x16xf32>,
          %parallel_loop3A_791 = vector.shape_cast %parallel_loop3A_790 : vector<1x16xf32> to vector<16xf32>
          %parallel_loop3A_792 = vector.shape_cast %parallel_loop3A_787 : vector<16xf32> to vector<1x16xf32>
          tpu.vector_store %arg10[%parallel_loop3A_788, %parallel_loop3A_789], %parallel_loop3A_792 {strides = array<i32>} : memref<128x64xf32, #tpu.memory_space<vmem>>, vector<1x16xf32>,
          %parallel_loop3A_793 = arith.mulf %parallel_loop3A_778, %parallel_loop3A_466 : vector<16xf32>
          %parallel_loop3A_794 = arith.index_cast %parallel_loop3A_770 : i32 to index
          %parallel_loop3A_795 = arith.constant 16 : index
          %parallel_loop3A_796 = tpu.vector_load %arg10[%parallel_loop3A_794, %parallel_loop3A_795] {strides = array<i32>} : memref<128x64xf32, #tpu.memory_space<vmem>>, vector<1x16xf32>,
          %parallel_loop3A_797 = vector.shape_cast %parallel_loop3A_796 : vector<1x16xf32> to vector<16xf32>
          %parallel_loop3A_798 = vector.shape_cast %parallel_loop3A_793 : vector<16xf32> to vector<1x16xf32>
          tpu.vector_store %arg10[%parallel_loop3A_794, %parallel_loop3A_795], %parallel_loop3A_798 {strides = array<i32>} : memref<128x64xf32, #tpu.memory_space<vmem>>, vector<1x16xf32>,
          %parallel_loop3A_799 = arith.mulf %parallel_loop3A_782, %parallel_loop3A_466 : vector<16xf32>
          %parallel_loop3A_800 = arith.index_cast %parallel_loop3A_770 : i32 to index
          %parallel_loop3A_801 = arith.constant 32 : index
          %parallel_loop3A_802 = tpu.vector_load %arg10[%parallel_loop3A_800, %parallel_loop3A_801] {strides = array<i32>} : memref<128x64xf32, #tpu.memory_space<vmem>>, vector<1x16xf32>,
          %parallel_loop3A_803 = vector.shape_cast %parallel_loop3A_802 : vector<1x16xf32> to vector<16xf32>
          %parallel_loop3A_804 = vector.shape_cast %parallel_loop3A_799 : vector<16xf32> to vector<1x16xf32>
          tpu.vector_store %arg10[%parallel_loop3A_800, %parallel_loop3A_801], %parallel_loop3A_804 {strides = array<i32>} : memref<128x64xf32, #tpu.memory_space<vmem>>, vector<1x16xf32>,
          %parallel_loop3A_805 = arith.mulf %parallel_loop3A_786, %parallel_loop3A_466 : vector<16xf32>
          %parallel_loop3A_806 = arith.index_cast %parallel_loop3A_770 : i32 to index
          %parallel_loop3A_807 = arith.constant 48 : index
          %parallel_loop3A_808 = tpu.vector_load %arg10[%parallel_loop3A_806, %parallel_loop3A_807] {strides = array<i32>} : memref<128x64xf32, #tpu.memory_space<vmem>>, vector<1x16xf32>,
          %parallel_loop3A_809 = vector.shape_cast %parallel_loop3A_808 : vector<1x16xf32> to vector<16xf32>
          %parallel_loop3A_810 = vector.shape_cast %parallel_loop3A_805 : vector<16xf32> to vector<1x16xf32>
          tpu.vector_store %arg10[%parallel_loop3A_806, %parallel_loop3A_807], %parallel_loop3A_810 {strides = array<i32>} : memref<128x64xf32, #tpu.memory_space<vmem>>, vector<1x16xf32>,
          %parallel_loop3A_811 = arith.constant 16 : i32
          %parallel_loop3A_812 = arith.muli %parallel_loop3A_430, %parallel_loop3A_811 : i32
          %parallel_loop3A_813 = arith.constant 7 : i32
          %parallel_loop3A_814 = arith.addi %parallel_loop3A_812, %parallel_loop3A_813 : i32
          %parallel_loop3A_815 = arith.index_cast %parallel_loop3A_814 : i32 to index
          %parallel_loop3A_816 = arith.constant 0 : index
          %parallel_loop3A_817 = tpu.vector_load %arg10[%parallel_loop3A_815, %parallel_loop3A_816] {strides = array<i32>} : memref<128x64xf32, #tpu.memory_space<vmem>>, vector<1x16xf32>,
          %parallel_loop3A_818 = vector.shape_cast %parallel_loop3A_817 : vector<1x16xf32> to vector<16xf32>
          %parallel_loop3A_819 = arith.index_cast %parallel_loop3A_814 : i32 to index
          %parallel_loop3A_820 = arith.constant 16 : index
          %parallel_loop3A_821 = tpu.vector_load %arg10[%parallel_loop3A_819, %parallel_loop3A_820] {strides = array<i32>} : memref<128x64xf32, #tpu.memory_space<vmem>>, vector<1x16xf32>,
          %parallel_loop3A_822 = vector.shape_cast %parallel_loop3A_821 : vector<1x16xf32> to vector<16xf32>
          %parallel_loop3A_823 = arith.index_cast %parallel_loop3A_814 : i32 to index
          %parallel_loop3A_824 = arith.constant 32 : index
          %parallel_loop3A_825 = tpu.vector_load %arg10[%parallel_loop3A_823, %parallel_loop3A_824] {strides = array<i32>} : memref<128x64xf32, #tpu.memory_space<vmem>>, vector<1x16xf32>,
          %parallel_loop3A_826 = vector.shape_cast %parallel_loop3A_825 : vector<1x16xf32> to vector<16xf32>
          %parallel_loop3A_827 = arith.index_cast %parallel_loop3A_814 : i32 to index
          %parallel_loop3A_828 = arith.constant 48 : index
          %parallel_loop3A_829 = tpu.vector_load %arg10[%parallel_loop3A_827, %parallel_loop3A_828] {strides = array<i32>} : memref<128x64xf32, #tpu.memory_space<vmem>>, vector<1x16xf32>,
          %parallel_loop3A_830 = vector.shape_cast %parallel_loop3A_829 : vector<1x16xf32> to vector<16xf32>
          %parallel_loop3A_831 = arith.mulf %parallel_loop3A_818, %parallel_loop3A_470 : vector<16xf32>
          %parallel_loop3A_832 = arith.index_cast %parallel_loop3A_814 : i32 to index
          %parallel_loop3A_833 = arith.constant 0 : index
          %parallel_loop3A_834 = tpu.vector_load %arg10[%parallel_loop3A_832, %parallel_loop3A_833] {strides = array<i32>} : memref<128x64xf32, #tpu.memory_space<vmem>>, vector<1x16xf32>,
          %parallel_loop3A_835 = vector.shape_cast %parallel_loop3A_834 : vector<1x16xf32> to vector<16xf32>
          %parallel_loop3A_836 = vector.shape_cast %parallel_loop3A_831 : vector<16xf32> to vector<1x16xf32>
          tpu.vector_store %arg10[%parallel_loop3A_832, %parallel_loop3A_833], %parallel_loop3A_836 {strides = array<i32>} : memref<128x64xf32, #tpu.memory_space<vmem>>, vector<1x16xf32>,
          %parallel_loop3A_837 = arith.mulf %parallel_loop3A_822, %parallel_loop3A_470 : vector<16xf32>
          %parallel_loop3A_838 = arith.index_cast %parallel_loop3A_814 : i32 to index
          %parallel_loop3A_839 = arith.constant 16 : index
          %parallel_loop3A_840 = tpu.vector_load %arg10[%parallel_loop3A_838, %parallel_loop3A_839] {strides = array<i32>} : memref<128x64xf32, #tpu.memory_space<vmem>>, vector<1x16xf32>,
          %parallel_loop3A_841 = vector.shape_cast %parallel_loop3A_840 : vector<1x16xf32> to vector<16xf32>
          %parallel_loop3A_842 = vector.shape_cast %parallel_loop3A_837 : vector<16xf32> to vector<1x16xf32>
          tpu.vector_store %arg10[%parallel_loop3A_838, %parallel_loop3A_839], %parallel_loop3A_842 {strides = array<i32>} : memref<128x64xf32, #tpu.memory_space<vmem>>, vector<1x16xf32>,
          %parallel_loop3A_843 = arith.mulf %parallel_loop3A_826, %parallel_loop3A_470 : vector<16xf32>
          %parallel_loop3A_844 = arith.index_cast %parallel_loop3A_814 : i32 to index
          %parallel_loop3A_845 = arith.constant 32 : index
          %parallel_loop3A_846 = tpu.vector_load %arg10[%parallel_loop3A_844, %parallel_loop3A_845] {strides = array<i32>} : memref<128x64xf32, #tpu.memory_space<vmem>>, vector<1x16xf32>,
          %parallel_loop3A_847 = vector.shape_cast %parallel_loop3A_846 : vector<1x16xf32> to vector<16xf32>
          %parallel_loop3A_848 = vector.shape_cast %parallel_loop3A_843 : vector<16xf32> to vector<1x16xf32>
          tpu.vector_store %arg10[%parallel_loop3A_844, %parallel_loop3A_845], %parallel_loop3A_848 {strides = array<i32>} : memref<128x64xf32, #tpu.memory_space<vmem>>, vector<1x16xf32>,
          %parallel_loop3A_849 = arith.mulf %parallel_loop3A_830, %parallel_loop3A_470 : vector<16xf32>
          %parallel_loop3A_850 = arith.index_cast %parallel_loop3A_814 : i32 to index
          %parallel_loop3A_851 = arith.constant 48 : index
          %parallel_loop3A_852 = tpu.vector_load %arg10[%parallel_loop3A_850, %parallel_loop3A_851] {strides = array<i32>} : memref<128x64xf32, #tpu.memory_space<vmem>>, vector<1x16xf32>,
          %parallel_loop3A_853 = vector.shape_cast %parallel_loop3A_852 : vector<1x16xf32> to vector<16xf32>
          %parallel_loop3A_854 = vector.shape_cast %parallel_loop3A_849 : vector<16xf32> to vector<1x16xf32>
          tpu.vector_store %arg10[%parallel_loop3A_850, %parallel_loop3A_851], %parallel_loop3A_854 {strides = array<i32>} : memref<128x64xf32, #tpu.memory_space<vmem>>, vector<1x16xf32>,
          %parallel_loop3A_855 = arith.constant 16 : i32
          %parallel_loop3A_856 = arith.muli %parallel_loop3A_430, %parallel_loop3A_855 : i32
          %parallel_loop3A_857 = arith.constant 8 : i32
          %parallel_loop3A_858 = arith.addi %parallel_loop3A_856, %parallel_loop3A_857 : i32
          %parallel_loop3A_859 = arith.index_cast %parallel_loop3A_858 : i32 to index
          %parallel_loop3A_860 = arith.constant 0 : index
          %parallel_loop3A_861 = tpu.vector_load %arg10[%parallel_loop3A_859, %parallel_loop3A_860] {strides = array<i32>} : memref<128x64xf32, #tpu.memory_space<vmem>>, vector<1x16xf32>,
          %parallel_loop3A_862 = vector.shape_cast %parallel_loop3A_861 : vector<1x16xf32> to vector<16xf32>
          %parallel_loop3A_863 = arith.index_cast %parallel_loop3A_858 : i32 to index
          %parallel_loop3A_864 = arith.constant 16 : index
          %parallel_loop3A_865 = tpu.vector_load %arg10[%parallel_loop3A_863, %parallel_loop3A_864] {strides = array<i32>} : memref<128x64xf32, #tpu.memory_space<vmem>>, vector<1x16xf32>,
          %parallel_loop3A_866 = vector.shape_cast %parallel_loop3A_865 : vector<1x16xf32> to vector<16xf32>
          %parallel_loop3A_867 = arith.index_cast %parallel_loop3A_858 : i32 to index
          %parallel_loop3A_868 = arith.constant 32 : index
          %parallel_loop3A_869 = tpu.vector_load %arg10[%parallel_loop3A_867, %parallel_loop3A_868] {strides = array<i32>} : memref<128x64xf32, #tpu.memory_space<vmem>>, vector<1x16xf32>,
          %parallel_loop3A_870 = vector.shape_cast %parallel_loop3A_869 : vector<1x16xf32> to vector<16xf32>
          %parallel_loop3A_871 = arith.index_cast %parallel_loop3A_858 : i32 to index
          %parallel_loop3A_872 = arith.constant 48 : index
          %parallel_loop3A_873 = tpu.vector_load %arg10[%parallel_loop3A_871, %parallel_loop3A_872] {strides = array<i32>} : memref<128x64xf32, #tpu.memory_space<vmem>>, vector<1x16xf32>,
          %parallel_loop3A_874 = vector.shape_cast %parallel_loop3A_873 : vector<1x16xf32> to vector<16xf32>
          %parallel_loop3A_875 = arith.mulf %parallel_loop3A_862, %parallel_loop3A_474 : vector<16xf32>
          %parallel_loop3A_876 = arith.index_cast %parallel_loop3A_858 : i32 to index
          %parallel_loop3A_877 = arith.constant 0 : index
          %parallel_loop3A_878 = tpu.vector_load %arg10[%parallel_loop3A_876, %parallel_loop3A_877] {strides = array<i32>} : memref<128x64xf32, #tpu.memory_space<vmem>>, vector<1x16xf32>,
          %parallel_loop3A_879 = vector.shape_cast %parallel_loop3A_878 : vector<1x16xf32> to vector<16xf32>
          %parallel_loop3A_880 = vector.shape_cast %parallel_loop3A_875 : vector<16xf32> to vector<1x16xf32>
          tpu.vector_store %arg10[%parallel_loop3A_876, %parallel_loop3A_877], %parallel_loop3A_880 {strides = array<i32>} : memref<128x64xf32, #tpu.memory_space<vmem>>, vector<1x16xf32>,
          %parallel_loop3A_881 = arith.mulf %parallel_loop3A_866, %parallel_loop3A_474 : vector<16xf32>
          %parallel_loop3A_882 = arith.index_cast %parallel_loop3A_858 : i32 to index
          %parallel_loop3A_883 = arith.constant 16 : index
          %parallel_loop3A_884 = tpu.vector_load %arg10[%parallel_loop3A_882, %parallel_loop3A_883] {strides = array<i32>} : memref<128x64xf32, #tpu.memory_space<vmem>>, vector<1x16xf32>,
          %parallel_loop3A_885 = vector.shape_cast %parallel_loop3A_884 : vector<1x16xf32> to vector<16xf32>
          %parallel_loop3A_886 = vector.shape_cast %parallel_loop3A_881 : vector<16xf32> to vector<1x16xf32>
          tpu.vector_store %arg10[%parallel_loop3A_882, %parallel_loop3A_883], %parallel_loop3A_886 {strides = array<i32>} : memref<128x64xf32, #tpu.memory_space<vmem>>, vector<1x16xf32>,
          %parallel_loop3A_887 = arith.mulf %parallel_loop3A_870, %parallel_loop3A_474 : vector<16xf32>
          %parallel_loop3A_888 = arith.index_cast %parallel_loop3A_858 : i32 to index
          %parallel_loop3A_889 = arith.constant 32 : index
          %parallel_loop3A_890 = tpu.vector_load %arg10[%parallel_loop3A_888, %parallel_loop3A_889] {strides = array<i32>} : memref<128x64xf32, #tpu.memory_space<vmem>>, vector<1x16xf32>,
          %parallel_loop3A_891 = vector.shape_cast %parallel_loop3A_890 : vector<1x16xf32> to vector<16xf32>
          %parallel_loop3A_892 = vector.shape_cast %parallel_loop3A_887 : vector<16xf32> to vector<1x16xf32>
          tpu.vector_store %arg10[%parallel_loop3A_888, %parallel_loop3A_889], %parallel_loop3A_892 {strides = array<i32>} : memref<128x64xf32, #tpu.memory_space<vmem>>, vector<1x16xf32>,
          %parallel_loop3A_893 = arith.mulf %parallel_loop3A_874, %parallel_loop3A_474 : vector<16xf32>
          %parallel_loop3A_894 = arith.index_cast %parallel_loop3A_858 : i32 to index
          %parallel_loop3A_895 = arith.constant 48 : index
          %parallel_loop3A_896 = tpu.vector_load %arg10[%parallel_loop3A_894, %parallel_loop3A_895] {strides = array<i32>} : memref<128x64xf32, #tpu.memory_space<vmem>>, vector<1x16xf32>,
          %parallel_loop3A_897 = vector.shape_cast %parallel_loop3A_896 : vector<1x16xf32> to vector<16xf32>
          %parallel_loop3A_898 = vector.shape_cast %parallel_loop3A_893 : vector<16xf32> to vector<1x16xf32>
          tpu.vector_store %arg10[%parallel_loop3A_894, %parallel_loop3A_895], %parallel_loop3A_898 {strides = array<i32>} : memref<128x64xf32, #tpu.memory_space<vmem>>, vector<1x16xf32>,
          %parallel_loop3A_899 = arith.constant 16 : i32
          %parallel_loop3A_900 = arith.muli %parallel_loop3A_430, %parallel_loop3A_899 : i32
          %parallel_loop3A_901 = arith.constant 9 : i32
          %parallel_loop3A_902 = arith.addi %parallel_loop3A_900, %parallel_loop3A_901 : i32
          %parallel_loop3A_903 = arith.index_cast %parallel_loop3A_902 : i32 to index
          %parallel_loop3A_904 = arith.constant 0 : index
          %parallel_loop3A_905 = tpu.vector_load %arg10[%parallel_loop3A_903, %parallel_loop3A_904] {strides = array<i32>} : memref<128x64xf32, #tpu.memory_space<vmem>>, vector<1x16xf32>,
          %parallel_loop3A_906 = vector.shape_cast %parallel_loop3A_905 : vector<1x16xf32> to vector<16xf32>
          %parallel_loop3A_907 = arith.index_cast %parallel_loop3A_902 : i32 to index
          %parallel_loop3A_908 = arith.constant 16 : index
          %parallel_loop3A_909 = tpu.vector_load %arg10[%parallel_loop3A_907, %parallel_loop3A_908] {strides = array<i32>} : memref<128x64xf32, #tpu.memory_space<vmem>>, vector<1x16xf32>,
          %parallel_loop3A_910 = vector.shape_cast %parallel_loop3A_909 : vector<1x16xf32> to vector<16xf32>
          %parallel_loop3A_911 = arith.index_cast %parallel_loop3A_902 : i32 to index
          %parallel_loop3A_912 = arith.constant 32 : index
          %parallel_loop3A_913 = tpu.vector_load %arg10[%parallel_loop3A_911, %parallel_loop3A_912] {strides = array<i32>} : memref<128x64xf32, #tpu.memory_space<vmem>>, vector<1x16xf32>,
          %parallel_loop3A_914 = vector.shape_cast %parallel_loop3A_913 : vector<1x16xf32> to vector<16xf32>
          %parallel_loop3A_915 = arith.index_cast %parallel_loop3A_902 : i32 to index
          %parallel_loop3A_916 = arith.constant 48 : index
          %parallel_loop3A_917 = tpu.vector_load %arg10[%parallel_loop3A_915, %parallel_loop3A_916] {strides = array<i32>} : memref<128x64xf32, #tpu.memory_space<vmem>>, vector<1x16xf32>,
          %parallel_loop3A_918 = vector.shape_cast %parallel_loop3A_917 : vector<1x16xf32> to vector<16xf32>
          %parallel_loop3A_919 = arith.mulf %parallel_loop3A_906, %parallel_loop3A_478 : vector<16xf32>
          %parallel_loop3A_920 = arith.index_cast %parallel_loop3A_902 : i32 to index
          %parallel_loop3A_921 = arith.constant 0 : index
          %parallel_loop3A_922 = tpu.vector_load %arg10[%parallel_loop3A_920, %parallel_loop3A_921] {strides = array<i32>} : memref<128x64xf32, #tpu.memory_space<vmem>>, vector<1x16xf32>,
          %parallel_loop3A_923 = vector.shape_cast %parallel_loop3A_922 : vector<1x16xf32> to vector<16xf32>
          %parallel_loop3A_924 = vector.shape_cast %parallel_loop3A_919 : vector<16xf32> to vector<1x16xf32>
          tpu.vector_store %arg10[%parallel_loop3A_920, %parallel_loop3A_921], %parallel_loop3A_924 {strides = array<i32>} : memref<128x64xf32, #tpu.memory_space<vmem>>, vector<1x16xf32>,
          %parallel_loop3A_925 = arith.mulf %parallel_loop3A_910, %parallel_loop3A_478 : vector<16xf32>
          %parallel_loop3A_926 = arith.index_cast %parallel_loop3A_902 : i32 to index
          %parallel_loop3A_927 = arith.constant 16 : index
          %parallel_loop3A_928 = tpu.vector_load %arg10[%parallel_loop3A_926, %parallel_loop3A_927] {strides = array<i32>} : memref<128x64xf32, #tpu.memory_space<vmem>>, vector<1x16xf32>,
          %parallel_loop3A_929 = vector.shape_cast %parallel_loop3A_928 : vector<1x16xf32> to vector<16xf32>
          %parallel_loop3A_930 = vector.shape_cast %parallel_loop3A_925 : vector<16xf32> to vector<1x16xf32>
          tpu.vector_store %arg10[%parallel_loop3A_926, %parallel_loop3A_927], %parallel_loop3A_930 {strides = array<i32>} : memref<128x64xf32, #tpu.memory_space<vmem>>, vector<1x16xf32>,
          %parallel_loop3A_931 = arith.mulf %parallel_loop3A_914, %parallel_loop3A_478 : vector<16xf32>
          %parallel_loop3A_932 = arith.index_cast %parallel_loop3A_902 : i32 to index
          %parallel_loop3A_933 = arith.constant 32 : index
          %parallel_loop3A_934 = tpu.vector_load %arg10[%parallel_loop3A_932, %parallel_loop3A_933] {strides = array<i32>} : memref<128x64xf32, #tpu.memory_space<vmem>>, vector<1x16xf32>,
          %parallel_loop3A_935 = vector.shape_cast %parallel_loop3A_934 : vector<1x16xf32> to vector<16xf32>
          %parallel_loop3A_936 = vector.shape_cast %parallel_loop3A_931 : vector<16xf32> to vector<1x16xf32>
          tpu.vector_store %arg10[%parallel_loop3A_932, %parallel_loop3A_933], %parallel_loop3A_936 {strides = array<i32>} : memref<128x64xf32, #tpu.memory_space<vmem>>, vector<1x16xf32>,
          %parallel_loop3A_937 = arith.mulf %parallel_loop3A_918, %parallel_loop3A_478 : vector<16xf32>
          %parallel_loop3A_938 = arith.index_cast %parallel_loop3A_902 : i32 to index
          %parallel_loop3A_939 = arith.constant 48 : index
          %parallel_loop3A_940 = tpu.vector_load %arg10[%parallel_loop3A_938, %parallel_loop3A_939] {strides = array<i32>} : memref<128x64xf32, #tpu.memory_space<vmem>>, vector<1x16xf32>,
          %parallel_loop3A_941 = vector.shape_cast %parallel_loop3A_940 : vector<1x16xf32> to vector<16xf32>
          %parallel_loop3A_942 = vector.shape_cast %parallel_loop3A_937 : vector<16xf32> to vector<1x16xf32>
          tpu.vector_store %arg10[%parallel_loop3A_938, %parallel_loop3A_939], %parallel_loop3A_942 {strides = array<i32>} : memref<128x64xf32, #tpu.memory_space<vmem>>, vector<1x16xf32>,
          %parallel_loop3A_943 = arith.constant 16 : i32
          %parallel_loop3A_944 = arith.muli %parallel_loop3A_430, %parallel_loop3A_943 : i32
          %parallel_loop3A_945 = arith.constant 10 : i32
          %parallel_loop3A_946 = arith.addi %parallel_loop3A_944, %parallel_loop3A_945 : i32
          %parallel_loop3A_947 = arith.index_cast %parallel_loop3A_946 : i32 to index
          %parallel_loop3A_948 = arith.constant 0 : index
          %parallel_loop3A_949 = tpu.vector_load %arg10[%parallel_loop3A_947, %parallel_loop3A_948] {strides = array<i32>} : memref<128x64xf32, #tpu.memory_space<vmem>>, vector<1x16xf32>,
          %parallel_loop3A_950 = vector.shape_cast %parallel_loop3A_949 : vector<1x16xf32> to vector<16xf32>
          %parallel_loop3A_951 = arith.index_cast %parallel_loop3A_946 : i32 to index
          %parallel_loop3A_952 = arith.constant 16 : index
          %parallel_loop3A_953 = tpu.vector_load %arg10[%parallel_loop3A_951, %parallel_loop3A_952] {strides = array<i32>} : memref<128x64xf32, #tpu.memory_space<vmem>>, vector<1x16xf32>,
          %parallel_loop3A_954 = vector.shape_cast %parallel_loop3A_953 : vector<1x16xf32> to vector<16xf32>
          %parallel_loop3A_955 = arith.index_cast %parallel_loop3A_946 : i32 to index
          %parallel_loop3A_956 = arith.constant 32 : index
          %parallel_loop3A_957 = tpu.vector_load %arg10[%parallel_loop3A_955, %parallel_loop3A_956] {strides = array<i32>} : memref<128x64xf32, #tpu.memory_space<vmem>>, vector<1x16xf32>,
          %parallel_loop3A_958 = vector.shape_cast %parallel_loop3A_957 : vector<1x16xf32> to vector<16xf32>
          %parallel_loop3A_959 = arith.index_cast %parallel_loop3A_946 : i32 to index
          %parallel_loop3A_960 = arith.constant 48 : index
          %parallel_loop3A_961 = tpu.vector_load %arg10[%parallel_loop3A_959, %parallel_loop3A_960] {strides = array<i32>} : memref<128x64xf32, #tpu.memory_space<vmem>>, vector<1x16xf32>,
          %parallel_loop3A_962 = vector.shape_cast %parallel_loop3A_961 : vector<1x16xf32> to vector<16xf32>
          %parallel_loop3A_963 = arith.mulf %parallel_loop3A_950, %parallel_loop3A_482 : vector<16xf32>
          %parallel_loop3A_964 = arith.index_cast %parallel_loop3A_946 : i32 to index
          %parallel_loop3A_965 = arith.constant 0 : index
          %parallel_loop3A_966 = tpu.vector_load %arg10[%parallel_loop3A_964, %parallel_loop3A_965] {strides = array<i32>} : memref<128x64xf32, #tpu.memory_space<vmem>>, vector<1x16xf32>,
          %parallel_loop3A_967 = vector.shape_cast %parallel_loop3A_966 : vector<1x16xf32> to vector<16xf32>
          %parallel_loop3A_968 = vector.shape_cast %parallel_loop3A_963 : vector<16xf32> to vector<1x16xf32>
          tpu.vector_store %arg10[%parallel_loop3A_964, %parallel_loop3A_965], %parallel_loop3A_968 {strides = array<i32>} : memref<128x64xf32, #tpu.memory_space<vmem>>, vector<1x16xf32>,
          %parallel_loop3A_969 = arith.mulf %parallel_loop3A_954, %parallel_loop3A_482 : vector<16xf32>
          %parallel_loop3A_970 = arith.index_cast %parallel_loop3A_946 : i32 to index
          %parallel_loop3A_971 = arith.constant 16 : index
          %parallel_loop3A_972 = tpu.vector_load %arg10[%parallel_loop3A_970, %parallel_loop3A_971] {strides = array<i32>} : memref<128x64xf32, #tpu.memory_space<vmem>>, vector<1x16xf32>,
          %parallel_loop3A_973 = vector.shape_cast %parallel_loop3A_972 : vector<1x16xf32> to vector<16xf32>
          %parallel_loop3A_974 = vector.shape_cast %parallel_loop3A_969 : vector<16xf32> to vector<1x16xf32>
          tpu.vector_store %arg10[%parallel_loop3A_970, %parallel_loop3A_971], %parallel_loop3A_974 {strides = array<i32>} : memref<128x64xf32, #tpu.memory_space<vmem>>, vector<1x16xf32>,
          %parallel_loop3A_975 = arith.mulf %parallel_loop3A_958, %parallel_loop3A_482 : vector<16xf32>
          %parallel_loop3A_976 = arith.index_cast %parallel_loop3A_946 : i32 to index
          %parallel_loop3A_977 = arith.constant 32 : index
          %parallel_loop3A_978 = tpu.vector_load %arg10[%parallel_loop3A_976, %parallel_loop3A_977] {strides = array<i32>} : memref<128x64xf32, #tpu.memory_space<vmem>>, vector<1x16xf32>,
          %parallel_loop3A_979 = vector.shape_cast %parallel_loop3A_978 : vector<1x16xf32> to vector<16xf32>
          %parallel_loop3A_980 = vector.shape_cast %parallel_loop3A_975 : vector<16xf32> to vector<1x16xf32>
          tpu.vector_store %arg10[%parallel_loop3A_976, %parallel_loop3A_977], %parallel_loop3A_980 {strides = array<i32>} : memref<128x64xf32, #tpu.memory_space<vmem>>, vector<1x16xf32>,
          %parallel_loop3A_981 = arith.mulf %parallel_loop3A_962, %parallel_loop3A_482 : vector<16xf32>
          %parallel_loop3A_982 = arith.index_cast %parallel_loop3A_946 : i32 to index
          %parallel_loop3A_983 = arith.constant 48 : index
          %parallel_loop3A_984 = tpu.vector_load %arg10[%parallel_loop3A_982, %parallel_loop3A_983] {strides = array<i32>} : memref<128x64xf32, #tpu.memory_space<vmem>>, vector<1x16xf32>,
          %parallel_loop3A_985 = vector.shape_cast %parallel_loop3A_984 : vector<1x16xf32> to vector<16xf32>
          %parallel_loop3A_986 = vector.shape_cast %parallel_loop3A_981 : vector<16xf32> to vector<1x16xf32>
          tpu.vector_store %arg10[%parallel_loop3A_982, %parallel_loop3A_983], %parallel_loop3A_986 {strides = array<i32>} : memref<128x64xf32, #tpu.memory_space<vmem>>, vector<1x16xf32>,
          %parallel_loop3A_987 = arith.constant 16 : i32
          %parallel_loop3A_988 = arith.muli %parallel_loop3A_430, %parallel_loop3A_987 : i32
          %parallel_loop3A_989 = arith.constant 11 : i32
          %parallel_loop3A_990 = arith.addi %parallel_loop3A_988, %parallel_loop3A_989 : i32
          %parallel_loop3A_991 = arith.index_cast %parallel_loop3A_990 : i32 to index
          %parallel_loop3A_992 = arith.constant 0 : index
          %parallel_loop3A_993 = tpu.vector_load %arg10[%parallel_loop3A_991, %parallel_loop3A_992] {strides = array<i32>} : memref<128x64xf32, #tpu.memory_space<vmem>>, vector<1x16xf32>,
          %parallel_loop3A_994 = vector.shape_cast %parallel_loop3A_993 : vector<1x16xf32> to vector<16xf32>
          %parallel_loop3A_995 = arith.index_cast %parallel_loop3A_990 : i32 to index
          %parallel_loop3A_996 = arith.constant 16 : index
          %parallel_loop3A_997 = tpu.vector_load %arg10[%parallel_loop3A_995, %parallel_loop3A_996] {strides = array<i32>} : memref<128x64xf32, #tpu.memory_space<vmem>>, vector<1x16xf32>,
          %parallel_loop3A_998 = vector.shape_cast %parallel_loop3A_997 : vector<1x16xf32> to vector<16xf32>
          %parallel_loop3A_999 = arith.index_cast %parallel_loop3A_990 : i32 to index
          %parallel_loop3A_1000 = arith.constant 32 : index
          %parallel_loop3A_1001 = tpu.vector_load %arg10[%parallel_loop3A_999, %parallel_loop3A_1000] {strides = array<i32>} : memref<128x64xf32, #tpu.memory_space<vmem>>, vector<1x16xf32>,
          %parallel_loop3A_1002 = vector.shape_cast %parallel_loop3A_1001 : vector<1x16xf32> to vector<16xf32>
          %parallel_loop3A_1003 = arith.index_cast %parallel_loop3A_990 : i32 to index
          %parallel_loop3A_1004 = arith.constant 48 : index
          %parallel_loop3A_1005 = tpu.vector_load %arg10[%parallel_loop3A_1003, %parallel_loop3A_1004] {strides = array<i32>} : memref<128x64xf32, #tpu.memory_space<vmem>>, vector<1x16xf32>,
          %parallel_loop3A_1006 = vector.shape_cast %parallel_loop3A_1005 : vector<1x16xf32> to vector<16xf32>
          %parallel_loop3A_1007 = arith.mulf %parallel_loop3A_994, %parallel_loop3A_486 : vector<16xf32>
          %parallel_loop3A_1008 = arith.index_cast %parallel_loop3A_990 : i32 to index
          %parallel_loop3A_1009 = arith.constant 0 : index
          %parallel_loop3A_1010 = tpu.vector_load %arg10[%parallel_loop3A_1008, %parallel_loop3A_1009] {strides = array<i32>} : memref<128x64xf32, #tpu.memory_space<vmem>>, vector<1x16xf32>,
          %parallel_loop3A_1011 = vector.shape_cast %parallel_loop3A_1010 : vector<1x16xf32> to vector<16xf32>
          %parallel_loop3A_1012 = vector.shape_cast %parallel_loop3A_1007 : vector<16xf32> to vector<1x16xf32>
          tpu.vector_store %arg10[%parallel_loop3A_1008, %parallel_loop3A_1009], %parallel_loop3A_1012 {strides = array<i32>} : memref<128x64xf32, #tpu.memory_space<vmem>>, vector<1x16xf32>,
          %parallel_loop3A_1013 = arith.mulf %parallel_loop3A_998, %parallel_loop3A_486 : vector<16xf32>
          %parallel_loop3A_1014 = arith.index_cast %parallel_loop3A_990 : i32 to index
          %parallel_loop3A_1015 = arith.constant 16 : index
          %parallel_loop3A_1016 = tpu.vector_load %arg10[%parallel_loop3A_1014, %parallel_loop3A_1015] {strides = array<i32>} : memref<128x64xf32, #tpu.memory_space<vmem>>, vector<1x16xf32>,
          %parallel_loop3A_1017 = vector.shape_cast %parallel_loop3A_1016 : vector<1x16xf32> to vector<16xf32>
          %parallel_loop3A_1018 = vector.shape_cast %parallel_loop3A_1013 : vector<16xf32> to vector<1x16xf32>
          tpu.vector_store %arg10[%parallel_loop3A_1014, %parallel_loop3A_1015], %parallel_loop3A_1018 {strides = array<i32>} : memref<128x64xf32, #tpu.memory_space<vmem>>, vector<1x16xf32>,
          %parallel_loop3A_1019 = arith.mulf %parallel_loop3A_1002, %parallel_loop3A_486 : vector<16xf32>
          %parallel_loop3A_1020 = arith.index_cast %parallel_loop3A_990 : i32 to index
          %parallel_loop3A_1021 = arith.constant 32 : index
          %parallel_loop3A_1022 = tpu.vector_load %arg10[%parallel_loop3A_1020, %parallel_loop3A_1021] {strides = array<i32>} : memref<128x64xf32, #tpu.memory_space<vmem>>, vector<1x16xf32>,
          %parallel_loop3A_1023 = vector.shape_cast %parallel_loop3A_1022 : vector<1x16xf32> to vector<16xf32>
          %parallel_loop3A_1024 = vector.shape_cast %parallel_loop3A_1019 : vector<16xf32> to vector<1x16xf32>
          tpu.vector_store %arg10[%parallel_loop3A_1020, %parallel_loop3A_1021], %parallel_loop3A_1024 {strides = array<i32>} : memref<128x64xf32, #tpu.memory_space<vmem>>, vector<1x16xf32>,
          %parallel_loop3A_1025 = arith.mulf %parallel_loop3A_1006, %parallel_loop3A_486 : vector<16xf32>
          %parallel_loop3A_1026 = arith.index_cast %parallel_loop3A_990 : i32 to index
          %parallel_loop3A_1027 = arith.constant 48 : index
          %parallel_loop3A_1028 = tpu.vector_load %arg10[%parallel_loop3A_1026, %parallel_loop3A_1027] {strides = array<i32>} : memref<128x64xf32, #tpu.memory_space<vmem>>, vector<1x16xf32>,
          %parallel_loop3A_1029 = vector.shape_cast %parallel_loop3A_1028 : vector<1x16xf32> to vector<16xf32>
          %parallel_loop3A_1030 = vector.shape_cast %parallel_loop3A_1025 : vector<16xf32> to vector<1x16xf32>
          tpu.vector_store %arg10[%parallel_loop3A_1026, %parallel_loop3A_1027], %parallel_loop3A_1030 {strides = array<i32>} : memref<128x64xf32, #tpu.memory_space<vmem>>, vector<1x16xf32>,
          %parallel_loop3A_1031 = arith.constant 16 : i32
          %parallel_loop3A_1032 = arith.muli %parallel_loop3A_430, %parallel_loop3A_1031 : i32
          %parallel_loop3A_1033 = arith.constant 12 : i32
          %parallel_loop3A_1034 = arith.addi %parallel_loop3A_1032, %parallel_loop3A_1033 : i32
          %parallel_loop3A_1035 = arith.index_cast %parallel_loop3A_1034 : i32 to index
          %parallel_loop3A_1036 = arith.constant 0 : index
          %parallel_loop3A_1037 = tpu.vector_load %arg10[%parallel_loop3A_1035, %parallel_loop3A_1036] {strides = array<i32>} : memref<128x64xf32, #tpu.memory_space<vmem>>, vector<1x16xf32>,
          %parallel_loop3A_1038 = vector.shape_cast %parallel_loop3A_1037 : vector<1x16xf32> to vector<16xf32>
          %parallel_loop3A_1039 = arith.index_cast %parallel_loop3A_1034 : i32 to index
          %parallel_loop3A_1040 = arith.constant 16 : index
          %parallel_loop3A_1041 = tpu.vector_load %arg10[%parallel_loop3A_1039, %parallel_loop3A_1040] {strides = array<i32>} : memref<128x64xf32, #tpu.memory_space<vmem>>, vector<1x16xf32>,
          %parallel_loop3A_1042 = vector.shape_cast %parallel_loop3A_1041 : vector<1x16xf32> to vector<16xf32>
          %parallel_loop3A_1043 = arith.index_cast %parallel_loop3A_1034 : i32 to index
          %parallel_loop3A_1044 = arith.constant 32 : index
          %parallel_loop3A_1045 = tpu.vector_load %arg10[%parallel_loop3A_1043, %parallel_loop3A_1044] {strides = array<i32>} : memref<128x64xf32, #tpu.memory_space<vmem>>, vector<1x16xf32>,
          %parallel_loop3A_1046 = vector.shape_cast %parallel_loop3A_1045 : vector<1x16xf32> to vector<16xf32>
          %parallel_loop3A_1047 = arith.index_cast %parallel_loop3A_1034 : i32 to index
          %parallel_loop3A_1048 = arith.constant 48 : index
          %parallel_loop3A_1049 = tpu.vector_load %arg10[%parallel_loop3A_1047, %parallel_loop3A_1048] {strides = array<i32>} : memref<128x64xf32, #tpu.memory_space<vmem>>, vector<1x16xf32>,
          %parallel_loop3A_1050 = vector.shape_cast %parallel_loop3A_1049 : vector<1x16xf32> to vector<16xf32>
          %parallel_loop3A_1051 = arith.mulf %parallel_loop3A_1038, %parallel_loop3A_490 : vector<16xf32>
          %parallel_loop3A_1052 = arith.index_cast %parallel_loop3A_1034 : i32 to index
          %parallel_loop3A_1053 = arith.constant 0 : index
          %parallel_loop3A_1054 = tpu.vector_load %arg10[%parallel_loop3A_1052, %parallel_loop3A_1053] {strides = array<i32>} : memref<128x64xf32, #tpu.memory_space<vmem>>, vector<1x16xf32>,
          %parallel_loop3A_1055 = vector.shape_cast %parallel_loop3A_1054 : vector<1x16xf32> to vector<16xf32>
          %parallel_loop3A_1056 = vector.shape_cast %parallel_loop3A_1051 : vector<16xf32> to vector<1x16xf32>
          tpu.vector_store %arg10[%parallel_loop3A_1052, %parallel_loop3A_1053], %parallel_loop3A_1056 {strides = array<i32>} : memref<128x64xf32, #tpu.memory_space<vmem>>, vector<1x16xf32>,
          %parallel_loop3A_1057 = arith.mulf %parallel_loop3A_1042, %parallel_loop3A_490 : vector<16xf32>
          %parallel_loop3A_1058 = arith.index_cast %parallel_loop3A_1034 : i32 to index
          %parallel_loop3A_1059 = arith.constant 16 : index
          %parallel_loop3A_1060 = tpu.vector_load %arg10[%parallel_loop3A_1058, %parallel_loop3A_1059] {strides = array<i32>} : memref<128x64xf32, #tpu.memory_space<vmem>>, vector<1x16xf32>,
          %parallel_loop3A_1061 = vector.shape_cast %parallel_loop3A_1060 : vector<1x16xf32> to vector<16xf32>
          %parallel_loop3A_1062 = vector.shape_cast %parallel_loop3A_1057 : vector<16xf32> to vector<1x16xf32>
          tpu.vector_store %arg10[%parallel_loop3A_1058, %parallel_loop3A_1059], %parallel_loop3A_1062 {strides = array<i32>} : memref<128x64xf32, #tpu.memory_space<vmem>>, vector<1x16xf32>,
          %parallel_loop3A_1063 = arith.mulf %parallel_loop3A_1046, %parallel_loop3A_490 : vector<16xf32>
          %parallel_loop3A_1064 = arith.index_cast %parallel_loop3A_1034 : i32 to index
          %parallel_loop3A_1065 = arith.constant 32 : index
          %parallel_loop3A_1066 = tpu.vector_load %arg10[%parallel_loop3A_1064, %parallel_loop3A_1065] {strides = array<i32>} : memref<128x64xf32, #tpu.memory_space<vmem>>, vector<1x16xf32>,
          %parallel_loop3A_1067 = vector.shape_cast %parallel_loop3A_1066 : vector<1x16xf32> to vector<16xf32>
          %parallel_loop3A_1068 = vector.shape_cast %parallel_loop3A_1063 : vector<16xf32> to vector<1x16xf32>
          tpu.vector_store %arg10[%parallel_loop3A_1064, %parallel_loop3A_1065], %parallel_loop3A_1068 {strides = array<i32>} : memref<128x64xf32, #tpu.memory_space<vmem>>, vector<1x16xf32>,
          %parallel_loop3A_1069 = arith.mulf %parallel_loop3A_1050, %parallel_loop3A_490 : vector<16xf32>
          %parallel_loop3A_1070 = arith.index_cast %parallel_loop3A_1034 : i32 to index
          %parallel_loop3A_1071 = arith.constant 48 : index
          %parallel_loop3A_1072 = tpu.vector_load %arg10[%parallel_loop3A_1070, %parallel_loop3A_1071] {strides = array<i32>} : memref<128x64xf32, #tpu.memory_space<vmem>>, vector<1x16xf32>,
          %parallel_loop3A_1073 = vector.shape_cast %parallel_loop3A_1072 : vector<1x16xf32> to vector<16xf32>
          %parallel_loop3A_1074 = vector.shape_cast %parallel_loop3A_1069 : vector<16xf32> to vector<1x16xf32>
          tpu.vector_store %arg10[%parallel_loop3A_1070, %parallel_loop3A_1071], %parallel_loop3A_1074 {strides = array<i32>} : memref<128x64xf32, #tpu.memory_space<vmem>>, vector<1x16xf32>,
          %parallel_loop3A_1075 = arith.constant 16 : i32
          %parallel_loop3A_1076 = arith.muli %parallel_loop3A_430, %parallel_loop3A_1075 : i32
          %parallel_loop3A_1077 = arith.constant 13 : i32
          %parallel_loop3A_1078 = arith.addi %parallel_loop3A_1076, %parallel_loop3A_1077 : i32
          %parallel_loop3A_1079 = arith.index_cast %parallel_loop3A_1078 : i32 to index
          %parallel_loop3A_1080 = arith.constant 0 : index
          %parallel_loop3A_1081 = tpu.vector_load %arg10[%parallel_loop3A_1079, %parallel_loop3A_1080] {strides = array<i32>} : memref<128x64xf32, #tpu.memory_space<vmem>>, vector<1x16xf32>,
          %parallel_loop3A_1082 = vector.shape_cast %parallel_loop3A_1081 : vector<1x16xf32> to vector<16xf32>
          %parallel_loop3A_1083 = arith.index_cast %parallel_loop3A_1078 : i32 to index
          %parallel_loop3A_1084 = arith.constant 16 : index
          %parallel_loop3A_1085 = tpu.vector_load %arg10[%parallel_loop3A_1083, %parallel_loop3A_1084] {strides = array<i32>} : memref<128x64xf32, #tpu.memory_space<vmem>>, vector<1x16xf32>,
          %parallel_loop3A_1086 = vector.shape_cast %parallel_loop3A_1085 : vector<1x16xf32> to vector<16xf32>
          %parallel_loop3A_1087 = arith.index_cast %parallel_loop3A_1078 : i32 to index
          %parallel_loop3A_1088 = arith.constant 32 : index
          %parallel_loop3A_1089 = tpu.vector_load %arg10[%parallel_loop3A_1087, %parallel_loop3A_1088] {strides = array<i32>} : memref<128x64xf32, #tpu.memory_space<vmem>>, vector<1x16xf32>,
          %parallel_loop3A_1090 = vector.shape_cast %parallel_loop3A_1089 : vector<1x16xf32> to vector<16xf32>
          %parallel_loop3A_1091 = arith.index_cast %parallel_loop3A_1078 : i32 to index
          %parallel_loop3A_1092 = arith.constant 48 : index
          %parallel_loop3A_1093 = tpu.vector_load %arg10[%parallel_loop3A_1091, %parallel_loop3A_1092] {strides = array<i32>} : memref<128x64xf32, #tpu.memory_space<vmem>>, vector<1x16xf32>,
          %parallel_loop3A_1094 = vector.shape_cast %parallel_loop3A_1093 : vector<1x16xf32> to vector<16xf32>
          %parallel_loop3A_1095 = arith.mulf %parallel_loop3A_1082, %parallel_loop3A_494 : vector<16xf32>
          %parallel_loop3A_1096 = arith.index_cast %parallel_loop3A_1078 : i32 to index
          %parallel_loop3A_1097 = arith.constant 0 : index
          %parallel_loop3A_1098 = tpu.vector_load %arg10[%parallel_loop3A_1096, %parallel_loop3A_1097] {strides = array<i32>} : memref<128x64xf32, #tpu.memory_space<vmem>>, vector<1x16xf32>,
          %parallel_loop3A_1099 = vector.shape_cast %parallel_loop3A_1098 : vector<1x16xf32> to vector<16xf32>
          %parallel_loop3A_1100 = vector.shape_cast %parallel_loop3A_1095 : vector<16xf32> to vector<1x16xf32>
          tpu.vector_store %arg10[%parallel_loop3A_1096, %parallel_loop3A_1097], %parallel_loop3A_1100 {strides = array<i32>} : memref<128x64xf32, #tpu.memory_space<vmem>>, vector<1x16xf32>,
          %parallel_loop3A_1101 = arith.mulf %parallel_loop3A_1086, %parallel_loop3A_494 : vector<16xf32>
          %parallel_loop3A_1102 = arith.index_cast %parallel_loop3A_1078 : i32 to index
          %parallel_loop3A_1103 = arith.constant 16 : index
          %parallel_loop3A_1104 = tpu.vector_load %arg10[%parallel_loop3A_1102, %parallel_loop3A_1103] {strides = array<i32>} : memref<128x64xf32, #tpu.memory_space<vmem>>, vector<1x16xf32>,
          %parallel_loop3A_1105 = vector.shape_cast %parallel_loop3A_1104 : vector<1x16xf32> to vector<16xf32>
          %parallel_loop3A_1106 = vector.shape_cast %parallel_loop3A_1101 : vector<16xf32> to vector<1x16xf32>
          tpu.vector_store %arg10[%parallel_loop3A_1102, %parallel_loop3A_1103], %parallel_loop3A_1106 {strides = array<i32>} : memref<128x64xf32, #tpu.memory_space<vmem>>, vector<1x16xf32>,
          %parallel_loop3A_1107 = arith.mulf %parallel_loop3A_1090, %parallel_loop3A_494 : vector<16xf32>
          %parallel_loop3A_1108 = arith.index_cast %parallel_loop3A_1078 : i32 to index
          %parallel_loop3A_1109 = arith.constant 32 : index
          %parallel_loop3A_1110 = tpu.vector_load %arg10[%parallel_loop3A_1108, %parallel_loop3A_1109] {strides = array<i32>} : memref<128x64xf32, #tpu.memory_space<vmem>>, vector<1x16xf32>,
          %parallel_loop3A_1111 = vector.shape_cast %parallel_loop3A_1110 : vector<1x16xf32> to vector<16xf32>
          %parallel_loop3A_1112 = vector.shape_cast %parallel_loop3A_1107 : vector<16xf32> to vector<1x16xf32>
          tpu.vector_store %arg10[%parallel_loop3A_1108, %parallel_loop3A_1109], %parallel_loop3A_1112 {strides = array<i32>} : memref<128x64xf32, #tpu.memory_space<vmem>>, vector<1x16xf32>,
          %parallel_loop3A_1113 = arith.mulf %parallel_loop3A_1094, %parallel_loop3A_494 : vector<16xf32>
          %parallel_loop3A_1114 = arith.index_cast %parallel_loop3A_1078 : i32 to index
          %parallel_loop3A_1115 = arith.constant 48 : index
          %parallel_loop3A_1116 = tpu.vector_load %arg10[%parallel_loop3A_1114, %parallel_loop3A_1115] {strides = array<i32>} : memref<128x64xf32, #tpu.memory_space<vmem>>, vector<1x16xf32>,
          %parallel_loop3A_1117 = vector.shape_cast %parallel_loop3A_1116 : vector<1x16xf32> to vector<16xf32>
          %parallel_loop3A_1118 = vector.shape_cast %parallel_loop3A_1113 : vector<16xf32> to vector<1x16xf32>
          tpu.vector_store %arg10[%parallel_loop3A_1114, %parallel_loop3A_1115], %parallel_loop3A_1118 {strides = array<i32>} : memref<128x64xf32, #tpu.memory_space<vmem>>, vector<1x16xf32>,
          %parallel_loop3A_1119 = arith.constant 16 : i32
          %parallel_loop3A_1120 = arith.muli %parallel_loop3A_430, %parallel_loop3A_1119 : i32
          %parallel_loop3A_1121 = arith.constant 14 : i32
          %parallel_loop3A_1122 = arith.addi %parallel_loop3A_1120, %parallel_loop3A_1121 : i32
          %parallel_loop3A_1123 = arith.index_cast %parallel_loop3A_1122 : i32 to index
          %parallel_loop3A_1124 = arith.constant 0 : index
          %parallel_loop3A_1125 = tpu.vector_load %arg10[%parallel_loop3A_1123, %parallel_loop3A_1124] {strides = array<i32>} : memref<128x64xf32, #tpu.memory_space<vmem>>, vector<1x16xf32>,
          %parallel_loop3A_1126 = vector.shape_cast %parallel_loop3A_1125 : vector<1x16xf32> to vector<16xf32>
          %parallel_loop3A_1127 = arith.index_cast %parallel_loop3A_1122 : i32 to index
          %parallel_loop3A_1128 = arith.constant 16 : index
          %parallel_loop3A_1129 = tpu.vector_load %arg10[%parallel_loop3A_1127, %parallel_loop3A_1128] {strides = array<i32>} : memref<128x64xf32, #tpu.memory_space<vmem>>, vector<1x16xf32>,
          %parallel_loop3A_1130 = vector.shape_cast %parallel_loop3A_1129 : vector<1x16xf32> to vector<16xf32>
          %parallel_loop3A_1131 = arith.index_cast %parallel_loop3A_1122 : i32 to index
          %parallel_loop3A_1132 = arith.constant 32 : index
          %parallel_loop3A_1133 = tpu.vector_load %arg10[%parallel_loop3A_1131, %parallel_loop3A_1132] {strides = array<i32>} : memref<128x64xf32, #tpu.memory_space<vmem>>, vector<1x16xf32>,
          %parallel_loop3A_1134 = vector.shape_cast %parallel_loop3A_1133 : vector<1x16xf32> to vector<16xf32>
          %parallel_loop3A_1135 = arith.index_cast %parallel_loop3A_1122 : i32 to index
          %parallel_loop3A_1136 = arith.constant 48 : index
          %parallel_loop3A_1137 = tpu.vector_load %arg10[%parallel_loop3A_1135, %parallel_loop3A_1136] {strides = array<i32>} : memref<128x64xf32, #tpu.memory_space<vmem>>, vector<1x16xf32>,
          %parallel_loop3A_1138 = vector.shape_cast %parallel_loop3A_1137 : vector<1x16xf32> to vector<16xf32>
          %parallel_loop3A_1139 = arith.mulf %parallel_loop3A_1126, %parallel_loop3A_498 : vector<16xf32>
          %parallel_loop3A_1140 = arith.index_cast %parallel_loop3A_1122 : i32 to index
          %parallel_loop3A_1141 = arith.constant 0 : index
          %parallel_loop3A_1142 = tpu.vector_load %arg10[%parallel_loop3A_1140, %parallel_loop3A_1141] {strides = array<i32>} : memref<128x64xf32, #tpu.memory_space<vmem>>, vector<1x16xf32>,
          %parallel_loop3A_1143 = vector.shape_cast %parallel_loop3A_1142 : vector<1x16xf32> to vector<16xf32>
          %parallel_loop3A_1144 = vector.shape_cast %parallel_loop3A_1139 : vector<16xf32> to vector<1x16xf32>
          tpu.vector_store %arg10[%parallel_loop3A_1140, %parallel_loop3A_1141], %parallel_loop3A_1144 {strides = array<i32>} : memref<128x64xf32, #tpu.memory_space<vmem>>, vector<1x16xf32>,
          %parallel_loop3A_1145 = arith.mulf %parallel_loop3A_1130, %parallel_loop3A_498 : vector<16xf32>
          %parallel_loop3A_1146 = arith.index_cast %parallel_loop3A_1122 : i32 to index
          %parallel_loop3A_1147 = arith.constant 16 : index
          %parallel_loop3A_1148 = tpu.vector_load %arg10[%parallel_loop3A_1146, %parallel_loop3A_1147] {strides = array<i32>} : memref<128x64xf32, #tpu.memory_space<vmem>>, vector<1x16xf32>,
          %parallel_loop3A_1149 = vector.shape_cast %parallel_loop3A_1148 : vector<1x16xf32> to vector<16xf32>
          %parallel_loop3A_1150 = vector.shape_cast %parallel_loop3A_1145 : vector<16xf32> to vector<1x16xf32>
          tpu.vector_store %arg10[%parallel_loop3A_1146, %parallel_loop3A_1147], %parallel_loop3A_1150 {strides = array<i32>} : memref<128x64xf32, #tpu.memory_space<vmem>>, vector<1x16xf32>,
          %parallel_loop3A_1151 = arith.mulf %parallel_loop3A_1134, %parallel_loop3A_498 : vector<16xf32>
          %parallel_loop3A_1152 = arith.index_cast %parallel_loop3A_1122 : i32 to index
          %parallel_loop3A_1153 = arith.constant 32 : index
          %parallel_loop3A_1154 = tpu.vector_load %arg10[%parallel_loop3A_1152, %parallel_loop3A_1153] {strides = array<i32>} : memref<128x64xf32, #tpu.memory_space<vmem>>, vector<1x16xf32>,
          %parallel_loop3A_1155 = vector.shape_cast %parallel_loop3A_1154 : vector<1x16xf32> to vector<16xf32>
          %parallel_loop3A_1156 = vector.shape_cast %parallel_loop3A_1151 : vector<16xf32> to vector<1x16xf32>
          tpu.vector_store %arg10[%parallel_loop3A_1152, %parallel_loop3A_1153], %parallel_loop3A_1156 {strides = array<i32>} : memref<128x64xf32, #tpu.memory_space<vmem>>, vector<1x16xf32>,
          %parallel_loop3A_1157 = arith.mulf %parallel_loop3A_1138, %parallel_loop3A_498 : vector<16xf32>
          %parallel_loop3A_1158 = arith.index_cast %parallel_loop3A_1122 : i32 to index
          %parallel_loop3A_1159 = arith.constant 48 : index
          %parallel_loop3A_1160 = tpu.vector_load %arg10[%parallel_loop3A_1158, %parallel_loop3A_1159] {strides = array<i32>} : memref<128x64xf32, #tpu.memory_space<vmem>>, vector<1x16xf32>,
          %parallel_loop3A_1161 = vector.shape_cast %parallel_loop3A_1160 : vector<1x16xf32> to vector<16xf32>
          %parallel_loop3A_1162 = vector.shape_cast %parallel_loop3A_1157 : vector<16xf32> to vector<1x16xf32>
          tpu.vector_store %arg10[%parallel_loop3A_1158, %parallel_loop3A_1159], %parallel_loop3A_1162 {strides = array<i32>} : memref<128x64xf32, #tpu.memory_space<vmem>>, vector<1x16xf32>,
          %parallel_loop3A_1163 = arith.constant 16 : i32
          %parallel_loop3A_1164 = arith.muli %parallel_loop3A_430, %parallel_loop3A_1163 : i32
          %parallel_loop3A_1165 = arith.constant 15 : i32
          %parallel_loop3A_1166 = arith.addi %parallel_loop3A_1164, %parallel_loop3A_1165 : i32
          %parallel_loop3A_1167 = arith.index_cast %parallel_loop3A_1166 : i32 to index
          %parallel_loop3A_1168 = arith.constant 0 : index
          %parallel_loop3A_1169 = tpu.vector_load %arg10[%parallel_loop3A_1167, %parallel_loop3A_1168] {strides = array<i32>} : memref<128x64xf32, #tpu.memory_space<vmem>>, vector<1x16xf32>,
          %parallel_loop3A_1170 = vector.shape_cast %parallel_loop3A_1169 : vector<1x16xf32> to vector<16xf32>
          %parallel_loop3A_1171 = arith.index_cast %parallel_loop3A_1166 : i32 to index
          %parallel_loop3A_1172 = arith.constant 16 : index
          %parallel_loop3A_1173 = tpu.vector_load %arg10[%parallel_loop3A_1171, %parallel_loop3A_1172] {strides = array<i32>} : memref<128x64xf32, #tpu.memory_space<vmem>>, vector<1x16xf32>,
          %parallel_loop3A_1174 = vector.shape_cast %parallel_loop3A_1173 : vector<1x16xf32> to vector<16xf32>
          %parallel_loop3A_1175 = arith.index_cast %parallel_loop3A_1166 : i32 to index
          %parallel_loop3A_1176 = arith.constant 32 : index
          %parallel_loop3A_1177 = tpu.vector_load %arg10[%parallel_loop3A_1175, %parallel_loop3A_1176] {strides = array<i32>} : memref<128x64xf32, #tpu.memory_space<vmem>>, vector<1x16xf32>,
          %parallel_loop3A_1178 = vector.shape_cast %parallel_loop3A_1177 : vector<1x16xf32> to vector<16xf32>
          %parallel_loop3A_1179 = arith.index_cast %parallel_loop3A_1166 : i32 to index
          %parallel_loop3A_1180 = arith.constant 48 : index
          %parallel_loop3A_1181 = tpu.vector_load %arg10[%parallel_loop3A_1179, %parallel_loop3A_1180] {strides = array<i32>} : memref<128x64xf32, #tpu.memory_space<vmem>>, vector<1x16xf32>,
          %parallel_loop3A_1182 = vector.shape_cast %parallel_loop3A_1181 : vector<1x16xf32> to vector<16xf32>
          %parallel_loop3A_1183 = arith.mulf %parallel_loop3A_1170, %parallel_loop3A_502 : vector<16xf32>
          %parallel_loop3A_1184 = arith.index_cast %parallel_loop3A_1166 : i32 to index
          %parallel_loop3A_1185 = arith.constant 0 : index
          %parallel_loop3A_1186 = tpu.vector_load %arg10[%parallel_loop3A_1184, %parallel_loop3A_1185] {strides = array<i32>} : memref<128x64xf32, #tpu.memory_space<vmem>>, vector<1x16xf32>,
          %parallel_loop3A_1187 = vector.shape_cast %parallel_loop3A_1186 : vector<1x16xf32> to vector<16xf32>
          %parallel_loop3A_1188 = vector.shape_cast %parallel_loop3A_1183 : vector<16xf32> to vector<1x16xf32>
          tpu.vector_store %arg10[%parallel_loop3A_1184, %parallel_loop3A_1185], %parallel_loop3A_1188 {strides = array<i32>} : memref<128x64xf32, #tpu.memory_space<vmem>>, vector<1x16xf32>,
          %parallel_loop3A_1189 = arith.mulf %parallel_loop3A_1174, %parallel_loop3A_502 : vector<16xf32>
          %parallel_loop3A_1190 = arith.index_cast %parallel_loop3A_1166 : i32 to index
          %parallel_loop3A_1191 = arith.constant 16 : index
          %parallel_loop3A_1192 = tpu.vector_load %arg10[%parallel_loop3A_1190, %parallel_loop3A_1191] {strides = array<i32>} : memref<128x64xf32, #tpu.memory_space<vmem>>, vector<1x16xf32>,
          %parallel_loop3A_1193 = vector.shape_cast %parallel_loop3A_1192 : vector<1x16xf32> to vector<16xf32>
          %parallel_loop3A_1194 = vector.shape_cast %parallel_loop3A_1189 : vector<16xf32> to vector<1x16xf32>
          tpu.vector_store %arg10[%parallel_loop3A_1190, %parallel_loop3A_1191], %parallel_loop3A_1194 {strides = array<i32>} : memref<128x64xf32, #tpu.memory_space<vmem>>, vector<1x16xf32>,
          %parallel_loop3A_1195 = arith.mulf %parallel_loop3A_1178, %parallel_loop3A_502 : vector<16xf32>
          %parallel_loop3A_1196 = arith.index_cast %parallel_loop3A_1166 : i32 to index
          %parallel_loop3A_1197 = arith.constant 32 : index
          %parallel_loop3A_1198 = tpu.vector_load %arg10[%parallel_loop3A_1196, %parallel_loop3A_1197] {strides = array<i32>} : memref<128x64xf32, #tpu.memory_space<vmem>>, vector<1x16xf32>,
          %parallel_loop3A_1199 = vector.shape_cast %parallel_loop3A_1198 : vector<1x16xf32> to vector<16xf32>
          %parallel_loop3A_1200 = vector.shape_cast %parallel_loop3A_1195 : vector<16xf32> to vector<1x16xf32>
          tpu.vector_store %arg10[%parallel_loop3A_1196, %parallel_loop3A_1197], %parallel_loop3A_1200 {strides = array<i32>} : memref<128x64xf32, #tpu.memory_space<vmem>>, vector<1x16xf32>,
          %parallel_loop3A_1201 = arith.mulf %parallel_loop3A_1182, %parallel_loop3A_502 : vector<16xf32>
          %parallel_loop3A_1202 = arith.index_cast %parallel_loop3A_1166 : i32 to index
          %parallel_loop3A_1203 = arith.constant 48 : index
          %parallel_loop3A_1204 = tpu.vector_load %arg10[%parallel_loop3A_1202, %parallel_loop3A_1203] {strides = array<i32>} : memref<128x64xf32, #tpu.memory_space<vmem>>, vector<1x16xf32>,
          %parallel_loop3A_1205 = vector.shape_cast %parallel_loop3A_1204 : vector<1x16xf32> to vector<16xf32>
          %parallel_loop3A_1206 = vector.shape_cast %parallel_loop3A_1201 : vector<16xf32> to vector<1x16xf32>
          tpu.vector_store %arg10[%parallel_loop3A_1202, %parallel_loop3A_1203], %parallel_loop3A_1206 {strides = array<i32>} : memref<128x64xf32, #tpu.memory_space<vmem>>, vector<1x16xf32>,
        } {sc.loop_unroll_factor = 1 : i64, sc.parallel_access}
        %mul3A_218 = arith.constant 128 : i32
        %mul3A_219 = arith.muli %add3A_211, %mul3A_218 : i32
        %add3A_220 = arith.constant 0 : i32
        %add3A_221 = arith.addi %mul3A_219, %add3A_220 : i32
        %get3A_222 = arith.index_cast %add3A_221 : i32 to index
        %get3A_223 = tpu.vector_load %arg8[%get3A_222] {strides = array<i32>} : memref<6400xi32, #tpu.memory_space<vmem>>, vector<16xi32>,
        %get3A_224 = vector.shape_cast %get3A_223 : vector<16xi32> to vector<16xi32>
        %mul3A_225 = arith.constant 128 : i32
        %mul3A_226 = arith.muli %add3A_211, %mul3A_225 : i32
        %add3A_227 = arith.constant 16 : i32
        %add3A_228 = arith.addi %mul3A_226, %add3A_227 : i32
        %get3A_229 = arith.index_cast %add3A_228 : i32 to index
        %get3A_230 = tpu.vector_load %arg8[%get3A_229] {strides = array<i32>} : memref<6400xi32, #tpu.memory_space<vmem>>, vector<16xi32>,
        %get3A_231 = vector.shape_cast %get3A_230 : vector<16xi32> to vector<16xi32>
        %mul3A_232 = arith.constant 128 : i32
        %mul3A_233 = arith.muli %add3A_211, %mul3A_232 : i32
        %add3A_234 = arith.constant 32 : i32
        %add3A_235 = arith.addi %mul3A_233, %add3A_234 : i32
        %get3A_236 = arith.index_cast %add3A_235 : i32 to index
        %get3A_237 = tpu.vector_load %arg8[%get3A_236] {strides = array<i32>} : memref<6400xi32, #tpu.memory_space<vmem>>, vector<16xi32>,
        %get3A_238 = vector.shape_cast %get3A_237 : vector<16xi32> to vector<16xi32>
        %mul3A_239 = arith.constant 128 : i32
        %mul3A_240 = arith.muli %add3A_211, %mul3A_239 : i32
        %add3A_241 = arith.constant 48 : i32
        %add3A_242 = arith.addi %mul3A_240, %add3A_241 : i32
        %get3A_243 = arith.index_cast %add3A_242 : i32 to index
        %get3A_244 = tpu.vector_load %arg8[%get3A_243] {strides = array<i32>} : memref<6400xi32, #tpu.memory_space<vmem>>, vector<16xi32>,
        %get3A_245 = vector.shape_cast %get3A_244 : vector<16xi32> to vector<16xi32>
        %mul3A_246 = arith.constant 128 : i32
        %mul3A_247 = arith.muli %add3A_211, %mul3A_246 : i32
        %add3A_248 = arith.constant 64 : i32
        %add3A_249 = arith.addi %mul3A_247, %add3A_248 : i32
        %get3A_250 = arith.index_cast %add3A_249 : i32 to index
        %get3A_251 = tpu.vector_load %arg8[%get3A_250] {strides = array<i32>} : memref<6400xi32, #tpu.memory_space<vmem>>, vector<16xi32>,
        %get3A_252 = vector.shape_cast %get3A_251 : vector<16xi32> to vector<16xi32>
        %mul3A_253 = arith.constant 128 : i32
        %mul3A_254 = arith.muli %add3A_211, %mul3A_253 : i32
        %add3A_255 = arith.constant 80 : i32
        %add3A_256 = arith.addi %mul3A_254, %add3A_255 : i32
        %get3A_257 = arith.index_cast %add3A_256 : i32 to index
        %get3A_258 = tpu.vector_load %arg8[%get3A_257] {strides = array<i32>} : memref<6400xi32, #tpu.memory_space<vmem>>, vector<16xi32>,
        %get3A_259 = vector.shape_cast %get3A_258 : vector<16xi32> to vector<16xi32>
        %mul3A_260 = arith.constant 128 : i32
        %mul3A_261 = arith.muli %add3A_211, %mul3A_260 : i32
        %add3A_262 = arith.constant 96 : i32
        %add3A_263 = arith.addi %mul3A_261, %add3A_262 : i32
        %get3A_264 = arith.index_cast %add3A_263 : i32 to index
        %get3A_265 = tpu.vector_load %arg8[%get3A_264] {strides = array<i32>} : memref<6400xi32, #tpu.memory_space<vmem>>, vector<16xi32>,
        %get3A_266 = vector.shape_cast %get3A_265 : vector<16xi32> to vector<16xi32>
        %mul3A_267 = arith.constant 128 : i32
        %mul3A_268 = arith.muli %add3A_211, %mul3A_267 : i32
        %add3A_269 = arith.constant 112 : i32
        %add3A_270 = arith.addi %mul3A_268, %add3A_269 : i32
        %get3A_271 = arith.index_cast %add3A_270 : i32 to index
        %get3A_272 = tpu.vector_load %arg8[%get3A_271] {strides = array<i32>} : memref<6400xi32, #tpu.memory_space<vmem>>, vector<16xi32>,
        %get3A_273 = vector.shape_cast %get3A_272 : vector<16xi32> to vector<16xi32>
        %swap3A_274 = arith.constant 0 : index
        %swap3A_275 = tpu.vector_load %arg14[%swap3A_274] {strides = array<i32>} : memref<128xi32, #tpu.memory_space<vmem>>, vector<16xi32>,
        %swap3A_276 = vector.shape_cast %swap3A_275 : vector<16xi32> to vector<16xi32>
        %swap3A_277 = vector.shape_cast %get3A_224 : vector<16xi32> to vector<16xi32>
        tpu.vector_store %arg14[%swap3A_274], %swap3A_277 {strides = array<i32>} : memref<128xi32, #tpu.memory_space<vmem>>, vector<16xi32>,
        %swap3A_278 = arith.constant 16 : index
        %swap3A_279 = tpu.vector_load %arg14[%swap3A_278] {strides = array<i32>} : memref<128xi32, #tpu.memory_space<vmem>>, vector<16xi32>,
        %swap3A_280 = vector.shape_cast %swap3A_279 : vector<16xi32> to vector<16xi32>
        %swap3A_281 = vector.shape_cast %get3A_231 : vector<16xi32> to vector<16xi32>
        tpu.vector_store %arg14[%swap3A_278], %swap3A_281 {strides = array<i32>} : memref<128xi32, #tpu.memory_space<vmem>>, vector<16xi32>,
        %swap3A_282 = arith.constant 32 : index
        %swap3A_283 = tpu.vector_load %arg14[%swap3A_282] {strides = array<i32>} : memref<128xi32, #tpu.memory_space<vmem>>, vector<16xi32>,
        %swap3A_284 = vector.shape_cast %swap3A_283 : vector<16xi32> to vector<16xi32>
        %swap3A_285 = vector.shape_cast %get3A_238 : vector<16xi32> to vector<16xi32>
        tpu.vector_store %arg14[%swap3A_282], %swap3A_285 {strides = array<i32>} : memref<128xi32, #tpu.memory_space<vmem>>, vector<16xi32>,
        %swap3A_286 = arith.constant 48 : index
        %swap3A_287 = tpu.vector_load %arg14[%swap3A_286] {strides = array<i32>} : memref<128xi32, #tpu.memory_space<vmem>>, vector<16xi32>,
        %swap3A_288 = vector.shape_cast %swap3A_287 : vector<16xi32> to vector<16xi32>
        %swap3A_289 = vector.shape_cast %get3A_245 : vector<16xi32> to vector<16xi32>
        tpu.vector_store %arg14[%swap3A_286], %swap3A_289 {strides = array<i32>} : memref<128xi32, #tpu.memory_space<vmem>>, vector<16xi32>,
        %swap3A_290 = arith.constant 64 : index
        %swap3A_291 = tpu.vector_load %arg14[%swap3A_290] {strides = array<i32>} : memref<128xi32, #tpu.memory_space<vmem>>, vector<16xi32>,
        %swap3A_292 = vector.shape_cast %swap3A_291 : vector<16xi32> to vector<16xi32>
        %swap3A_293 = vector.shape_cast %get3A_252 : vector<16xi32> to vector<16xi32>
        tpu.vector_store %arg14[%swap3A_290], %swap3A_293 {strides = array<i32>} : memref<128xi32, #tpu.memory_space<vmem>>, vector<16xi32>,
        %swap3A_294 = arith.constant 80 : index
        %swap3A_295 = tpu.vector_load %arg14[%swap3A_294] {strides = array<i32>} : memref<128xi32, #tpu.memory_space<vmem>>, vector<16xi32>,
        %swap3A_296 = vector.shape_cast %swap3A_295 : vector<16xi32> to vector<16xi32>
        %swap3A_297 = vector.shape_cast %get3A_259 : vector<16xi32> to vector<16xi32>
        tpu.vector_store %arg14[%swap3A_294], %swap3A_297 {strides = array<i32>} : memref<128xi32, #tpu.memory_space<vmem>>, vector<16xi32>,
        %swap3A_298 = arith.constant 96 : index
        %swap3A_299 = tpu.vector_load %arg14[%swap3A_298] {strides = array<i32>} : memref<128xi32, #tpu.memory_space<vmem>>, vector<16xi32>,
        %swap3A_300 = vector.shape_cast %swap3A_299 : vector<16xi32> to vector<16xi32>
        %swap3A_301 = vector.shape_cast %get3A_266 : vector<16xi32> to vector<16xi32>
        tpu.vector_store %arg14[%swap3A_298], %swap3A_301 {strides = array<i32>} : memref<128xi32, #tpu.memory_space<vmem>>, vector<16xi32>,
        %swap3A_302 = arith.constant 112 : index
        %swap3A_303 = tpu.vector_load %arg14[%swap3A_302] {strides = array<i32>} : memref<128xi32, #tpu.memory_space<vmem>>, vector<16xi32>,
        %swap3A_304 = vector.shape_cast %swap3A_303 : vector<16xi32> to vector<16xi32>
        %swap3A_305 = vector.shape_cast %get3A_273 : vector<16xi32> to vector<16xi32>
        tpu.vector_store %arg14[%swap3A_302], %swap3A_305 {strides = array<i32>} : memref<128xi32, #tpu.memory_space<vmem>>, vector<16xi32>,
        %dma_start3A_306 = arith.constant 0 : i32
        %dma_start3A_307 = arith.constant 0 : i32
        %dma_start3A_308 = tpu.memref_slice %arg16[%dma_start3A_306, %dma_start3A_307] : memref<10240x64xf32, #tpu.memory_space<vmem_shared>> -> memref<10240x64xf32, #tpu.memory_space<vmem_shared>>
        tpu.enqueue_indirect_dma source(%arg10 : memref<128x64xf32, #tpu.memory_space<vmem>>) target(%dma_start3A_308 : memref<10240x64xf32, #tpu.memory_space<vmem_shared>>) offsets(%arg14 : memref<128xi32, #tpu.memory_space<vmem>>) semaphore(%arg20 : memref<!tpu.dma_semaphore, #tpu.memory_space<semaphore_mem>>) {add = true}
        %add3A_309 = arith.constant 1 : i32
        %add3A_310 = arith.addi %mul3A_209, %add3A_309 : i32
        %dma_wait3A_311 = arith.constant 0 : i32
        %dma_wait3A_312 = arith.constant 0 : i32
        %dma_wait3A_313 = tpu.memref_slice %arg2[%dma_wait3A_311, %dma_wait3A_312] : memref<100000x64xf32, #tpu.memory_space<hbm>> -> memref<100000x64xf32, #tpu.memory_space<hbm>>
        tpu.wait_indirect_dma semaphore(%arg19 : memref<!tpu.dma_semaphore, #tpu.memory_space<semaphore_mem>>) src(%dma_wait3A_313 : memref<100000x64xf32, #tpu.memory_space<hbm>>) dst(%arg11 : memref<128x64xf32, #tpu.memory_space<vmem>>)
        %parallel_loop3A_314 = arith.constant 0 : i32
        %parallel_loop3A_315 = arith.constant 8 : i32
        %parallel_loop3A_316 = arith.constant 1 : i32
        scf.for %parallel_loop3A_430 = %parallel_loop3A_314 to %parallel_loop3A_315 step %parallel_loop3A_316  : i32 {
          %parallel_loop3A_431 = arith.constant 128 : i32
          %parallel_loop3A_432 = arith.muli %add3A_310, %parallel_loop3A_431 : i32
          %parallel_loop3A_433 = arith.constant 16 : i32
          %parallel_loop3A_434 = arith.muli %parallel_loop3A_430, %parallel_loop3A_433 : i32
          %parallel_loop3A_435 = arith.addi %parallel_loop3A_432, %parallel_loop3A_434 : i32
          %parallel_loop3A_436 = arith.index_cast %parallel_loop3A_435 : i32 to index
          %parallel_loop3A_437 = tpu.vector_load %arg9[%parallel_loop3A_436] {strides = array<i32>} : memref<6400xf32, #tpu.memory_space<vmem>>, vector<16xf32>,
          %parallel_loop3A_438 = vector.shape_cast %parallel_loop3A_437 : vector<16xf32> to vector<16xf32>
          %parallel_loop3A_439 = arith.constant 0 : i32
          %parallel_loop3A_440 = vector.broadcast %parallel_loop3A_439 : i32 to vector<16x1xi32>
          %parallel_loop3A_441 = vector.shape_cast %parallel_loop3A_440 : vector<16x1xi32> to vector<16xi32>
          %parallel_loop3A_442 = tpu.dynamic_gather %parallel_loop3A_438[%parallel_loop3A_441] in [0] : vector<16xf32>, vector<16xi32> -> vector<16xf32>
          %parallel_loop3A_443 = arith.constant 1 : i32
          %parallel_loop3A_444 = vector.broadcast %parallel_loop3A_443 : i32 to vector<16x1xi32>
          %parallel_loop3A_445 = vector.shape_cast %parallel_loop3A_444 : vector<16x1xi32> to vector<16xi32>
          %parallel_loop3A_446 = tpu.dynamic_gather %parallel_loop3A_438[%parallel_loop3A_445] in [0] : vector<16xf32>, vector<16xi32> -> vector<16xf32>
          %parallel_loop3A_447 = arith.constant 2 : i32
          %parallel_loop3A_448 = vector.broadcast %parallel_loop3A_447 : i32 to vector<16x1xi32>
          %parallel_loop3A_449 = vector.shape_cast %parallel_loop3A_448 : vector<16x1xi32> to vector<16xi32>
          %parallel_loop3A_450 = tpu.dynamic_gather %parallel_loop3A_438[%parallel_loop3A_449] in [0] : vector<16xf32>, vector<16xi32> -> vector<16xf32>
          %parallel_loop3A_451 = arith.constant 3 : i32
          %parallel_loop3A_452 = vector.broadcast %parallel_loop3A_451 : i32 to vector<16x1xi32>
          %parallel_loop3A_453 = vector.shape_cast %parallel_loop3A_452 : vector<16x1xi32> to vector<16xi32>
          %parallel_loop3A_454 = tpu.dynamic_gather %parallel_loop3A_438[%parallel_loop3A_453] in [0] : vector<16xf32>, vector<16xi32> -> vector<16xf32>
          %parallel_loop3A_455 = arith.constant 4 : i32
          %parallel_loop3A_456 = vector.broadcast %parallel_loop3A_455 : i32 to vector<16x1xi32>
          %parallel_loop3A_457 = vector.shape_cast %parallel_loop3A_456 : vector<16x1xi32> to vector<16xi32>
          %parallel_loop3A_458 = tpu.dynamic_gather %parallel_loop3A_438[%parallel_loop3A_457] in [0] : vector<16xf32>, vector<16xi32> -> vector<16xf32>
          %parallel_loop3A_459 = arith.constant 5 : i32
          %parallel_loop3A_460 = vector.broadcast %parallel_loop3A_459 : i32 to vector<16x1xi32>
          %parallel_loop3A_461 = vector.shape_cast %parallel_loop3A_460 : vector<16x1xi32> to vector<16xi32>
          %parallel_loop3A_462 = tpu.dynamic_gather %parallel_loop3A_438[%parallel_loop3A_461] in [0] : vector<16xf32>, vector<16xi32> -> vector<16xf32>
          %parallel_loop3A_463 = arith.constant 6 : i32
          %parallel_loop3A_464 = vector.broadcast %parallel_loop3A_463 : i32 to vector<16x1xi32>
          %parallel_loop3A_465 = vector.shape_cast %parallel_loop3A_464 : vector<16x1xi32> to vector<16xi32>
          %parallel_loop3A_466 = tpu.dynamic_gather %parallel_loop3A_438[%parallel_loop3A_465] in [0] : vector<16xf32>, vector<16xi32> -> vector<16xf32>
          %parallel_loop3A_467 = arith.constant 7 : i32
          %parallel_loop3A_468 = vector.broadcast %parallel_loop3A_467 : i32 to vector<16x1xi32>
          %parallel_loop3A_469 = vector.shape_cast %parallel_loop3A_468 : vector<16x1xi32> to vector<16xi32>
          %parallel_loop3A_470 = tpu.dynamic_gather %parallel_loop3A_438[%parallel_loop3A_469] in [0] : vector<16xf32>, vector<16xi32> -> vector<16xf32>
          %parallel_loop3A_471 = arith.constant 8 : i32
          %parallel_loop3A_472 = vector.broadcast %parallel_loop3A_471 : i32 to vector<16x1xi32>
          %parallel_loop3A_473 = vector.shape_cast %parallel_loop3A_472 : vector<16x1xi32> to vector<16xi32>
          %parallel_loop3A_474 = tpu.dynamic_gather %parallel_loop3A_438[%parallel_loop3A_473] in [0] : vector<16xf32>, vector<16xi32> -> vector<16xf32>
          %parallel_loop3A_475 = arith.constant 9 : i32
          %parallel_loop3A_476 = vector.broadcast %parallel_loop3A_475 : i32 to vector<16x1xi32>
          %parallel_loop3A_477 = vector.shape_cast %parallel_loop3A_476 : vector<16x1xi32> to vector<16xi32>
          %parallel_loop3A_478 = tpu.dynamic_gather %parallel_loop3A_438[%parallel_loop3A_477] in [0] : vector<16xf32>, vector<16xi32> -> vector<16xf32>
          %parallel_loop3A_479 = arith.constant 10 : i32
          %parallel_loop3A_480 = vector.broadcast %parallel_loop3A_479 : i32 to vector<16x1xi32>
          %parallel_loop3A_481 = vector.shape_cast %parallel_loop3A_480 : vector<16x1xi32> to vector<16xi32>
          %parallel_loop3A_482 = tpu.dynamic_gather %parallel_loop3A_438[%parallel_loop3A_481] in [0] : vector<16xf32>, vector<16xi32> -> vector<16xf32>
          %parallel_loop3A_483 = arith.constant 11 : i32
          %parallel_loop3A_484 = vector.broadcast %parallel_loop3A_483 : i32 to vector<16x1xi32>
          %parallel_loop3A_485 = vector.shape_cast %parallel_loop3A_484 : vector<16x1xi32> to vector<16xi32>
          %parallel_loop3A_486 = tpu.dynamic_gather %parallel_loop3A_438[%parallel_loop3A_485] in [0] : vector<16xf32>, vector<16xi32> -> vector<16xf32>
          %parallel_loop3A_487 = arith.constant 12 : i32
          %parallel_loop3A_488 = vector.broadcast %parallel_loop3A_487 : i32 to vector<16x1xi32>
          %parallel_loop3A_489 = vector.shape_cast %parallel_loop3A_488 : vector<16x1xi32> to vector<16xi32>
          %parallel_loop3A_490 = tpu.dynamic_gather %parallel_loop3A_438[%parallel_loop3A_489] in [0] : vector<16xf32>, vector<16xi32> -> vector<16xf32>
          %parallel_loop3A_491 = arith.constant 13 : i32
          %parallel_loop3A_492 = vector.broadcast %parallel_loop3A_491 : i32 to vector<16x1xi32>
          %parallel_loop3A_493 = vector.shape_cast %parallel_loop3A_492 : vector<16x1xi32> to vector<16xi32>
          %parallel_loop3A_494 = tpu.dynamic_gather %parallel_loop3A_438[%parallel_loop3A_493] in [0] : vector<16xf32>, vector<16xi32> -> vector<16xf32>
          %parallel_loop3A_495 = arith.constant 14 : i32
          %parallel_loop3A_496 = vector.broadcast %parallel_loop3A_495 : i32 to vector<16x1xi32>
          %parallel_loop3A_497 = vector.shape_cast %parallel_loop3A_496 : vector<16x1xi32> to vector<16xi32>
          %parallel_loop3A_498 = tpu.dynamic_gather %parallel_loop3A_438[%parallel_loop3A_497] in [0] : vector<16xf32>, vector<16xi32> -> vector<16xf32>
          %parallel_loop3A_499 = arith.constant 15 : i32
          %parallel_loop3A_500 = vector.broadcast %parallel_loop3A_499 : i32 to vector<16x1xi32>
          %parallel_loop3A_501 = vector.shape_cast %parallel_loop3A_500 : vector<16x1xi32> to vector<16xi32>
          %parallel_loop3A_502 = tpu.dynamic_gather %parallel_loop3A_438[%parallel_loop3A_501] in [0] : vector<16xf32>, vector<16xi32> -> vector<16xf32>
          %parallel_loop3A_503 = arith.constant 16 : i32
          %parallel_loop3A_504 = arith.muli %parallel_loop3A_430, %parallel_loop3A_503 : i32
          %parallel_loop3A_505 = arith.constant 0 : i32
          %parallel_loop3A_506 = arith.addi %parallel_loop3A_504, %parallel_loop3A_505 : i32
          %parallel_loop3A_507 = arith.index_cast %parallel_loop3A_506 : i32 to index
          %parallel_loop3A_508 = arith.constant 0 : index
          %parallel_loop3A_509 = tpu.vector_load %arg11[%parallel_loop3A_507, %parallel_loop3A_508] {strides = array<i32>} : memref<128x64xf32, #tpu.memory_space<vmem>>, vector<1x16xf32>,
          %parallel_loop3A_510 = vector.shape_cast %parallel_loop3A_509 : vector<1x16xf32> to vector<16xf32>
          %parallel_loop3A_511 = arith.index_cast %parallel_loop3A_506 : i32 to index
          %parallel_loop3A_512 = arith.constant 16 : index
          %parallel_loop3A_513 = tpu.vector_load %arg11[%parallel_loop3A_511, %parallel_loop3A_512] {strides = array<i32>} : memref<128x64xf32, #tpu.memory_space<vmem>>, vector<1x16xf32>,
          %parallel_loop3A_514 = vector.shape_cast %parallel_loop3A_513 : vector<1x16xf32> to vector<16xf32>
          %parallel_loop3A_515 = arith.index_cast %parallel_loop3A_506 : i32 to index
          %parallel_loop3A_516 = arith.constant 32 : index
          %parallel_loop3A_517 = tpu.vector_load %arg11[%parallel_loop3A_515, %parallel_loop3A_516] {strides = array<i32>} : memref<128x64xf32, #tpu.memory_space<vmem>>, vector<1x16xf32>,
          %parallel_loop3A_518 = vector.shape_cast %parallel_loop3A_517 : vector<1x16xf32> to vector<16xf32>
          %parallel_loop3A_519 = arith.index_cast %parallel_loop3A_506 : i32 to index
          %parallel_loop3A_520 = arith.constant 48 : index
          %parallel_loop3A_521 = tpu.vector_load %arg11[%parallel_loop3A_519, %parallel_loop3A_520] {strides = array<i32>} : memref<128x64xf32, #tpu.memory_space<vmem>>, vector<1x16xf32>,
          %parallel_loop3A_522 = vector.shape_cast %parallel_loop3A_521 : vector<1x16xf32> to vector<16xf32>
          %parallel_loop3A_523 = arith.mulf %parallel_loop3A_510, %parallel_loop3A_442 : vector<16xf32>
          %parallel_loop3A_524 = arith.index_cast %parallel_loop3A_506 : i32 to index
          %parallel_loop3A_525 = arith.constant 0 : index
          %parallel_loop3A_526 = tpu.vector_load %arg11[%parallel_loop3A_524, %parallel_loop3A_525] {strides = array<i32>} : memref<128x64xf32, #tpu.memory_space<vmem>>, vector<1x16xf32>,
          %parallel_loop3A_527 = vector.shape_cast %parallel_loop3A_526 : vector<1x16xf32> to vector<16xf32>
          %parallel_loop3A_528 = vector.shape_cast %parallel_loop3A_523 : vector<16xf32> to vector<1x16xf32>
          tpu.vector_store %arg11[%parallel_loop3A_524, %parallel_loop3A_525], %parallel_loop3A_528 {strides = array<i32>} : memref<128x64xf32, #tpu.memory_space<vmem>>, vector<1x16xf32>,
          %parallel_loop3A_529 = arith.mulf %parallel_loop3A_514, %parallel_loop3A_442 : vector<16xf32>
          %parallel_loop3A_530 = arith.index_cast %parallel_loop3A_506 : i32 to index
          %parallel_loop3A_531 = arith.constant 16 : index
          %parallel_loop3A_532 = tpu.vector_load %arg11[%parallel_loop3A_530, %parallel_loop3A_531] {strides = array<i32>} : memref<128x64xf32, #tpu.memory_space<vmem>>, vector<1x16xf32>,
          %parallel_loop3A_533 = vector.shape_cast %parallel_loop3A_532 : vector<1x16xf32> to vector<16xf32>
          %parallel_loop3A_534 = vector.shape_cast %parallel_loop3A_529 : vector<16xf32> to vector<1x16xf32>
          tpu.vector_store %arg11[%parallel_loop3A_530, %parallel_loop3A_531], %parallel_loop3A_534 {strides = array<i32>} : memref<128x64xf32, #tpu.memory_space<vmem>>, vector<1x16xf32>,
          %parallel_loop3A_535 = arith.mulf %parallel_loop3A_518, %parallel_loop3A_442 : vector<16xf32>
          %parallel_loop3A_536 = arith.index_cast %parallel_loop3A_506 : i32 to index
          %parallel_loop3A_537 = arith.constant 32 : index
          %parallel_loop3A_538 = tpu.vector_load %arg11[%parallel_loop3A_536, %parallel_loop3A_537] {strides = array<i32>} : memref<128x64xf32, #tpu.memory_space<vmem>>, vector<1x16xf32>,
          %parallel_loop3A_539 = vector.shape_cast %parallel_loop3A_538 : vector<1x16xf32> to vector<16xf32>
          %parallel_loop3A_540 = vector.shape_cast %parallel_loop3A_535 : vector<16xf32> to vector<1x16xf32>
          tpu.vector_store %arg11[%parallel_loop3A_536, %parallel_loop3A_537], %parallel_loop3A_540 {strides = array<i32>} : memref<128x64xf32, #tpu.memory_space<vmem>>, vector<1x16xf32>,
          %parallel_loop3A_541 = arith.mulf %parallel_loop3A_522, %parallel_loop3A_442 : vector<16xf32>
          %parallel_loop3A_542 = arith.index_cast %parallel_loop3A_506 : i32 to index
          %parallel_loop3A_543 = arith.constant 48 : index
          %parallel_loop3A_544 = tpu.vector_load %arg11[%parallel_loop3A_542, %parallel_loop3A_543] {strides = array<i32>} : memref<128x64xf32, #tpu.memory_space<vmem>>, vector<1x16xf32>,
          %parallel_loop3A_545 = vector.shape_cast %parallel_loop3A_544 : vector<1x16xf32> to vector<16xf32>
          %parallel_loop3A_546 = vector.shape_cast %parallel_loop3A_541 : vector<16xf32> to vector<1x16xf32>
          tpu.vector_store %arg11[%parallel_loop3A_542, %parallel_loop3A_543], %parallel_loop3A_546 {strides = array<i32>} : memref<128x64xf32, #tpu.memory_space<vmem>>, vector<1x16xf32>,
          %parallel_loop3A_547 = arith.constant 16 : i32
          %parallel_loop3A_548 = arith.muli %parallel_loop3A_430, %parallel_loop3A_547 : i32
          %parallel_loop3A_549 = arith.constant 1 : i32
          %parallel_loop3A_550 = arith.addi %parallel_loop3A_548, %parallel_loop3A_549 : i32
          %parallel_loop3A_551 = arith.index_cast %parallel_loop3A_550 : i32 to index
          %parallel_loop3A_552 = arith.constant 0 : index
          %parallel_loop3A_553 = tpu.vector_load %arg11[%parallel_loop3A_551, %parallel_loop3A_552] {strides = array<i32>} : memref<128x64xf32, #tpu.memory_space<vmem>>, vector<1x16xf32>,
          %parallel_loop3A_554 = vector.shape_cast %parallel_loop3A_553 : vector<1x16xf32> to vector<16xf32>
          %parallel_loop3A_555 = arith.index_cast %parallel_loop3A_550 : i32 to index
          %parallel_loop3A_556 = arith.constant 16 : index
          %parallel_loop3A_557 = tpu.vector_load %arg11[%parallel_loop3A_555, %parallel_loop3A_556] {strides = array<i32>} : memref<128x64xf32, #tpu.memory_space<vmem>>, vector<1x16xf32>,
          %parallel_loop3A_558 = vector.shape_cast %parallel_loop3A_557 : vector<1x16xf32> to vector<16xf32>
          %parallel_loop3A_559 = arith.index_cast %parallel_loop3A_550 : i32 to index
          %parallel_loop3A_560 = arith.constant 32 : index
          %parallel_loop3A_561 = tpu.vector_load %arg11[%parallel_loop3A_559, %parallel_loop3A_560] {strides = array<i32>} : memref<128x64xf32, #tpu.memory_space<vmem>>, vector<1x16xf32>,
          %parallel_loop3A_562 = vector.shape_cast %parallel_loop3A_561 : vector<1x16xf32> to vector<16xf32>
          %parallel_loop3A_563 = arith.index_cast %parallel_loop3A_550 : i32 to index
          %parallel_loop3A_564 = arith.constant 48 : index
          %parallel_loop3A_565 = tpu.vector_load %arg11[%parallel_loop3A_563, %parallel_loop3A_564] {strides = array<i32>} : memref<128x64xf32, #tpu.memory_space<vmem>>, vector<1x16xf32>,
          %parallel_loop3A_566 = vector.shape_cast %parallel_loop3A_565 : vector<1x16xf32> to vector<16xf32>
          %parallel_loop3A_567 = arith.mulf %parallel_loop3A_554, %parallel_loop3A_446 : vector<16xf32>
          %parallel_loop3A_568 = arith.index_cast %parallel_loop3A_550 : i32 to index
          %parallel_loop3A_569 = arith.constant 0 : index
          %parallel_loop3A_570 = tpu.vector_load %arg11[%parallel_loop3A_568, %parallel_loop3A_569] {strides = array<i32>} : memref<128x64xf32, #tpu.memory_space<vmem>>, vector<1x16xf32>,
          %parallel_loop3A_571 = vector.shape_cast %parallel_loop3A_570 : vector<1x16xf32> to vector<16xf32>
          %parallel_loop3A_572 = vector.shape_cast %parallel_loop3A_567 : vector<16xf32> to vector<1x16xf32>
          tpu.vector_store %arg11[%parallel_loop3A_568, %parallel_loop3A_569], %parallel_loop3A_572 {strides = array<i32>} : memref<128x64xf32, #tpu.memory_space<vmem>>, vector<1x16xf32>,
          %parallel_loop3A_573 = arith.mulf %parallel_loop3A_558, %parallel_loop3A_446 : vector<16xf32>
          %parallel_loop3A_574 = arith.index_cast %parallel_loop3A_550 : i32 to index
          %parallel_loop3A_575 = arith.constant 16 : index
          %parallel_loop3A_576 = tpu.vector_load %arg11[%parallel_loop3A_574, %parallel_loop3A_575] {strides = array<i32>} : memref<128x64xf32, #tpu.memory_space<vmem>>, vector<1x16xf32>,
          %parallel_loop3A_577 = vector.shape_cast %parallel_loop3A_576 : vector<1x16xf32> to vector<16xf32>
          %parallel_loop3A_578 = vector.shape_cast %parallel_loop3A_573 : vector<16xf32> to vector<1x16xf32>
          tpu.vector_store %arg11[%parallel_loop3A_574, %parallel_loop3A_575], %parallel_loop3A_578 {strides = array<i32>} : memref<128x64xf32, #tpu.memory_space<vmem>>, vector<1x16xf32>,
          %parallel_loop3A_579 = arith.mulf %parallel_loop3A_562, %parallel_loop3A_446 : vector<16xf32>
          %parallel_loop3A_580 = arith.index_cast %parallel_loop3A_550 : i32 to index
          %parallel_loop3A_581 = arith.constant 32 : index
          %parallel_loop3A_582 = tpu.vector_load %arg11[%parallel_loop3A_580, %parallel_loop3A_581] {strides = array<i32>} : memref<128x64xf32, #tpu.memory_space<vmem>>, vector<1x16xf32>,
          %parallel_loop3A_583 = vector.shape_cast %parallel_loop3A_582 : vector<1x16xf32> to vector<16xf32>
          %parallel_loop3A_584 = vector.shape_cast %parallel_loop3A_579 : vector<16xf32> to vector<1x16xf32>
          tpu.vector_store %arg11[%parallel_loop3A_580, %parallel_loop3A_581], %parallel_loop3A_584 {strides = array<i32>} : memref<128x64xf32, #tpu.memory_space<vmem>>, vector<1x16xf32>,
          %parallel_loop3A_585 = arith.mulf %parallel_loop3A_566, %parallel_loop3A_446 : vector<16xf32>
          %parallel_loop3A_586 = arith.index_cast %parallel_loop3A_550 : i32 to index
          %parallel_loop3A_587 = arith.constant 48 : index
          %parallel_loop3A_588 = tpu.vector_load %arg11[%parallel_loop3A_586, %parallel_loop3A_587] {strides = array<i32>} : memref<128x64xf32, #tpu.memory_space<vmem>>, vector<1x16xf32>,
          %parallel_loop3A_589 = vector.shape_cast %parallel_loop3A_588 : vector<1x16xf32> to vector<16xf32>
          %parallel_loop3A_590 = vector.shape_cast %parallel_loop3A_585 : vector<16xf32> to vector<1x16xf32>
          tpu.vector_store %arg11[%parallel_loop3A_586, %parallel_loop3A_587], %parallel_loop3A_590 {strides = array<i32>} : memref<128x64xf32, #tpu.memory_space<vmem>>, vector<1x16xf32>,
          %parallel_loop3A_591 = arith.constant 16 : i32
          %parallel_loop3A_592 = arith.muli %parallel_loop3A_430, %parallel_loop3A_591 : i32
          %parallel_loop3A_593 = arith.constant 2 : i32
          %parallel_loop3A_594 = arith.addi %parallel_loop3A_592, %parallel_loop3A_593 : i32
          %parallel_loop3A_595 = arith.index_cast %parallel_loop3A_594 : i32 to index
          %parallel_loop3A_596 = arith.constant 0 : index
          %parallel_loop3A_597 = tpu.vector_load %arg11[%parallel_loop3A_595, %parallel_loop3A_596] {strides = array<i32>} : memref<128x64xf32, #tpu.memory_space<vmem>>, vector<1x16xf32>,
          %parallel_loop3A_598 = vector.shape_cast %parallel_loop3A_597 : vector<1x16xf32> to vector<16xf32>
          %parallel_loop3A_599 = arith.index_cast %parallel_loop3A_594 : i32 to index
          %parallel_loop3A_600 = arith.constant 16 : index
          %parallel_loop3A_601 = tpu.vector_load %arg11[%parallel_loop3A_599, %parallel_loop3A_600] {strides = array<i32>} : memref<128x64xf32, #tpu.memory_space<vmem>>, vector<1x16xf32>,
          %parallel_loop3A_602 = vector.shape_cast %parallel_loop3A_601 : vector<1x16xf32> to vector<16xf32>
          %parallel_loop3A_603 = arith.index_cast %parallel_loop3A_594 : i32 to index
          %parallel_loop3A_604 = arith.constant 32 : index
          %parallel_loop3A_605 = tpu.vector_load %arg11[%parallel_loop3A_603, %parallel_loop3A_604] {strides = array<i32>} : memref<128x64xf32, #tpu.memory_space<vmem>>, vector<1x16xf32>,
          %parallel_loop3A_606 = vector.shape_cast %parallel_loop3A_605 : vector<1x16xf32> to vector<16xf32>
          %parallel_loop3A_607 = arith.index_cast %parallel_loop3A_594 : i32 to index
          %parallel_loop3A_608 = arith.constant 48 : index
          %parallel_loop3A_609 = tpu.vector_load %arg11[%parallel_loop3A_607, %parallel_loop3A_608] {strides = array<i32>} : memref<128x64xf32, #tpu.memory_space<vmem>>, vector<1x16xf32>,
          %parallel_loop3A_610 = vector.shape_cast %parallel_loop3A_609 : vector<1x16xf32> to vector<16xf32>
          %parallel_loop3A_611 = arith.mulf %parallel_loop3A_598, %parallel_loop3A_450 : vector<16xf32>
          %parallel_loop3A_612 = arith.index_cast %parallel_loop3A_594 : i32 to index
          %parallel_loop3A_613 = arith.constant 0 : index
          %parallel_loop3A_614 = tpu.vector_load %arg11[%parallel_loop3A_612, %parallel_loop3A_613] {strides = array<i32>} : memref<128x64xf32, #tpu.memory_space<vmem>>, vector<1x16xf32>,
          %parallel_loop3A_615 = vector.shape_cast %parallel_loop3A_614 : vector<1x16xf32> to vector<16xf32>
          %parallel_loop3A_616 = vector.shape_cast %parallel_loop3A_611 : vector<16xf32> to vector<1x16xf32>
          tpu.vector_store %arg11[%parallel_loop3A_612, %parallel_loop3A_613], %parallel_loop3A_616 {strides = array<i32>} : memref<128x64xf32, #tpu.memory_space<vmem>>, vector<1x16xf32>,
          %parallel_loop3A_617 = arith.mulf %parallel_loop3A_602, %parallel_loop3A_450 : vector<16xf32>
          %parallel_loop3A_618 = arith.index_cast %parallel_loop3A_594 : i32 to index
          %parallel_loop3A_619 = arith.constant 16 : index
          %parallel_loop3A_620 = tpu.vector_load %arg11[%parallel_loop3A_618, %parallel_loop3A_619] {strides = array<i32>} : memref<128x64xf32, #tpu.memory_space<vmem>>, vector<1x16xf32>,
          %parallel_loop3A_621 = vector.shape_cast %parallel_loop3A_620 : vector<1x16xf32> to vector<16xf32>
          %parallel_loop3A_622 = vector.shape_cast %parallel_loop3A_617 : vector<16xf32> to vector<1x16xf32>
          tpu.vector_store %arg11[%parallel_loop3A_618, %parallel_loop3A_619], %parallel_loop3A_622 {strides = array<i32>} : memref<128x64xf32, #tpu.memory_space<vmem>>, vector<1x16xf32>,
          %parallel_loop3A_623 = arith.mulf %parallel_loop3A_606, %parallel_loop3A_450 : vector<16xf32>
          %parallel_loop3A_624 = arith.index_cast %parallel_loop3A_594 : i32 to index
          %parallel_loop3A_625 = arith.constant 32 : index
          %parallel_loop3A_626 = tpu.vector_load %arg11[%parallel_loop3A_624, %parallel_loop3A_625] {strides = array<i32>} : memref<128x64xf32, #tpu.memory_space<vmem>>, vector<1x16xf32>,
          %parallel_loop3A_627 = vector.shape_cast %parallel_loop3A_626 : vector<1x16xf32> to vector<16xf32>
          %parallel_loop3A_628 = vector.shape_cast %parallel_loop3A_623 : vector<16xf32> to vector<1x16xf32>
          tpu.vector_store %arg11[%parallel_loop3A_624, %parallel_loop3A_625], %parallel_loop3A_628 {strides = array<i32>} : memref<128x64xf32, #tpu.memory_space<vmem>>, vector<1x16xf32>,
          %parallel_loop3A_629 = arith.mulf %parallel_loop3A_610, %parallel_loop3A_450 : vector<16xf32>
          %parallel_loop3A_630 = arith.index_cast %parallel_loop3A_594 : i32 to index
          %parallel_loop3A_631 = arith.constant 48 : index
          %parallel_loop3A_632 = tpu.vector_load %arg11[%parallel_loop3A_630, %parallel_loop3A_631] {strides = array<i32>} : memref<128x64xf32, #tpu.memory_space<vmem>>, vector<1x16xf32>,
          %parallel_loop3A_633 = vector.shape_cast %parallel_loop3A_632 : vector<1x16xf32> to vector<16xf32>
          %parallel_loop3A_634 = vector.shape_cast %parallel_loop3A_629 : vector<16xf32> to vector<1x16xf32>
          tpu.vector_store %arg11[%parallel_loop3A_630, %parallel_loop3A_631], %parallel_loop3A_634 {strides = array<i32>} : memref<128x64xf32, #tpu.memory_space<vmem>>, vector<1x16xf32>,
          %parallel_loop3A_635 = arith.constant 16 : i32
          %parallel_loop3A_636 = arith.muli %parallel_loop3A_430, %parallel_loop3A_635 : i32
          %parallel_loop3A_637 = arith.constant 3 : i32
          %parallel_loop3A_638 = arith.addi %parallel_loop3A_636, %parallel_loop3A_637 : i32
          %parallel_loop3A_639 = arith.index_cast %parallel_loop3A_638 : i32 to index
          %parallel_loop3A_640 = arith.constant 0 : index
          %parallel_loop3A_641 = tpu.vector_load %arg11[%parallel_loop3A_639, %parallel_loop3A_640] {strides = array<i32>} : memref<128x64xf32, #tpu.memory_space<vmem>>, vector<1x16xf32>,
          %parallel_loop3A_642 = vector.shape_cast %parallel_loop3A_641 : vector<1x16xf32> to vector<16xf32>
          %parallel_loop3A_643 = arith.index_cast %parallel_loop3A_638 : i32 to index
          %parallel_loop3A_644 = arith.constant 16 : index
          %parallel_loop3A_645 = tpu.vector_load %arg11[%parallel_loop3A_643, %parallel_loop3A_644] {strides = array<i32>} : memref<128x64xf32, #tpu.memory_space<vmem>>, vector<1x16xf32>,
          %parallel_loop3A_646 = vector.shape_cast %parallel_loop3A_645 : vector<1x16xf32> to vector<16xf32>
          %parallel_loop3A_647 = arith.index_cast %parallel_loop3A_638 : i32 to index
          %parallel_loop3A_648 = arith.constant 32 : index
          %parallel_loop3A_649 = tpu.vector_load %arg11[%parallel_loop3A_647, %parallel_loop3A_648] {strides = array<i32>} : memref<128x64xf32, #tpu.memory_space<vmem>>, vector<1x16xf32>,
          %parallel_loop3A_650 = vector.shape_cast %parallel_loop3A_649 : vector<1x16xf32> to vector<16xf32>
          %parallel_loop3A_651 = arith.index_cast %parallel_loop3A_638 : i32 to index
          %parallel_loop3A_652 = arith.constant 48 : index
          %parallel_loop3A_653 = tpu.vector_load %arg11[%parallel_loop3A_651, %parallel_loop3A_652] {strides = array<i32>} : memref<128x64xf32, #tpu.memory_space<vmem>>, vector<1x16xf32>,
          %parallel_loop3A_654 = vector.shape_cast %parallel_loop3A_653 : vector<1x16xf32> to vector<16xf32>
          %parallel_loop3A_655 = arith.mulf %parallel_loop3A_642, %parallel_loop3A_454 : vector<16xf32>
          %parallel_loop3A_656 = arith.index_cast %parallel_loop3A_638 : i32 to index
          %parallel_loop3A_657 = arith.constant 0 : index
          %parallel_loop3A_658 = tpu.vector_load %arg11[%parallel_loop3A_656, %parallel_loop3A_657] {strides = array<i32>} : memref<128x64xf32, #tpu.memory_space<vmem>>, vector<1x16xf32>,
          %parallel_loop3A_659 = vector.shape_cast %parallel_loop3A_658 : vector<1x16xf32> to vector<16xf32>
          %parallel_loop3A_660 = vector.shape_cast %parallel_loop3A_655 : vector<16xf32> to vector<1x16xf32>
          tpu.vector_store %arg11[%parallel_loop3A_656, %parallel_loop3A_657], %parallel_loop3A_660 {strides = array<i32>} : memref<128x64xf32, #tpu.memory_space<vmem>>, vector<1x16xf32>,
          %parallel_loop3A_661 = arith.mulf %parallel_loop3A_646, %parallel_loop3A_454 : vector<16xf32>
          %parallel_loop3A_662 = arith.index_cast %parallel_loop3A_638 : i32 to index
          %parallel_loop3A_663 = arith.constant 16 : index
          %parallel_loop3A_664 = tpu.vector_load %arg11[%parallel_loop3A_662, %parallel_loop3A_663] {strides = array<i32>} : memref<128x64xf32, #tpu.memory_space<vmem>>, vector<1x16xf32>,
          %parallel_loop3A_665 = vector.shape_cast %parallel_loop3A_664 : vector<1x16xf32> to vector<16xf32>
          %parallel_loop3A_666 = vector.shape_cast %parallel_loop3A_661 : vector<16xf32> to vector<1x16xf32>
          tpu.vector_store %arg11[%parallel_loop3A_662, %parallel_loop3A_663], %parallel_loop3A_666 {strides = array<i32>} : memref<128x64xf32, #tpu.memory_space<vmem>>, vector<1x16xf32>,
          %parallel_loop3A_667 = arith.mulf %parallel_loop3A_650, %parallel_loop3A_454 : vector<16xf32>
          %parallel_loop3A_668 = arith.index_cast %parallel_loop3A_638 : i32 to index
          %parallel_loop3A_669 = arith.constant 32 : index
          %parallel_loop3A_670 = tpu.vector_load %arg11[%parallel_loop3A_668, %parallel_loop3A_669] {strides = array<i32>} : memref<128x64xf32, #tpu.memory_space<vmem>>, vector<1x16xf32>,
          %parallel_loop3A_671 = vector.shape_cast %parallel_loop3A_670 : vector<1x16xf32> to vector<16xf32>
          %parallel_loop3A_672 = vector.shape_cast %parallel_loop3A_667 : vector<16xf32> to vector<1x16xf32>
          tpu.vector_store %arg11[%parallel_loop3A_668, %parallel_loop3A_669], %parallel_loop3A_672 {strides = array<i32>} : memref<128x64xf32, #tpu.memory_space<vmem>>, vector<1x16xf32>,
          %parallel_loop3A_673 = arith.mulf %parallel_loop3A_654, %parallel_loop3A_454 : vector<16xf32>
          %parallel_loop3A_674 = arith.index_cast %parallel_loop3A_638 : i32 to index
          %parallel_loop3A_675 = arith.constant 48 : index
          %parallel_loop3A_676 = tpu.vector_load %arg11[%parallel_loop3A_674, %parallel_loop3A_675] {strides = array<i32>} : memref<128x64xf32, #tpu.memory_space<vmem>>, vector<1x16xf32>,
          %parallel_loop3A_677 = vector.shape_cast %parallel_loop3A_676 : vector<1x16xf32> to vector<16xf32>
          %parallel_loop3A_678 = vector.shape_cast %parallel_loop3A_673 : vector<16xf32> to vector<1x16xf32>
          tpu.vector_store %arg11[%parallel_loop3A_674, %parallel_loop3A_675], %parallel_loop3A_678 {strides = array<i32>} : memref<128x64xf32, #tpu.memory_space<vmem>>, vector<1x16xf32>,
          %parallel_loop3A_679 = arith.constant 16 : i32
          %parallel_loop3A_680 = arith.muli %parallel_loop3A_430, %parallel_loop3A_679 : i32
          %parallel_loop3A_681 = arith.constant 4 : i32
          %parallel_loop3A_682 = arith.addi %parallel_loop3A_680, %parallel_loop3A_681 : i32
          %parallel_loop3A_683 = arith.index_cast %parallel_loop3A_682 : i32 to index
          %parallel_loop3A_684 = arith.constant 0 : index
          %parallel_loop3A_685 = tpu.vector_load %arg11[%parallel_loop3A_683, %parallel_loop3A_684] {strides = array<i32>} : memref<128x64xf32, #tpu.memory_space<vmem>>, vector<1x16xf32>,
          %parallel_loop3A_686 = vector.shape_cast %parallel_loop3A_685 : vector<1x16xf32> to vector<16xf32>
          %parallel_loop3A_687 = arith.index_cast %parallel_loop3A_682 : i32 to index
          %parallel_loop3A_688 = arith.constant 16 : index
          %parallel_loop3A_689 = tpu.vector_load %arg11[%parallel_loop3A_687, %parallel_loop3A_688] {strides = array<i32>} : memref<128x64xf32, #tpu.memory_space<vmem>>, vector<1x16xf32>,
          %parallel_loop3A_690 = vector.shape_cast %parallel_loop3A_689 : vector<1x16xf32> to vector<16xf32>
          %parallel_loop3A_691 = arith.index_cast %parallel_loop3A_682 : i32 to index
          %parallel_loop3A_692 = arith.constant 32 : index
          %parallel_loop3A_693 = tpu.vector_load %arg11[%parallel_loop3A_691, %parallel_loop3A_692] {strides = array<i32>} : memref<128x64xf32, #tpu.memory_space<vmem>>, vector<1x16xf32>,
          %parallel_loop3A_694 = vector.shape_cast %parallel_loop3A_693 : vector<1x16xf32> to vector<16xf32>
          %parallel_loop3A_695 = arith.index_cast %parallel_loop3A_682 : i32 to index
          %parallel_loop3A_696 = arith.constant 48 : index
          %parallel_loop3A_697 = tpu.vector_load %arg11[%parallel_loop3A_695, %parallel_loop3A_696] {strides = array<i32>} : memref<128x64xf32, #tpu.memory_space<vmem>>, vector<1x16xf32>,
          %parallel_loop3A_698 = vector.shape_cast %parallel_loop3A_697 : vector<1x16xf32> to vector<16xf32>
          %parallel_loop3A_699 = arith.mulf %parallel_loop3A_686, %parallel_loop3A_458 : vector<16xf32>
          %parallel_loop3A_700 = arith.index_cast %parallel_loop3A_682 : i32 to index
          %parallel_loop3A_701 = arith.constant 0 : index
          %parallel_loop3A_702 = tpu.vector_load %arg11[%parallel_loop3A_700, %parallel_loop3A_701] {strides = array<i32>} : memref<128x64xf32, #tpu.memory_space<vmem>>, vector<1x16xf32>,
          %parallel_loop3A_703 = vector.shape_cast %parallel_loop3A_702 : vector<1x16xf32> to vector<16xf32>
          %parallel_loop3A_704 = vector.shape_cast %parallel_loop3A_699 : vector<16xf32> to vector<1x16xf32>
          tpu.vector_store %arg11[%parallel_loop3A_700, %parallel_loop3A_701], %parallel_loop3A_704 {strides = array<i32>} : memref<128x64xf32, #tpu.memory_space<vmem>>, vector<1x16xf32>,
          %parallel_loop3A_705 = arith.mulf %parallel_loop3A_690, %parallel_loop3A_458 : vector<16xf32>
          %parallel_loop3A_706 = arith.index_cast %parallel_loop3A_682 : i32 to index
          %parallel_loop3A_707 = arith.constant 16 : index
          %parallel_loop3A_708 = tpu.vector_load %arg11[%parallel_loop3A_706, %parallel_loop3A_707] {strides = array<i32>} : memref<128x64xf32, #tpu.memory_space<vmem>>, vector<1x16xf32>,
          %parallel_loop3A_709 = vector.shape_cast %parallel_loop3A_708 : vector<1x16xf32> to vector<16xf32>
          %parallel_loop3A_710 = vector.shape_cast %parallel_loop3A_705 : vector<16xf32> to vector<1x16xf32>
          tpu.vector_store %arg11[%parallel_loop3A_706, %parallel_loop3A_707], %parallel_loop3A_710 {strides = array<i32>} : memref<128x64xf32, #tpu.memory_space<vmem>>, vector<1x16xf32>,
          %parallel_loop3A_711 = arith.mulf %parallel_loop3A_694, %parallel_loop3A_458 : vector<16xf32>
          %parallel_loop3A_712 = arith.index_cast %parallel_loop3A_682 : i32 to index
          %parallel_loop3A_713 = arith.constant 32 : index
          %parallel_loop3A_714 = tpu.vector_load %arg11[%parallel_loop3A_712, %parallel_loop3A_713] {strides = array<i32>} : memref<128x64xf32, #tpu.memory_space<vmem>>, vector<1x16xf32>,
          %parallel_loop3A_715 = vector.shape_cast %parallel_loop3A_714 : vector<1x16xf32> to vector<16xf32>
          %parallel_loop3A_716 = vector.shape_cast %parallel_loop3A_711 : vector<16xf32> to vector<1x16xf32>
          tpu.vector_store %arg11[%parallel_loop3A_712, %parallel_loop3A_713], %parallel_loop3A_716 {strides = array<i32>} : memref<128x64xf32, #tpu.memory_space<vmem>>, vector<1x16xf32>,
          %parallel_loop3A_717 = arith.mulf %parallel_loop3A_698, %parallel_loop3A_458 : vector<16xf32>
          %parallel_loop3A_718 = arith.index_cast %parallel_loop3A_682 : i32 to index
          %parallel_loop3A_719 = arith.constant 48 : index
          %parallel_loop3A_720 = tpu.vector_load %arg11[%parallel_loop3A_718, %parallel_loop3A_719] {strides = array<i32>} : memref<128x64xf32, #tpu.memory_space<vmem>>, vector<1x16xf32>,
          %parallel_loop3A_721 = vector.shape_cast %parallel_loop3A_720 : vector<1x16xf32> to vector<16xf32>
          %parallel_loop3A_722 = vector.shape_cast %parallel_loop3A_717 : vector<16xf32> to vector<1x16xf32>
          tpu.vector_store %arg11[%parallel_loop3A_718, %parallel_loop3A_719], %parallel_loop3A_722 {strides = array<i32>} : memref<128x64xf32, #tpu.memory_space<vmem>>, vector<1x16xf32>,
          %parallel_loop3A_723 = arith.constant 16 : i32
          %parallel_loop3A_724 = arith.muli %parallel_loop3A_430, %parallel_loop3A_723 : i32
          %parallel_loop3A_725 = arith.constant 5 : i32
          %parallel_loop3A_726 = arith.addi %parallel_loop3A_724, %parallel_loop3A_725 : i32
          %parallel_loop3A_727 = arith.index_cast %parallel_loop3A_726 : i32 to index
          %parallel_loop3A_728 = arith.constant 0 : index
          %parallel_loop3A_729 = tpu.vector_load %arg11[%parallel_loop3A_727, %parallel_loop3A_728] {strides = array<i32>} : memref<128x64xf32, #tpu.memory_space<vmem>>, vector<1x16xf32>,
          %parallel_loop3A_730 = vector.shape_cast %parallel_loop3A_729 : vector<1x16xf32> to vector<16xf32>
          %parallel_loop3A_731 = arith.index_cast %parallel_loop3A_726 : i32 to index
          %parallel_loop3A_732 = arith.constant 16 : index
          %parallel_loop3A_733 = tpu.vector_load %arg11[%parallel_loop3A_731, %parallel_loop3A_732] {strides = array<i32>} : memref<128x64xf32, #tpu.memory_space<vmem>>, vector<1x16xf32>,
          %parallel_loop3A_734 = vector.shape_cast %parallel_loop3A_733 : vector<1x16xf32> to vector<16xf32>
          %parallel_loop3A_735 = arith.index_cast %parallel_loop3A_726 : i32 to index
          %parallel_loop3A_736 = arith.constant 32 : index
          %parallel_loop3A_737 = tpu.vector_load %arg11[%parallel_loop3A_735, %parallel_loop3A_736] {strides = array<i32>} : memref<128x64xf32, #tpu.memory_space<vmem>>, vector<1x16xf32>,
          %parallel_loop3A_738 = vector.shape_cast %parallel_loop3A_737 : vector<1x16xf32> to vector<16xf32>
          %parallel_loop3A_739 = arith.index_cast %parallel_loop3A_726 : i32 to index
          %parallel_loop3A_740 = arith.constant 48 : index
          %parallel_loop3A_741 = tpu.vector_load %arg11[%parallel_loop3A_739, %parallel_loop3A_740] {strides = array<i32>} : memref<128x64xf32, #tpu.memory_space<vmem>>, vector<1x16xf32>,
          %parallel_loop3A_742 = vector.shape_cast %parallel_loop3A_741 : vector<1x16xf32> to vector<16xf32>
          %parallel_loop3A_743 = arith.mulf %parallel_loop3A_730, %parallel_loop3A_462 : vector<16xf32>
          %parallel_loop3A_744 = arith.index_cast %parallel_loop3A_726 : i32 to index
          %parallel_loop3A_745 = arith.constant 0 : index
          %parallel_loop3A_746 = tpu.vector_load %arg11[%parallel_loop3A_744, %parallel_loop3A_745] {strides = array<i32>} : memref<128x64xf32, #tpu.memory_space<vmem>>, vector<1x16xf32>,
          %parallel_loop3A_747 = vector.shape_cast %parallel_loop3A_746 : vector<1x16xf32> to vector<16xf32>
          %parallel_loop3A_748 = vector.shape_cast %parallel_loop3A_743 : vector<16xf32> to vector<1x16xf32>
          tpu.vector_store %arg11[%parallel_loop3A_744, %parallel_loop3A_745], %parallel_loop3A_748 {strides = array<i32>} : memref<128x64xf32, #tpu.memory_space<vmem>>, vector<1x16xf32>,
          %parallel_loop3A_749 = arith.mulf %parallel_loop3A_734, %parallel_loop3A_462 : vector<16xf32>
          %parallel_loop3A_750 = arith.index_cast %parallel_loop3A_726 : i32 to index
          %parallel_loop3A_751 = arith.constant 16 : index
          %parallel_loop3A_752 = tpu.vector_load %arg11[%parallel_loop3A_750, %parallel_loop3A_751] {strides = array<i32>} : memref<128x64xf32, #tpu.memory_space<vmem>>, vector<1x16xf32>,
          %parallel_loop3A_753 = vector.shape_cast %parallel_loop3A_752 : vector<1x16xf32> to vector<16xf32>
          %parallel_loop3A_754 = vector.shape_cast %parallel_loop3A_749 : vector<16xf32> to vector<1x16xf32>
          tpu.vector_store %arg11[%parallel_loop3A_750, %parallel_loop3A_751], %parallel_loop3A_754 {strides = array<i32>} : memref<128x64xf32, #tpu.memory_space<vmem>>, vector<1x16xf32>,
          %parallel_loop3A_755 = arith.mulf %parallel_loop3A_738, %parallel_loop3A_462 : vector<16xf32>
          %parallel_loop3A_756 = arith.index_cast %parallel_loop3A_726 : i32 to index
          %parallel_loop3A_757 = arith.constant 32 : index
          %parallel_loop3A_758 = tpu.vector_load %arg11[%parallel_loop3A_756, %parallel_loop3A_757] {strides = array<i32>} : memref<128x64xf32, #tpu.memory_space<vmem>>, vector<1x16xf32>,
          %parallel_loop3A_759 = vector.shape_cast %parallel_loop3A_758 : vector<1x16xf32> to vector<16xf32>
          %parallel_loop3A_760 = vector.shape_cast %parallel_loop3A_755 : vector<16xf32> to vector<1x16xf32>
          tpu.vector_store %arg11[%parallel_loop3A_756, %parallel_loop3A_757], %parallel_loop3A_760 {strides = array<i32>} : memref<128x64xf32, #tpu.memory_space<vmem>>, vector<1x16xf32>,
          %parallel_loop3A_761 = arith.mulf %parallel_loop3A_742, %parallel_loop3A_462 : vector<16xf32>
          %parallel_loop3A_762 = arith.index_cast %parallel_loop3A_726 : i32 to index
          %parallel_loop3A_763 = arith.constant 48 : index
          %parallel_loop3A_764 = tpu.vector_load %arg11[%parallel_loop3A_762, %parallel_loop3A_763] {strides = array<i32>} : memref<128x64xf32, #tpu.memory_space<vmem>>, vector<1x16xf32>,
          %parallel_loop3A_765 = vector.shape_cast %parallel_loop3A_764 : vector<1x16xf32> to vector<16xf32>
          %parallel_loop3A_766 = vector.shape_cast %parallel_loop3A_761 : vector<16xf32> to vector<1x16xf32>
          tpu.vector_store %arg11[%parallel_loop3A_762, %parallel_loop3A_763], %parallel_loop3A_766 {strides = array<i32>} : memref<128x64xf32, #tpu.memory_space<vmem>>, vector<1x16xf32>,
          %parallel_loop3A_767 = arith.constant 16 : i32
          %parallel_loop3A_768 = arith.muli %parallel_loop3A_430, %parallel_loop3A_767 : i32
          %parallel_loop3A_769 = arith.constant 6 : i32
          %parallel_loop3A_770 = arith.addi %parallel_loop3A_768, %parallel_loop3A_769 : i32
          %parallel_loop3A_771 = arith.index_cast %parallel_loop3A_770 : i32 to index
          %parallel_loop3A_772 = arith.constant 0 : index
          %parallel_loop3A_773 = tpu.vector_load %arg11[%parallel_loop3A_771, %parallel_loop3A_772] {strides = array<i32>} : memref<128x64xf32, #tpu.memory_space<vmem>>, vector<1x16xf32>,
          %parallel_loop3A_774 = vector.shape_cast %parallel_loop3A_773 : vector<1x16xf32> to vector<16xf32>
          %parallel_loop3A_775 = arith.index_cast %parallel_loop3A_770 : i32 to index
          %parallel_loop3A_776 = arith.constant 16 : index
          %parallel_loop3A_777 = tpu.vector_load %arg11[%parallel_loop3A_775, %parallel_loop3A_776] {strides = array<i32>} : memref<128x64xf32, #tpu.memory_space<vmem>>, vector<1x16xf32>,
          %parallel_loop3A_778 = vector.shape_cast %parallel_loop3A_777 : vector<1x16xf32> to vector<16xf32>
          %parallel_loop3A_779 = arith.index_cast %parallel_loop3A_770 : i32 to index
          %parallel_loop3A_780 = arith.constant 32 : index
          %parallel_loop3A_781 = tpu.vector_load %arg11[%parallel_loop3A_779, %parallel_loop3A_780] {strides = array<i32>} : memref<128x64xf32, #tpu.memory_space<vmem>>, vector<1x16xf32>,
          %parallel_loop3A_782 = vector.shape_cast %parallel_loop3A_781 : vector<1x16xf32> to vector<16xf32>
          %parallel_loop3A_783 = arith.index_cast %parallel_loop3A_770 : i32 to index
          %parallel_loop3A_784 = arith.constant 48 : index
          %parallel_loop3A_785 = tpu.vector_load %arg11[%parallel_loop3A_783, %parallel_loop3A_784] {strides = array<i32>} : memref<128x64xf32, #tpu.memory_space<vmem>>, vector<1x16xf32>,
          %parallel_loop3A_786 = vector.shape_cast %parallel_loop3A_785 : vector<1x16xf32> to vector<16xf32>
          %parallel_loop3A_787 = arith.mulf %parallel_loop3A_774, %parallel_loop3A_466 : vector<16xf32>
          %parallel_loop3A_788 = arith.index_cast %parallel_loop3A_770 : i32 to index
          %parallel_loop3A_789 = arith.constant 0 : index
          %parallel_loop3A_790 = tpu.vector_load %arg11[%parallel_loop3A_788, %parallel_loop3A_789] {strides = array<i32>} : memref<128x64xf32, #tpu.memory_space<vmem>>, vector<1x16xf32>,
          %parallel_loop3A_791 = vector.shape_cast %parallel_loop3A_790 : vector<1x16xf32> to vector<16xf32>
          %parallel_loop3A_792 = vector.shape_cast %parallel_loop3A_787 : vector<16xf32> to vector<1x16xf32>
          tpu.vector_store %arg11[%parallel_loop3A_788, %parallel_loop3A_789], %parallel_loop3A_792 {strides = array<i32>} : memref<128x64xf32, #tpu.memory_space<vmem>>, vector<1x16xf32>,
          %parallel_loop3A_793 = arith.mulf %parallel_loop3A_778, %parallel_loop3A_466 : vector<16xf32>
          %parallel_loop3A_794 = arith.index_cast %parallel_loop3A_770 : i32 to index
          %parallel_loop3A_795 = arith.constant 16 : index
          %parallel_loop3A_796 = tpu.vector_load %arg11[%parallel_loop3A_794, %parallel_loop3A_795] {strides = array<i32>} : memref<128x64xf32, #tpu.memory_space<vmem>>, vector<1x16xf32>,
          %parallel_loop3A_797 = vector.shape_cast %parallel_loop3A_796 : vector<1x16xf32> to vector<16xf32>
          %parallel_loop3A_798 = vector.shape_cast %parallel_loop3A_793 : vector<16xf32> to vector<1x16xf32>
          tpu.vector_store %arg11[%parallel_loop3A_794, %parallel_loop3A_795], %parallel_loop3A_798 {strides = array<i32>} : memref<128x64xf32, #tpu.memory_space<vmem>>, vector<1x16xf32>,
          %parallel_loop3A_799 = arith.mulf %parallel_loop3A_782, %parallel_loop3A_466 : vector<16xf32>
          %parallel_loop3A_800 = arith.index_cast %parallel_loop3A_770 : i32 to index
          %parallel_loop3A_801 = arith.constant 32 : index
          %parallel_loop3A_802 = tpu.vector_load %arg11[%parallel_loop3A_800, %parallel_loop3A_801] {strides = array<i32>} : memref<128x64xf32, #tpu.memory_space<vmem>>, vector<1x16xf32>,
          %parallel_loop3A_803 = vector.shape_cast %parallel_loop3A_802 : vector<1x16xf32> to vector<16xf32>
          %parallel_loop3A_804 = vector.shape_cast %parallel_loop3A_799 : vector<16xf32> to vector<1x16xf32>
          tpu.vector_store %arg11[%parallel_loop3A_800, %parallel_loop3A_801], %parallel_loop3A_804 {strides = array<i32>} : memref<128x64xf32, #tpu.memory_space<vmem>>, vector<1x16xf32>,
          %parallel_loop3A_805 = arith.mulf %parallel_loop3A_786, %parallel_loop3A_466 : vector<16xf32>
          %parallel_loop3A_806 = arith.index_cast %parallel_loop3A_770 : i32 to index
          %parallel_loop3A_807 = arith.constant 48 : index
          %parallel_loop3A_808 = tpu.vector_load %arg11[%parallel_loop3A_806, %parallel_loop3A_807] {strides = array<i32>} : memref<128x64xf32, #tpu.memory_space<vmem>>, vector<1x16xf32>,
          %parallel_loop3A_809 = vector.shape_cast %parallel_loop3A_808 : vector<1x16xf32> to vector<16xf32>
          %parallel_loop3A_810 = vector.shape_cast %parallel_loop3A_805 : vector<16xf32> to vector<1x16xf32>
          tpu.vector_store %arg11[%parallel_loop3A_806, %parallel_loop3A_807], %parallel_loop3A_810 {strides = array<i32>} : memref<128x64xf32, #tpu.memory_space<vmem>>, vector<1x16xf32>,
          %parallel_loop3A_811 = arith.constant 16 : i32
          %parallel_loop3A_812 = arith.muli %parallel_loop3A_430, %parallel_loop3A_811 : i32
          %parallel_loop3A_813 = arith.constant 7 : i32
          %parallel_loop3A_814 = arith.addi %parallel_loop3A_812, %parallel_loop3A_813 : i32
          %parallel_loop3A_815 = arith.index_cast %parallel_loop3A_814 : i32 to index
          %parallel_loop3A_816 = arith.constant 0 : index
          %parallel_loop3A_817 = tpu.vector_load %arg11[%parallel_loop3A_815, %parallel_loop3A_816] {strides = array<i32>} : memref<128x64xf32, #tpu.memory_space<vmem>>, vector<1x16xf32>,
          %parallel_loop3A_818 = vector.shape_cast %parallel_loop3A_817 : vector<1x16xf32> to vector<16xf32>
          %parallel_loop3A_819 = arith.index_cast %parallel_loop3A_814 : i32 to index
          %parallel_loop3A_820 = arith.constant 16 : index
          %parallel_loop3A_821 = tpu.vector_load %arg11[%parallel_loop3A_819, %parallel_loop3A_820] {strides = array<i32>} : memref<128x64xf32, #tpu.memory_space<vmem>>, vector<1x16xf32>,
          %parallel_loop3A_822 = vector.shape_cast %parallel_loop3A_821 : vector<1x16xf32> to vector<16xf32>
          %parallel_loop3A_823 = arith.index_cast %parallel_loop3A_814 : i32 to index
          %parallel_loop3A_824 = arith.constant 32 : index
          %parallel_loop3A_825 = tpu.vector_load %arg11[%parallel_loop3A_823, %parallel_loop3A_824] {strides = array<i32>} : memref<128x64xf32, #tpu.memory_space<vmem>>, vector<1x16xf32>,
          %parallel_loop3A_826 = vector.shape_cast %parallel_loop3A_825 : vector<1x16xf32> to vector<16xf32>
          %parallel_loop3A_827 = arith.index_cast %parallel_loop3A_814 : i32 to index
          %parallel_loop3A_828 = arith.constant 48 : index
          %parallel_loop3A_829 = tpu.vector_load %arg11[%parallel_loop3A_827, %parallel_loop3A_828] {strides = array<i32>} : memref<128x64xf32, #tpu.memory_space<vmem>>, vector<1x16xf32>,
          %parallel_loop3A_830 = vector.shape_cast %parallel_loop3A_829 : vector<1x16xf32> to vector<16xf32>
          %parallel_loop3A_831 = arith.mulf %parallel_loop3A_818, %parallel_loop3A_470 : vector<16xf32>
          %parallel_loop3A_832 = arith.index_cast %parallel_loop3A_814 : i32 to index
          %parallel_loop3A_833 = arith.constant 0 : index
          %parallel_loop3A_834 = tpu.vector_load %arg11[%parallel_loop3A_832, %parallel_loop3A_833] {strides = array<i32>} : memref<128x64xf32, #tpu.memory_space<vmem>>, vector<1x16xf32>,
          %parallel_loop3A_835 = vector.shape_cast %parallel_loop3A_834 : vector<1x16xf32> to vector<16xf32>
          %parallel_loop3A_836 = vector.shape_cast %parallel_loop3A_831 : vector<16xf32> to vector<1x16xf32>
          tpu.vector_store %arg11[%parallel_loop3A_832, %parallel_loop3A_833], %parallel_loop3A_836 {strides = array<i32>} : memref<128x64xf32, #tpu.memory_space<vmem>>, vector<1x16xf32>,
          %parallel_loop3A_837 = arith.mulf %parallel_loop3A_822, %parallel_loop3A_470 : vector<16xf32>
          %parallel_loop3A_838 = arith.index_cast %parallel_loop3A_814 : i32 to index
          %parallel_loop3A_839 = arith.constant 16 : index
          %parallel_loop3A_840 = tpu.vector_load %arg11[%parallel_loop3A_838, %parallel_loop3A_839] {strides = array<i32>} : memref<128x64xf32, #tpu.memory_space<vmem>>, vector<1x16xf32>,
          %parallel_loop3A_841 = vector.shape_cast %parallel_loop3A_840 : vector<1x16xf32> to vector<16xf32>
          %parallel_loop3A_842 = vector.shape_cast %parallel_loop3A_837 : vector<16xf32> to vector<1x16xf32>
          tpu.vector_store %arg11[%parallel_loop3A_838, %parallel_loop3A_839], %parallel_loop3A_842 {strides = array<i32>} : memref<128x64xf32, #tpu.memory_space<vmem>>, vector<1x16xf32>,
          %parallel_loop3A_843 = arith.mulf %parallel_loop3A_826, %parallel_loop3A_470 : vector<16xf32>
          %parallel_loop3A_844 = arith.index_cast %parallel_loop3A_814 : i32 to index
          %parallel_loop3A_845 = arith.constant 32 : index
          %parallel_loop3A_846 = tpu.vector_load %arg11[%parallel_loop3A_844, %parallel_loop3A_845] {strides = array<i32>} : memref<128x64xf32, #tpu.memory_space<vmem>>, vector<1x16xf32>,
          %parallel_loop3A_847 = vector.shape_cast %parallel_loop3A_846 : vector<1x16xf32> to vector<16xf32>
          %parallel_loop3A_848 = vector.shape_cast %parallel_loop3A_843 : vector<16xf32> to vector<1x16xf32>
          tpu.vector_store %arg11[%parallel_loop3A_844, %parallel_loop3A_845], %parallel_loop3A_848 {strides = array<i32>} : memref<128x64xf32, #tpu.memory_space<vmem>>, vector<1x16xf32>,
          %parallel_loop3A_849 = arith.mulf %parallel_loop3A_830, %parallel_loop3A_470 : vector<16xf32>
          %parallel_loop3A_850 = arith.index_cast %parallel_loop3A_814 : i32 to index
          %parallel_loop3A_851 = arith.constant 48 : index
          %parallel_loop3A_852 = tpu.vector_load %arg11[%parallel_loop3A_850, %parallel_loop3A_851] {strides = array<i32>} : memref<128x64xf32, #tpu.memory_space<vmem>>, vector<1x16xf32>,
          %parallel_loop3A_853 = vector.shape_cast %parallel_loop3A_852 : vector<1x16xf32> to vector<16xf32>
          %parallel_loop3A_854 = vector.shape_cast %parallel_loop3A_849 : vector<16xf32> to vector<1x16xf32>
          tpu.vector_store %arg11[%parallel_loop3A_850, %parallel_loop3A_851], %parallel_loop3A_854 {strides = array<i32>} : memref<128x64xf32, #tpu.memory_space<vmem>>, vector<1x16xf32>,
          %parallel_loop3A_855 = arith.constant 16 : i32
          %parallel_loop3A_856 = arith.muli %parallel_loop3A_430, %parallel_loop3A_855 : i32
          %parallel_loop3A_857 = arith.constant 8 : i32
          %parallel_loop3A_858 = arith.addi %parallel_loop3A_856, %parallel_loop3A_857 : i32
          %parallel_loop3A_859 = arith.index_cast %parallel_loop3A_858 : i32 to index
          %parallel_loop3A_860 = arith.constant 0 : index
          %parallel_loop3A_861 = tpu.vector_load %arg11[%parallel_loop3A_859, %parallel_loop3A_860] {strides = array<i32>} : memref<128x64xf32, #tpu.memory_space<vmem>>, vector<1x16xf32>,
          %parallel_loop3A_862 = vector.shape_cast %parallel_loop3A_861 : vector<1x16xf32> to vector<16xf32>
          %parallel_loop3A_863 = arith.index_cast %parallel_loop3A_858 : i32 to index
          %parallel_loop3A_864 = arith.constant 16 : index
          %parallel_loop3A_865 = tpu.vector_load %arg11[%parallel_loop3A_863, %parallel_loop3A_864] {strides = array<i32>} : memref<128x64xf32, #tpu.memory_space<vmem>>, vector<1x16xf32>,
          %parallel_loop3A_866 = vector.shape_cast %parallel_loop3A_865 : vector<1x16xf32> to vector<16xf32>
          %parallel_loop3A_867 = arith.index_cast %parallel_loop3A_858 : i32 to index
          %parallel_loop3A_868 = arith.constant 32 : index
          %parallel_loop3A_869 = tpu.vector_load %arg11[%parallel_loop3A_867, %parallel_loop3A_868] {strides = array<i32>} : memref<128x64xf32, #tpu.memory_space<vmem>>, vector<1x16xf32>,
          %parallel_loop3A_870 = vector.shape_cast %parallel_loop3A_869 : vector<1x16xf32> to vector<16xf32>
          %parallel_loop3A_871 = arith.index_cast %parallel_loop3A_858 : i32 to index
          %parallel_loop3A_872 = arith.constant 48 : index
          %parallel_loop3A_873 = tpu.vector_load %arg11[%parallel_loop3A_871, %parallel_loop3A_872] {strides = array<i32>} : memref<128x64xf32, #tpu.memory_space<vmem>>, vector<1x16xf32>,
          %parallel_loop3A_874 = vector.shape_cast %parallel_loop3A_873 : vector<1x16xf32> to vector<16xf32>
          %parallel_loop3A_875 = arith.mulf %parallel_loop3A_862, %parallel_loop3A_474 : vector<16xf32>
          %parallel_loop3A_876 = arith.index_cast %parallel_loop3A_858 : i32 to index
          %parallel_loop3A_877 = arith.constant 0 : index
          %parallel_loop3A_878 = tpu.vector_load %arg11[%parallel_loop3A_876, %parallel_loop3A_877] {strides = array<i32>} : memref<128x64xf32, #tpu.memory_space<vmem>>, vector<1x16xf32>,
          %parallel_loop3A_879 = vector.shape_cast %parallel_loop3A_878 : vector<1x16xf32> to vector<16xf32>
          %parallel_loop3A_880 = vector.shape_cast %parallel_loop3A_875 : vector<16xf32> to vector<1x16xf32>
          tpu.vector_store %arg11[%parallel_loop3A_876, %parallel_loop3A_877], %parallel_loop3A_880 {strides = array<i32>} : memref<128x64xf32, #tpu.memory_space<vmem>>, vector<1x16xf32>,
          %parallel_loop3A_881 = arith.mulf %parallel_loop3A_866, %parallel_loop3A_474 : vector<16xf32>
          %parallel_loop3A_882 = arith.index_cast %parallel_loop3A_858 : i32 to index
          %parallel_loop3A_883 = arith.constant 16 : index
          %parallel_loop3A_884 = tpu.vector_load %arg11[%parallel_loop3A_882, %parallel_loop3A_883] {strides = array<i32>} : memref<128x64xf32, #tpu.memory_space<vmem>>, vector<1x16xf32>,
          %parallel_loop3A_885 = vector.shape_cast %parallel_loop3A_884 : vector<1x16xf32> to vector<16xf32>
          %parallel_loop3A_886 = vector.shape_cast %parallel_loop3A_881 : vector<16xf32> to vector<1x16xf32>
          tpu.vector_store %arg11[%parallel_loop3A_882, %parallel_loop3A_883], %parallel_loop3A_886 {strides = array<i32>} : memref<128x64xf32, #tpu.memory_space<vmem>>, vector<1x16xf32>,
          %parallel_loop3A_887 = arith.mulf %parallel_loop3A_870, %parallel_loop3A_474 : vector<16xf32>
          %parallel_loop3A_888 = arith.index_cast %parallel_loop3A_858 : i32 to index
          %parallel_loop3A_889 = arith.constant 32 : index
          %parallel_loop3A_890 = tpu.vector_load %arg11[%parallel_loop3A_888, %parallel_loop3A_889] {strides = array<i32>} : memref<128x64xf32, #tpu.memory_space<vmem>>, vector<1x16xf32>,
          %parallel_loop3A_891 = vector.shape_cast %parallel_loop3A_890 : vector<1x16xf32> to vector<16xf32>
          %parallel_loop3A_892 = vector.shape_cast %parallel_loop3A_887 : vector<16xf32> to vector<1x16xf32>
          tpu.vector_store %arg11[%parallel_loop3A_888, %parallel_loop3A_889], %parallel_loop3A_892 {strides = array<i32>} : memref<128x64xf32, #tpu.memory_space<vmem>>, vector<1x16xf32>,
          %parallel_loop3A_893 = arith.mulf %parallel_loop3A_874, %parallel_loop3A_474 : vector<16xf32>
          %parallel_loop3A_894 = arith.index_cast %parallel_loop3A_858 : i32 to index
          %parallel_loop3A_895 = arith.constant 48 : index
          %parallel_loop3A_896 = tpu.vector_load %arg11[%parallel_loop3A_894, %parallel_loop3A_895] {strides = array<i32>} : memref<128x64xf32, #tpu.memory_space<vmem>>, vector<1x16xf32>,
          %parallel_loop3A_897 = vector.shape_cast %parallel_loop3A_896 : vector<1x16xf32> to vector<16xf32>
          %parallel_loop3A_898 = vector.shape_cast %parallel_loop3A_893 : vector<16xf32> to vector<1x16xf32>
          tpu.vector_store %arg11[%parallel_loop3A_894, %parallel_loop3A_895], %parallel_loop3A_898 {strides = array<i32>} : memref<128x64xf32, #tpu.memory_space<vmem>>, vector<1x16xf32>,
          %parallel_loop3A_899 = arith.constant 16 : i32
          %parallel_loop3A_900 = arith.muli %parallel_loop3A_430, %parallel_loop3A_899 : i32
          %parallel_loop3A_901 = arith.constant 9 : i32
          %parallel_loop3A_902 = arith.addi %parallel_loop3A_900, %parallel_loop3A_901 : i32
          %parallel_loop3A_903 = arith.index_cast %parallel_loop3A_902 : i32 to index
          %parallel_loop3A_904 = arith.constant 0 : index
          %parallel_loop3A_905 = tpu.vector_load %arg11[%parallel_loop3A_903, %parallel_loop3A_904] {strides = array<i32>} : memref<128x64xf32, #tpu.memory_space<vmem>>, vector<1x16xf32>,
          %parallel_loop3A_906 = vector.shape_cast %parallel_loop3A_905 : vector<1x16xf32> to vector<16xf32>
          %parallel_loop3A_907 = arith.index_cast %parallel_loop3A_902 : i32 to index
          %parallel_loop3A_908 = arith.constant 16 : index
          %parallel_loop3A_909 = tpu.vector_load %arg11[%parallel_loop3A_907, %parallel_loop3A_908] {strides = array<i32>} : memref<128x64xf32, #tpu.memory_space<vmem>>, vector<1x16xf32>,
          %parallel_loop3A_910 = vector.shape_cast %parallel_loop3A_909 : vector<1x16xf32> to vector<16xf32>
          %parallel_loop3A_911 = arith.index_cast %parallel_loop3A_902 : i32 to index
          %parallel_loop3A_912 = arith.constant 32 : index
          %parallel_loop3A_913 = tpu.vector_load %arg11[%parallel_loop3A_911, %parallel_loop3A_912] {strides = array<i32>} : memref<128x64xf32, #tpu.memory_space<vmem>>, vector<1x16xf32>,
          %parallel_loop3A_914 = vector.shape_cast %parallel_loop3A_913 : vector<1x16xf32> to vector<16xf32>
          %parallel_loop3A_915 = arith.index_cast %parallel_loop3A_902 : i32 to index
          %parallel_loop3A_916 = arith.constant 48 : index
          %parallel_loop3A_917 = tpu.vector_load %arg11[%parallel_loop3A_915, %parallel_loop3A_916] {strides = array<i32>} : memref<128x64xf32, #tpu.memory_space<vmem>>, vector<1x16xf32>,
          %parallel_loop3A_918 = vector.shape_cast %parallel_loop3A_917 : vector<1x16xf32> to vector<16xf32>
          %parallel_loop3A_919 = arith.mulf %parallel_loop3A_906, %parallel_loop3A_478 : vector<16xf32>
          %parallel_loop3A_920 = arith.index_cast %parallel_loop3A_902 : i32 to index
          %parallel_loop3A_921 = arith.constant 0 : index
          %parallel_loop3A_922 = tpu.vector_load %arg11[%parallel_loop3A_920, %parallel_loop3A_921] {strides = array<i32>} : memref<128x64xf32, #tpu.memory_space<vmem>>, vector<1x16xf32>,
          %parallel_loop3A_923 = vector.shape_cast %parallel_loop3A_922 : vector<1x16xf32> to vector<16xf32>
          %parallel_loop3A_924 = vector.shape_cast %parallel_loop3A_919 : vector<16xf32> to vector<1x16xf32>
          tpu.vector_store %arg11[%parallel_loop3A_920, %parallel_loop3A_921], %parallel_loop3A_924 {strides = array<i32>} : memref<128x64xf32, #tpu.memory_space<vmem>>, vector<1x16xf32>,
          %parallel_loop3A_925 = arith.mulf %parallel_loop3A_910, %parallel_loop3A_478 : vector<16xf32>
          %parallel_loop3A_926 = arith.index_cast %parallel_loop3A_902 : i32 to index
          %parallel_loop3A_927 = arith.constant 16 : index
          %parallel_loop3A_928 = tpu.vector_load %arg11[%parallel_loop3A_926, %parallel_loop3A_927] {strides = array<i32>} : memref<128x64xf32, #tpu.memory_space<vmem>>, vector<1x16xf32>,
          %parallel_loop3A_929 = vector.shape_cast %parallel_loop3A_928 : vector<1x16xf32> to vector<16xf32>
          %parallel_loop3A_930 = vector.shape_cast %parallel_loop3A_925 : vector<16xf32> to vector<1x16xf32>
          tpu.vector_store %arg11[%parallel_loop3A_926, %parallel_loop3A_927], %parallel_loop3A_930 {strides = array<i32>} : memref<128x64xf32, #tpu.memory_space<vmem>>, vector<1x16xf32>,
          %parallel_loop3A_931 = arith.mulf %parallel_loop3A_914, %parallel_loop3A_478 : vector<16xf32>
          %parallel_loop3A_932 = arith.index_cast %parallel_loop3A_902 : i32 to index
          %parallel_loop3A_933 = arith.constant 32 : index
          %parallel_loop3A_934 = tpu.vector_load %arg11[%parallel_loop3A_932, %parallel_loop3A_933] {strides = array<i32>} : memref<128x64xf32, #tpu.memory_space<vmem>>, vector<1x16xf32>,
          %parallel_loop3A_935 = vector.shape_cast %parallel_loop3A_934 : vector<1x16xf32> to vector<16xf32>
          %parallel_loop3A_936 = vector.shape_cast %parallel_loop3A_931 : vector<16xf32> to vector<1x16xf32>
          tpu.vector_store %arg11[%parallel_loop3A_932, %parallel_loop3A_933], %parallel_loop3A_936 {strides = array<i32>} : memref<128x64xf32, #tpu.memory_space<vmem>>, vector<1x16xf32>,
          %parallel_loop3A_937 = arith.mulf %parallel_loop3A_918, %parallel_loop3A_478 : vector<16xf32>
          %parallel_loop3A_938 = arith.index_cast %parallel_loop3A_902 : i32 to index
          %parallel_loop3A_939 = arith.constant 48 : index
          %parallel_loop3A_940 = tpu.vector_load %arg11[%parallel_loop3A_938, %parallel_loop3A_939] {strides = array<i32>} : memref<128x64xf32, #tpu.memory_space<vmem>>, vector<1x16xf32>,
          %parallel_loop3A_941 = vector.shape_cast %parallel_loop3A_940 : vector<1x16xf32> to vector<16xf32>
          %parallel_loop3A_942 = vector.shape_cast %parallel_loop3A_937 : vector<16xf32> to vector<1x16xf32>
          tpu.vector_store %arg11[%parallel_loop3A_938, %parallel_loop3A_939], %parallel_loop3A_942 {strides = array<i32>} : memref<128x64xf32, #tpu.memory_space<vmem>>, vector<1x16xf32>,
          %parallel_loop3A_943 = arith.constant 16 : i32
          %parallel_loop3A_944 = arith.muli %parallel_loop3A_430, %parallel_loop3A_943 : i32
          %parallel_loop3A_945 = arith.constant 10 : i32
          %parallel_loop3A_946 = arith.addi %parallel_loop3A_944, %parallel_loop3A_945 : i32
          %parallel_loop3A_947 = arith.index_cast %parallel_loop3A_946 : i32 to index
          %parallel_loop3A_948 = arith.constant 0 : index
          %parallel_loop3A_949 = tpu.vector_load %arg11[%parallel_loop3A_947, %parallel_loop3A_948] {strides = array<i32>} : memref<128x64xf32, #tpu.memory_space<vmem>>, vector<1x16xf32>,
          %parallel_loop3A_950 = vector.shape_cast %parallel_loop3A_949 : vector<1x16xf32> to vector<16xf32>
          %parallel_loop3A_951 = arith.index_cast %parallel_loop3A_946 : i32 to index
          %parallel_loop3A_952 = arith.constant 16 : index
          %parallel_loop3A_953 = tpu.vector_load %arg11[%parallel_loop3A_951, %parallel_loop3A_952] {strides = array<i32>} : memref<128x64xf32, #tpu.memory_space<vmem>>, vector<1x16xf32>,
          %parallel_loop3A_954 = vector.shape_cast %parallel_loop3A_953 : vector<1x16xf32> to vector<16xf32>
          %parallel_loop3A_955 = arith.index_cast %parallel_loop3A_946 : i32 to index
          %parallel_loop3A_956 = arith.constant 32 : index
          %parallel_loop3A_957 = tpu.vector_load %arg11[%parallel_loop3A_955, %parallel_loop3A_956] {strides = array<i32>} : memref<128x64xf32, #tpu.memory_space<vmem>>, vector<1x16xf32>,
          %parallel_loop3A_958 = vector.shape_cast %parallel_loop3A_957 : vector<1x16xf32> to vector<16xf32>
          %parallel_loop3A_959 = arith.index_cast %parallel_loop3A_946 : i32 to index
          %parallel_loop3A_960 = arith.constant 48 : index
          %parallel_loop3A_961 = tpu.vector_load %arg11[%parallel_loop3A_959, %parallel_loop3A_960] {strides = array<i32>} : memref<128x64xf32, #tpu.memory_space<vmem>>, vector<1x16xf32>,
          %parallel_loop3A_962 = vector.shape_cast %parallel_loop3A_961 : vector<1x16xf32> to vector<16xf32>
          %parallel_loop3A_963 = arith.mulf %parallel_loop3A_950, %parallel_loop3A_482 : vector<16xf32>
          %parallel_loop3A_964 = arith.index_cast %parallel_loop3A_946 : i32 to index
          %parallel_loop3A_965 = arith.constant 0 : index
          %parallel_loop3A_966 = tpu.vector_load %arg11[%parallel_loop3A_964, %parallel_loop3A_965] {strides = array<i32>} : memref<128x64xf32, #tpu.memory_space<vmem>>, vector<1x16xf32>,
          %parallel_loop3A_967 = vector.shape_cast %parallel_loop3A_966 : vector<1x16xf32> to vector<16xf32>
          %parallel_loop3A_968 = vector.shape_cast %parallel_loop3A_963 : vector<16xf32> to vector<1x16xf32>
          tpu.vector_store %arg11[%parallel_loop3A_964, %parallel_loop3A_965], %parallel_loop3A_968 {strides = array<i32>} : memref<128x64xf32, #tpu.memory_space<vmem>>, vector<1x16xf32>,
          %parallel_loop3A_969 = arith.mulf %parallel_loop3A_954, %parallel_loop3A_482 : vector<16xf32>
          %parallel_loop3A_970 = arith.index_cast %parallel_loop3A_946 : i32 to index
          %parallel_loop3A_971 = arith.constant 16 : index
          %parallel_loop3A_972 = tpu.vector_load %arg11[%parallel_loop3A_970, %parallel_loop3A_971] {strides = array<i32>} : memref<128x64xf32, #tpu.memory_space<vmem>>, vector<1x16xf32>,
          %parallel_loop3A_973 = vector.shape_cast %parallel_loop3A_972 : vector<1x16xf32> to vector<16xf32>
          %parallel_loop3A_974 = vector.shape_cast %parallel_loop3A_969 : vector<16xf32> to vector<1x16xf32>
          tpu.vector_store %arg11[%parallel_loop3A_970, %parallel_loop3A_971], %parallel_loop3A_974 {strides = array<i32>} : memref<128x64xf32, #tpu.memory_space<vmem>>, vector<1x16xf32>,
          %parallel_loop3A_975 = arith.mulf %parallel_loop3A_958, %parallel_loop3A_482 : vector<16xf32>
          %parallel_loop3A_976 = arith.index_cast %parallel_loop3A_946 : i32 to index
          %parallel_loop3A_977 = arith.constant 32 : index
          %parallel_loop3A_978 = tpu.vector_load %arg11[%parallel_loop3A_976, %parallel_loop3A_977] {strides = array<i32>} : memref<128x64xf32, #tpu.memory_space<vmem>>, vector<1x16xf32>,
          %parallel_loop3A_979 = vector.shape_cast %parallel_loop3A_978 : vector<1x16xf32> to vector<16xf32>
          %parallel_loop3A_980 = vector.shape_cast %parallel_loop3A_975 : vector<16xf32> to vector<1x16xf32>
          tpu.vector_store %arg11[%parallel_loop3A_976, %parallel_loop3A_977], %parallel_loop3A_980 {strides = array<i32>} : memref<128x64xf32, #tpu.memory_space<vmem>>, vector<1x16xf32>,
          %parallel_loop3A_981 = arith.mulf %parallel_loop3A_962, %parallel_loop3A_482 : vector<16xf32>
          %parallel_loop3A_982 = arith.index_cast %parallel_loop3A_946 : i32 to index
          %parallel_loop3A_983 = arith.constant 48 : index
          %parallel_loop3A_984 = tpu.vector_load %arg11[%parallel_loop3A_982, %parallel_loop3A_983] {strides = array<i32>} : memref<128x64xf32, #tpu.memory_space<vmem>>, vector<1x16xf32>,
          %parallel_loop3A_985 = vector.shape_cast %parallel_loop3A_984 : vector<1x16xf32> to vector<16xf32>
          %parallel_loop3A_986 = vector.shape_cast %parallel_loop3A_981 : vector<16xf32> to vector<1x16xf32>
          tpu.vector_store %arg11[%parallel_loop3A_982, %parallel_loop3A_983], %parallel_loop3A_986 {strides = array<i32>} : memref<128x64xf32, #tpu.memory_space<vmem>>, vector<1x16xf32>,
          %parallel_loop3A_987 = arith.constant 16 : i32
          %parallel_loop3A_988 = arith.muli %parallel_loop3A_430, %parallel_loop3A_987 : i32
          %parallel_loop3A_989 = arith.constant 11 : i32
          %parallel_loop3A_990 = arith.addi %parallel_loop3A_988, %parallel_loop3A_989 : i32
          %parallel_loop3A_991 = arith.index_cast %parallel_loop3A_990 : i32 to index
          %parallel_loop3A_992 = arith.constant 0 : index
          %parallel_loop3A_993 = tpu.vector_load %arg11[%parallel_loop3A_991, %parallel_loop3A_992] {strides = array<i32>} : memref<128x64xf32, #tpu.memory_space<vmem>>, vector<1x16xf32>,
          %parallel_loop3A_994 = vector.shape_cast %parallel_loop3A_993 : vector<1x16xf32> to vector<16xf32>
          %parallel_loop3A_995 = arith.index_cast %parallel_loop3A_990 : i32 to index
          %parallel_loop3A_996 = arith.constant 16 : index
          %parallel_loop3A_997 = tpu.vector_load %arg11[%parallel_loop3A_995, %parallel_loop3A_996] {strides = array<i32>} : memref<128x64xf32, #tpu.memory_space<vmem>>, vector<1x16xf32>,
          %parallel_loop3A_998 = vector.shape_cast %parallel_loop3A_997 : vector<1x16xf32> to vector<16xf32>
          %parallel_loop3A_999 = arith.index_cast %parallel_loop3A_990 : i32 to index
          %parallel_loop3A_1000 = arith.constant 32 : index
          %parallel_loop3A_1001 = tpu.vector_load %arg11[%parallel_loop3A_999, %parallel_loop3A_1000] {strides = array<i32>} : memref<128x64xf32, #tpu.memory_space<vmem>>, vector<1x16xf32>,
          %parallel_loop3A_1002 = vector.shape_cast %parallel_loop3A_1001 : vector<1x16xf32> to vector<16xf32>
          %parallel_loop3A_1003 = arith.index_cast %parallel_loop3A_990 : i32 to index
          %parallel_loop3A_1004 = arith.constant 48 : index
          %parallel_loop3A_1005 = tpu.vector_load %arg11[%parallel_loop3A_1003, %parallel_loop3A_1004] {strides = array<i32>} : memref<128x64xf32, #tpu.memory_space<vmem>>, vector<1x16xf32>,
          %parallel_loop3A_1006 = vector.shape_cast %parallel_loop3A_1005 : vector<1x16xf32> to vector<16xf32>
          %parallel_loop3A_1007 = arith.mulf %parallel_loop3A_994, %parallel_loop3A_486 : vector<16xf32>
          %parallel_loop3A_1008 = arith.index_cast %parallel_loop3A_990 : i32 to index
          %parallel_loop3A_1009 = arith.constant 0 : index
          %parallel_loop3A_1010 = tpu.vector_load %arg11[%parallel_loop3A_1008, %parallel_loop3A_1009] {strides = array<i32>} : memref<128x64xf32, #tpu.memory_space<vmem>>, vector<1x16xf32>,
          %parallel_loop3A_1011 = vector.shape_cast %parallel_loop3A_1010 : vector<1x16xf32> to vector<16xf32>
          %parallel_loop3A_1012 = vector.shape_cast %parallel_loop3A_1007 : vector<16xf32> to vector<1x16xf32>
          tpu.vector_store %arg11[%parallel_loop3A_1008, %parallel_loop3A_1009], %parallel_loop3A_1012 {strides = array<i32>} : memref<128x64xf32, #tpu.memory_space<vmem>>, vector<1x16xf32>,
          %parallel_loop3A_1013 = arith.mulf %parallel_loop3A_998, %parallel_loop3A_486 : vector<16xf32>
          %parallel_loop3A_1014 = arith.index_cast %parallel_loop3A_990 : i32 to index
          %parallel_loop3A_1015 = arith.constant 16 : index
          %parallel_loop3A_1016 = tpu.vector_load %arg11[%parallel_loop3A_1014, %parallel_loop3A_1015] {strides = array<i32>} : memref<128x64xf32, #tpu.memory_space<vmem>>, vector<1x16xf32>,
          %parallel_loop3A_1017 = vector.shape_cast %parallel_loop3A_1016 : vector<1x16xf32> to vector<16xf32>
          %parallel_loop3A_1018 = vector.shape_cast %parallel_loop3A_1013 : vector<16xf32> to vector<1x16xf32>
          tpu.vector_store %arg11[%parallel_loop3A_1014, %parallel_loop3A_1015], %parallel_loop3A_1018 {strides = array<i32>} : memref<128x64xf32, #tpu.memory_space<vmem>>, vector<1x16xf32>,
          %parallel_loop3A_1019 = arith.mulf %parallel_loop3A_1002, %parallel_loop3A_486 : vector<16xf32>
          %parallel_loop3A_1020 = arith.index_cast %parallel_loop3A_990 : i32 to index
          %parallel_loop3A_1021 = arith.constant 32 : index
          %parallel_loop3A_1022 = tpu.vector_load %arg11[%parallel_loop3A_1020, %parallel_loop3A_1021] {strides = array<i32>} : memref<128x64xf32, #tpu.memory_space<vmem>>, vector<1x16xf32>,
          %parallel_loop3A_1023 = vector.shape_cast %parallel_loop3A_1022 : vector<1x16xf32> to vector<16xf32>
          %parallel_loop3A_1024 = vector.shape_cast %parallel_loop3A_1019 : vector<16xf32> to vector<1x16xf32>
          tpu.vector_store %arg11[%parallel_loop3A_1020, %parallel_loop3A_1021], %parallel_loop3A_1024 {strides = array<i32>} : memref<128x64xf32, #tpu.memory_space<vmem>>, vector<1x16xf32>,
          %parallel_loop3A_1025 = arith.mulf %parallel_loop3A_1006, %parallel_loop3A_486 : vector<16xf32>
          %parallel_loop3A_1026 = arith.index_cast %parallel_loop3A_990 : i32 to index
          %parallel_loop3A_1027 = arith.constant 48 : index
          %parallel_loop3A_1028 = tpu.vector_load %arg11[%parallel_loop3A_1026, %parallel_loop3A_1027] {strides = array<i32>} : memref<128x64xf32, #tpu.memory_space<vmem>>, vector<1x16xf32>,
          %parallel_loop3A_1029 = vector.shape_cast %parallel_loop3A_1028 : vector<1x16xf32> to vector<16xf32>
          %parallel_loop3A_1030 = vector.shape_cast %parallel_loop3A_1025 : vector<16xf32> to vector<1x16xf32>
          tpu.vector_store %arg11[%parallel_loop3A_1026, %parallel_loop3A_1027], %parallel_loop3A_1030 {strides = array<i32>} : memref<128x64xf32, #tpu.memory_space<vmem>>, vector<1x16xf32>,
          %parallel_loop3A_1031 = arith.constant 16 : i32
          %parallel_loop3A_1032 = arith.muli %parallel_loop3A_430, %parallel_loop3A_1031 : i32
          %parallel_loop3A_1033 = arith.constant 12 : i32
          %parallel_loop3A_1034 = arith.addi %parallel_loop3A_1032, %parallel_loop3A_1033 : i32
          %parallel_loop3A_1035 = arith.index_cast %parallel_loop3A_1034 : i32 to index
          %parallel_loop3A_1036 = arith.constant 0 : index
          %parallel_loop3A_1037 = tpu.vector_load %arg11[%parallel_loop3A_1035, %parallel_loop3A_1036] {strides = array<i32>} : memref<128x64xf32, #tpu.memory_space<vmem>>, vector<1x16xf32>,
          %parallel_loop3A_1038 = vector.shape_cast %parallel_loop3A_1037 : vector<1x16xf32> to vector<16xf32>
          %parallel_loop3A_1039 = arith.index_cast %parallel_loop3A_1034 : i32 to index
          %parallel_loop3A_1040 = arith.constant 16 : index
          %parallel_loop3A_1041 = tpu.vector_load %arg11[%parallel_loop3A_1039, %parallel_loop3A_1040] {strides = array<i32>} : memref<128x64xf32, #tpu.memory_space<vmem>>, vector<1x16xf32>,
          %parallel_loop3A_1042 = vector.shape_cast %parallel_loop3A_1041 : vector<1x16xf32> to vector<16xf32>
          %parallel_loop3A_1043 = arith.index_cast %parallel_loop3A_1034 : i32 to index
          %parallel_loop3A_1044 = arith.constant 32 : index
          %parallel_loop3A_1045 = tpu.vector_load %arg11[%parallel_loop3A_1043, %parallel_loop3A_1044] {strides = array<i32>} : memref<128x64xf32, #tpu.memory_space<vmem>>, vector<1x16xf32>,
          %parallel_loop3A_1046 = vector.shape_cast %parallel_loop3A_1045 : vector<1x16xf32> to vector<16xf32>
          %parallel_loop3A_1047 = arith.index_cast %parallel_loop3A_1034 : i32 to index
          %parallel_loop3A_1048 = arith.constant 48 : index
          %parallel_loop3A_1049 = tpu.vector_load %arg11[%parallel_loop3A_1047, %parallel_loop3A_1048] {strides = array<i32>} : memref<128x64xf32, #tpu.memory_space<vmem>>, vector<1x16xf32>,
          %parallel_loop3A_1050 = vector.shape_cast %parallel_loop3A_1049 : vector<1x16xf32> to vector<16xf32>
          %parallel_loop3A_1051 = arith.mulf %parallel_loop3A_1038, %parallel_loop3A_490 : vector<16xf32>
          %parallel_loop3A_1052 = arith.index_cast %parallel_loop3A_1034 : i32 to index
          %parallel_loop3A_1053 = arith.constant 0 : index
          %parallel_loop3A_1054 = tpu.vector_load %arg11[%parallel_loop3A_1052, %parallel_loop3A_1053] {strides = array<i32>} : memref<128x64xf32, #tpu.memory_space<vmem>>, vector<1x16xf32>,
          %parallel_loop3A_1055 = vector.shape_cast %parallel_loop3A_1054 : vector<1x16xf32> to vector<16xf32>
          %parallel_loop3A_1056 = vector.shape_cast %parallel_loop3A_1051 : vector<16xf32> to vector<1x16xf32>
          tpu.vector_store %arg11[%parallel_loop3A_1052, %parallel_loop3A_1053], %parallel_loop3A_1056 {strides = array<i32>} : memref<128x64xf32, #tpu.memory_space<vmem>>, vector<1x16xf32>,
          %parallel_loop3A_1057 = arith.mulf %parallel_loop3A_1042, %parallel_loop3A_490 : vector<16xf32>
          %parallel_loop3A_1058 = arith.index_cast %parallel_loop3A_1034 : i32 to index
          %parallel_loop3A_1059 = arith.constant 16 : index
          %parallel_loop3A_1060 = tpu.vector_load %arg11[%parallel_loop3A_1058, %parallel_loop3A_1059] {strides = array<i32>} : memref<128x64xf32, #tpu.memory_space<vmem>>, vector<1x16xf32>,
          %parallel_loop3A_1061 = vector.shape_cast %parallel_loop3A_1060 : vector<1x16xf32> to vector<16xf32>
          %parallel_loop3A_1062 = vector.shape_cast %parallel_loop3A_1057 : vector<16xf32> to vector<1x16xf32>
          tpu.vector_store %arg11[%parallel_loop3A_1058, %parallel_loop3A_1059], %parallel_loop3A_1062 {strides = array<i32>} : memref<128x64xf32, #tpu.memory_space<vmem>>, vector<1x16xf32>,
          %parallel_loop3A_1063 = arith.mulf %parallel_loop3A_1046, %parallel_loop3A_490 : vector<16xf32>
          %parallel_loop3A_1064 = arith.index_cast %parallel_loop3A_1034 : i32 to index
          %parallel_loop3A_1065 = arith.constant 32 : index
          %parallel_loop3A_1066 = tpu.vector_load %arg11[%parallel_loop3A_1064, %parallel_loop3A_1065] {strides = array<i32>} : memref<128x64xf32, #tpu.memory_space<vmem>>, vector<1x16xf32>,
          %parallel_loop3A_1067 = vector.shape_cast %parallel_loop3A_1066 : vector<1x16xf32> to vector<16xf32>
          %parallel_loop3A_1068 = vector.shape_cast %parallel_loop3A_1063 : vector<16xf32> to vector<1x16xf32>
          tpu.vector_store %arg11[%parallel_loop3A_1064, %parallel_loop3A_1065], %parallel_loop3A_1068 {strides = array<i32>} : memref<128x64xf32, #tpu.memory_space<vmem>>, vector<1x16xf32>,
          %parallel_loop3A_1069 = arith.mulf %parallel_loop3A_1050, %parallel_loop3A_490 : vector<16xf32>
          %parallel_loop3A_1070 = arith.index_cast %parallel_loop3A_1034 : i32 to index
          %parallel_loop3A_1071 = arith.constant 48 : index
          %parallel_loop3A_1072 = tpu.vector_load %arg11[%parallel_loop3A_1070, %parallel_loop3A_1071] {strides = array<i32>} : memref<128x64xf32, #tpu.memory_space<vmem>>, vector<1x16xf32>,
          %parallel_loop3A_1073 = vector.shape_cast %parallel_loop3A_1072 : vector<1x16xf32> to vector<16xf32>
          %parallel_loop3A_1074 = vector.shape_cast %parallel_loop3A_1069 : vector<16xf32> to vector<1x16xf32>
          tpu.vector_store %arg11[%parallel_loop3A_1070, %parallel_loop3A_1071], %parallel_loop3A_1074 {strides = array<i32>} : memref<128x64xf32, #tpu.memory_space<vmem>>, vector<1x16xf32>,
          %parallel_loop3A_1075 = arith.constant 16 : i32
          %parallel_loop3A_1076 = arith.muli %parallel_loop3A_430, %parallel_loop3A_1075 : i32
          %parallel_loop3A_1077 = arith.constant 13 : i32
          %parallel_loop3A_1078 = arith.addi %parallel_loop3A_1076, %parallel_loop3A_1077 : i32
          %parallel_loop3A_1079 = arith.index_cast %parallel_loop3A_1078 : i32 to index
          %parallel_loop3A_1080 = arith.constant 0 : index
          %parallel_loop3A_1081 = tpu.vector_load %arg11[%parallel_loop3A_1079, %parallel_loop3A_1080] {strides = array<i32>} : memref<128x64xf32, #tpu.memory_space<vmem>>, vector<1x16xf32>,
          %parallel_loop3A_1082 = vector.shape_cast %parallel_loop3A_1081 : vector<1x16xf32> to vector<16xf32>
          %parallel_loop3A_1083 = arith.index_cast %parallel_loop3A_1078 : i32 to index
          %parallel_loop3A_1084 = arith.constant 16 : index
          %parallel_loop3A_1085 = tpu.vector_load %arg11[%parallel_loop3A_1083, %parallel_loop3A_1084] {strides = array<i32>} : memref<128x64xf32, #tpu.memory_space<vmem>>, vector<1x16xf32>,
          %parallel_loop3A_1086 = vector.shape_cast %parallel_loop3A_1085 : vector<1x16xf32> to vector<16xf32>
          %parallel_loop3A_1087 = arith.index_cast %parallel_loop3A_1078 : i32 to index
          %parallel_loop3A_1088 = arith.constant 32 : index
          %parallel_loop3A_1089 = tpu.vector_load %arg11[%parallel_loop3A_1087, %parallel_loop3A_1088] {strides = array<i32>} : memref<128x64xf32, #tpu.memory_space<vmem>>, vector<1x16xf32>,
          %parallel_loop3A_1090 = vector.shape_cast %parallel_loop3A_1089 : vector<1x16xf32> to vector<16xf32>
          %parallel_loop3A_1091 = arith.index_cast %parallel_loop3A_1078 : i32 to index
          %parallel_loop3A_1092 = arith.constant 48 : index
          %parallel_loop3A_1093 = tpu.vector_load %arg11[%parallel_loop3A_1091, %parallel_loop3A_1092] {strides = array<i32>} : memref<128x64xf32, #tpu.memory_space<vmem>>, vector<1x16xf32>,
          %parallel_loop3A_1094 = vector.shape_cast %parallel_loop3A_1093 : vector<1x16xf32> to vector<16xf32>
          %parallel_loop3A_1095 = arith.mulf %parallel_loop3A_1082, %parallel_loop3A_494 : vector<16xf32>
          %parallel_loop3A_1096 = arith.index_cast %parallel_loop3A_1078 : i32 to index
          %parallel_loop3A_1097 = arith.constant 0 : index
          %parallel_loop3A_1098 = tpu.vector_load %arg11[%parallel_loop3A_1096, %parallel_loop3A_1097] {strides = array<i32>} : memref<128x64xf32, #tpu.memory_space<vmem>>, vector<1x16xf32>,
          %parallel_loop3A_1099 = vector.shape_cast %parallel_loop3A_1098 : vector<1x16xf32> to vector<16xf32>
          %parallel_loop3A_1100 = vector.shape_cast %parallel_loop3A_1095 : vector<16xf32> to vector<1x16xf32>
          tpu.vector_store %arg11[%parallel_loop3A_1096, %parallel_loop3A_1097], %parallel_loop3A_1100 {strides = array<i32>} : memref<128x64xf32, #tpu.memory_space<vmem>>, vector<1x16xf32>,
          %parallel_loop3A_1101 = arith.mulf %parallel_loop3A_1086, %parallel_loop3A_494 : vector<16xf32>
          %parallel_loop3A_1102 = arith.index_cast %parallel_loop3A_1078 : i32 to index
          %parallel_loop3A_1103 = arith.constant 16 : index
          %parallel_loop3A_1104 = tpu.vector_load %arg11[%parallel_loop3A_1102, %parallel_loop3A_1103] {strides = array<i32>} : memref<128x64xf32, #tpu.memory_space<vmem>>, vector<1x16xf32>,
          %parallel_loop3A_1105 = vector.shape_cast %parallel_loop3A_1104 : vector<1x16xf32> to vector<16xf32>
          %parallel_loop3A_1106 = vector.shape_cast %parallel_loop3A_1101 : vector<16xf32> to vector<1x16xf32>
          tpu.vector_store %arg11[%parallel_loop3A_1102, %parallel_loop3A_1103], %parallel_loop3A_1106 {strides = array<i32>} : memref<128x64xf32, #tpu.memory_space<vmem>>, vector<1x16xf32>,
          %parallel_loop3A_1107 = arith.mulf %parallel_loop3A_1090, %parallel_loop3A_494 : vector<16xf32>
          %parallel_loop3A_1108 = arith.index_cast %parallel_loop3A_1078 : i32 to index
          %parallel_loop3A_1109 = arith.constant 32 : index
          %parallel_loop3A_1110 = tpu.vector_load %arg11[%parallel_loop3A_1108, %parallel_loop3A_1109] {strides = array<i32>} : memref<128x64xf32, #tpu.memory_space<vmem>>, vector<1x16xf32>,
          %parallel_loop3A_1111 = vector.shape_cast %parallel_loop3A_1110 : vector<1x16xf32> to vector<16xf32>
          %parallel_loop3A_1112 = vector.shape_cast %parallel_loop3A_1107 : vector<16xf32> to vector<1x16xf32>
          tpu.vector_store %arg11[%parallel_loop3A_1108, %parallel_loop3A_1109], %parallel_loop3A_1112 {strides = array<i32>} : memref<128x64xf32, #tpu.memory_space<vmem>>, vector<1x16xf32>,
          %parallel_loop3A_1113 = arith.mulf %parallel_loop3A_1094, %parallel_loop3A_494 : vector<16xf32>
          %parallel_loop3A_1114 = arith.index_cast %parallel_loop3A_1078 : i32 to index
          %parallel_loop3A_1115 = arith.constant 48 : index
          %parallel_loop3A_1116 = tpu.vector_load %arg11[%parallel_loop3A_1114, %parallel_loop3A_1115] {strides = array<i32>} : memref<128x64xf32, #tpu.memory_space<vmem>>, vector<1x16xf32>,
          %parallel_loop3A_1117 = vector.shape_cast %parallel_loop3A_1116 : vector<1x16xf32> to vector<16xf32>
          %parallel_loop3A_1118 = vector.shape_cast %parallel_loop3A_1113 : vector<16xf32> to vector<1x16xf32>
          tpu.vector_store %arg11[%parallel_loop3A_1114, %parallel_loop3A_1115], %parallel_loop3A_1118 {strides = array<i32>} : memref<128x64xf32, #tpu.memory_space<vmem>>, vector<1x16xf32>,
          %parallel_loop3A_1119 = arith.constant 16 : i32
          %parallel_loop3A_1120 = arith.muli %parallel_loop3A_430, %parallel_loop3A_1119 : i32
          %parallel_loop3A_1121 = arith.constant 14 : i32
          %parallel_loop3A_1122 = arith.addi %parallel_loop3A_1120, %parallel_loop3A_1121 : i32
          %parallel_loop3A_1123 = arith.index_cast %parallel_loop3A_1122 : i32 to index
          %parallel_loop3A_1124 = arith.constant 0 : index
          %parallel_loop3A_1125 = tpu.vector_load %arg11[%parallel_loop3A_1123, %parallel_loop3A_1124] {strides = array<i32>} : memref<128x64xf32, #tpu.memory_space<vmem>>, vector<1x16xf32>,
          %parallel_loop3A_1126 = vector.shape_cast %parallel_loop3A_1125 : vector<1x16xf32> to vector<16xf32>
          %parallel_loop3A_1127 = arith.index_cast %parallel_loop3A_1122 : i32 to index
          %parallel_loop3A_1128 = arith.constant 16 : index
          %parallel_loop3A_1129 = tpu.vector_load %arg11[%parallel_loop3A_1127, %parallel_loop3A_1128] {strides = array<i32>} : memref<128x64xf32, #tpu.memory_space<vmem>>, vector<1x16xf32>,
          %parallel_loop3A_1130 = vector.shape_cast %parallel_loop3A_1129 : vector<1x16xf32> to vector<16xf32>
          %parallel_loop3A_1131 = arith.index_cast %parallel_loop3A_1122 : i32 to index
          %parallel_loop3A_1132 = arith.constant 32 : index
          %parallel_loop3A_1133 = tpu.vector_load %arg11[%parallel_loop3A_1131, %parallel_loop3A_1132] {strides = array<i32>} : memref<128x64xf32, #tpu.memory_space<vmem>>, vector<1x16xf32>,
          %parallel_loop3A_1134 = vector.shape_cast %parallel_loop3A_1133 : vector<1x16xf32> to vector<16xf32>
          %parallel_loop3A_1135 = arith.index_cast %parallel_loop3A_1122 : i32 to index
          %parallel_loop3A_1136 = arith.constant 48 : index
          %parallel_loop3A_1137 = tpu.vector_load %arg11[%parallel_loop3A_1135, %parallel_loop3A_1136] {strides = array<i32>} : memref<128x64xf32, #tpu.memory_space<vmem>>, vector<1x16xf32>,
          %parallel_loop3A_1138 = vector.shape_cast %parallel_loop3A_1137 : vector<1x16xf32> to vector<16xf32>
          %parallel_loop3A_1139 = arith.mulf %parallel_loop3A_1126, %parallel_loop3A_498 : vector<16xf32>
          %parallel_loop3A_1140 = arith.index_cast %parallel_loop3A_1122 : i32 to index
          %parallel_loop3A_1141 = arith.constant 0 : index
          %parallel_loop3A_1142 = tpu.vector_load %arg11[%parallel_loop3A_1140, %parallel_loop3A_1141] {strides = array<i32>} : memref<128x64xf32, #tpu.memory_space<vmem>>, vector<1x16xf32>,
          %parallel_loop3A_1143 = vector.shape_cast %parallel_loop3A_1142 : vector<1x16xf32> to vector<16xf32>
          %parallel_loop3A_1144 = vector.shape_cast %parallel_loop3A_1139 : vector<16xf32> to vector<1x16xf32>
          tpu.vector_store %arg11[%parallel_loop3A_1140, %parallel_loop3A_1141], %parallel_loop3A_1144 {strides = array<i32>} : memref<128x64xf32, #tpu.memory_space<vmem>>, vector<1x16xf32>,
          %parallel_loop3A_1145 = arith.mulf %parallel_loop3A_1130, %parallel_loop3A_498 : vector<16xf32>
          %parallel_loop3A_1146 = arith.index_cast %parallel_loop3A_1122 : i32 to index
          %parallel_loop3A_1147 = arith.constant 16 : index
          %parallel_loop3A_1148 = tpu.vector_load %arg11[%parallel_loop3A_1146, %parallel_loop3A_1147] {strides = array<i32>} : memref<128x64xf32, #tpu.memory_space<vmem>>, vector<1x16xf32>,
          %parallel_loop3A_1149 = vector.shape_cast %parallel_loop3A_1148 : vector<1x16xf32> to vector<16xf32>
          %parallel_loop3A_1150 = vector.shape_cast %parallel_loop3A_1145 : vector<16xf32> to vector<1x16xf32>
          tpu.vector_store %arg11[%parallel_loop3A_1146, %parallel_loop3A_1147], %parallel_loop3A_1150 {strides = array<i32>} : memref<128x64xf32, #tpu.memory_space<vmem>>, vector<1x16xf32>,
          %parallel_loop3A_1151 = arith.mulf %parallel_loop3A_1134, %parallel_loop3A_498 : vector<16xf32>
          %parallel_loop3A_1152 = arith.index_cast %parallel_loop3A_1122 : i32 to index
          %parallel_loop3A_1153 = arith.constant 32 : index
          %parallel_loop3A_1154 = tpu.vector_load %arg11[%parallel_loop3A_1152, %parallel_loop3A_1153] {strides = array<i32>} : memref<128x64xf32, #tpu.memory_space<vmem>>, vector<1x16xf32>,
          %parallel_loop3A_1155 = vector.shape_cast %parallel_loop3A_1154 : vector<1x16xf32> to vector<16xf32>
          %parallel_loop3A_1156 = vector.shape_cast %parallel_loop3A_1151 : vector<16xf32> to vector<1x16xf32>
          tpu.vector_store %arg11[%parallel_loop3A_1152, %parallel_loop3A_1153], %parallel_loop3A_1156 {strides = array<i32>} : memref<128x64xf32, #tpu.memory_space<vmem>>, vector<1x16xf32>,
          %parallel_loop3A_1157 = arith.mulf %parallel_loop3A_1138, %parallel_loop3A_498 : vector<16xf32>
          %parallel_loop3A_1158 = arith.index_cast %parallel_loop3A_1122 : i32 to index
          %parallel_loop3A_1159 = arith.constant 48 : index
          %parallel_loop3A_1160 = tpu.vector_load %arg11[%parallel_loop3A_1158, %parallel_loop3A_1159] {strides = array<i32>} : memref<128x64xf32, #tpu.memory_space<vmem>>, vector<1x16xf32>,
          %parallel_loop3A_1161 = vector.shape_cast %parallel_loop3A_1160 : vector<1x16xf32> to vector<16xf32>
          %parallel_loop3A_1162 = vector.shape_cast %parallel_loop3A_1157 : vector<16xf32> to vector<1x16xf32>
          tpu.vector_store %arg11[%parallel_loop3A_1158, %parallel_loop3A_1159], %parallel_loop3A_1162 {strides = array<i32>} : memref<128x64xf32, #tpu.memory_space<vmem>>, vector<1x16xf32>,
          %parallel_loop3A_1163 = arith.constant 16 : i32
          %parallel_loop3A_1164 = arith.muli %parallel_loop3A_430, %parallel_loop3A_1163 : i32
          %parallel_loop3A_1165 = arith.constant 15 : i32
          %parallel_loop3A_1166 = arith.addi %parallel_loop3A_1164, %parallel_loop3A_1165 : i32
          %parallel_loop3A_1167 = arith.index_cast %parallel_loop3A_1166 : i32 to index
          %parallel_loop3A_1168 = arith.constant 0 : index
          %parallel_loop3A_1169 = tpu.vector_load %arg11[%parallel_loop3A_1167, %parallel_loop3A_1168] {strides = array<i32>} : memref<128x64xf32, #tpu.memory_space<vmem>>, vector<1x16xf32>,
          %parallel_loop3A_1170 = vector.shape_cast %parallel_loop3A_1169 : vector<1x16xf32> to vector<16xf32>
          %parallel_loop3A_1171 = arith.index_cast %parallel_loop3A_1166 : i32 to index
          %parallel_loop3A_1172 = arith.constant 16 : index
          %parallel_loop3A_1173 = tpu.vector_load %arg11[%parallel_loop3A_1171, %parallel_loop3A_1172] {strides = array<i32>} : memref<128x64xf32, #tpu.memory_space<vmem>>, vector<1x16xf32>,
          %parallel_loop3A_1174 = vector.shape_cast %parallel_loop3A_1173 : vector<1x16xf32> to vector<16xf32>
          %parallel_loop3A_1175 = arith.index_cast %parallel_loop3A_1166 : i32 to index
          %parallel_loop3A_1176 = arith.constant 32 : index
          %parallel_loop3A_1177 = tpu.vector_load %arg11[%parallel_loop3A_1175, %parallel_loop3A_1176] {strides = array<i32>} : memref<128x64xf32, #tpu.memory_space<vmem>>, vector<1x16xf32>,
          %parallel_loop3A_1178 = vector.shape_cast %parallel_loop3A_1177 : vector<1x16xf32> to vector<16xf32>
          %parallel_loop3A_1179 = arith.index_cast %parallel_loop3A_1166 : i32 to index
          %parallel_loop3A_1180 = arith.constant 48 : index
          %parallel_loop3A_1181 = tpu.vector_load %arg11[%parallel_loop3A_1179, %parallel_loop3A_1180] {strides = array<i32>} : memref<128x64xf32, #tpu.memory_space<vmem>>, vector<1x16xf32>,
          %parallel_loop3A_1182 = vector.shape_cast %parallel_loop3A_1181 : vector<1x16xf32> to vector<16xf32>
          %parallel_loop3A_1183 = arith.mulf %parallel_loop3A_1170, %parallel_loop3A_502 : vector<16xf32>
          %parallel_loop3A_1184 = arith.index_cast %parallel_loop3A_1166 : i32 to index
          %parallel_loop3A_1185 = arith.constant 0 : index
          %parallel_loop3A_1186 = tpu.vector_load %arg11[%parallel_loop3A_1184, %parallel_loop3A_1185] {strides = array<i32>} : memref<128x64xf32, #tpu.memory_space<vmem>>, vector<1x16xf32>,
          %parallel_loop3A_1187 = vector.shape_cast %parallel_loop3A_1186 : vector<1x16xf32> to vector<16xf32>
          %parallel_loop3A_1188 = vector.shape_cast %parallel_loop3A_1183 : vector<16xf32> to vector<1x16xf32>
          tpu.vector_store %arg11[%parallel_loop3A_1184, %parallel_loop3A_1185], %parallel_loop3A_1188 {strides = array<i32>} : memref<128x64xf32, #tpu.memory_space<vmem>>, vector<1x16xf32>,
          %parallel_loop3A_1189 = arith.mulf %parallel_loop3A_1174, %parallel_loop3A_502 : vector<16xf32>
          %parallel_loop3A_1190 = arith.index_cast %parallel_loop3A_1166 : i32 to index
          %parallel_loop3A_1191 = arith.constant 16 : index
          %parallel_loop3A_1192 = tpu.vector_load %arg11[%parallel_loop3A_1190, %parallel_loop3A_1191] {strides = array<i32>} : memref<128x64xf32, #tpu.memory_space<vmem>>, vector<1x16xf32>,
          %parallel_loop3A_1193 = vector.shape_cast %parallel_loop3A_1192 : vector<1x16xf32> to vector<16xf32>
          %parallel_loop3A_1194 = vector.shape_cast %parallel_loop3A_1189 : vector<16xf32> to vector<1x16xf32>
          tpu.vector_store %arg11[%parallel_loop3A_1190, %parallel_loop3A_1191], %parallel_loop3A_1194 {strides = array<i32>} : memref<128x64xf32, #tpu.memory_space<vmem>>, vector<1x16xf32>,
          %parallel_loop3A_1195 = arith.mulf %parallel_loop3A_1178, %parallel_loop3A_502 : vector<16xf32>
          %parallel_loop3A_1196 = arith.index_cast %parallel_loop3A_1166 : i32 to index
          %parallel_loop3A_1197 = arith.constant 32 : index
          %parallel_loop3A_1198 = tpu.vector_load %arg11[%parallel_loop3A_1196, %parallel_loop3A_1197] {strides = array<i32>} : memref<128x64xf32, #tpu.memory_space<vmem>>, vector<1x16xf32>,
          %parallel_loop3A_1199 = vector.shape_cast %parallel_loop3A_1198 : vector<1x16xf32> to vector<16xf32>
          %parallel_loop3A_1200 = vector.shape_cast %parallel_loop3A_1195 : vector<16xf32> to vector<1x16xf32>
          tpu.vector_store %arg11[%parallel_loop3A_1196, %parallel_loop3A_1197], %parallel_loop3A_1200 {strides = array<i32>} : memref<128x64xf32, #tpu.memory_space<vmem>>, vector<1x16xf32>,
          %parallel_loop3A_1201 = arith.mulf %parallel_loop3A_1182, %parallel_loop3A_502 : vector<16xf32>
          %parallel_loop3A_1202 = arith.index_cast %parallel_loop3A_1166 : i32 to index
          %parallel_loop3A_1203 = arith.constant 48 : index
          %parallel_loop3A_1204 = tpu.vector_load %arg11[%parallel_loop3A_1202, %parallel_loop3A_1203] {strides = array<i32>} : memref<128x64xf32, #tpu.memory_space<vmem>>, vector<1x16xf32>,
          %parallel_loop3A_1205 = vector.shape_cast %parallel_loop3A_1204 : vector<1x16xf32> to vector<16xf32>
          %parallel_loop3A_1206 = vector.shape_cast %parallel_loop3A_1201 : vector<16xf32> to vector<1x16xf32>
          tpu.vector_store %arg11[%parallel_loop3A_1202, %parallel_loop3A_1203], %parallel_loop3A_1206 {strides = array<i32>} : memref<128x64xf32, #tpu.memory_space<vmem>>, vector<1x16xf32>,
        } {sc.loop_unroll_factor = 1 : i64, sc.parallel_access}
        %mul3A_317 = arith.constant 128 : i32
        %mul3A_318 = arith.muli %add3A_310, %mul3A_317 : i32
        %add3A_319 = arith.constant 0 : i32
        %add3A_320 = arith.addi %mul3A_318, %add3A_319 : i32
        %get3A_321 = arith.index_cast %add3A_320 : i32 to index
        %get3A_322 = tpu.vector_load %arg8[%get3A_321] {strides = array<i32>} : memref<6400xi32, #tpu.memory_space<vmem>>, vector<16xi32>,
        %get3A_323 = vector.shape_cast %get3A_322 : vector<16xi32> to vector<16xi32>
        %mul3A_324 = arith.constant 128 : i32
        %mul3A_325 = arith.muli %add3A_310, %mul3A_324 : i32
        %add3A_326 = arith.constant 16 : i32
        %add3A_327 = arith.addi %mul3A_325, %add3A_326 : i32
        %get3A_328 = arith.index_cast %add3A_327 : i32 to index
        %get3A_329 = tpu.vector_load %arg8[%get3A_328] {strides = array<i32>} : memref<6400xi32, #tpu.memory_space<vmem>>, vector<16xi32>,
        %get3A_330 = vector.shape_cast %get3A_329 : vector<16xi32> to vector<16xi32>
        %mul3A_331 = arith.constant 128 : i32
        %mul3A_332 = arith.muli %add3A_310, %mul3A_331 : i32
        %add3A_333 = arith.constant 32 : i32
        %add3A_334 = arith.addi %mul3A_332, %add3A_333 : i32
        %get3A_335 = arith.index_cast %add3A_334 : i32 to index
        %get3A_336 = tpu.vector_load %arg8[%get3A_335] {strides = array<i32>} : memref<6400xi32, #tpu.memory_space<vmem>>, vector<16xi32>,
        %get3A_337 = vector.shape_cast %get3A_336 : vector<16xi32> to vector<16xi32>
        %mul3A_338 = arith.constant 128 : i32
        %mul3A_339 = arith.muli %add3A_310, %mul3A_338 : i32
        %add3A_340 = arith.constant 48 : i32
        %add3A_341 = arith.addi %mul3A_339, %add3A_340 : i32
        %get3A_342 = arith.index_cast %add3A_341 : i32 to index
        %get3A_343 = tpu.vector_load %arg8[%get3A_342] {strides = array<i32>} : memref<6400xi32, #tpu.memory_space<vmem>>, vector<16xi32>,
        %get3A_344 = vector.shape_cast %get3A_343 : vector<16xi32> to vector<16xi32>
        %mul3A_345 = arith.constant 128 : i32
        %mul3A_346 = arith.muli %add3A_310, %mul3A_345 : i32
        %add3A_347 = arith.constant 64 : i32
        %add3A_348 = arith.addi %mul3A_346, %add3A_347 : i32
        %get3A_349 = arith.index_cast %add3A_348 : i32 to index
        %get3A_350 = tpu.vector_load %arg8[%get3A_349] {strides = array<i32>} : memref<6400xi32, #tpu.memory_space<vmem>>, vector<16xi32>,
        %get3A_351 = vector.shape_cast %get3A_350 : vector<16xi32> to vector<16xi32>
        %mul3A_352 = arith.constant 128 : i32
        %mul3A_353 = arith.muli %add3A_310, %mul3A_352 : i32
        %add3A_354 = arith.constant 80 : i32
        %add3A_355 = arith.addi %mul3A_353, %add3A_354 : i32
        %get3A_356 = arith.index_cast %add3A_355 : i32 to index
        %get3A_357 = tpu.vector_load %arg8[%get3A_356] {strides = array<i32>} : memref<6400xi32, #tpu.memory_space<vmem>>, vector<16xi32>,
        %get3A_358 = vector.shape_cast %get3A_357 : vector<16xi32> to vector<16xi32>
        %mul3A_359 = arith.constant 128 : i32
        %mul3A_360 = arith.muli %add3A_310, %mul3A_359 : i32
        %add3A_361 = arith.constant 96 : i32
        %add3A_362 = arith.addi %mul3A_360, %add3A_361 : i32
        %get3A_363 = arith.index_cast %add3A_362 : i32 to index
        %get3A_364 = tpu.vector_load %arg8[%get3A_363] {strides = array<i32>} : memref<6400xi32, #tpu.memory_space<vmem>>, vector<16xi32>,
        %get3A_365 = vector.shape_cast %get3A_364 : vector<16xi32> to vector<16xi32>
        %mul3A_366 = arith.constant 128 : i32
        %mul3A_367 = arith.muli %add3A_310, %mul3A_366 : i32
        %add3A_368 = arith.constant 112 : i32
        %add3A_369 = arith.addi %mul3A_367, %add3A_368 : i32
        %get3A_370 = arith.index_cast %add3A_369 : i32 to index
        %get3A_371 = tpu.vector_load %arg8[%get3A_370] {strides = array<i32>} : memref<6400xi32, #tpu.memory_space<vmem>>, vector<16xi32>,
        %get3A_372 = vector.shape_cast %get3A_371 : vector<16xi32> to vector<16xi32>
        %swap3A_373 = arith.constant 0 : index
        %swap3A_374 = tpu.vector_load %arg15[%swap3A_373] {strides = array<i32>} : memref<128xi32, #tpu.memory_space<vmem>>, vector<16xi32>,
        %swap3A_375 = vector.shape_cast %swap3A_374 : vector<16xi32> to vector<16xi32>
        %swap3A_376 = vector.shape_cast %get3A_323 : vector<16xi32> to vector<16xi32>
        tpu.vector_store %arg15[%swap3A_373], %swap3A_376 {strides = array<i32>} : memref<128xi32, #tpu.memory_space<vmem>>, vector<16xi32>,
        %swap3A_377 = arith.constant 16 : index
        %swap3A_378 = tpu.vector_load %arg15[%swap3A_377] {strides = array<i32>} : memref<128xi32, #tpu.memory_space<vmem>>, vector<16xi32>,
        %swap3A_379 = vector.shape_cast %swap3A_378 : vector<16xi32> to vector<16xi32>
        %swap3A_380 = vector.shape_cast %get3A_330 : vector<16xi32> to vector<16xi32>
        tpu.vector_store %arg15[%swap3A_377], %swap3A_380 {strides = array<i32>} : memref<128xi32, #tpu.memory_space<vmem>>, vector<16xi32>,
        %swap3A_381 = arith.constant 32 : index
        %swap3A_382 = tpu.vector_load %arg15[%swap3A_381] {strides = array<i32>} : memref<128xi32, #tpu.memory_space<vmem>>, vector<16xi32>,
        %swap3A_383 = vector.shape_cast %swap3A_382 : vector<16xi32> to vector<16xi32>
        %swap3A_384 = vector.shape_cast %get3A_337 : vector<16xi32> to vector<16xi32>
        tpu.vector_store %arg15[%swap3A_381], %swap3A_384 {strides = array<i32>} : memref<128xi32, #tpu.memory_space<vmem>>, vector<16xi32>,
        %swap3A_385 = arith.constant 48 : index
        %swap3A_386 = tpu.vector_load %arg15[%swap3A_385] {strides = array<i32>} : memref<128xi32, #tpu.memory_space<vmem>>, vector<16xi32>,
        %swap3A_387 = vector.shape_cast %swap3A_386 : vector<16xi32> to vector<16xi32>
        %swap3A_388 = vector.shape_cast %get3A_344 : vector<16xi32> to vector<16xi32>
        tpu.vector_store %arg15[%swap3A_385], %swap3A_388 {strides = array<i32>} : memref<128xi32, #tpu.memory_space<vmem>>, vector<16xi32>,
        %swap3A_389 = arith.constant 64 : index
        %swap3A_390 = tpu.vector_load %arg15[%swap3A_389] {strides = array<i32>} : memref<128xi32, #tpu.memory_space<vmem>>, vector<16xi32>,
        %swap3A_391 = vector.shape_cast %swap3A_390 : vector<16xi32> to vector<16xi32>
        %swap3A_392 = vector.shape_cast %get3A_351 : vector<16xi32> to vector<16xi32>
        tpu.vector_store %arg15[%swap3A_389], %swap3A_392 {strides = array<i32>} : memref<128xi32, #tpu.memory_space<vmem>>, vector<16xi32>,
        %swap3A_393 = arith.constant 80 : index
        %swap3A_394 = tpu.vector_load %arg15[%swap3A_393] {strides = array<i32>} : memref<128xi32, #tpu.memory_space<vmem>>, vector<16xi32>,
        %swap3A_395 = vector.shape_cast %swap3A_394 : vector<16xi32> to vector<16xi32>
        %swap3A_396 = vector.shape_cast %get3A_358 : vector<16xi32> to vector<16xi32>
        tpu.vector_store %arg15[%swap3A_393], %swap3A_396 {strides = array<i32>} : memref<128xi32, #tpu.memory_space<vmem>>, vector<16xi32>,
        %swap3A_397 = arith.constant 96 : index
        %swap3A_398 = tpu.vector_load %arg15[%swap3A_397] {strides = array<i32>} : memref<128xi32, #tpu.memory_space<vmem>>, vector<16xi32>,
        %swap3A_399 = vector.shape_cast %swap3A_398 : vector<16xi32> to vector<16xi32>
        %swap3A_400 = vector.shape_cast %get3A_365 : vector<16xi32> to vector<16xi32>
        tpu.vector_store %arg15[%swap3A_397], %swap3A_400 {strides = array<i32>} : memref<128xi32, #tpu.memory_space<vmem>>, vector<16xi32>,
        %swap3A_401 = arith.constant 112 : index
        %swap3A_402 = tpu.vector_load %arg15[%swap3A_401] {strides = array<i32>} : memref<128xi32, #tpu.memory_space<vmem>>, vector<16xi32>,
        %swap3A_403 = vector.shape_cast %swap3A_402 : vector<16xi32> to vector<16xi32>
        %swap3A_404 = vector.shape_cast %get3A_372 : vector<16xi32> to vector<16xi32>
        tpu.vector_store %arg15[%swap3A_401], %swap3A_404 {strides = array<i32>} : memref<128xi32, #tpu.memory_space<vmem>>, vector<16xi32>,
        %dma_start3A_405 = arith.constant 0 : i32
        %dma_start3A_406 = arith.constant 0 : i32
        %dma_start3A_407 = tpu.memref_slice %arg16[%dma_start3A_405, %dma_start3A_406] : memref<10240x64xf32, #tpu.memory_space<vmem_shared>> -> memref<10240x64xf32, #tpu.memory_space<vmem_shared>>
        tpu.enqueue_indirect_dma source(%arg11 : memref<128x64xf32, #tpu.memory_space<vmem>>) target(%dma_start3A_407 : memref<10240x64xf32, #tpu.memory_space<vmem_shared>>) offsets(%arg15 : memref<128xi32, #tpu.memory_space<vmem>>) semaphore(%arg21 : memref<!tpu.dma_semaphore, #tpu.memory_space<semaphore_mem>>) {add = true}
        %add3A_408 = arith.constant 0 : i32
        %add3A_409 = arith.addi %mul3A_209, %add3A_408 : i32
        %dma_wait3A_410 = arith.constant 0 : i32
        %dma_wait3A_411 = arith.constant 0 : i32
        %dma_wait3A_412 = tpu.memref_slice %arg16[%dma_wait3A_410, %dma_wait3A_411] : memref<10240x64xf32, #tpu.memory_space<vmem_shared>> -> memref<10240x64xf32, #tpu.memory_space<vmem_shared>>
        tpu.wait_indirect_dma semaphore(%arg20 : memref<!tpu.dma_semaphore, #tpu.memory_space<semaphore_mem>>) src(%arg10 : memref<128x64xf32, #tpu.memory_space<vmem>>) dst(%dma_wait3A_412 : memref<10240x64xf32, #tpu.memory_space<vmem_shared>>)
        %add3A_413 = arith.constant 2 : i32
        %add3A_414 = arith.addi %add3A_409, %add3A_413 : i32
        %lt3A = arith.constant 50 : i32
        %lt3A_415 = arith.cmpi slt, %add3A_414, %lt3A : i32
        %convert_element_type3A = arith.extui %lt3A_415 : i1 to i32
        %cond3A = arith.constant 0 : i32
        %cond3A_416 = arith.cmpi ne, %convert_element_type3A, %cond3A : i32
        scf.if %cond3A_416 {
          %add3A_430 = arith.constant 2 : i32
          %add3A_431 = arith.addi %add3A_409, %add3A_430 : i32
          %mul3A_432 = arith.constant 128 : i32
          %mul3A_433 = arith.muli %add3A_431, %mul3A_432 : i32
          %add3A_434 = arith.constant 0 : i32
          %add3A_435 = arith.addi %mul3A_433, %add3A_434 : i32
          %get3A_436 = arith.index_cast %add3A_435 : i32 to index
          %get3A_437 = tpu.vector_load %arg7[%get3A_436] {strides = array<i32>} : memref<6400xi32, #tpu.memory_space<vmem>>, vector<16xi32>,
          %get3A_438 = vector.shape_cast %get3A_437 : vector<16xi32> to vector<16xi32>
          %mul3A_439 = arith.constant 128 : i32
          %mul3A_440 = arith.muli %add3A_431, %mul3A_439 : i32
          %add3A_441 = arith.constant 16 : i32
          %add3A_442 = arith.addi %mul3A_440, %add3A_441 : i32
          %get3A_443 = arith.index_cast %add3A_442 : i32 to index
          %get3A_444 = tpu.vector_load %arg7[%get3A_443] {strides = array<i32>} : memref<6400xi32, #tpu.memory_space<vmem>>, vector<16xi32>,
          %get3A_445 = vector.shape_cast %get3A_444 : vector<16xi32> to vector<16xi32>
          %mul3A_446 = arith.constant 128 : i32
          %mul3A_447 = arith.muli %add3A_431, %mul3A_446 : i32
          %add3A_448 = arith.constant 32 : i32
          %add3A_449 = arith.addi %mul3A_447, %add3A_448 : i32
          %get3A_450 = arith.index_cast %add3A_449 : i32 to index
          %get3A_451 = tpu.vector_load %arg7[%get3A_450] {strides = array<i32>} : memref<6400xi32, #tpu.memory_space<vmem>>, vector<16xi32>,
          %get3A_452 = vector.shape_cast %get3A_451 : vector<16xi32> to vector<16xi32>
          %mul3A_453 = arith.constant 128 : i32
          %mul3A_454 = arith.muli %add3A_431, %mul3A_453 : i32
          %add3A_455 = arith.constant 48 : i32
          %add3A_456 = arith.addi %mul3A_454, %add3A_455 : i32
          %get3A_457 = arith.index_cast %add3A_456 : i32 to index
          %get3A_458 = tpu.vector_load %arg7[%get3A_457] {strides = array<i32>} : memref<6400xi32, #tpu.memory_space<vmem>>, vector<16xi32>,
          %get3A_459 = vector.shape_cast %get3A_458 : vector<16xi32> to vector<16xi32>
          %mul3A_460 = arith.constant 128 : i32
          %mul3A_461 = arith.muli %add3A_431, %mul3A_460 : i32
          %add3A_462 = arith.constant 64 : i32
          %add3A_463 = arith.addi %mul3A_461, %add3A_462 : i32
          %get3A_464 = arith.index_cast %add3A_463 : i32 to index
          %get3A_465 = tpu.vector_load %arg7[%get3A_464] {strides = array<i32>} : memref<6400xi32, #tpu.memory_space<vmem>>, vector<16xi32>,
          %get3A_466 = vector.shape_cast %get3A_465 : vector<16xi32> to vector<16xi32>
          %mul3A_467 = arith.constant 128 : i32
          %mul3A_468 = arith.muli %add3A_431, %mul3A_467 : i32
          %add3A_469 = arith.constant 80 : i32
          %add3A_470 = arith.addi %mul3A_468, %add3A_469 : i32
          %get3A_471 = arith.index_cast %add3A_470 : i32 to index
          %get3A_472 = tpu.vector_load %arg7[%get3A_471] {strides = array<i32>} : memref<6400xi32, #tpu.memory_space<vmem>>, vector<16xi32>,
          %get3A_473 = vector.shape_cast %get3A_472 : vector<16xi32> to vector<16xi32>
          %mul3A_474 = arith.constant 128 : i32
          %mul3A_475 = arith.muli %add3A_431, %mul3A_474 : i32
          %add3A_476 = arith.constant 96 : i32
          %add3A_477 = arith.addi %mul3A_475, %add3A_476 : i32
          %get3A_478 = arith.index_cast %add3A_477 : i32 to index
          %get3A_479 = tpu.vector_load %arg7[%get3A_478] {strides = array<i32>} : memref<6400xi32, #tpu.memory_space<vmem>>, vector<16xi32>,
          %get3A_480 = vector.shape_cast %get3A_479 : vector<16xi32> to vector<16xi32>
          %mul3A_481 = arith.constant 128 : i32
          %mul3A_482 = arith.muli %add3A_431, %mul3A_481 : i32
          %add3A_483 = arith.constant 112 : i32
          %add3A_484 = arith.addi %mul3A_482, %add3A_483 : i32
          %get3A_485 = arith.index_cast %add3A_484 : i32 to index
          %get3A_486 = tpu.vector_load %arg7[%get3A_485] {strides = array<i32>} : memref<6400xi32, #tpu.memory_space<vmem>>, vector<16xi32>,
          %get3A_487 = vector.shape_cast %get3A_486 : vector<16xi32> to vector<16xi32>
          %add3A_488 = vector.broadcast %add3A_16 : i32 to vector<16xi32>
          %add3A_489 = arith.addi %get3A_438, %add3A_488 : vector<16xi32>
          %swap3A_490 = arith.constant 0 : index
          %swap3A_491 = tpu.vector_load %arg12[%swap3A_490] {strides = array<i32>} : memref<128xi32, #tpu.memory_space<vmem>>, vector<16xi32>,
          %swap3A_492 = vector.shape_cast %swap3A_491 : vector<16xi32> to vector<16xi32>
          %swap3A_493 = vector.shape_cast %add3A_489 : vector<16xi32> to vector<16xi32>
          tpu.vector_store %arg12[%swap3A_490], %swap3A_493 {strides = array<i32>} : memref<128xi32, #tpu.memory_space<vmem>>, vector<16xi32>,
          %add3A_494 = vector.broadcast %add3A_16 : i32 to vector<16xi32>
          %add3A_495 = arith.addi %get3A_445, %add3A_494 : vector<16xi32>
          %swap3A_496 = arith.constant 16 : index
          %swap3A_497 = tpu.vector_load %arg12[%swap3A_496] {strides = array<i32>} : memref<128xi32, #tpu.memory_space<vmem>>, vector<16xi32>,
          %swap3A_498 = vector.shape_cast %swap3A_497 : vector<16xi32> to vector<16xi32>
          %swap3A_499 = vector.shape_cast %add3A_495 : vector<16xi32> to vector<16xi32>
          tpu.vector_store %arg12[%swap3A_496], %swap3A_499 {strides = array<i32>} : memref<128xi32, #tpu.memory_space<vmem>>, vector<16xi32>,
          %add3A_500 = vector.broadcast %add3A_16 : i32 to vector<16xi32>
          %add3A_501 = arith.addi %get3A_452, %add3A_500 : vector<16xi32>
          %swap3A_502 = arith.constant 32 : index
          %swap3A_503 = tpu.vector_load %arg12[%swap3A_502] {strides = array<i32>} : memref<128xi32, #tpu.memory_space<vmem>>, vector<16xi32>,
          %swap3A_504 = vector.shape_cast %swap3A_503 : vector<16xi32> to vector<16xi32>
          %swap3A_505 = vector.shape_cast %add3A_501 : vector<16xi32> to vector<16xi32>
          tpu.vector_store %arg12[%swap3A_502], %swap3A_505 {strides = array<i32>} : memref<128xi32, #tpu.memory_space<vmem>>, vector<16xi32>,
          %add3A_506 = vector.broadcast %add3A_16 : i32 to vector<16xi32>
          %add3A_507 = arith.addi %get3A_459, %add3A_506 : vector<16xi32>
          %swap3A_508 = arith.constant 48 : index
          %swap3A_509 = tpu.vector_load %arg12[%swap3A_508] {strides = array<i32>} : memref<128xi32, #tpu.memory_space<vmem>>, vector<16xi32>,
          %swap3A_510 = vector.shape_cast %swap3A_509 : vector<16xi32> to vector<16xi32>
          %swap3A_511 = vector.shape_cast %add3A_507 : vector<16xi32> to vector<16xi32>
          tpu.vector_store %arg12[%swap3A_508], %swap3A_511 {strides = array<i32>} : memref<128xi32, #tpu.memory_space<vmem>>, vector<16xi32>,
          %add3A_512 = vector.broadcast %add3A_16 : i32 to vector<16xi32>
          %add3A_513 = arith.addi %get3A_466, %add3A_512 : vector<16xi32>
          %swap3A_514 = arith.constant 64 : index
          %swap3A_515 = tpu.vector_load %arg12[%swap3A_514] {strides = array<i32>} : memref<128xi32, #tpu.memory_space<vmem>>, vector<16xi32>,
          %swap3A_516 = vector.shape_cast %swap3A_515 : vector<16xi32> to vector<16xi32>
          %swap3A_517 = vector.shape_cast %add3A_513 : vector<16xi32> to vector<16xi32>
          tpu.vector_store %arg12[%swap3A_514], %swap3A_517 {strides = array<i32>} : memref<128xi32, #tpu.memory_space<vmem>>, vector<16xi32>,
          %add3A_518 = vector.broadcast %add3A_16 : i32 to vector<16xi32>
          %add3A_519 = arith.addi %get3A_473, %add3A_518 : vector<16xi32>
          %swap3A_520 = arith.constant 80 : index
          %swap3A_521 = tpu.vector_load %arg12[%swap3A_520] {strides = array<i32>} : memref<128xi32, #tpu.memory_space<vmem>>, vector<16xi32>,
          %swap3A_522 = vector.shape_cast %swap3A_521 : vector<16xi32> to vector<16xi32>
          %swap3A_523 = vector.shape_cast %add3A_519 : vector<16xi32> to vector<16xi32>
          tpu.vector_store %arg12[%swap3A_520], %swap3A_523 {strides = array<i32>} : memref<128xi32, #tpu.memory_space<vmem>>, vector<16xi32>,
          %add3A_524 = vector.broadcast %add3A_16 : i32 to vector<16xi32>
          %add3A_525 = arith.addi %get3A_480, %add3A_524 : vector<16xi32>
          %swap3A_526 = arith.constant 96 : index
          %swap3A_527 = tpu.vector_load %arg12[%swap3A_526] {strides = array<i32>} : memref<128xi32, #tpu.memory_space<vmem>>, vector<16xi32>,
          %swap3A_528 = vector.shape_cast %swap3A_527 : vector<16xi32> to vector<16xi32>
          %swap3A_529 = vector.shape_cast %add3A_525 : vector<16xi32> to vector<16xi32>
          tpu.vector_store %arg12[%swap3A_526], %swap3A_529 {strides = array<i32>} : memref<128xi32, #tpu.memory_space<vmem>>, vector<16xi32>,
          %add3A_530 = vector.broadcast %add3A_16 : i32 to vector<16xi32>
          %add3A_531 = arith.addi %get3A_487, %add3A_530 : vector<16xi32>
          %swap3A_532 = arith.constant 112 : index
          %swap3A_533 = tpu.vector_load %arg12[%swap3A_532] {strides = array<i32>} : memref<128xi32, #tpu.memory_space<vmem>>, vector<16xi32>,
          %swap3A_534 = vector.shape_cast %swap3A_533 : vector<16xi32> to vector<16xi32>
          %swap3A_535 = vector.shape_cast %add3A_531 : vector<16xi32> to vector<16xi32>
          tpu.vector_store %arg12[%swap3A_532], %swap3A_535 {strides = array<i32>} : memref<128xi32, #tpu.memory_space<vmem>>, vector<16xi32>,
          %dma_start3A_536 = arith.constant 0 : i32
          %dma_start3A_537 = arith.constant 0 : i32
          %dma_start3A_538 = tpu.memref_slice %arg2[%dma_start3A_536, %dma_start3A_537] : memref<100000x64xf32, #tpu.memory_space<hbm>> -> memref<100000x64xf32, #tpu.memory_space<hbm>>
          tpu.enqueue_indirect_dma source(%dma_start3A_538 : memref<100000x64xf32, #tpu.memory_space<hbm>>) target(%arg10 : memref<128x64xf32, #tpu.memory_space<vmem>>) offsets(%arg12 : memref<128xi32, #tpu.memory_space<vmem>>) semaphore(%arg18 : memref<!tpu.dma_semaphore, #tpu.memory_space<semaphore_mem>>)
        } else {
        }
        %add3A_417 = arith.constant 1 : i32
        %add3A_418 = arith.addi %mul3A_209, %add3A_417 : i32
        %dma_wait3A_419 = arith.constant 0 : i32
        %dma_wait3A_420 = arith.constant 0 : i32
        %dma_wait3A_421 = tpu.memref_slice %arg16[%dma_wait3A_419, %dma_wait3A_420] : memref<10240x64xf32, #tpu.memory_space<vmem_shared>> -> memref<10240x64xf32, #tpu.memory_space<vmem_shared>>
        tpu.wait_indirect_dma semaphore(%arg21 : memref<!tpu.dma_semaphore, #tpu.memory_space<semaphore_mem>>) src(%arg11 : memref<128x64xf32, #tpu.memory_space<vmem>>) dst(%dma_wait3A_421 : memref<10240x64xf32, #tpu.memory_space<vmem_shared>>)
        %add3A_422 = arith.constant 2 : i32
        %add3A_423 = arith.addi %add3A_418, %add3A_422 : i32
        %lt3A_424 = arith.constant 50 : i32
        %lt3A_425 = arith.cmpi slt, %add3A_423, %lt3A_424 : i32
        %convert_element_type3A_426 = arith.extui %lt3A_425 : i1 to i32
        %cond3A_427 = arith.constant 0 : i32
        %cond3A_428 = arith.cmpi ne, %convert_element_type3A_426, %cond3A_427 : i32
        scf.if %cond3A_428 {
          %add3A_430 = arith.constant 2 : i32
          %add3A_431 = arith.addi %add3A_418, %add3A_430 : i32
          %mul3A_432 = arith.constant 128 : i32
          %mul3A_433 = arith.muli %add3A_431, %mul3A_432 : i32
          %add3A_434 = arith.constant 0 : i32
          %add3A_435 = arith.addi %mul3A_433, %add3A_434 : i32
          %get3A_436 = arith.index_cast %add3A_435 : i32 to index
          %get3A_437 = tpu.vector_load %arg7[%get3A_436] {strides = array<i32>} : memref<6400xi32, #tpu.memory_space<vmem>>, vector<16xi32>,
          %get3A_438 = vector.shape_cast %get3A_437 : vector<16xi32> to vector<16xi32>
          %mul3A_439 = arith.constant 128 : i32
          %mul3A_440 = arith.muli %add3A_431, %mul3A_439 : i32
          %add3A_441 = arith.constant 16 : i32
          %add3A_442 = arith.addi %mul3A_440, %add3A_441 : i32
          %get3A_443 = arith.index_cast %add3A_442 : i32 to index
          %get3A_444 = tpu.vector_load %arg7[%get3A_443] {strides = array<i32>} : memref<6400xi32, #tpu.memory_space<vmem>>, vector<16xi32>,
          %get3A_445 = vector.shape_cast %get3A_444 : vector<16xi32> to vector<16xi32>
          %mul3A_446 = arith.constant 128 : i32
          %mul3A_447 = arith.muli %add3A_431, %mul3A_446 : i32
          %add3A_448 = arith.constant 32 : i32
          %add3A_449 = arith.addi %mul3A_447, %add3A_448 : i32
          %get3A_450 = arith.index_cast %add3A_449 : i32 to index
          %get3A_451 = tpu.vector_load %arg7[%get3A_450] {strides = array<i32>} : memref<6400xi32, #tpu.memory_space<vmem>>, vector<16xi32>,
          %get3A_452 = vector.shape_cast %get3A_451 : vector<16xi32> to vector<16xi32>
          %mul3A_453 = arith.constant 128 : i32
          %mul3A_454 = arith.muli %add3A_431, %mul3A_453 : i32
          %add3A_455 = arith.constant 48 : i32
          %add3A_456 = arith.addi %mul3A_454, %add3A_455 : i32
          %get3A_457 = arith.index_cast %add3A_456 : i32 to index
          %get3A_458 = tpu.vector_load %arg7[%get3A_457] {strides = array<i32>} : memref<6400xi32, #tpu.memory_space<vmem>>, vector<16xi32>,
          %get3A_459 = vector.shape_cast %get3A_458 : vector<16xi32> to vector<16xi32>
          %mul3A_460 = arith.constant 128 : i32
          %mul3A_461 = arith.muli %add3A_431, %mul3A_460 : i32
          %add3A_462 = arith.constant 64 : i32
          %add3A_463 = arith.addi %mul3A_461, %add3A_462 : i32
          %get3A_464 = arith.index_cast %add3A_463 : i32 to index
          %get3A_465 = tpu.vector_load %arg7[%get3A_464] {strides = array<i32>} : memref<6400xi32, #tpu.memory_space<vmem>>, vector<16xi32>,
          %get3A_466 = vector.shape_cast %get3A_465 : vector<16xi32> to vector<16xi32>
          %mul3A_467 = arith.constant 128 : i32
          %mul3A_468 = arith.muli %add3A_431, %mul3A_467 : i32
          %add3A_469 = arith.constant 80 : i32
          %add3A_470 = arith.addi %mul3A_468, %add3A_469 : i32
          %get3A_471 = arith.index_cast %add3A_470 : i32 to index
          %get3A_472 = tpu.vector_load %arg7[%get3A_471] {strides = array<i32>} : memref<6400xi32, #tpu.memory_space<vmem>>, vector<16xi32>,
          %get3A_473 = vector.shape_cast %get3A_472 : vector<16xi32> to vector<16xi32>
          %mul3A_474 = arith.constant 128 : i32
          %mul3A_475 = arith.muli %add3A_431, %mul3A_474 : i32
          %add3A_476 = arith.constant 96 : i32
          %add3A_477 = arith.addi %mul3A_475, %add3A_476 : i32
          %get3A_478 = arith.index_cast %add3A_477 : i32 to index
          %get3A_479 = tpu.vector_load %arg7[%get3A_478] {strides = array<i32>} : memref<6400xi32, #tpu.memory_space<vmem>>, vector<16xi32>,
          %get3A_480 = vector.shape_cast %get3A_479 : vector<16xi32> to vector<16xi32>
          %mul3A_481 = arith.constant 128 : i32
          %mul3A_482 = arith.muli %add3A_431, %mul3A_481 : i32
          %add3A_483 = arith.constant 112 : i32
          %add3A_484 = arith.addi %mul3A_482, %add3A_483 : i32
          %get3A_485 = arith.index_cast %add3A_484 : i32 to index
          %get3A_486 = tpu.vector_load %arg7[%get3A_485] {strides = array<i32>} : memref<6400xi32, #tpu.memory_space<vmem>>, vector<16xi32>,
          %get3A_487 = vector.shape_cast %get3A_486 : vector<16xi32> to vector<16xi32>
          %add3A_488 = vector.broadcast %add3A_16 : i32 to vector<16xi32>
          %add3A_489 = arith.addi %get3A_438, %add3A_488 : vector<16xi32>
          %swap3A_490 = arith.constant 0 : index
          %swap3A_491 = tpu.vector_load %arg13[%swap3A_490] {strides = array<i32>} : memref<128xi32, #tpu.memory_space<vmem>>, vector<16xi32>,
          %swap3A_492 = vector.shape_cast %swap3A_491 : vector<16xi32> to vector<16xi32>
          %swap3A_493 = vector.shape_cast %add3A_489 : vector<16xi32> to vector<16xi32>
          tpu.vector_store %arg13[%swap3A_490], %swap3A_493 {strides = array<i32>} : memref<128xi32, #tpu.memory_space<vmem>>, vector<16xi32>,
          %add3A_494 = vector.broadcast %add3A_16 : i32 to vector<16xi32>
          %add3A_495 = arith.addi %get3A_445, %add3A_494 : vector<16xi32>
          %swap3A_496 = arith.constant 16 : index
          %swap3A_497 = tpu.vector_load %arg13[%swap3A_496] {strides = array<i32>} : memref<128xi32, #tpu.memory_space<vmem>>, vector<16xi32>,
          %swap3A_498 = vector.shape_cast %swap3A_497 : vector<16xi32> to vector<16xi32>
          %swap3A_499 = vector.shape_cast %add3A_495 : vector<16xi32> to vector<16xi32>
          tpu.vector_store %arg13[%swap3A_496], %swap3A_499 {strides = array<i32>} : memref<128xi32, #tpu.memory_space<vmem>>, vector<16xi32>,
          %add3A_500 = vector.broadcast %add3A_16 : i32 to vector<16xi32>
          %add3A_501 = arith.addi %get3A_452, %add3A_500 : vector<16xi32>
          %swap3A_502 = arith.constant 32 : index
          %swap3A_503 = tpu.vector_load %arg13[%swap3A_502] {strides = array<i32>} : memref<128xi32, #tpu.memory_space<vmem>>, vector<16xi32>,
          %swap3A_504 = vector.shape_cast %swap3A_503 : vector<16xi32> to vector<16xi32>
          %swap3A_505 = vector.shape_cast %add3A_501 : vector<16xi32> to vector<16xi32>
          tpu.vector_store %arg13[%swap3A_502], %swap3A_505 {strides = array<i32>} : memref<128xi32, #tpu.memory_space<vmem>>, vector<16xi32>,
          %add3A_506 = vector.broadcast %add3A_16 : i32 to vector<16xi32>
          %add3A_507 = arith.addi %get3A_459, %add3A_506 : vector<16xi32>
          %swap3A_508 = arith.constant 48 : index
          %swap3A_509 = tpu.vector_load %arg13[%swap3A_508] {strides = array<i32>} : memref<128xi32, #tpu.memory_space<vmem>>, vector<16xi32>,
          %swap3A_510 = vector.shape_cast %swap3A_509 : vector<16xi32> to vector<16xi32>
          %swap3A_511 = vector.shape_cast %add3A_507 : vector<16xi32> to vector<16xi32>
          tpu.vector_store %arg13[%swap3A_508], %swap3A_511 {strides = array<i32>} : memref<128xi32, #tpu.memory_space<vmem>>, vector<16xi32>,
          %add3A_512 = vector.broadcast %add3A_16 : i32 to vector<16xi32>
          %add3A_513 = arith.addi %get3A_466, %add3A_512 : vector<16xi32>
          %swap3A_514 = arith.constant 64 : index
          %swap3A_515 = tpu.vector_load %arg13[%swap3A_514] {strides = array<i32>} : memref<128xi32, #tpu.memory_space<vmem>>, vector<16xi32>,
          %swap3A_516 = vector.shape_cast %swap3A_515 : vector<16xi32> to vector<16xi32>
          %swap3A_517 = vector.shape_cast %add3A_513 : vector<16xi32> to vector<16xi32>
          tpu.vector_store %arg13[%swap3A_514], %swap3A_517 {strides = array<i32>} : memref<128xi32, #tpu.memory_space<vmem>>, vector<16xi32>,
          %add3A_518 = vector.broadcast %add3A_16 : i32 to vector<16xi32>
          %add3A_519 = arith.addi %get3A_473, %add3A_518 : vector<16xi32>
          %swap3A_520 = arith.constant 80 : index
          %swap3A_521 = tpu.vector_load %arg13[%swap3A_520] {strides = array<i32>} : memref<128xi32, #tpu.memory_space<vmem>>, vector<16xi32>,
          %swap3A_522 = vector.shape_cast %swap3A_521 : vector<16xi32> to vector<16xi32>
          %swap3A_523 = vector.shape_cast %add3A_519 : vector<16xi32> to vector<16xi32>
          tpu.vector_store %arg13[%swap3A_520], %swap3A_523 {strides = array<i32>} : memref<128xi32, #tpu.memory_space<vmem>>, vector<16xi32>,
          %add3A_524 = vector.broadcast %add3A_16 : i32 to vector<16xi32>
          %add3A_525 = arith.addi %get3A_480, %add3A_524 : vector<16xi32>
          %swap3A_526 = arith.constant 96 : index
          %swap3A_527 = tpu.vector_load %arg13[%swap3A_526] {strides = array<i32>} : memref<128xi32, #tpu.memory_space<vmem>>, vector<16xi32>,
          %swap3A_528 = vector.shape_cast %swap3A_527 : vector<16xi32> to vector<16xi32>
          %swap3A_529 = vector.shape_cast %add3A_525 : vector<16xi32> to vector<16xi32>
          tpu.vector_store %arg13[%swap3A_526], %swap3A_529 {strides = array<i32>} : memref<128xi32, #tpu.memory_space<vmem>>, vector<16xi32>,
          %add3A_530 = vector.broadcast %add3A_16 : i32 to vector<16xi32>
          %add3A_531 = arith.addi %get3A_487, %add3A_530 : vector<16xi32>
          %swap3A_532 = arith.constant 112 : index
          %swap3A_533 = tpu.vector_load %arg13[%swap3A_532] {strides = array<i32>} : memref<128xi32, #tpu.memory_space<vmem>>, vector<16xi32>,
          %swap3A_534 = vector.shape_cast %swap3A_533 : vector<16xi32> to vector<16xi32>
          %swap3A_535 = vector.shape_cast %add3A_531 : vector<16xi32> to vector<16xi32>
          tpu.vector_store %arg13[%swap3A_532], %swap3A_535 {strides = array<i32>} : memref<128xi32, #tpu.memory_space<vmem>>, vector<16xi32>,
          %dma_start3A_536 = arith.constant 0 : i32
          %dma_start3A_537 = arith.constant 0 : i32
          %dma_start3A_538 = tpu.memref_slice %arg2[%dma_start3A_536, %dma_start3A_537] : memref<100000x64xf32, #tpu.memory_space<hbm>> -> memref<100000x64xf32, #tpu.memory_space<hbm>>
          tpu.enqueue_indirect_dma source(%dma_start3A_538 : memref<100000x64xf32, #tpu.memory_space<hbm>>) target(%arg11 : memref<128x64xf32, #tpu.memory_space<vmem>>) offsets(%arg13 : memref<128xi32, #tpu.memory_space<vmem>>) semaphore(%arg19 : memref<!tpu.dma_semaphore, #tpu.memory_space<semaphore_mem>>)
        } else {
        }
        %scan3A_429 = arith.constant 0 : i32
        scf.yield %scan3A_429 : i32
      }
      %scan3A_195 = arith.constant 25 : i32
      %barrier3A_196 = arith.constant 0 : index
      tpu.barrier barrier_id(%barrier3A_196)
      %scan3A_197 = arith.constant 0 : i32
      %scan3A_198 = arith.constant 0 : i32
      %scan3A_199 = arith.constant 5 : i32
      %scan3A_200 = arith.addi %scan3A_198, %scan3A_199 : i32
      %scan3A_201 = arith.constant 1 : i32
      %scan3A_202 = scf.for %scan3A_206 = %scan3A_198 to %scan3A_200 step %scan3A_201 iter_args(%scan3A_207 = %scan3A_197) -> (i32)  : i32 {
        %mul3A_208 = arith.constant 128 : i32
        %mul3A_209 = arith.muli %scan3A_206, %mul3A_208 : i32
        %add3A_210 = arith.addi %mul3A_0, %mul3A_209 : i32
        "tpu.region"() ({
          %run_scoped3A = tpu.sem_alloc : memref<!tpu.dma_semaphore, #tpu.memory_space<semaphore_mem>>
          %dma_start3A_215 = arith.constant 0 : i32
          %dma_start3A_216 = tpu.memref_slice %arg16[%add3A_210, %dma_start3A_215] : memref<10240x64xf32, #tpu.memory_space<vmem_shared>> -> memref<128x64xf32, #tpu.memory_space<vmem_shared>>
          %dma_start3A_217 = arith.constant 0 : i32
          %dma_start3A_218 = tpu.memref_slice %arg16[%add3A_210, %dma_start3A_217] : memref<10240x64xf32, #tpu.memory_space<vmem_shared>> -> memref<128x64xf32, #tpu.memory_space<vmem_shared>>
          tpu.enqueue_dma source(%dma_start3A_218 : memref<128x64xf32, #tpu.memory_space<vmem_shared>>) target(%arg10 : memref<128x64xf32, #tpu.memory_space<vmem>>) target_semaphore(%run_scoped3A : memref<!tpu.dma_semaphore, #tpu.memory_space<semaphore_mem>>)
          %dma_wait3A_219 = arith.constant 0 : i32
          %dma_wait3A_220 = tpu.memref_slice %arg16[%add3A_210, %dma_wait3A_219] : memref<10240x64xf32, #tpu.memory_space<vmem_shared>> -> memref<128x64xf32, #tpu.memory_space<vmem_shared>>
          %dma_wait3A_221 = arith.constant 0 : i32
          %dma_wait3A_222 = tpu.memref_slice %arg16[%add3A_210, %dma_wait3A_221] : memref<10240x64xf32, #tpu.memory_space<vmem_shared>> -> memref<128x64xf32, #tpu.memory_space<vmem_shared>>
          tpu.wait_dma2 semaphore(%run_scoped3A : memref<!tpu.dma_semaphore, #tpu.memory_space<semaphore_mem>>) src(%dma_wait3A_222 : memref<128x64xf32, #tpu.memory_space<vmem_shared>>) dst(%arg10 : memref<128x64xf32, #tpu.memory_space<vmem>>)
          tpu.yield
        }) : () -> ()
        %parallel_loop3A_211 = arith.constant 0 : i32
        %parallel_loop3A_212 = arith.constant 128 : i32
        %parallel_loop3A_213 = arith.constant 1 : i32
        scf.for %parallel_loop3A_215 = %parallel_loop3A_211 to %parallel_loop3A_212 step %parallel_loop3A_213  : i32 {
          %parallel_loop3A_216 = arith.index_cast %parallel_loop3A_215 : i32 to index
          %parallel_loop3A_217 = arith.constant 0 : index
          %parallel_loop3A_218 = tpu.vector_load %arg10[%parallel_loop3A_216, %parallel_loop3A_217] {strides = array<i32>} : memref<128x64xf32, #tpu.memory_space<vmem>>, vector<1x16xf32>,
          %parallel_loop3A_219 = vector.shape_cast %parallel_loop3A_218 : vector<1x16xf32> to vector<16xf32>
          %parallel_loop3A_220 = arith.constant 0.000000e+00 : f32
          %parallel_loop3A_221 = vector.broadcast %parallel_loop3A_220 : f32 to vector<16xf32>
          %parallel_loop3A_222 = arith.maximumf %parallel_loop3A_219, %parallel_loop3A_221 : vector<16xf32>
          %parallel_loop3A_223 = arith.index_cast %parallel_loop3A_215 : i32 to index
          %parallel_loop3A_224 = arith.constant 0 : index
          %parallel_loop3A_225 = tpu.vector_load %arg10[%parallel_loop3A_223, %parallel_loop3A_224] {strides = array<i32>} : memref<128x64xf32, #tpu.memory_space<vmem>>, vector<1x16xf32>,
          %parallel_loop3A_226 = vector.shape_cast %parallel_loop3A_225 : vector<1x16xf32> to vector<16xf32>
          %parallel_loop3A_227 = vector.shape_cast %parallel_loop3A_222 : vector<16xf32> to vector<1x16xf32>
          tpu.vector_store %arg10[%parallel_loop3A_223, %parallel_loop3A_224], %parallel_loop3A_227 {strides = array<i32>} : memref<128x64xf32, #tpu.memory_space<vmem>>, vector<1x16xf32>,
          %parallel_loop3A_228 = arith.index_cast %parallel_loop3A_215 : i32 to index
          %parallel_loop3A_229 = arith.constant 16 : index
          %parallel_loop3A_230 = tpu.vector_load %arg10[%parallel_loop3A_228, %parallel_loop3A_229] {strides = array<i32>} : memref<128x64xf32, #tpu.memory_space<vmem>>, vector<1x16xf32>,
          %parallel_loop3A_231 = vector.shape_cast %parallel_loop3A_230 : vector<1x16xf32> to vector<16xf32>
          %parallel_loop3A_232 = arith.constant 0.000000e+00 : f32
          %parallel_loop3A_233 = vector.broadcast %parallel_loop3A_232 : f32 to vector<16xf32>
          %parallel_loop3A_234 = arith.maximumf %parallel_loop3A_231, %parallel_loop3A_233 : vector<16xf32>
          %parallel_loop3A_235 = arith.index_cast %parallel_loop3A_215 : i32 to index
          %parallel_loop3A_236 = arith.constant 16 : index
          %parallel_loop3A_237 = tpu.vector_load %arg10[%parallel_loop3A_235, %parallel_loop3A_236] {strides = array<i32>} : memref<128x64xf32, #tpu.memory_space<vmem>>, vector<1x16xf32>,
          %parallel_loop3A_238 = vector.shape_cast %parallel_loop3A_237 : vector<1x16xf32> to vector<16xf32>
          %parallel_loop3A_239 = vector.shape_cast %parallel_loop3A_234 : vector<16xf32> to vector<1x16xf32>
          tpu.vector_store %arg10[%parallel_loop3A_235, %parallel_loop3A_236], %parallel_loop3A_239 {strides = array<i32>} : memref<128x64xf32, #tpu.memory_space<vmem>>, vector<1x16xf32>,
          %parallel_loop3A_240 = arith.index_cast %parallel_loop3A_215 : i32 to index
          %parallel_loop3A_241 = arith.constant 32 : index
          %parallel_loop3A_242 = tpu.vector_load %arg10[%parallel_loop3A_240, %parallel_loop3A_241] {strides = array<i32>} : memref<128x64xf32, #tpu.memory_space<vmem>>, vector<1x16xf32>,
          %parallel_loop3A_243 = vector.shape_cast %parallel_loop3A_242 : vector<1x16xf32> to vector<16xf32>
          %parallel_loop3A_244 = arith.constant 0.000000e+00 : f32
          %parallel_loop3A_245 = vector.broadcast %parallel_loop3A_244 : f32 to vector<16xf32>
          %parallel_loop3A_246 = arith.maximumf %parallel_loop3A_243, %parallel_loop3A_245 : vector<16xf32>
          %parallel_loop3A_247 = arith.index_cast %parallel_loop3A_215 : i32 to index
          %parallel_loop3A_248 = arith.constant 32 : index
          %parallel_loop3A_249 = tpu.vector_load %arg10[%parallel_loop3A_247, %parallel_loop3A_248] {strides = array<i32>} : memref<128x64xf32, #tpu.memory_space<vmem>>, vector<1x16xf32>,
          %parallel_loop3A_250 = vector.shape_cast %parallel_loop3A_249 : vector<1x16xf32> to vector<16xf32>
          %parallel_loop3A_251 = vector.shape_cast %parallel_loop3A_246 : vector<16xf32> to vector<1x16xf32>
          tpu.vector_store %arg10[%parallel_loop3A_247, %parallel_loop3A_248], %parallel_loop3A_251 {strides = array<i32>} : memref<128x64xf32, #tpu.memory_space<vmem>>, vector<1x16xf32>,
          %parallel_loop3A_252 = arith.index_cast %parallel_loop3A_215 : i32 to index
          %parallel_loop3A_253 = arith.constant 48 : index
          %parallel_loop3A_254 = tpu.vector_load %arg10[%parallel_loop3A_252, %parallel_loop3A_253] {strides = array<i32>} : memref<128x64xf32, #tpu.memory_space<vmem>>, vector<1x16xf32>,
          %parallel_loop3A_255 = vector.shape_cast %parallel_loop3A_254 : vector<1x16xf32> to vector<16xf32>
          %parallel_loop3A_256 = arith.constant 0.000000e+00 : f32
          %parallel_loop3A_257 = vector.broadcast %parallel_loop3A_256 : f32 to vector<16xf32>
          %parallel_loop3A_258 = arith.maximumf %parallel_loop3A_255, %parallel_loop3A_257 : vector<16xf32>
          %parallel_loop3A_259 = arith.index_cast %parallel_loop3A_215 : i32 to index
          %parallel_loop3A_260 = arith.constant 48 : index
          %parallel_loop3A_261 = tpu.vector_load %arg10[%parallel_loop3A_259, %parallel_loop3A_260] {strides = array<i32>} : memref<128x64xf32, #tpu.memory_space<vmem>>, vector<1x16xf32>,
          %parallel_loop3A_262 = vector.shape_cast %parallel_loop3A_261 : vector<1x16xf32> to vector<16xf32>
          %parallel_loop3A_263 = vector.shape_cast %parallel_loop3A_258 : vector<16xf32> to vector<1x16xf32>
          tpu.vector_store %arg10[%parallel_loop3A_259, %parallel_loop3A_260], %parallel_loop3A_263 {strides = array<i32>} : memref<128x64xf32, #tpu.memory_space<vmem>>, vector<1x16xf32>,
        } {sc.loop_unroll_factor = 1 : i64, sc.parallel_access}
        "tpu.region"() ({
          %run_scoped3A = tpu.sem_alloc : memref<!tpu.dma_semaphore, #tpu.memory_space<semaphore_mem>>
          %dma_start3A_215 = arith.constant 0 : i32
          %dma_start3A_216 = tpu.memref_slice %arg6[%arg0, %scan3A_7, %add3A_210, %dma_start3A_215] : memref<2x5x10240x64xf32, #tpu.memory_space<hbm>> -> memref<1x1x128x64xf32, #tpu.memory_space<hbm>>
          %dma_start3A_217 = tpu.memref_squeeze %dma_start3A_216 : memref<1x1x128x64xf32, #tpu.memory_space<hbm>> -> memref<128x64xf32, #tpu.memory_space<hbm>>
          %dma_start3A_218 = arith.constant 0 : i32
          %dma_start3A_219 = tpu.memref_slice %arg6[%arg0, %scan3A_7, %add3A_210, %dma_start3A_218] : memref<2x5x10240x64xf32, #tpu.memory_space<hbm>> -> memref<1x1x128x64xf32, #tpu.memory_space<hbm>>
          %dma_start3A_220 = tpu.memref_squeeze %dma_start3A_219 : memref<1x1x128x64xf32, #tpu.memory_space<hbm>> -> memref<128x64xf32, #tpu.memory_space<hbm>>
          tpu.enqueue_dma source(%arg10 : memref<128x64xf32, #tpu.memory_space<vmem>>) target(%dma_start3A_220 : memref<128x64xf32, #tpu.memory_space<hbm>>) target_semaphore(%run_scoped3A : memref<!tpu.dma_semaphore, #tpu.memory_space<semaphore_mem>>)
          %dma_wait3A_221 = arith.constant 0 : i32
          %dma_wait3A_222 = tpu.memref_slice %arg6[%arg0, %scan3A_7, %add3A_210, %dma_wait3A_221] : memref<2x5x10240x64xf32, #tpu.memory_space<hbm>> -> memref<1x1x128x64xf32, #tpu.memory_space<hbm>>
          %dma_wait3A_223 = tpu.memref_squeeze %dma_wait3A_222 : memref<1x1x128x64xf32, #tpu.memory_space<hbm>> -> memref<128x64xf32, #tpu.memory_space<hbm>>
          %dma_wait3A_224 = arith.constant 0 : i32
          %dma_wait3A_225 = tpu.memref_slice %arg6[%arg0, %scan3A_7, %add3A_210, %dma_wait3A_224] : memref<2x5x10240x64xf32, #tpu.memory_space<hbm>> -> memref<1x1x128x64xf32, #tpu.memory_space<hbm>>
          %dma_wait3A_226 = tpu.memref_squeeze %dma_wait3A_225 : memref<1x1x128x64xf32, #tpu.memory_space<hbm>> -> memref<128x64xf32, #tpu.memory_space<hbm>>
          tpu.wait_dma2 semaphore(%run_scoped3A : memref<!tpu.dma_semaphore, #tpu.memory_space<semaphore_mem>>) src(%arg10 : memref<128x64xf32, #tpu.memory_space<vmem>>) dst(%dma_wait3A_226 : memref<128x64xf32, #tpu.memory_space<hbm>>)
          tpu.yield
        }) : () -> ()
        %scan3A_214 = arith.constant 0 : i32
        scf.yield %scan3A_214 : i32
      }
      %scan3A_203 = arith.constant 5 : i32
      %barrier3A_204 = arith.constant 0 : index
      tpu.barrier barrier_id(%barrier3A_204)
      %scan3A_205 = arith.constant 0 : i32
      scf.yield %scan3A_205 : i32
    }
    %scan3A_6 = arith.constant 5 : i32
    return
  }
}

module attributes {stable_mosaic.version = 14 : i64} {
  func.func @_mm_body(%arg0: i32, %arg1: i32, %arg2: memref<2000x128xf32, #tpu.memory_space<vmem>>, %arg3: memref<1x128x64xf32, #tpu.memory_space<vmem>>, %arg4: memref<1x2000x64xf32, #tpu.memory_space<vmem>>) attributes {dimension_semantics = [#tpu.dimension_semantics<arbitrary>, #tpu.dimension_semantics<arbitrary>], iteration_bounds = array<i64: 5, 10>, scalar_prefetch = 0 : i64, scratch_operands = 0 : i64, tpu.core_type = #tpu.core_type<tc>, window_params = [{transform_indices = @transform_0, window_bounds = array<i64: 2000, 128>}, {transform_indices = @transform_1, window_bounds = array<i64: 1, 128, 64>}, {transform_indices = @transform_2, window_bounds = array<i64: 1, 2000, 64>}]} {
    %get3A = arith.constant 0 : index
    %get3A_0 = arith.constant 0 : index
    %get3A_1 = vector.load %arg2[%get3A, %get3A_0] : memref<2000x128xf32, #tpu.memory_space<vmem>>, vector<2000x128xf32>
    %get3A_2 = arith.constant 0 : index
    %get3A_3 = arith.constant 0 : index
    %get3A_4 = arith.constant 0 : index
    %get3A_5 = vector.load %arg3[%get3A_2, %get3A_3, %get3A_4] : memref<1x128x64xf32, #tpu.memory_space<vmem>>, vector<1x128x64xf32>
    %get3A_6 = vector.shape_cast %get3A_5 : vector<1x128x64xf32> to vector<128x64xf32>
    %dot_general3A = arith.constant dense<0.000000e+00> : vector<2000x64xf32>
    %dot_general3A_7 = tpu.matmul %get3A_1, %get3A_6, %dot_general3A {dimension_numbers = #tpu.dot_dimension_numbers<[1], [0], [0], [1], [0, 0, 1, 1], [], []>, transpose_lhs_hint = false} : vector<2000x128xf32>, vector<128x64xf32>, vector<2000x64xf32> -> vector<2000x64xf32>
    %swap3A = arith.constant 0 : index
    %swap3A_8 = arith.constant 0 : index
    %swap3A_9 = arith.constant 0 : index
    %swap3A_10 = vector.load %arg4[%swap3A, %swap3A_8, %swap3A_9] : memref<1x2000x64xf32, #tpu.memory_space<vmem>>, vector<1x2000x64xf32>
    %swap3A_11 = vector.shape_cast %swap3A_10 : vector<1x2000x64xf32> to vector<2000x64xf32>
    %swap3A_12 = vector.shape_cast %dot_general3A_7 : vector<2000x64xf32> to vector<1x2000x64xf32>
    tpu.vector_store %arg4[%swap3A, %swap3A_8, %swap3A_9], %swap3A_12 {strides = array<i32>} : memref<1x2000x64xf32, #tpu.memory_space<vmem>>, vector<1x2000x64xf32>,
    return
  }
  func.func @transform_0(%arg0: i32, %arg1: i32) -> (i32, i32) {
    %c0_i32 = arith.constant 0 : i32
    %c0_i32_0 = arith.constant 0 : i32
    return %arg1, %c0_i32 : i32, i32
  }
  func.func @transform_1(%arg0: i32, %arg1: i32) -> (i32, i32, i32) {
    %c0_i32 = arith.constant 0 : i32
    %c0_i32_0 = arith.constant 0 : i32
    %c0_i32_1 = arith.constant 0 : i32
    return %arg0, %c0_i32, %c0_i32_0 : i32, i32, i32
  }
  func.func @transform_2(%arg0: i32, %arg1: i32) -> (i32, i32, i32) {
    %c0_i32 = arith.constant 0 : i32
    %c0_i32_0 = arith.constant 0 : i32
    return %arg0, %arg1, %c0_i32 : i32, i32, i32
  }
}

</mosaic_0001>

<sc_bundles>
// kernel: kernel.4.cloned.1.call-start
scs
__scs_entry_jumppad:
0x0: {  	(pc) =	sbr.rel $0x88, $3  }
0x1: {  	(tag) =	ssettag $0x0;
	lr =	simm.s32 $0x1  }
0x2: {  	[smem:$0x3F9A] =	sst lr;
	_ =	strace $0xD0000000  }
0x3: {  	_ = 	snop  }
0x4: {  	_ = 	snop  }
0x5: {  	_ = 	snop  }
0x6: {  	_ = 	snop  }
0x7: {  	_ = 	snop  }
__scs_overlays_trampoline_lowered:
0x8: {  	[smem:$0x3FA9] =	sst s0  }
0x9: {  	[smem:$0x3FAA] =	sst s1  }
0xa: {  	[smem:$0x3FAB] =	sst s2  }
0xb: {  	[smem:$0x3FAC] =	sst s3  }
0xc: {  	[smem:$0x3FAD] =	sst s4  }
0xd: {  	[smem:$0x3FAE] =	sst s5  }
0xe: {  	[smem:$0x3FAF] =	sst s6  }
0xf: {  	[smem:$0x3FB0] =	sst s7  }
0x10: {  	[smem:$0x3FB1] =	sst s8  }
0x11: {  	[smem:$0x3FB2] =	sst s9;
	s0 =	simm.s32 @!p0 $0x0  }
0x12: {  	s1 =	sld [smem:$0x3F98];
	s0 =	simm.s32 @p0 $0x1  }
0x13: {  	[smem:$0x3FB3] =	sst s0;
	s0 =	simm.s32 @!p1 $0x0  }
0x14: {  	s2 =	sld [smem:$0x3F97];
	s0 =	simm.s32 @p1 $0x1  }
0x15: {  	[smem:$0x3FB4] =	sst s0;
	s0 =	simm.s32 @!p2 $0x0  }
0x16: {  	s3 =	sld [smem:$0x3FDB];
	s0 =	simm.s32 @p2 $0x1  }
0x17: {  	s4 =	simm.s32 $0x1BF5;
	[smem:$0x3FB6] =	sst s0  }
0x18: {  	s0 =	sld [smem:$0x3F99];
	_ =	swait.ge [sflag:s4], $0x0  }
0x19: {  	s7 =	sld [smem:$0x3F9A]  }
0x1a: {  	s8 =	sadd.s32 $0xFFFFE003, lr  }
0x1b: {  	s9 =	sadd.s32 $0xFFFFFEF7, lr;
	s5 =	simm.s32 $0xFFFFFFFF;
	p2 =	slt.u32 s8, $0xFFFFF086  }
0x1c: {  	p1 =	slt.u32 s9, $0xF7A;
	s5 =	simm.s32 @!p2 $0x0  }
0x1d: {  	s5 =	simm.s32 @p1 $0x1;
	p0 =	seq.s32 s7, s2  }
0x1e: {  	s7 =	smul.u32 @!p0 $0xF7A, s2;
	p2 =	seq.s32 @!p0 s5, $0x0  }
0x1f: {  	s9 =	smul.u32 $0xF7A, s1;
	s8 =	simm.s32 @!p0 $0x1BF5;
	p2 =	por !p2, p0  }
0x20: {  	[sflag:s8] =	ssyncset.s32 @!p0 $0xFFFFF086;
	s6 =	sadd.s32 @!p0 s3, s7;
	s7 =	simm.s32 @!p0 $0x108  }
0x21: {  	s3 =	sadd.s32 s3, s9;
	s6 =	sadd.s32 @!p0 $0x88, s6;
	s7 =	simm.s32 @p2 $0x1082  }
0x22: {  	[simem:s7], [sflag:s8] =	dma.local @!p0 [hbm:s6], $0xF7A  }
0x23: {  	s9 =	sor.u32 $0xD0000000, s2;
	s6 =	simm.s32 $0x108;
	_ =	swait.ge @!p0 [sflag:s8], $0x0  }
0x24: {  	s3 =	sadd.s32 $0x88, s3;
	s6 =	simm.s32 @!p1 $0x1082;
	[sflag:s4] =	ssyncset.s32 $0xFFFFF086  }
0x25: {  	[simem:s6], [sflag:s4] =	dma.local [hbm:s3], $0xF7A  }
0x26: {  	[smem:$0x3F9A] =	sst s1;
	(tag) =	ssettag s2;
	_ =	strace s9  }
0x27: {  	s1 =	sld [smem:$0x3FAA]  }
0x28: {  	s2 =	sld [smem:$0x3FAB]  }
0x29: {  	s4 =	sld [smem:$0x3FAD]  }
0x2a: {  	p0 =	seq.s32 s5, $0x0;
	s5 =	sld [smem:$0x3FAE]  }
0x2b: {  	s6 =	sld [smem:$0x3FAF]  }
0x2c: {  	s7 =	sld [smem:$0x3FB0]  }
0x2d: {  	s3 =	simm.s32 $0x108;
	s8 =	sld [smem:$0x3FB1]  }
0x2e: {  	s3 =	simm.s32 @!p0 $0x1082;
	s9 =	sld [smem:$0x3FB2]  }
0x2f: {  	lr =	sadd.s32 s0, s3;
	s0 =	sld [smem:$0x3FA9]  }
0x30: {  	s3 =	sld [smem:$0x3FAC]  }
0x31: {  	[smem:$0x3FB5] =	sst s10  }
0x32: {  	s10 =	sld [smem:$0x3FB3];
	_ =	sdelay $0x3  }
0x33: {  	p0 =	seq.s32 s10, $0x1;
	s10 =	sld [smem:$0x3FB5];
	_ =	sdelay $0x3  }
0x34: {  	[smem:$0x3FB5] =	sst s10  }
0x35: {  	s10 =	sld [smem:$0x3FB4];
	_ =	sdelay $0x3  }
0x36: {  	p1 =	seq.s32 s10, $0x1;
	s10 =	sld [smem:$0x3FB5];
	_ =	sdelay $0x3  }
0x37: {  	[smem:$0x3FB5] =	sst s10  }
0x38: {  	s10 =	sld [smem:$0x3FB6]  }
0x39: {  	_ = 	snop;
	(pc) =	sbr.ind lr, $3  }
0x3a: {  	_ = 	snop  }
0x3b: {  	_ = 	snop  }
0x3c: {  	p2 =	seq.s32 s10, $0x1;
	s10 =	sld [smem:$0x3FB5]  }
0x3d: {  	_ =	shalt  }
0x3e: {  	_ =	shalt  }
0x3f: {  	_ =	shalt  }
0x40: {  	_ =	shalt  }
0x41: {  	_ =	shalt  }
0x42: {  	_ =	shalt  }
0x43: {  	_ =	shalt  }
0x44: {  	_ =	shalt  }
0x45: {  	_ =	shalt  }
0x46: {  	_ =	shalt  }
0x47: {  	_ =	shalt  }
0x48: {  	_ =	shalt  }
0x49: {  	_ =	shalt  }
0x4a: {  	_ =	shalt  }
0x4b: {  	_ =	shalt  }
0x4c: {  	_ =	shalt  }
0x4d: {  	_ =	shalt  }
0x4e: {  	_ =	shalt  }
0x4f: {  	_ =	shalt  }
0x50: {  	_ =	shalt  }
0x51: {  	_ =	shalt  }
0x52: {  	_ =	shalt  }
0x53: {  	_ =	shalt  }
0x54: {  	_ =	shalt  }
0x55: {  	_ =	shalt  }
0x56: {  	_ =	shalt  }
0x57: {  	_ =	shalt  }
0x58: {  	_ =	shalt  }
0x59: {  	_ =	shalt  }
0x5a: {  	_ =	shalt  }
0x5b: {  	_ =	shalt  }
0x5c: {  	_ =	shalt  }
0x5d: {  	_ =	shalt  }
0x5e: {  	_ =	shalt  }
0x5f: {  	_ =	shalt  }
0x60: {  	_ =	shalt  }
0x61: {  	_ =	shalt  }
0x62: {  	_ =	shalt  }
0x63: {  	_ =	shalt  }
0x64: {  	_ =	shalt  }
0x65: {  	_ =	shalt  }
0x66: {  	_ =	shalt  }
0x67: {  	_ =	shalt  }
0x68: {  	_ =	shalt  }
0x69: {  	_ =	shalt  }
0x6a: {  	_ =	shalt  }
0x6b: {  	_ =	shalt  }
0x6c: {  	_ =	shalt  }
0x6d: {  	_ =	shalt  }
0x6e: {  	_ =	shalt  }
0x6f: {  	_ =	shalt  }
0x70: {  	_ =	shalt  }
0x71: {  	_ =	shalt  }
0x72: {  	_ =	shalt  }
0x73: {  	_ =	shalt  }
0x74: {  	_ =	shalt  }
0x75: {  	_ =	shalt  }
0x76: {  	_ =	shalt  }
0x77: {  	_ =	shalt  }
0x78: {  	_ =	shalt  }
0x79: {  	_ =	shalt  }
0x7a: {  	_ =	shalt  }
0x7b: {  	_ =	shalt  }
0x7c: {  	_ =	shalt  }
0x7d: {  	_ =	shalt  }
0x7e: {  	_ =	shalt  }
0x7f: {  	_ =	shalt  }
0x80: {  	_ =	shalt  }
0x81: {  	_ =	shalt  }
0x82: {  	_ =	shalt  }
0x83: {  	_ =	shalt  }
0x84: {  	_ =	shalt  }
0x85: {  	_ =	shalt  }
0x86: {  	_ =	shalt  }
0x87: {  	_ =	shalt  }
.Lfunc_end0:
.L_simem_size_0:
called_computation_lowered:
.L_overlay_start_0:
0x88: {  	s2 =	sld [smem:$0x3FD9]  }
0x89: {  	s3 =	sld [smem:$0x3FFE];
	_ =	sdelay $0x1  }
0x8a: {  	s1 =	srdreg.scid  }
0x8b: {  	s0 =	sand.u32 $0x1, s1  }
0x8c: {  	s14 =	sshll.u32 s0, $0xA;
	s2 =	sadd.s32 s3, s2  }
0x8d: {  	s2 =	sadd.s32 s2, s14  }
0x8e: {  	[smem:$0x3FC1] =	sst s2  }
0x8f: {  	_ = 	snop  }
0x90: {  	s2 =	sld [smem:$0x3FD0];
	_ =	sdelay $0x2  }
0x91: {  	s15 =	simm.s32 $0xA;
	s4 =	simm.s32 $0x10  }
0x92: {  	[smem:s4], [sflag:s15] =	dma.local [hbm:s2], $0x1  }
0x93: {  	_ =	swait.eq [sflag:s15], $0x1  }
0x94: {  	[sflag:s15] =	ssyncset.done $0x0  }
0x95: {  	s16 =	sld [smem:$0x10];
	[sflag:s15] =	ssyncadd.s32 $0xFFFFFFFF  }
0x96: {  	s17 =	sld [smem:$0x11];
	(tm) =	ssettm $0x1  }
0x97: {  	s18 =	sld [smem:$0x3FFB];
	_ =	sdelay $0x3  }
0x98: {  	_ =	strace s18  }
0x99: {  	s4 =	sld [smem:$0x3FFC];
	_ =	sdelay $0x3  }
0x9a: {  	_ =	strace s4  }
0x9b: {  	s4 =	sld [smem:$0x3FFD];
	_ =	sdelay $0x3  }
0x9c: {  	_ =	strace s4  }
0x9d: {  	_ =	strace $0x8FFFFFFF  }
0x9e: {  	s19 =	sld [smem:$0x3FDB];
	_ =	sdelay $0x1  }
0x9f: {  	s5 =	simm.s32 $_scs_section_size  }
0xa0: {  	s6 =	simm.s32 $_size__tile_overlayer_lowered;
	s7 =	simm.s32 $_tile_overlayer_lowered  }
0xa1: {  	s22 =	simm.s32 $0x1BFF;
	s21 =	sshll.u32 s7, $0x1;
	s4 =	sadd.s32 s5, s19  }
0xa2: {  	s8 =	simm.s32 $0x0;
	s20 =	sshll.u32 s6, $0x1;
	s6 =	sadd.s32 s21, s4  }
0xa3: {  	[timem:s8], [sflag:s22] =	dma.local [hbm:s6], s20  }
0xa4: {  	_ =	swait.ge [sflag:s22], s20  }
0xa5: {  	s5 =	ssub.s32 $0x0, s20;
	[sflag:s22] =	ssyncset.done $0x0  }
0xa6: {  	[sflag:s22] =	ssyncadd.s32 s5;
	_ =	sdelay $0x1  }
0xa7: {  	s23 =	simm.s32 $0x1B8B  }
0xa8: {  	_ =	swait.ge [sflag:s23], $0x1  }
0xa9: {  	[sflag:s23] =	ssyncset.done $0x0  }
0xaa: {  	s25 =	simm.s32 $0x1B8E;
	s24 =	sld [smem:$0x3FFE];
	[sflag:s23] =	ssyncadd.s32 $0xFFFFFFFF  }
0xab: {  	s26 =	simm.s32 $execute0_lowered;
	[smem:$0x3FD2] =	sst s25  }
0xac: {  	s6 =	sshll.u32 s26, $0x1;
	_ =	strace $0x80000046;
	[dreg:$0x1] =	wrdreg $0xFFFFFFFF  }
0xad: {  	s28 =	simm.s32 $_size_execute0_lowered;
	s4 =	sadd.s32 s4, s6;
	[dreg:$0x0] =	wrdreg $0x0  }
0xae: {  	s6 =	sshll.u32 s28, $0x1;
	[dreg:$0x2] =	wrdreg s4  }
0xaf: {  	[dreg:$0x3] =	wrdreg s6  }
0xb0: {  	[dreg:$0x4] =	wrdreg $0xC0  }
0xb1: {  	_ =	task [dreg:s8], $0x5FFFF  }
0xb2: {  	[dreg:$0x1] =	wrdreg $0xFFFFFFFF  }
0xb3: {  	[dreg:$0x0] =	wrdreg $0x60  }
0xb4: {  	[dreg:$0x2] =	wrdreg s24  }
0xb5: {  	[dreg:$0x3] =	wrdreg s17  }
0xb6: {  	[dreg:$0x4] =	wrdreg s16  }
0xb7: {  	[dreg:$0x5] =	wrdreg $0x8D000  }
0xb8: {  	[dreg:$0x6] =	wrdreg $0x9  }
0xb9: {  	_ =	task.clear_ibuf [dreg:s8], $0x7FFFF;
	_ =	strace $0x90000046  }
0xba: {  	s29 =	simm.s32 $0x9;
	_ =	strace $0x80000048  }
0xbb: {  	_ =	swait.ge [sflag:s29], $0x1  }
0xbc: {  	[sflag:s29] =	ssyncadd.s32 $0xFFFFFFFF  }
0xbd: {  	_ =	strace $0x90000048  }
0xbe: {  	_ =	sfence  }
0xbf: {  	s30 =	sld [smem:$0x0];
	_ =	sdelay $0x2  }
0xc0: {  	s31 =	sshll.u32 s1, $0xD;
	s1 =	sshrl.u32 s1, $0x2  }
0xc1: {  	s3 =	sand.u32 $0x4000, s31;
	s1 =	sadd.s32 s1, s30  }
0xc2: {  	s0 =	sor.u32 s3, s0;
	s1 =	sshll.u32 s1, $0x11  }
0xc3: {  	s0 =	sor.u32 s1, s0  }
0xc4: {  	s0 =	sadd.s32 $0x8F2B, s0  }
0xc5: {  	[sflag:s0] =	ssyncadd.remote.s32 $0x1  }
0xc6: {  	_ =	sfence.sel $0xFFFF  }
0xc7: {  	[dreg:$0x0] =	wrdreg $0xFFFFFFFF;
	(pc) =	sbr.abs _section_cstart, $3  }
0xc8: {  	[dreg:$0x1] =	wrdreg $0xFFFFFFFF  }
0xc9: {  	_ =	task.clear_ibuf [dreg:s8], $0x2FFFF;
	_ =	strace $0x9FFFFFFF  }
0xca: {  	(tm) =	ssettm $0x7FFFFFFF  }
0xcb: {  	_ =	shalt  }
tec
execute0_lowered:
.L_overlay_start_1:
0x0: {  	(tag) =	ssettag $0x1  }
0x1: {  	s0 =	rddreg [dreg:$0x0]  }
0x2: {  	s1 =	srdreg.scid;
	s3 =	rddreg [dreg:$0x3]  }
0x3: {  	s4 =	simm.s32 $0x0;
	s6 =	stileid.u32;
	s28 =	simm.s32 $0x8B80  }
0x4: {  	s29 =	simm.s32 $0x6B00;
	s30 =	simm.s32 $0x2;
	s21 =	smul.u32 $0x28000, s6  }
0x5: {  	s31 =	simm.s32 $0x8C00;
	s1 =	sand.u32 $0x1, s1;
	s5 =	smul.u32 $0x1900, s6  }
0x6: {  	s15 =	simm.s32 $0x4;
	s12 =	smul.u32 $0xA000, s6;
	s2 =	sxor.u32 $0x1, s1  }
0x7: {  	[smem:$0x7FF] =	sst s4;
	s8 =	sadd.s32 $0x1A8200, s0;
	s2 =	smul.u32 $0x2710, s2  }
0x8: {  	s20 =	sadd.s32 $0x2400, s0;
	s10 =	sadd.s32 $0x21800, s0;
	s19 =	smul.u32 $0x5, s1  }
0x9: {  	s6 =	simm.s32 $0x0;
	s22 =	ssub.s32 $0x2, s1;
	[dreg:$0x5] =	wrdreg s2  }
0xa: {  	s23 =	sshrl.u32 s22, $0x1;
	_ =	strace $0x80000047;
	[dreg:$0x6] =	wrdreg s19  }
0xb: {  	s1 =	smul.u32 $0x320000, s1;
	s0 =	ssub.s32 s22, s23;
	[dreg:$0x7] =	wrdreg s20  }
0xc: {  	s22 =	simm.s32 $0x4B00;
	s2 =	sshrl.u32 s21, $0x2;
	[dreg:$0x8] =	wrdreg s5  }
0xd: {  	v0 =	vimm.f32 $0.0e+00;
	v1 =	vimm.s32 $0x0;
	s0 =	smax.u32 s0, $0x1;
	s13 =	sadd.s32 s2, s3;
	[dreg:$0x9] =	wrdreg s1  }
0xe: {  	v2 =	vimm.s32 $0x1;
	v3 =	vimm.s32 $0x2;
	v4 =	vimm.s32 $0x3;
	s23 =	simm.s32 $0x6;
	[dreg:$0xa] =	wrdreg s0;
	s24 =	sadd.s32 $0x2000, s13  }
0xf: {  	v5 =	vimm.s32 $0x4;
	v6 =	vimm.s32 $0x5;
	v7 =	vimm.s32 $0x6;
	s0 =	simm.s32 $0x3;
	s25 =	sadd.s32 $0x4000, s13;
	[dreg:$0xb] =	wrdreg s24  }
0x10: {  	v8 =	vimm.s32 $0x7;
	v9 =	vimm.s32 $0x8;
	v10 =	vimm.s32 $0x9;
	s5 =	simm.s32 $0x8C80;
	s26 =	sadd.s32 $0x6000, s13;
	[dreg:$0xc] =	wrdreg s25  }
0x11: {  	v11 =	vimm.s32 $0xA;
	v12 =	vimm.s32 $0xB;
	v13 =	vimm.s32 $0xC;
	s1 =	simm.s32 $0x5;
	s19 =	sadd.s32 $0x8000, s13;
	[dreg:$0xd] =	wrdreg s26  }
0x12: {  	v14 =	vimm.s32 $0xD;
	v15 =	vimm.s32 $0xE;
	v16 =	vimm.s32 $0xF;
	s24 =	simm.s32 $0x1;
	s25 =	simm.s32 $0x80;
	s26 =	simm.s32 $0x8B00  }
.LBB2_1:
0x13: {  	[dreg:$0xe] =	wrdreg s6;
	s2 =	simm.s32 $0x0  }
.LBB2_2:
0x14: {  	s6 =	rddreg [dreg:$0x6]  }
0x15: {  	s6 =	sadd.s32 s6, s2  }
0x16: {  	s6 =	smul.u32 $0x19000, s6  }
0x17: {  	s7 =	rddreg [dreg:$0x8]  }
0x18: {  	s6 =	sadd.s32 s7, s6  }
0x19: {  	s17 =	rddreg [dreg:$0x1];
	s6 =	sshrl.u32 s6, $0x3  }
0x1a: {  	s9 =	simm.s32 $0x0;
	s18 =	rddreg [dreg:$0x2];
	s7 =	sadd.s32 s17, s6  }
0x1b: {  	[tilespmem:s9], [sflag:$0x1] =	stream.linear.gather [hbm4b:s7+s9], $0x1900, $0x38;
	[tilespmem:$0x12D00] =	vst v63  }
0x1c: {  	s11 =	simm.s32 $0x1900;
	s20 =	rddreg [dreg:$0x7];
	s7 =	sadd.s32 s18, s6  }
0x1d: {  	[tilespmem:s11], [sflag:$0x1] =	stream.linear.gather [hbm4b:s7+s9], $0x1900, $0x38;
	[tilespmem:$0x12D00] =	vst v63  }
0x1e: {  	s21 =	simm.s32 $0x3200;
	s6 =	sadd.s32 s20, s6  }
0x1f: {  	[tilespmem:s21], [sflag:$0x1] =	stream.linear.gather [hbm4b:s6+s9], $0x1900, $0x38;
	[tilespmem:$0x12D00] =	vst v63  }
0x20: {  	s7 =	simm.s32 $0x100;
	s6 =	simm.s32 $0x0  }
.LBB2_3:
0x21: {  	p0 =	seq.s32 s7, $0x7F00;
	[tilespmem:s6+$0x4B30] =	vst v0;
	s9 =	smov.u32 s7;
	s7 =	sadd.s32 $0x100, s7  }
.Ltmp0:
0x22: {  	[tilespmem:s6+$0x4B20] =	vst v0;
	(pc) =	sbr.rel @!p0 .LBB2_3-.Ltmp0, $3  }
0x23: {  	[tilespmem:s6+$0x4B00] =	vst v0  }
0x24: {  	[tilespmem:s6+$0x4B10] =	vst v0;
	_ =	sdelay $0x1  }
0x25: {  	s6 =	sshra.s32 s9, $0x2  }
0x26: {  	[tilespmem:s6+$0x4B30] =	vst v0  }
0x27: {  	[tilespmem:s6+$0x4B20] =	vst v0  }
0x28: {  	[tilespmem:s6+$0x4B00] =	vst v0  }
0x29: {  	[tilespmem:s6+$0x4B10] =	vst v0  }
0x2a: {  	[spmem:s13] =	stream.linear.scatter [tilespmem:s22], [sflag:$0x6], $0x2000, $0x38;
	[tilespmem:$0x12D00] =	vst v63  }
0x2b: {  	_ =	swait.ge [sflag:s23], $0x2000  }
0x2c: {  	[sflag:s23] =	ssyncset.done $0x0  }
0x2d: {  	s17 =	rddreg [dreg:$0xb];
	[sflag:s23] =	ssyncadd.s32 $0xFFFFE000  }
0x2e: {  	[spmem:s17] =	stream.linear.scatter [tilespmem:s22], [sflag:$0x6], $0x2000, $0x38;
	[tilespmem:$0x12D00] =	vst v63  }
0x2f: {  	_ =	swait.ge [sflag:s23], $0x2000  }
0x30: {  	[sflag:s23] =	ssyncset.done $0x0  }
0x31: {  	s18 =	rddreg [dreg:$0xc];
	[sflag:s23] =	ssyncadd.s32 $0xFFFFE000  }
0x32: {  	[spmem:s18] =	stream.linear.scatter [tilespmem:s22], [sflag:$0x6], $0x2000, $0x38;
	[tilespmem:$0x12D00] =	vst v63  }
0x33: {  	_ =	swait.ge [sflag:s23], $0x2000  }
0x34: {  	[sflag:s23] =	ssyncset.done $0x0  }
0x35: {  	s20 =	rddreg [dreg:$0xd];
	[sflag:s23] =	ssyncadd.s32 $0xFFFFE000  }
0x36: {  	[spmem:s20] =	stream.linear.scatter [tilespmem:s22], [sflag:$0x6], $0x2000, $0x38;
	[tilespmem:$0x12D00] =	vst v63  }
0x37: {  	_ =	swait.ge [sflag:s23], $0x2000  }
0x38: {  	[sflag:s23] =	ssyncset.done $0x0  }
0x39: {  	[sflag:s23] =	ssyncadd.s32 $0xFFFFE000  }
0x3a: {  	[spmem:s19] =	stream.linear.scatter [tilespmem:s22], [sflag:$0x6], $0x2000, $0x38;
	[tilespmem:$0x12D00] =	vst v63  }
0x3b: {  	_ =	swait.ge [sflag:s23], $0x2000  }
0x3c: {  	[sflag:s23] =	ssyncset.done $0x0  }
0x3d: {  	[sflag:s23] =	ssyncadd.s32 $0xFFFFE000  }
0x3e: {  	_ =	swait.ge [sflag:s24], $0x1900  }
0x3f: {  	[sflag:s24] =	ssyncset.done $0x0  }
0x40: {  	[sflag:s24] =	ssyncadd.s32 $0xFFFFE700  }
0x41: {  	_ =	swait.ge [sflag:s24], $0x1900  }
0x42: {  	[sflag:s24] =	ssyncset.done $0x0  }
0x43: {  	[sflag:s24] =	ssyncadd.s32 $0xFFFFE700  }
0x44: {  	_ =	swait.ge [sflag:s24], $0x1900  }
0x45: {  	[sflag:s24] =	ssyncset.done $0x0  }
0x46: {  	[sflag:s24] =	ssyncadd.s32 $0xFFFFE700  }
0x47: {  	[bflag:$0x0] =	sbarrier.arrive $0xFFFF  }
0x48: {  	v17 =	vld [tilespmem:$0x0]  }
0x49: {  	v18 =	vld [tilespmem:$0x10]  }
0x4a: {  	s21 =	smul.u32 $0x4E20, s2;
	v19 =	vld [tilespmem:$0x20]  }
0x4b: {  	v20 =	vld [tilespmem:$0x30];
	s7 =	rddreg [dreg:$0x5]  }
0x4c: {  	v21 =	vld [tilespmem:$0x40];
	s6 =	sadd.s32 s7, s21  }
0x4d: {  	v22 =	vld [tilespmem:$0x50];
	v17 =	vadd.s32 s6, v17  }
0x4e: {  	v23 =	vld [tilespmem:$0x60];
	[tilespmem:$0x8B00] =	vst v17;
	v17 =	vadd.s32 s6, v18  }
0x4f: {  	v18 =	vld [tilespmem:$0x70];
	[tilespmem:$0x8B10] =	vst v17;
	v17 =	vadd.s32 s6, v19  }
0x50: {  	[tilespmem:$0x8B20] =	vst v17;
	v17 =	vadd.s32 s6, v20  }
0x51: {  	[tilespmem:$0x8B30] =	vst v17;
	v17 =	vadd.s32 s6, v21  }
0x52: {  	[tilespmem:$0x8B40] =	vst v17;
	v17 =	vadd.s32 s6, v22  }
0x53: {  	[tilespmem:$0x8B50] =	vst v17;
	v17 =	vadd.s32 s6, v23  }
0x54: {  	[tilespmem:$0x8B60] =	vst v17;
	v17 =	vadd.s32 s6, v18  }
0x55: {  	[tilespmem:$0x8B70] =	vst v17  }
0x56: {  	[tilespmem:s22], [sflag:$0x2] =	stream.indirect.gather [hbm4b:s8+s25], $0x40, s26, s25, $0xb8;
	[tilespmem:$0x12D00] =	vst v63  }
0x57: {  	v17 =	vld [tilespmem:$0x80]  }
0x58: {  	v18 =	vld [tilespmem:$0x90]  }
0x59: {  	v19 =	vld [tilespmem:$0xA0]  }
0x5a: {  	v60 =	vld [tilespmem:$0xB0]  }
0x5b: {  	v61 =	vld [tilespmem:$0xC0]  }
0x5c: {  	v62 =	vld [tilespmem:$0xD0];
	v17 =	vadd.s32 s6, v17  }
0x5d: {  	v63 =	vld [tilespmem:$0xE0];
	[tilespmem:$0x8B80] =	vst v17;
	v17 =	vadd.s32 s6, v18  }
0x5e: {  	v18 =	vld [tilespmem:$0xF0];
	[tilespmem:$0x8B90] =	vst v17;
	v17 =	vadd.s32 s6, v19  }
0x5f: {  	[tilespmem:$0x8BA0] =	vst v17;
	v17 =	vadd.s32 s6, v60  }
0x60: {  	[tilespmem:$0x8BB0] =	vst v17;
	v17 =	vadd.s32 s6, v61  }
0x61: {  	[tilespmem:$0x8BC0] =	vst v17;
	v17 =	vadd.s32 s6, v62  }
0x62: {  	[tilespmem:$0x8BD0] =	vst v17;
	v17 =	vadd.s32 s6, v63  }
0x63: {  	[tilespmem:$0x8BE0] =	vst v17;
	v17 =	vadd.s32 s6, v18  }
0x64: {  	s20 =	simm.s32 $0x0;
	s21 =	simm.s32 $0x3200;
	[tilespmem:$0x8BF0] =	vst v17;
	v17 =	vmov s6;
	s6 =	simm.s32 $0x3280  }
0x65: {  	[tilespmem:s29], [sflag:$0x3] =	stream.indirect.gather [hbm4b:s8+s25], $0x40, s28, s25, $0xb8;
	[tilespmem:$0x12D00] =	vst v63  }
.LBB2_5:
0x66: {  	_ =	swait.ge [sflag:s30], $0x2000  }
0x67: {  	[sflag:s30] =	ssyncset.done $0x0  }
0x68: {  	s7 =	simm.s32 $0x4D00;
	[sflag:s30] =	ssyncadd.s32 $0xFFFFE000  }
0x69: {  	v18 =	vld [tilespmem:s7+$0x1F0]  }
0x6a: {  	v22 =	vld [tilespmem:s7+$0xFFFFFE00]  }
0x6b: {  	v19 =	vmov s21;
	v23 =	vld [tilespmem:s7+$0xFFFFFE10]  }
0x6c: {  	v24 =	vld [tilespmem:s7+$0xFFFFFE20]  }
0x6d: {  	v25 =	vld [tilespmem:s7+$0xFFFFFE30]  }
0x6e: {  	v26 =	vld [tilespmem:s7+$0xFFFFFE40]  }
0x6f: {  	s9 =	simm.s32 $0x0;
	v27 =	vld [tilespmem:s7+$0xFFFFFE50]  }
0x70: {  	v21 =	vld.idx.msk [tilespmem:v19+s9+$0x0 ss:$0x1], $0xffff  }
0x71: {  	v28 =	vld [tilespmem:s7+$0xFFFFFE60]  }
0x72: {  	v30 =	vld [tilespmem:s7+$0xFFFFFE80]  }
0x73: {  	v31 =	vld [tilespmem:s7+$0xFFFFFE90]  }
0x74: {  	v32 =	vld [tilespmem:s7+$0xFFFFFEA0]  }
0x75: {  	v33 =	vld [tilespmem:s7+$0xFFFFFEB0];
	v20 =	vperm.xlane v21, v16  }
0x76: {  	v34 =	vld [tilespmem:s7+$0xFFFFFEC0];
	v29 =	vperm.xlane v21, v1  }
0x77: {  	s11 =	simm.s32 $0x5100;
	v35 =	vld [tilespmem:s7+$0xFFFFFF50];
	v18 =	vmul.f32 v18, v20  }
0x78: {  	v36 =	vld [tilespmem:s11+$0x1F0];
	v22 =	vmul.f32 v22, v29  }
0x79: {  	v43 =	vld [tilespmem:s7+$0xFFFFFF60];
	v46 =	vperm.xlane v21, v4;
	v23 =	vmul.f32 v23, v29;
	[tilespmem:s7+$0x1F0] =	vst v18  }
0x7a: {  	v37 =	vld [tilespmem:s11+$0xFFFFFE00];
	v53 =	vperm.xlane v21, v6;
	v25 =	vmul.f32 v25, v29;
	[tilespmem:s7+$0xFFFFFE00] =	vst v22  }
0x7b: {  	v38 =	vld [tilespmem:s11+$0xFFFFFE10];
	v34 =	vmul.f32 v34, v46;
	[tilespmem:s7+$0xFFFFFE10] =	vst v23  }
0x7c: {  	v39 =	vld [tilespmem:s11+$0xFFFFFE20];
	v35 =	vmul.f32 v35, v53;
	[tilespmem:s7+$0xFFFFFE30] =	vst v25  }
0x7d: {  	v18 =	vld [tilespmem:s7+$0xFFFFFE70];
	v22 =	vmul.f32 v24, v29;
	v24 =	vperm.xlane v21, v2;
	[tilespmem:s7+$0xFFFFFEC0] =	vst v34  }
0x7e: {  	v54 =	vmul.f32 v43, v53;
	v23 =	vld [tilespmem:s7+$0xFFFFFED0];
	[tilespmem:s7+$0xFFFFFF50] =	vst v35  }
0x7f: {  	v29 =	vld [tilespmem:s7+$0xFFFFFEE0];
	[tilespmem:s7+$0xFFFFFE20] =	vst v22;
	v22 =	vmul.f32 v26, v24  }
0x80: {  	v25 =	vld [tilespmem:s7+$0xFFFFFEF0];
	[tilespmem:s7+$0xFFFFFF60] =	vst v54;
	v26 =	vmul.f32 v27, v24  }
0x81: {  	v40 =	vld [tilespmem:s11+$0xFFFFFE30];
	[tilespmem:s7+$0xFFFFFE40] =	vst v22;
	v22 =	vmul.f32 v28, v24  }
0x82: {  	v41 =	vld [tilespmem:s11+$0xFFFFFE40];
	[tilespmem:s7+$0xFFFFFE50] =	vst v26;
	v18 =	vmul.f32 v18, v24  }
0x83: {  	v42 =	vld [tilespmem:s11+$0xFFFFFE50];
	v23 =	vmul.f32 v23, v46;
	[tilespmem:s7+$0xFFFFFE60] =	vst v22  }
0x84: {  	v27 =	vld [tilespmem:s7+$0xFFFFFF00];
	v28 =	vperm.xlane v21, v3;
	v29 =	vmul.f32 v29, v46;
	[tilespmem:s7+$0xFFFFFE70] =	vst v18  }
0x85: {  	v26 =	vld [tilespmem:s7+$0xFFFFFF10];
	v25 =	vmul.f32 v25, v46;
	[tilespmem:s7+$0xFFFFFED0] =	vst v23  }
0x86: {  	v24 =	vld [tilespmem:s7+$0xFFFFFF20];
	v22 =	vmul.f32 v30, v28;
	[tilespmem:s7+$0xFFFFFEE0] =	vst v29  }
0x87: {  	s18 =	simm.s32 $0x10;
	v30 =	vld [tilespmem:s7+$0xFFFFFF30];
	v32 =	vmul.f32 v32, v28;
	[tilespmem:s7+$0xFFFFFEF0] =	vst v25  }
0x88: {  	v61 =	vperm.xlane v21, v5;
	v18 =	vmul.f32 v31, v28;
	[tilespmem:s7+$0xFFFFFE80] =	vst v22;
	v22 =	vld.idx.msk [tilespmem:v19+s18+$0x0 ss:$0x1], $0xffff  }
0x89: {  	v31 =	vld [tilespmem:s7+$0xFFFFFF40];
	v28 =	vmul.f32 v33, v28;
	[tilespmem:s7+$0xFFFFFEA0] =	vst v32  }
0x8a: {  	v56 =	vld [tilespmem:s11+$0xFFFFFE60];
	v27 =	vmul.f32 v27, v61;
	[tilespmem:s7+$0xFFFFFE90] =	vst v18  }
0x8b: {  	v57 =	vld [tilespmem:s11+$0xFFFFFE70];
	[tilespmem:s7+$0xFFFFFEB0] =	vst v28;
	v26 =	vmul.f32 v26, v61  }
0x8c: {  	v45 =	vld [tilespmem:s11+$0xFFFFFE80];
	[tilespmem:s7+$0xFFFFFF00] =	vst v27;
	v24 =	vmul.f32 v24, v61  }
0x8d: {  	v58 =	vld [tilespmem:s11+$0xFFFFFE90];
	[tilespmem:s7+$0xFFFFFF10] =	vst v26;
	v30 =	vmul.f32 v30, v61;
	v18 =	vperm.xlane v22, v16  }
0x8e: {  	v47 =	vld [tilespmem:s11+$0xFFFFFEA0];
	[tilespmem:s7+$0xFFFFFF20] =	vst v24;
	v31 =	vmul.f32 v31, v53;
	v44 =	vperm.xlane v22, v1  }
0x8f: {  	v48 =	vld [tilespmem:s7+$0xFFFFFF70];
	[tilespmem:s7+$0xFFFFFF30] =	vst v30;
	v36 =	vmul.f32 v36, v18  }
0x90: {  	v59 =	vld [tilespmem:s7+$0xFFFFFF80];
	[tilespmem:s7+$0xFFFFFF40] =	vst v31;
	v37 =	vmul.f32 v37, v44  }
0x91: {  	v60 =	vld [tilespmem:s7+$0xFFFFFF90];
	v38 =	vmul.f32 v38, v44;
	[tilespmem:s11+$0x1F0] =	vst v36  }
0x92: {  	v62 =	vld [tilespmem:s7+$0xFFFFFFA0];
	v49 =	vperm.xlane v22, v2;
	v39 =	vmul.f32 v39, v44;
	[tilespmem:s11+$0xFFFFFE00] =	vst v37  }
0x93: {  	v63 =	vld [tilespmem:s7+$0xFFFFFFB0];
	v40 =	vmul.f32 v40, v44;
	[tilespmem:s11+$0xFFFFFE10] =	vst v38  }
0x94: {  	v43 =	vld [tilespmem:s7+$0x10];
	v41 =	vmul.f32 v41, v49;
	[tilespmem:s11+$0xFFFFFE20] =	vst v39  }
0x95: {  	v28 =	vld [tilespmem:s11+$0xFFFFFEB0];
	v52 =	vperm.xlane v22, v3;
	v42 =	vmul.f32 v42, v49;
	[tilespmem:s11+$0xFFFFFE30] =	vst v40  }
0x96: {  	v34 =	vld [tilespmem:s11+$0xFFFFFEC0];
	v32 =	vmul.f32 v56, v49;
	[tilespmem:s11+$0xFFFFFE40] =	vst v41  }
0x97: {  	v23 =	vld [tilespmem:s11+$0xFFFFFED0];
	v45 =	vmul.f32 v45, v52;
	[tilespmem:s11+$0xFFFFFE50] =	vst v42  }
0x98: {  	v29 =	vld [tilespmem:s11+$0xFFFFFEE0];
	v33 =	vmul.f32 v58, v52;
	[tilespmem:s11+$0xFFFFFE60] =	vst v32  }
0x99: {  	v25 =	vld [tilespmem:s11+$0xFFFFFEF0];
	v55 =	vperm.xlane v22, v4;
	v47 =	vmul.f32 v47, v52;
	[tilespmem:s11+$0xFFFFFE80] =	vst v45  }
0x9a: {  	v35 =	vld [tilespmem:s11+$0xFFFFFF50];
	v28 =	vmul.f32 v28, v52;
	[tilespmem:s11+$0xFFFFFE90] =	vst v33  }
0x9b: {  	v54 =	vld [tilespmem:s7+$0x80];
	v34 =	vmul.f32 v34, v55;
	[tilespmem:s11+$0xFFFFFEA0] =	vst v47  }
0x9c: {  	v46 =	vld [tilespmem:s11+$0x100];
	v23 =	vmul.f32 v23, v55;
	[tilespmem:s11+$0xFFFFFEB0] =	vst v28  }
0x9d: {  	v27 =	vld [tilespmem:s11+$0xFFFFFF00];
	v29 =	vmul.f32 v29, v55;
	[tilespmem:s11+$0xFFFFFEC0] =	vst v34  }
0x9e: {  	v26 =	vld [tilespmem:s11+$0xFFFFFF10];
	v25 =	vmul.f32 v25, v55;
	[tilespmem:s11+$0xFFFFFED0] =	vst v23  }
0x9f: {  	v61 =	vld [tilespmem:s7+$0x50];
	v56 =	vperm.xlane v21, v7;
	v36 =	vmul.f32 v57, v49;
	[tilespmem:s11+$0xFFFFFEE0] =	vst v29  }
0xa0: {  	v24 =	vld [tilespmem:s11+$0xFFFFFF20];
	v32 =	vmul.f32 v48, v53;
	[tilespmem:s11+$0xFFFFFEF0] =	vst v25  }
0xa1: {  	v30 =	vld [tilespmem:s11+$0xFFFFFF30];
	v28 =	vmul.f32 v59, v56;
	[tilespmem:s11+$0xFFFFFE70] =	vst v36  }
0xa2: {  	v31 =	vld [tilespmem:s11+$0xFFFFFF40];
	v59 =	vmul.f32 v60, v56;
	[tilespmem:s7+$0xFFFFFF70] =	vst v32  }
0xa3: {  	v58 =	vld [tilespmem:s7+$0x20];
	v23 =	vmul.f32 v62, v56;
	v62 =	vperm.xlane v22, v5;
	[tilespmem:s7+$0xFFFFFF80] =	vst v28  }
0xa4: {  	v52 =	vld [tilespmem:s11+$0xFFFFFFB0];
	v40 =	vmul.f32 v63, v56;
	[tilespmem:s7+$0xFFFFFF90] =	vst v59  }
0xa5: {  	v55 =	vld [tilespmem:s7+$0x90];
	[tilespmem:s7+$0xFFFFFFA0] =	vst v23;
	v27 =	vmul.f32 v27, v62  }
0xa6: {  	v41 =	vld [tilespmem:s7+$0xFFFFFFC0];
	[tilespmem:s7+$0xFFFFFFB0] =	vst v40;
	v26 =	vmul.f32 v26, v62  }
0xa7: {  	v42 =	vld [tilespmem:s7+$0xFFFFFFD0];
	v56 =	vperm.xlane v22, v6;
	v24 =	vmul.f32 v24, v62;
	[tilespmem:s11+$0xFFFFFF00] =	vst v27  }
0xa8: {  	v39 =	vld [tilespmem:s7+$0xFFFFFFE0];
	v30 =	vmul.f32 v30, v62;
	[tilespmem:s11+$0xFFFFFF10] =	vst v26  }
0xa9: {  	v57 =	vld [tilespmem:s11+$0xFFFFFF60];
	v29 =	vperm.xlane v21, v8;
	v31 =	vmul.f32 v31, v56;
	[tilespmem:s11+$0xFFFFFF20] =	vst v24  }
0xaa: {  	v60 =	vld [tilespmem:s7+$0x40];
	v35 =	vmul.f32 v35, v56;
	[tilespmem:s11+$0xFFFFFF30] =	vst v30  }
0xab: {  	v45 =	vld [tilespmem:s7+$0x0];
	[tilespmem:s11+$0xFFFFFF40] =	vst v31;
	v25 =	vmul.f32 v41, v29  }
0xac: {  	v44 =	vld [tilespmem:s7+$0x100];
	[tilespmem:s11+$0xFFFFFF50] =	vst v35;
	v27 =	vmul.f32 v42, v29  }
0xad: {  	v37 =	vld [tilespmem:s7+$0x30];
	v59 =	vperm.xlane v21, v10;
	v26 =	vmul.f32 v39, v29;
	[tilespmem:s7+$0xFFFFFFC0] =	vst v25  }
0xae: {  	v34 =	vld [tilespmem:s11+$0xFFFFFF90];
	v24 =	vperm.xlane v21, v9;
	v33 =	vmul.f32 v57, v56;
	[tilespmem:s7+$0xFFFFFFD0] =	vst v27  }
0xaf: {  	v36 =	vld [tilespmem:s7+$0xFFFFFFF0];
	v60 =	vmul.f32 v60, v59;
	[tilespmem:s7+$0xFFFFFFE0] =	vst v26  }
0xb0: {  	v32 =	vld [tilespmem:s11+$0xFFFFFF70];
	v30 =	vmul.f32 v45, v24;
	[tilespmem:s11+$0xFFFFFF60] =	vst v33  }
0xb1: {  	v53 =	vld [tilespmem:s7+$0x70];
	v31 =	vmul.f32 v43, v24;
	[tilespmem:s7+$0x40] =	vst v60  }
0xb2: {  	v28 =	vld [tilespmem:s11+$0xFFFFFF80];
	v57 =	vmul.f32 v58, v24;
	[tilespmem:s7+$0x0] =	vst v30  }
0xb3: {  	v63 =	vld [tilespmem:s7+$0x60];
	v24 =	vmul.f32 v37, v24;
	[tilespmem:s7+$0x10] =	vst v31  }
0xb4: {  	v23 =	vld [tilespmem:s11+$0xFFFFFFA0];
	v29 =	vmul.f32 v36, v29;
	[tilespmem:s7+$0x20] =	vst v57  }
0xb5: {  	v47 =	vld [tilespmem:s7+$0xD0];
	v58 =	vperm.xlane v22, v7;
	v32 =	vmul.f32 v32, v56;
	[tilespmem:s7+$0x30] =	vst v24  }
0xb6: {  	v38 =	vld [tilespmem:s7+$0xF0];
	v33 =	vmul.f32 v53, v59;
	[tilespmem:s7+$0xFFFFFFF0] =	vst v29  }
0xb7: {  	v51 =	vld [tilespmem:s11+$0x110];
	v28 =	vmul.f32 v28, v58;
	[tilespmem:s11+$0xFFFFFF70] =	vst v32  }
0xb8: {  	v35 =	vld [tilespmem:s11+$0x20];
	v34 =	vmul.f32 v34, v58;
	[tilespmem:s7+$0x70] =	vst v33  }
0xb9: {  	v25 =	vld [tilespmem:s11+$0xFFFFFFC0];
	v23 =	vmul.f32 v23, v58;
	[tilespmem:s11+$0xFFFFFF80] =	vst v28  }
0xba: {  	v62 =	vld [tilespmem:s7+$0x110];
	v40 =	vmul.f32 v52, v58;
	[tilespmem:s11+$0xFFFFFF90] =	vst v34  }
0xbb: {  	v27 =	vld [tilespmem:s11+$0xFFFFFFD0];
	v58 =	vperm.xlane v22, v9;
	v28 =	vmul.f32 v61, v59;
	[tilespmem:s11+$0xFFFFFFA0] =	vst v23  }
0xbc: {  	v26 =	vld [tilespmem:s11+$0xFFFFFFE0];
	v61 =	vmul.f32 v63, v59;
	v63 =	vperm.xlane v22, v8;
	[tilespmem:s11+$0xFFFFFFB0] =	vst v40  }
0xbd: {  	v53 =	vld [tilespmem:s11+$0x70];
	v23 =	vperm.xlane v21, v11;
	v35 =	vmul.f32 v35, v58;
	[tilespmem:s7+$0x50] =	vst v28  }
0xbe: {  	v30 =	vld [tilespmem:s11+$0x0];
	[tilespmem:s7+$0x60] =	vst v61;
	v25 =	vmul.f32 v25, v63  }
0xbf: {  	v31 =	vld [tilespmem:s11+$0x10];
	v52 =	vmul.f32 v54, v23;
	[tilespmem:s11+$0x20] =	vst v35  }
0xc0: {  	v60 =	vperm.xlane v22, v10;
	v24 =	vld [tilespmem:s11+$0x30];
	v27 =	vmul.f32 v27, v63;
	[tilespmem:s11+$0xFFFFFFC0] =	vst v25  }
0xc1: {  	v41 =	vld [tilespmem:s7+$0x120];
	v26 =	vmul.f32 v26, v63;
	[tilespmem:s7+$0x80] =	vst v52  }
0xc2: {  	v36 =	vld [tilespmem:s7+$0xA0];
	v33 =	vmul.f32 v53, v60;
	[tilespmem:s11+$0xFFFFFFD0] =	vst v27  }
0xc3: {  	v29 =	vld [tilespmem:s11+$0xFFFFFFF0];
	v30 =	vmul.f32 v30, v58;
	[tilespmem:s11+$0xFFFFFFE0] =	vst v26  }
0xc4: {  	v45 =	vld [tilespmem:s7+$0xB0];
	v31 =	vmul.f32 v31, v58;
	[tilespmem:s11+$0x70] =	vst v33  }
0xc5: {  	v32 =	vld [tilespmem:s11+$0x40];
	v24 =	vmul.f32 v24, v58;
	[tilespmem:s11+$0x0] =	vst v30  }
0xc6: {  	v43 =	vld [tilespmem:s7+$0xC0];
	v25 =	vmul.f32 v55, v23;
	[tilespmem:s11+$0x10] =	vst v31  }
0xc7: {  	v37 =	vld [tilespmem:s7+$0xE0];
	v27 =	vmul.f32 v36, v23;
	[tilespmem:s11+$0x30] =	vst v24  }
0xc8: {  	v56 =	vld [tilespmem:s7+$0x140];
	v29 =	vmul.f32 v29, v63;
	[tilespmem:s7+$0x90] =	vst v25  }
0xc9: {  	v57 =	vld [tilespmem:s7+$0x150];
	v61 =	vperm.xlane v21, v13;
	v23 =	vmul.f32 v45, v23;
	[tilespmem:s7+$0xA0] =	vst v27  }
0xca: {  	v34 =	vld [tilespmem:s11+$0x60];
	v32 =	vmul.f32 v32, v60;
	[tilespmem:s11+$0xFFFFFFF0] =	vst v29  }
0xcb: {  	v59 =	vld [tilespmem:s7+$0x160];
	v26 =	vperm.xlane v21, v12;
	v62 =	vmul.f32 v62, v61;
	[tilespmem:s7+$0xB0] =	vst v23  }
0xcc: {  	v28 =	vld [tilespmem:s11+$0x50];
	v24 =	vmul.f32 v44, v61;
	[tilespmem:s11+$0x40] =	vst v32  }
0xcd: {  	v54 =	vld [tilespmem:s7+$0x130];
	v29 =	vmul.f32 v43, v26;
	[tilespmem:s7+$0x110] =	vst v62  }
0xce: {  	v53 =	vld [tilespmem:s7+$0x1D0];
	v30 =	vmul.f32 v47, v26;
	[tilespmem:s7+$0x100] =	vst v24  }
0xcf: {  	v58 =	vld [tilespmem:s11+$0x150];
	v31 =	vmul.f32 v37, v26;
	[tilespmem:s7+$0xC0] =	vst v29  }
0xd0: {  	v55 =	vld [tilespmem:s11+$0x80];
	v26 =	vmul.f32 v38, v26;
	[tilespmem:s7+$0xD0] =	vst v30  }
0xd1: {  	v63 =	vld [tilespmem:s7+$0x1C0];
	v28 =	vmul.f32 v28, v60;
	[tilespmem:s7+$0xE0] =	vst v31  }
0xd2: {  	v25 =	vld [tilespmem:s11+$0x90];
	v24 =	vmul.f32 v34, v60;
	[tilespmem:s7+$0xF0] =	vst v26  }
0xd3: {  	v52 =	vperm.xlane v22, v11;
	v27 =	vld [tilespmem:s11+$0xA0];
	v35 =	vmul.f32 v54, v61;
	[tilespmem:s11+$0x50] =	vst v28  }
0xd4: {  	v23 =	vld [tilespmem:s11+$0xB0];
	v28 =	vmul.f32 v41, v61;
	[tilespmem:s11+$0x60] =	vst v24;
	v24 =	vperm.xlane v21, v14  }
0xd5: {  	v43 =	vld [tilespmem:s7+$0x170];
	v39 =	vmul.f32 v55, v52;
	[tilespmem:s7+$0x130] =	vst v35  }
0xd6: {  	v47 =	vld [tilespmem:s7+$0x180];
	[tilespmem:s7+$0x120] =	vst v28;
	v54 =	vmul.f32 v56, v24  }
0xd7: {  	v37 =	vld [tilespmem:s7+$0x190];
	v25 =	vmul.f32 v25, v52;
	[tilespmem:s11+$0x80] =	vst v39  }
0xd8: {  	v38 =	vld [tilespmem:s7+$0x1A0];
	v36 =	vmul.f32 v57, v24;
	[tilespmem:s7+$0x140] =	vst v54  }
0xd9: {  	v29 =	vld [tilespmem:s11+$0xC0];
	v27 =	vmul.f32 v27, v52;
	[tilespmem:s11+$0x90] =	vst v25  }
0xda: {  	v30 =	vld [tilespmem:s11+$0xD0];
	v23 =	vmul.f32 v23, v52;
	[tilespmem:s7+$0x150] =	vst v36  }
0xdb: {  	v21 =	vperm.xlane v21, v15;
	v61 =	vld [tilespmem:s11+$0x170];
	v25 =	vmul.f32 v59, v24;
	[tilespmem:s11+$0xA0] =	vst v27  }
0xdc: {  	v26 =	vld [tilespmem:s7+$0x1B0];
	v24 =	vmul.f32 v43, v24;
	[tilespmem:s11+$0xB0] =	vst v23  }
0xdd: {  	v31 =	vld [tilespmem:s11+$0xE0];
	v59 =	vperm.xlane v22, v12;
	v23 =	vmul.f32 v47, v21;
	[tilespmem:s7+$0x160] =	vst v25  }
0xde: {  	v44 =	vld [tilespmem:s11+$0xF0];
	v62 =	vperm.xlane v22, v14;
	v27 =	vmul.f32 v37, v21;
	[tilespmem:s7+$0x170] =	vst v24  }
0xdf: {  	v60 =	vld [tilespmem:s11+$0x160];
	v25 =	vmul.f32 v29, v59;
	[tilespmem:s7+$0x180] =	vst v23  }
0xe0: {  	v56 =	vld [tilespmem:s7+$0x1E0];
	v32 =	vmul.f32 v61, v62;
	v29 =	vmul.f32 v30, v59;
	[tilespmem:s7+$0x190] =	vst v27  }
0xe1: {  	v55 =	vld [tilespmem:s11+$0x130];
	v30 =	vmul.f32 v26, v21;
	v23 =	vmul.f32 v63, v20;
	[tilespmem:s11+$0xC0] =	vst v25  }
0xe2: {  	v28 =	vld [tilespmem:s11+$0x120];
	v25 =	vmul.f32 v38, v21;
	v21 =	vmul.f32 v31, v59;
	[tilespmem:s11+$0xD0] =	vst v29  }
0xe3: {  	v57 =	vld [tilespmem:s11+$0x140];
	v29 =	vperm.xlane v22, v13;
	v22 =	vperm.xlane v22, v15;
	[tilespmem:s7+$0x1B0] =	vst v30  }
0xe4: {  	v24 =	vld [tilespmem:s11+$0x180];
	v31 =	vmul.f32 v44, v59;
	v30 =	vmul.f32 v58, v62;
	[tilespmem:s7+$0x1C0] =	vst v23  }
0xe5: {  	v26 =	vld [tilespmem:s11+$0x190];
	[tilespmem:s11+$0xE0] =	vst v21;
	v21 =	vmul.f32 v53, v20;
	v20 =	vmul.f32 v56, v20  }
0xe6: {  	v27 =	vld [tilespmem:s11+$0x1A0];
	[tilespmem:s7+$0x1A0] =	vst v25;
	v63 =	vmul.f32 v46, v29;
	v25 =	vmul.f32 v51, v29  }
0xe7: {  	s17 =	simm.s32 $0x20;
	[tilespmem:s11+$0xF0] =	vst v31;
	v35 =	vmul.f32 v28, v29;
	v33 =	vmul.f32 v55, v29;
	v28 =	vld [tilespmem:s11+$0x1B0]  }
0xe8: {  	s16 =	simm.s32 $0xC0;
	s14 =	simm.s32 $0x5100;
	s9 =	sshll.u32 s20, $0xA;
	v34 =	vld [tilespmem:s11+$0x1C0];
	v29 =	vmul.f32 v57, v62;
	v31 =	vmul.f32 v60, v62;
	[tilespmem:s11+$0x100] =	vst v63  }
.LBB2_6:
0xe9: {  	p0 =	sne.s32 s16, $0x1C0;
	v36 =	vld.idx.msk [tilespmem:v19+s17+$0x0 ss:$0x1], $0xffff;
	[tilespmem:s11+$0x110] =	vst v25;
	v23 =	vmul.f32 v24, v22  }
0xea: {  	[tilespmem:s11+$0x120] =	vst v35;
	v24 =	vmul.f32 v26, v22;
	v35 =	vld [tilespmem:s11+$0x1D0]  }
0xeb: {  	s11 =	sadd.s32 $0x400, s11;
	[tilespmem:s14+$0x130] =	vst v33;
	v25 =	vmul.f32 v27, v22;
	v33 =	vld [tilespmem:s14+$0x1E0]  }
0xec: {  	v26 =	vld [tilespmem:s11+$0x1F0];
	[tilespmem:s14+$0x140] =	vst v29;
	v22 =	vmul.f32 v28, v22  }
0xed: {  	v37 =	vld [tilespmem:s11+$0xFFFFFE00];
	[tilespmem:s14+$0x150] =	vst v30;
	v30 =	vmul.f32 v34, v18  }
0xee: {  	v34 =	vld [tilespmem:s11+$0xFFFFFE10];
	[tilespmem:s14+$0x160] =	vst v31  }
0xef: {  	v31 =	vperm.xlane v36, v1;
	v38 =	vperm.xlane v36, v16;
	v39 =	vld [tilespmem:s11+$0xFFFFFE20];
	[tilespmem:s14+$0x170] =	vst v32  }
0xf0: {  	v40 =	vperm.xlane v36, v3;
	v32 =	vperm.xlane v36, v2;
	v41 =	vld [tilespmem:s11+$0xFFFFFE30];
	[tilespmem:s14+$0x180] =	vst v23  }
0xf1: {  	v42 =	vperm.xlane v36, v4;
	v43 =	vld [tilespmem:s11+$0xFFFFFE40];
	v23 =	vmul.f32 v26, v38;
	[tilespmem:s14+$0x190] =	vst v24  }
0xf2: {  	v44 =	vperm.xlane v36, v5;
	v45 =	vperm.xlane v36, v6;
	v46 =	vld [tilespmem:s11+$0xFFFFFE50];
	[tilespmem:s14+$0x1A0] =	vst v25  }
0xf3: {  	v47 =	vperm.xlane v36, v7;
	v29 =	vperm.xlane v36, v8;
	v48 =	vld [tilespmem:s11+$0xFFFFFE60];
	[tilespmem:s11+$0x1F0] =	vst v23  }
0xf4: {  	v28 =	vperm.xlane v36, v9;
	v27 =	vperm.xlane v36, v10;
	v49 =	vld [tilespmem:s11+$0xFFFFFE70];
	[tilespmem:s14+$0x1B0] =	vst v22  }
0xf5: {  	v26 =	vperm.xlane v36, v11;
	v25 =	vperm.xlane v36, v12;
	v50 =	vld [tilespmem:s11+$0xFFFFFE80];
	[tilespmem:s14+$0x1C0] =	vst v30  }
0xf6: {  	v24 =	vperm.xlane v36, v13;
	v23 =	vperm.xlane v36, v14;
	v30 =	vld [tilespmem:s11+$0xFFFFFE90];
	[tilespmem:s7+$0x1D0] =	vst v21  }
0xf7: {  	v22 =	vperm.xlane v36, v15;
	v21 =	vmul.f32 v37, v31;
	v36 =	vld [tilespmem:s11+$0xFFFFFEA0];
	[tilespmem:s7+$0x1E0] =	vst v20;
	s7 =	smov.u32 s14;
	s14 =	smov.u32 s11  }
0xf8: {  	v20 =	vmul.f32 v34, v31;
	v34 =	vmul.f32 v39, v31;
	v37 =	vld [tilespmem:s11+$0xFFFFFEB0]  }
0xf9: {  	[tilespmem:s11+$0xFFFFFE00] =	vst v21;
	v21 =	vmul.f32 v41, v31;
	v31 =	vmul.f32 v43, v32;
	v39 =	vld [tilespmem:s11+$0xFFFFFEC0]  }
0xfa: {  	v41 =	vmul.f32 v48, v32;
	[tilespmem:s11+$0xFFFFFE10] =	vst v20;
	v20 =	vmul.f32 v46, v32;
	v43 =	vld [tilespmem:s11+$0xFFFFFED0]  }
0xfb: {  	v32 =	vmul.f32 v49, v32;
	[tilespmem:s11+$0xFFFFFE20] =	vst v34;
	v34 =	vmul.f32 v50, v40;
	v46 =	vld [tilespmem:s11+$0xFFFFFEE0]  }
0xfc: {  	v30 =	vmul.f32 v30, v40;
	[tilespmem:s11+$0xFFFFFE30] =	vst v21;
	v36 =	vmul.f32 v36, v40;
	v48 =	vld [tilespmem:s11+$0xFFFFFEF0]  }
0xfd: {  	v21 =	vmul.f32 v35, v18;
	[tilespmem:s11+$0xFFFFFE40] =	vst v31;
	v31 =	vmul.f32 v37, v40;
	v37 =	vld [tilespmem:s11+$0xFFFFFF00]  }
0xfe: {  	[tilespmem:s11+$0xFFFFFE50] =	vst v20;
	v35 =	vmul.f32 v39, v42;
	v39 =	vld [tilespmem:s11+$0xFFFFFF10];
	v20 =	vmul.f32 v33, v18;
	v18 =	vmov v38  }
0xff: {  	[tilespmem:s11+$0xFFFFFE60] =	vst v41;
	v33 =	vmul.f32 v43, v42;
	v38 =	vld [tilespmem:s11+$0xFFFFFF20]  }
0x100: {  	[tilespmem:s11+$0xFFFFFE70] =	vst v32;
	v32 =	vmul.f32 v46, v42;
	v40 =	vld [tilespmem:s11+$0xFFFFFF30]  }
0x101: {  	[tilespmem:s11+$0xFFFFFE80] =	vst v34;
	v34 =	vmul.f32 v48, v42;
	v41 =	vld [tilespmem:s11+$0xFFFFFF40]  }
0x102: {  	[tilespmem:s11+$0xFFFFFE90] =	vst v30;
	v30 =	vmul.f32 v37, v44;
	v37 =	vld [tilespmem:s11+$0xFFFFFF50]  }
0x103: {  	[tilespmem:s11+$0xFFFFFEA0] =	vst v36;
	v36 =	vmul.f32 v39, v44;
	v39 =	vld [tilespmem:s11+$0xFFFFFF60]  }
0x104: {  	[tilespmem:s11+$0xFFFFFEB0] =	vst v31;
	v31 =	vmul.f32 v38, v44;
	v38 =	vld [tilespmem:s11+$0xFFFFFF70]  }
0x105: {  	[tilespmem:s11+$0xFFFFFEC0] =	vst v35;
	v35 =	vmul.f32 v40, v44;
	v40 =	vld [tilespmem:s11+$0xFFFFFF80]  }
0x106: {  	[tilespmem:s11+$0xFFFFFED0] =	vst v33;
	v33 =	vmul.f32 v41, v45;
	v41 =	vld [tilespmem:s11+$0xFFFFFF90]  }
0x107: {  	[tilespmem:s11+$0xFFFFFEE0] =	vst v32;
	v32 =	vmul.f32 v37, v45;
	v37 =	vld [tilespmem:s11+$0xFFFFFFA0]  }
0x108: {  	[tilespmem:s11+$0xFFFFFEF0] =	vst v34;
	v34 =	vmul.f32 v39, v45;
	v39 =	vld [tilespmem:s11+$0xFFFFFFB0]  }
0x109: {  	[tilespmem:s11+$0xFFFFFF00] =	vst v30;
	v30 =	vmul.f32 v38, v45;
	v38 =	vld [tilespmem:s11+$0xFFFFFFC0]  }
0x10a: {  	[tilespmem:s11+$0xFFFFFF10] =	vst v36;
	v36 =	vmul.f32 v40, v47;
	v40 =	vld [tilespmem:s11+$0xFFFFFFD0]  }
0x10b: {  	[tilespmem:s11+$0xFFFFFF20] =	vst v31;
	v31 =	vmul.f32 v41, v47;
	v41 =	vld [tilespmem:s11+$0xFFFFFFE0]  }
0x10c: {  	[tilespmem:s11+$0xFFFFFF30] =	vst v35;
	v35 =	vmul.f32 v37, v47;
	v37 =	vld [tilespmem:s11+$0xFFFFFFF0]  }
0x10d: {  	[tilespmem:s11+$0xFFFFFF40] =	vst v33;
	v33 =	vmul.f32 v39, v47;
	v39 =	vld [tilespmem:s11+$0x0]  }
0x10e: {  	[tilespmem:s11+$0xFFFFFF50] =	vst v32;
	v32 =	vmul.f32 v38, v29;
	v38 =	vld [tilespmem:s11+$0x10]  }
0x10f: {  	[tilespmem:s11+$0xFFFFFF60] =	vst v34;
	v34 =	vmul.f32 v40, v29;
	v40 =	vld [tilespmem:s11+$0x20]  }
0x110: {  	[tilespmem:s11+$0xFFFFFF70] =	vst v30;
	v30 =	vmul.f32 v41, v29;
	v41 =	vld [tilespmem:s11+$0x30]  }
0x111: {  	[tilespmem:s11+$0xFFFFFF80] =	vst v36;
	v29 =	vmul.f32 v37, v29;
	v36 =	vld [tilespmem:s11+$0x40]  }
0x112: {  	[tilespmem:s11+$0xFFFFFF90] =	vst v31;
	v31 =	vmul.f32 v39, v28;
	v37 =	vld [tilespmem:s11+$0x50]  }
0x113: {  	[tilespmem:s11+$0xFFFFFFA0] =	vst v35;
	v35 =	vmul.f32 v38, v28;
	v38 =	vld [tilespmem:s11+$0x60]  }
0x114: {  	[tilespmem:s11+$0xFFFFFFB0] =	vst v33;
	v33 =	vmul.f32 v40, v28;
	v39 =	vld [tilespmem:s11+$0x70]  }
0x115: {  	[tilespmem:s11+$0xFFFFFFC0] =	vst v32;
	v28 =	vmul.f32 v41, v28;
	v32 =	vld [tilespmem:s11+$0x80]  }
0x116: {  	[tilespmem:s11+$0xFFFFFFD0] =	vst v34;
	v34 =	vmul.f32 v36, v27;
	v36 =	vld [tilespmem:s11+$0x90]  }
0x117: {  	[tilespmem:s11+$0xFFFFFFE0] =	vst v30;
	v30 =	vmul.f32 v37, v27;
	v37 =	vld [tilespmem:s11+$0xA0]  }
0x118: {  	[tilespmem:s11+$0xFFFFFFF0] =	vst v29;
	v29 =	vmul.f32 v38, v27;
	v38 =	vld [tilespmem:s11+$0xB0]  }
0x119: {  	[tilespmem:s11+$0x0] =	vst v31;
	v27 =	vmul.f32 v39, v27;
	v31 =	vld [tilespmem:s11+$0xC0]  }
0x11a: {  	[tilespmem:s11+$0x10] =	vst v35;
	v32 =	vmul.f32 v32, v26;
	v35 =	vld [tilespmem:s11+$0xD0]  }
0x11b: {  	[tilespmem:s11+$0x20] =	vst v33;
	v33 =	vmul.f32 v36, v26;
	v36 =	vld [tilespmem:s11+$0xE0]  }
0x11c: {  	[tilespmem:s11+$0x30] =	vst v28;
	v28 =	vmul.f32 v37, v26;
	v37 =	vld [tilespmem:s11+$0xF0]  }
0x11d: {  	[tilespmem:s11+$0x40] =	vst v34;
	v26 =	vmul.f32 v38, v26;
	v34 =	vld [tilespmem:s11+$0x100]  }
0x11e: {  	[tilespmem:s11+$0x50] =	vst v30;
	v30 =	vmul.f32 v31, v25;
	v31 =	vld [tilespmem:s11+$0x110]  }
0x11f: {  	[tilespmem:s11+$0x60] =	vst v29;
	v29 =	vmul.f32 v35, v25;
	v35 =	vld [tilespmem:s11+$0x120]  }
0x120: {  	[tilespmem:s11+$0x70] =	vst v27;
	v27 =	vmul.f32 v36, v25;
	v36 =	vld [tilespmem:s11+$0x130]  }
0x121: {  	[tilespmem:s11+$0x80] =	vst v32;
	v32 =	vmul.f32 v37, v25;
	v37 =	vld [tilespmem:s11+$0x140]  }
0x122: {  	[tilespmem:s11+$0x90] =	vst v33;
	v34 =	vmul.f32 v34, v24;
	v38 =	vld [tilespmem:s11+$0x150]  }
0x123: {  	[tilespmem:s11+$0xA0] =	vst v28;
	v25 =	vmul.f32 v31, v24;
	v28 =	vld [tilespmem:s11+$0x160]  }
0x124: {  	[tilespmem:s11+$0xB0] =	vst v26;
	v35 =	vmul.f32 v35, v24;
	v39 =	vld [tilespmem:s11+$0x170]  }
.Ltmp1:
0x125: {  	[tilespmem:s11+$0xC0] =	vst v30;
	v33 =	vmul.f32 v36, v24;
	v24 =	vld [tilespmem:s11+$0x180];
	(pc) =	sbr.rel @p0 .LBB2_6-.Ltmp1, $4  }
0x126: {  	[tilespmem:s11+$0xD0] =	vst v29;
	v29 =	vmul.f32 v37, v23;
	v26 =	vld [tilespmem:s11+$0x190]  }
0x127: {  	[tilespmem:s11+$0xE0] =	vst v27;
	v30 =	vmul.f32 v38, v23;
	v27 =	vld [tilespmem:s11+$0x1A0]  }
0x128: {  	[tilespmem:s11+$0xF0] =	vst v32;
	v31 =	vmul.f32 v28, v23;
	v28 =	vld [tilespmem:s11+$0x1B0]  }
0x129: {  	s17 =	sshra.s32 s16, $0x2;
	s16 =	sadd.s32 $0x40, s16;
	[tilespmem:s11+$0x100] =	vst v34;
	v32 =	vmul.f32 v39, v23;
	v34 =	vld [tilespmem:s11+$0x1C0]  }
0x12a: {  	[tilespmem:s11+$0x110] =	vst v25  }
0x12b: {  	[tilespmem:s11+$0x120] =	vst v35  }
0x12c: {  	[tilespmem:s7+$0x1D0] =	vst v21  }
0x12d: {  	v23 =	vld [tilespmem:s11+$0x1D0];
	[tilespmem:s7+$0x1E0] =	vst v20  }
0x12e: {  	v25 =	vld.idx.msk [tilespmem:v19+s17+$0x0 ss:$0x1], $0xffff;
	[tilespmem:s14+$0x130] =	vst v33  }
0x12f: {  	s16 =	sadd.s32 $0x400, s11;
	[tilespmem:s14+$0x140] =	vst v29  }
0x130: {  	v44 =	vld [tilespmem:s16+$0x1F0];
	[tilespmem:s14+$0x150] =	vst v30  }
0x131: {  	v29 =	vmul.f32 v24, v22;
	[tilespmem:s14+$0x160] =	vst v31  }
0x132: {  	v19 =	vld [tilespmem:s14+$0x1E0];
	v26 =	vmul.f32 v26, v22;
	[tilespmem:s14+$0x170] =	vst v32  }
0x133: {  	v31 =	vld [tilespmem:s16+$0xFFFFFE30];
	v27 =	vmul.f32 v27, v22;
	[tilespmem:s14+$0x180] =	vst v29;
	v24 =	vperm.xlane v25, v16  }
0x134: {  	v29 =	vld [tilespmem:s16+$0xFFFFFE00];
	[tilespmem:s14+$0x190] =	vst v26;
	v22 =	vmul.f32 v28, v22  }
0x135: {  	v26 =	vld [tilespmem:s16+$0xFFFFFE10];
	[tilespmem:s14+$0x1A0] =	vst v27;
	v30 =	vmul.f32 v44, v24  }
0x136: {  	v28 =	vld [tilespmem:s16+$0xFFFFFE20];
	v27 =	vmul.f32 v34, v18;
	[tilespmem:s14+$0x1B0] =	vst v22  }
0x137: {  	v45 =	vld [tilespmem:s16+$0xFFFFFE70];
	v23 =	vmul.f32 v23, v18;
	[tilespmem:s16+$0x1F0] =	vst v30;
	v30 =	vperm.xlane v25, v1  }
0x138: {  	v22 =	vld [tilespmem:s16+$0xFFFFFE40];
	[tilespmem:s14+$0x1C0] =	vst v27;
	v18 =	vmul.f32 v19, v18  }
0x139: {  	v27 =	vld [tilespmem:s16+$0xFFFFFE50];
	[tilespmem:s14+$0x1D0] =	vst v23;
	v21 =	vmul.f32 v29, v30  }
0x13a: {  	[tilespmem:s14+$0x1E0] =	vst v18;
	v29 =	vld [tilespmem:s16+$0xFFFFFE60];
	v20 =	vmul.f32 v26, v30  }
0x13b: {  	v46 =	vld [tilespmem:s16+$0xFFFFFEF0];
	v26 =	vperm.xlane v25, v2;
	v28 =	vmul.f32 v28, v30;
	[tilespmem:s16+$0xFFFFFE00] =	vst v21  }
0x13c: {  	v30 =	vmul.f32 v31, v30;
	v21 =	vld [tilespmem:s16+$0xFFFFFE80];
	[tilespmem:s16+$0xFFFFFE10] =	vst v20  }
0x13d: {  	v20 =	vld [tilespmem:s16+$0xFFFFFE90];
	v22 =	vmul.f32 v22, v26;
	[tilespmem:s16+$0xFFFFFE20] =	vst v28  }
0x13e: {  	v28 =	vld [tilespmem:s16+$0xFFFFFEA0];
	v27 =	vmul.f32 v27, v26;
	[tilespmem:s16+$0xFFFFFE30] =	vst v30  }
0x13f: {  	v31 =	vld [tilespmem:s16+$0xFFFFFEB0];
	v30 =	vperm.xlane v25, v3;
	[tilespmem:s16+$0xFFFFFE40] =	vst v22;
	v29 =	vmul.f32 v29, v26  }
0x140: {  	v22 =	vld [tilespmem:s16+$0xFFFFFEC0];
	[tilespmem:s16+$0xFFFFFE50] =	vst v27;
	v26 =	vmul.f32 v45, v26  }
0x141: {  	v27 =	vld [tilespmem:s16+$0xFFFFFED0];
	v21 =	vmul.f32 v21, v30;
	[tilespmem:s16+$0xFFFFFE60] =	vst v29  }
0x142: {  	v47 =	vld [tilespmem:s16+$0xFFFFFF70];
	v20 =	vmul.f32 v20, v30;
	[tilespmem:s16+$0xFFFFFE70] =	vst v26  }
0x143: {  	v29 =	vld [tilespmem:s16+$0xFFFFFEE0];
	v26 =	vperm.xlane v25, v4;
	v28 =	vmul.f32 v28, v30;
	[tilespmem:s16+$0xFFFFFE80] =	vst v21  }
0x144: {  	v21 =	vmul.f32 v31, v30;
	v30 =	vld [tilespmem:s16+$0xFFFFFF00];
	[tilespmem:s16+$0xFFFFFE90] =	vst v20  }
0x145: {  	v20 =	vmul.f32 v22, v26;
	v22 =	vld [tilespmem:s16+$0xFFFFFF10];
	[tilespmem:s16+$0xFFFFFEA0] =	vst v28  }
0x146: {  	v27 =	vmul.f32 v27, v26;
	v28 =	vld [tilespmem:s16+$0xFFFFFF20];
	[tilespmem:s16+$0xFFFFFEB0] =	vst v21  }
0x147: {  	v31 =	vld [tilespmem:s16+$0xFFFFFF30];
	v21 =	vperm.xlane v25, v5;
	[tilespmem:s16+$0xFFFFFEC0] =	vst v20;
	v20 =	vmul.f32 v46, v26  }
0x148: {  	[tilespmem:s16+$0xFFFFFED0] =	vst v27;
	v29 =	vmul.f32 v29, v26;
	v26 =	vld [tilespmem:s16+$0xFFFFFF40]  }
0x149: {  	[tilespmem:s16+$0xFFFFFEF0] =	vst v20;
	v27 =	vmul.f32 v30, v21;
	v30 =	vld [tilespmem:s16+$0xFFFFFF50]  }
0x14a: {  	[tilespmem:s16+$0xFFFFFEE0] =	vst v29;
	v22 =	vmul.f32 v22, v21;
	v29 =	vld [tilespmem:s16+$0xFFFFFF60]  }
0x14b: {  	v48 =	vld [tilespmem:s16+$0xFFFFFFF0];
	v20 =	vperm.xlane v25, v6;
	v28 =	vmul.f32 v28, v21;
	[tilespmem:s16+$0xFFFFFF00] =	vst v27  }
0x14c: {  	v21 =	vmul.f32 v31, v21;
	v27 =	vld [tilespmem:s16+$0xFFFFFF80];
	[tilespmem:s16+$0xFFFFFF10] =	vst v22  }
0x14d: {  	[tilespmem:s16+$0xFFFFFF20] =	vst v28;
	v22 =	vmul.f32 v26, v20;
	v26 =	vld [tilespmem:s16+$0xFFFFFF90]  }
0x14e: {  	[tilespmem:s16+$0xFFFFFF30] =	vst v21;
	v28 =	vmul.f32 v30, v20;
	v30 =	vld [tilespmem:s16+$0xFFFFFFA0]  }
0x14f: {  	v31 =	vld [tilespmem:s16+$0xFFFFFFB0];
	v21 =	vperm.xlane v25, v7;
	v29 =	vmul.f32 v29, v20;
	[tilespmem:s16+$0xFFFFFF40] =	vst v22  }
0x150: {  	v20 =	vmul.f32 v47, v20;
	v22 =	vld [tilespmem:s16+$0xFFFFFFC0];
	[tilespmem:s16+$0xFFFFFF50] =	vst v28  }
0x151: {  	v27 =	vmul.f32 v27, v21;
	v28 =	vld [tilespmem:s16+$0xFFFFFFD0];
	[tilespmem:s16+$0xFFFFFF60] =	vst v29  }
0x152: {  	v29 =	vld [tilespmem:s16+$0xFFFFFFE0];
	[tilespmem:s16+$0xFFFFFF70] =	vst v20;
	v26 =	vmul.f32 v26, v21  }
0x153: {  	v49 =	vld [tilespmem:s16+$0x70];
	v20 =	vperm.xlane v25, v8;
	[tilespmem:s16+$0xFFFFFF80] =	vst v27;
	v30 =	vmul.f32 v30, v21  }
0x154: {  	v27 =	vld [tilespmem:s16+$0x0];
	v21 =	vmul.f32 v31, v21;
	[tilespmem:s16+$0xFFFFFF90] =	vst v26  }
0x155: {  	v22 =	vmul.f32 v22, v20;
	v26 =	vld [tilespmem:s16+$0x10];
	[tilespmem:s16+$0xFFFFFFA0] =	vst v30  }
0x156: {  	v28 =	vmul.f32 v28, v20;
	v30 =	vld [tilespmem:s16+$0x20];
	[tilespmem:s16+$0xFFFFFFB0] =	vst v21  }
0x157: {  	v31 =	vld [tilespmem:s16+$0x30];
	v21 =	vperm.xlane v25, v9;
	v29 =	vmul.f32 v29, v20;
	[tilespmem:s16+$0xFFFFFFC0] =	vst v22  }
0x158: {  	v20 =	vmul.f32 v48, v20;
	v22 =	vld [tilespmem:s16+$0x40];
	[tilespmem:s16+$0xFFFFFFD0] =	vst v28  }
0x159: {  	v27 =	vmul.f32 v27, v21;
	v28 =	vld [tilespmem:s16+$0x50];
	[tilespmem:s16+$0xFFFFFFE0] =	vst v29  }
0x15a: {  	v29 =	vld [tilespmem:s16+$0x60];
	[tilespmem:s16+$0xFFFFFFF0] =	vst v20;
	v26 =	vmul.f32 v26, v21  }
0x15b: {  	v50 =	vld [tilespmem:s16+$0xF0];
	v20 =	vperm.xlane v25, v10;
	[tilespmem:s16+$0x0] =	vst v27;
	v30 =	vmul.f32 v30, v21  }
0x15c: {  	v27 =	vld [tilespmem:s16+$0x80];
	v21 =	vmul.f32 v31, v21;
	[tilespmem:s16+$0x10] =	vst v26  }
0x15d: {  	v22 =	vmul.f32 v22, v20;
	v26 =	vld [tilespmem:s16+$0x90];
	[tilespmem:s16+$0x20] =	vst v30  }
0x15e: {  	v28 =	vmul.f32 v28, v20;
	v30 =	vld [tilespmem:s16+$0xA0];
	[tilespmem:s16+$0x30] =	vst v21  }
0x15f: {  	v31 =	vld [tilespmem:s16+$0xB0];
	v21 =	vperm.xlane v25, v11;
	v29 =	vmul.f32 v29, v20;
	[tilespmem:s16+$0x40] =	vst v22  }
0x160: {  	v20 =	vmul.f32 v49, v20;
	v22 =	vld [tilespmem:s16+$0xC0];
	[tilespmem:s16+$0x50] =	vst v28  }
0x161: {  	v27 =	vmul.f32 v27, v21;
	v28 =	vld [tilespmem:s16+$0xD0];
	[tilespmem:s16+$0x60] =	vst v29  }
0x162: {  	v29 =	vld [tilespmem:s16+$0xE0];
	[tilespmem:s16+$0x70] =	vst v20;
	v26 =	vmul.f32 v26, v21  }
0x163: {  	v51 =	vld [tilespmem:s16+$0x170];
	v20 =	vperm.xlane v25, v12;
	[tilespmem:s16+$0x80] =	vst v27;
	v30 =	vmul.f32 v30, v21  }
0x164: {  	v27 =	vld [tilespmem:s16+$0x100];
	v21 =	vmul.f32 v31, v21;
	[tilespmem:s16+$0x90] =	vst v26  }
0x165: {  	v22 =	vmul.f32 v22, v20;
	v26 =	vld [tilespmem:s16+$0x110];
	[tilespmem:s16+$0xA0] =	vst v30  }
0x166: {  	v28 =	vmul.f32 v28, v20;
	v30 =	vld [tilespmem:s16+$0x120];
	[tilespmem:s16+$0xB0] =	vst v21  }
0x167: {  	v31 =	vld [tilespmem:s16+$0x130];
	v21 =	vperm.xlane v25, v13;
	v29 =	vmul.f32 v29, v20;
	[tilespmem:s16+$0xC0] =	vst v22  }
0x168: {  	v20 =	vmul.f32 v50, v20;
	v22 =	vld [tilespmem:s16+$0x140];
	[tilespmem:s16+$0xD0] =	vst v28  }
0x169: {  	v27 =	vmul.f32 v27, v21;
	[tilespmem:s16+$0xE0] =	vst v29;
	v29 =	vld [tilespmem:s16+$0x160]  }
0x16a: {  	v28 =	vld [tilespmem:s16+$0x150];
	[tilespmem:s16+$0xF0] =	vst v20;
	v26 =	vmul.f32 v26, v21  }
0x16b: {  	v20 =	vperm.xlane v25, v14;
	[tilespmem:s16+$0x100] =	vst v27;
	v27 =	vld [tilespmem:s16+$0x180];
	v30 =	vmul.f32 v30, v21  }
0x16c: {  	v21 =	vmul.f32 v31, v21;
	[tilespmem:s16+$0x110] =	vst v26  }
0x16d: {  	v22 =	vmul.f32 v22, v20;
	v26 =	vld [tilespmem:s16+$0x190];
	[tilespmem:s16+$0x120] =	vst v30  }
0x16e: {  	v30 =	vld [tilespmem:s16+$0x1A0];
	[tilespmem:s16+$0x130] =	vst v21;
	v21 =	vperm.xlane v25, v15;
	v25 =	vmul.f32 v29, v20  }
0x16f: {  	v28 =	vmul.f32 v28, v20;
	v29 =	vld [tilespmem:s16+$0x1B0];
	[tilespmem:s16+$0x140] =	vst v22;
	v20 =	vmul.f32 v51, v20  }
0x170: {  	v22 =	vld [tilespmem:s16+$0x1C0];
	v27 =	vmul.f32 v27, v21;
	[tilespmem:s16+$0x160] =	vst v25  }
0x171: {  	[tilespmem:s16+$0x170] =	vst v20;
	v20 =	vld [tilespmem:s16+$0x1D0]  }
0x172: {  	v25 =	vmul.f32 v26, v21;
	[tilespmem:s16+$0x180] =	vst v27;
	v27 =	vld [tilespmem:s16+$0x1E0]  }
0x173: {  	[tilespmem:s16+$0x150] =	vst v28;
	v26 =	vmul.f32 v30, v21  }
0x174: {  	v21 =	vmul.f32 v29, v21;
	[tilespmem:s16+$0x190] =	vst v25  }
0x175: {  	v22 =	vmul.f32 v22, v24;
	[tilespmem:s16+$0x1A0] =	vst v26  }
0x176: {  	[tilespmem:s16+$0x1B0] =	vst v21;
	v19 =	vmul.f32 v20, v24  }
0x177: {  	[tilespmem:s16+$0x1C0] =	vst v22;
	v18 =	vmul.f32 v27, v24  }
0x178: {  	[tilespmem:s16+$0x1D0] =	vst v19  }
0x179: {  	s7 =	sshll.u32 s20, $0x8;
	[tilespmem:s16+$0x1E0] =	vst v18  }
0x17a: {  	v18 =	vld [tilespmem:s7+$0x1900]  }
0x17b: {  	v19 =	vld [tilespmem:s7+$0x1910]  }
0x17c: {  	v20 =	vld [tilespmem:s7+$0x1920]  }
0x17d: {  	v21 =	vld [tilespmem:s7+$0x1930]  }
0x17e: {  	v22 =	vld [tilespmem:s7+$0x1940]  }
0x17f: {  	v23 =	vld [tilespmem:s7+$0x1950]  }
0x180: {  	v24 =	vld [tilespmem:s7+$0x1960]  }
0x181: {  	v25 =	vld [tilespmem:s7+$0x1970];
	[tilespmem:$0x8C00] =	vst v18  }
0x182: {  	[tilespmem:$0x8C10] =	vst v19  }
0x183: {  	[tilespmem:$0x8C20] =	vst v20  }
0x184: {  	[tilespmem:$0x8C30] =	vst v21  }
0x185: {  	[tilespmem:$0x8C40] =	vst v22  }
0x186: {  	[tilespmem:$0x8C50] =	vst v23  }
0x187: {  	[tilespmem:$0x8C60] =	vst v24  }
0x188: {  	[tilespmem:$0x8C70] =	vst v25;
	v19 =	vmov s6  }
0x189: {  	[spmem:s3] =	stream.indirect.scatter.add.f32 [tilespmem:s22], [sflag:$0x4], $0x40, s31, s25, $0xb8;
	[tilespmem:$0x12D00] =	vst v63  }
0x18a: {  	_ =	swait.ge [sflag:s0], $0x2000  }
0x18b: {  	[sflag:s0] =	ssyncset.done $0x0  }
0x18c: {  	s17 =	simm.s32 $0x0;
	[sflag:s0] =	ssyncadd.s32 $0xFFFFE000  }
0x18d: {  	s11 =	simm.s32 $0x6D00;
	v21 =	vld.idx.msk [tilespmem:v19+s17+$0x0 ss:$0x1], $0xffff  }
0x18e: {  	v18 =	vld [tilespmem:s11+$0x1F0]  }
0x18f: {  	v22 =	vld [tilespmem:s11+$0xFFFFFE00]  }
0x190: {  	v23 =	vld [tilespmem:s11+$0xFFFFFE10]  }
0x191: {  	v24 =	vld [tilespmem:s11+$0xFFFFFE20]  }
0x192: {  	v25 =	vld [tilespmem:s11+$0xFFFFFE30]  }
0x193: {  	v26 =	vld [tilespmem:s11+$0xFFFFFE40]  }
0x194: {  	v27 =	vld [tilespmem:s11+$0xFFFFFE50]  }
0x195: {  	v28 =	vld [tilespmem:s11+$0xFFFFFE60]  }
0x196: {  	v30 =	vld [tilespmem:s11+$0xFFFFFE80]  }
0x197: {  	v31 =	vld [tilespmem:s11+$0xFFFFFE90]  }
0x198: {  	v52 =	vld [tilespmem:s11+$0xFFFFFEA0]  }
0x199: {  	v53 =	vld [tilespmem:s11+$0xFFFFFEB0];
	v20 =	vperm.xlane v21, v16  }
0x19a: {  	v54 =	vld [tilespmem:s11+$0xFFFFFEC0];
	v29 =	vperm.xlane v21, v1  }
0x19b: {  	s14 =	simm.s32 $0x7100;
	v55 =	vld [tilespmem:s11+$0xFFFFFF50];
	v18 =	vmul.f32 v18, v20  }
0x19c: {  	v36 =	vld [tilespmem:s14+$0x1F0];
	v22 =	vmul.f32 v22, v29  }
0x19d: {  	v37 =	vld [tilespmem:s14+$0xFFFFFE00];
	v23 =	vmul.f32 v23, v29;
	[tilespmem:s11+$0x1F0] =	vst v18  }
0x19e: {  	v38 =	vld [tilespmem:s14+$0xFFFFFE10];
	v46 =	vperm.xlane v21, v4;
	v25 =	vmul.f32 v25, v29;
	[tilespmem:s11+$0xFFFFFE00] =	vst v22  }
0x19f: {  	v18 =	vld [tilespmem:s11+$0xFFFFFE70];
	v22 =	vmul.f32 v24, v29;
	[tilespmem:s11+$0xFFFFFE10] =	vst v23;
	v24 =	vperm.xlane v21, v2  }
0x1a0: {  	v34 =	vmul.f32 v54, v46;
	v23 =	vld [tilespmem:s11+$0xFFFFFED0];
	[tilespmem:s11+$0xFFFFFE30] =	vst v25  }
0x1a1: {  	v29 =	vld [tilespmem:s11+$0xFFFFFEE0];
	[tilespmem:s11+$0xFFFFFE20] =	vst v22;
	v22 =	vmul.f32 v26, v24  }
0x1a2: {  	v25 =	vld [tilespmem:s11+$0xFFFFFEF0];
	[tilespmem:s11+$0xFFFFFEC0] =	vst v34;
	v26 =	vmul.f32 v27, v24  }
0x1a3: {  	v39 =	vld [tilespmem:s14+$0xFFFFFE20];
	[tilespmem:s11+$0xFFFFFE40] =	vst v22;
	v22 =	vmul.f32 v28, v24  }
0x1a4: {  	v40 =	vld [tilespmem:s14+$0xFFFFFE30];
	[tilespmem:s11+$0xFFFFFE50] =	vst v26;
	v18 =	vmul.f32 v18, v24  }
0x1a5: {  	v41 =	vld [tilespmem:s14+$0xFFFFFE40];
	v23 =	vmul.f32 v23, v46;
	[tilespmem:s11+$0xFFFFFE60] =	vst v22  }
0x1a6: {  	v42 =	vld [tilespmem:s14+$0xFFFFFE50];
	v28 =	vperm.xlane v21, v3;
	v29 =	vmul.f32 v29, v46;
	[tilespmem:s11+$0xFFFFFE70] =	vst v18  }
0x1a7: {  	v27 =	vld [tilespmem:s11+$0xFFFFFF00];
	v25 =	vmul.f32 v25, v46;
	[tilespmem:s11+$0xFFFFFED0] =	vst v23  }
0x1a8: {  	v26 =	vld [tilespmem:s11+$0xFFFFFF10];
	v22 =	vmul.f32 v30, v28;
	[tilespmem:s11+$0xFFFFFEE0] =	vst v29  }
0x1a9: {  	v43 =	vld [tilespmem:s11+$0xFFFFFF60];
	v32 =	vmul.f32 v52, v28;
	[tilespmem:s11+$0xFFFFFEF0] =	vst v25  }
0x1aa: {  	v61 =	vperm.xlane v21, v5;
	v24 =	vld [tilespmem:s11+$0xFFFFFF20];
	v18 =	vmul.f32 v31, v28;
	[tilespmem:s11+$0xFFFFFE80] =	vst v22  }
0x1ab: {  	s18 =	simm.s32 $0x10;
	v30 =	vld [tilespmem:s11+$0xFFFFFF30];
	v28 =	vmul.f32 v53, v28;
	[tilespmem:s11+$0xFFFFFEA0] =	vst v32  }
0x1ac: {  	v27 =	vmul.f32 v27, v61;
	v53 =	vperm.xlane v21, v6;
	v22 =	vld.idx.msk [tilespmem:v19+s18+$0x0 ss:$0x1], $0xffff;
	[tilespmem:s11+$0xFFFFFE90] =	vst v18  }
0x1ad: {  	v31 =	vld [tilespmem:s11+$0xFFFFFF40];
	[tilespmem:s11+$0xFFFFFEB0] =	vst v28;
	v26 =	vmul.f32 v26, v61  }
0x1ae: {  	v56 =	vld [tilespmem:s14+$0xFFFFFE60];
	[tilespmem:s11+$0xFFFFFF00] =	vst v27;
	v35 =	vmul.f32 v55, v53  }
0x1af: {  	v57 =	vld [tilespmem:s14+$0xFFFFFE70];
	v54 =	vmul.f32 v43, v53;
	[tilespmem:s11+$0xFFFFFF10] =	vst v26  }
0x1b0: {  	v45 =	vld [tilespmem:s14+$0xFFFFFE80];
	v24 =	vmul.f32 v24, v61;
	[tilespmem:s11+$0xFFFFFF50] =	vst v35  }
0x1b1: {  	v58 =	vld [tilespmem:s14+$0xFFFFFE90];
	v30 =	vmul.f32 v30, v61;
	[tilespmem:s11+$0xFFFFFF60] =	vst v54;
	v18 =	vperm.xlane v22, v16  }
0x1b2: {  	v47 =	vld [tilespmem:s14+$0xFFFFFEA0];
	[tilespmem:s11+$0xFFFFFF20] =	vst v24;
	v31 =	vmul.f32 v31, v53;
	v44 =	vperm.xlane v22, v1  }
0x1b3: {  	v48 =	vld [tilespmem:s11+$0xFFFFFF70];
	[tilespmem:s11+$0xFFFFFF30] =	vst v30;
	v36 =	vmul.f32 v36, v18  }
0x1b4: {  	v59 =	vld [tilespmem:s11+$0xFFFFFF80];
	[tilespmem:s11+$0xFFFFFF40] =	vst v31;
	v37 =	vmul.f32 v37, v44  }
0x1b5: {  	v60 =	vld [tilespmem:s11+$0xFFFFFF90];
	v38 =	vmul.f32 v38, v44;
	[tilespmem:s14+$0x1F0] =	vst v36  }
0x1b6: {  	v62 =	vld [tilespmem:s11+$0xFFFFFFA0];
	v49 =	vperm.xlane v22, v2;
	v39 =	vmul.f32 v39, v44;
	[tilespmem:s14+$0xFFFFFE00] =	vst v37  }
0x1b7: {  	v63 =	vld [tilespmem:s11+$0xFFFFFFB0];
	v40 =	vmul.f32 v40, v44;
	[tilespmem:s14+$0xFFFFFE10] =	vst v38  }
0x1b8: {  	v34 =	vld [tilespmem:s14+$0xFFFFFEC0];
	v41 =	vmul.f32 v41, v49;
	[tilespmem:s14+$0xFFFFFE20] =	vst v39  }
0x1b9: {  	v28 =	vld [tilespmem:s14+$0xFFFFFEB0];
	v52 =	vperm.xlane v22, v3;
	v42 =	vmul.f32 v42, v49;
	[tilespmem:s14+$0xFFFFFE30] =	vst v40  }
0x1ba: {  	v46 =	vld [tilespmem:s14+$0x100];
	v32 =	vmul.f32 v56, v49;
	[tilespmem:s14+$0xFFFFFE40] =	vst v41  }
0x1bb: {  	v23 =	vld [tilespmem:s14+$0xFFFFFED0];
	v45 =	vmul.f32 v45, v52;
	[tilespmem:s14+$0xFFFFFE50] =	vst v42  }
0x1bc: {  	v29 =	vld [tilespmem:s14+$0xFFFFFEE0];
	v33 =	vmul.f32 v58, v52;
	[tilespmem:s14+$0xFFFFFE60] =	vst v32  }
0x1bd: {  	v25 =	vld [tilespmem:s14+$0xFFFFFEF0];
	v55 =	vperm.xlane v22, v4;
	v47 =	vmul.f32 v47, v52;
	[tilespmem:s14+$0xFFFFFE80] =	vst v45  }
0x1be: {  	v27 =	vld [tilespmem:s14+$0xFFFFFF00];
	v28 =	vmul.f32 v28, v52;
	[tilespmem:s14+$0xFFFFFE90] =	vst v33  }
0x1bf: {  	v43 =	vld [tilespmem:s11+$0x10];
	v34 =	vmul.f32 v34, v55;
	[tilespmem:s14+$0xFFFFFEA0] =	vst v47  }
0x1c0: {  	v26 =	vld [tilespmem:s14+$0xFFFFFF10];
	v23 =	vmul.f32 v23, v55;
	[tilespmem:s14+$0xFFFFFEB0] =	vst v28  }
0x1c1: {  	v35 =	vld [tilespmem:s14+$0xFFFFFF50];
	v29 =	vmul.f32 v29, v55;
	[tilespmem:s14+$0xFFFFFEC0] =	vst v34  }
0x1c2: {  	v61 =	vld [tilespmem:s11+$0x50];
	v25 =	vmul.f32 v25, v55;
	[tilespmem:s14+$0xFFFFFED0] =	vst v23  }
0x1c3: {  	v54 =	vld [tilespmem:s11+$0x80];
	v56 =	vperm.xlane v21, v7;
	v36 =	vmul.f32 v57, v49;
	[tilespmem:s14+$0xFFFFFEE0] =	vst v29  }
0x1c4: {  	v24 =	vld [tilespmem:s14+$0xFFFFFF20];
	v32 =	vmul.f32 v48, v53;
	[tilespmem:s14+$0xFFFFFEF0] =	vst v25  }
0x1c5: {  	v30 =	vld [tilespmem:s14+$0xFFFFFF30];
	v28 =	vmul.f32 v59, v56;
	[tilespmem:s14+$0xFFFFFE70] =	vst v36  }
0x1c6: {  	v31 =	vld [tilespmem:s14+$0xFFFFFF40];
	v59 =	vmul.f32 v60, v56;
	[tilespmem:s11+$0xFFFFFF70] =	vst v32  }
0x1c7: {  	v58 =	vld [tilespmem:s11+$0x20];
	v23 =	vmul.f32 v62, v56;
	v62 =	vperm.xlane v22, v5;
	[tilespmem:s11+$0xFFFFFF80] =	vst v28  }
0x1c8: {  	v52 =	vld [tilespmem:s14+$0xFFFFFFB0];
	v40 =	vmul.f32 v63, v56;
	[tilespmem:s11+$0xFFFFFF90] =	vst v59  }
0x1c9: {  	v55 =	vld [tilespmem:s11+$0x90];
	[tilespmem:s11+$0xFFFFFFA0] =	vst v23;
	v27 =	vmul.f32 v27, v62  }
0x1ca: {  	v41 =	vld [tilespmem:s11+$0xFFFFFFC0];
	[tilespmem:s11+$0xFFFFFFB0] =	vst v40;
	v26 =	vmul.f32 v26, v62  }
0x1cb: {  	v42 =	vld [tilespmem:s11+$0xFFFFFFD0];
	v56 =	vperm.xlane v22, v6;
	v24 =	vmul.f32 v24, v62;
	[tilespmem:s14+$0xFFFFFF00] =	vst v27  }
0x1cc: {  	v39 =	vld [tilespmem:s11+$0xFFFFFFE0];
	v30 =	vmul.f32 v30, v62;
	[tilespmem:s14+$0xFFFFFF10] =	vst v26  }
0x1cd: {  	v57 =	vld [tilespmem:s14+$0xFFFFFF60];
	v29 =	vperm.xlane v21, v8;
	v31 =	vmul.f32 v31, v56;
	[tilespmem:s14+$0xFFFFFF20] =	vst v24  }
0x1ce: {  	v60 =	vld [tilespmem:s11+$0x40];
	v35 =	vmul.f32 v35, v56;
	[tilespmem:s14+$0xFFFFFF30] =	vst v30  }
0x1cf: {  	v45 =	vld [tilespmem:s11+$0x0];
	[tilespmem:s14+$0xFFFFFF40] =	vst v31;
	v25 =	vmul.f32 v41, v29  }
0x1d0: {  	v44 =	vld [tilespmem:s11+$0x100];
	[tilespmem:s14+$0xFFFFFF50] =	vst v35;
	v27 =	vmul.f32 v42, v29  }
0x1d1: {  	v37 =	vld [tilespmem:s11+$0x30];
	v59 =	vperm.xlane v21, v10;
	v26 =	vmul.f32 v39, v29;
	[tilespmem:s11+$0xFFFFFFC0] =	vst v25  }
0x1d2: {  	v34 =	vld [tilespmem:s14+$0xFFFFFF90];
	v24 =	vperm.xlane v21, v9;
	v33 =	vmul.f32 v57, v56;
	[tilespmem:s11+$0xFFFFFFD0] =	vst v27  }
0x1d3: {  	v36 =	vld [tilespmem:s11+$0xFFFFFFF0];
	v60 =	vmul.f32 v60, v59;
	[tilespmem:s11+$0xFFFFFFE0] =	vst v26  }
0x1d4: {  	v32 =	vld [tilespmem:s14+$0xFFFFFF70];
	v30 =	vmul.f32 v45, v24;
	[tilespmem:s14+$0xFFFFFF60] =	vst v33  }
0x1d5: {  	v53 =	vld [tilespmem:s11+$0x70];
	v31 =	vmul.f32 v43, v24;
	[tilespmem:s11+$0x40] =	vst v60  }
0x1d6: {  	v28 =	vld [tilespmem:s14+$0xFFFFFF80];
	v57 =	vmul.f32 v58, v24;
	[tilespmem:s11+$0x0] =	vst v30  }
0x1d7: {  	v63 =	vld [tilespmem:s11+$0x60];
	v24 =	vmul.f32 v37, v24;
	[tilespmem:s11+$0x10] =	vst v31  }
0x1d8: {  	v23 =	vld [tilespmem:s14+$0xFFFFFFA0];
	v29 =	vmul.f32 v36, v29;
	[tilespmem:s11+$0x20] =	vst v57  }
0x1d9: {  	v47 =	vld [tilespmem:s11+$0xD0];
	v58 =	vperm.xlane v22, v7;
	v32 =	vmul.f32 v32, v56;
	[tilespmem:s11+$0x30] =	vst v24  }
0x1da: {  	v38 =	vld [tilespmem:s11+$0xF0];
	v33 =	vmul.f32 v53, v59;
	[tilespmem:s11+$0xFFFFFFF0] =	vst v29  }
0x1db: {  	v51 =	vld [tilespmem:s14+$0x110];
	v28 =	vmul.f32 v28, v58;
	[tilespmem:s14+$0xFFFFFF70] =	vst v32  }
0x1dc: {  	v35 =	vld [tilespmem:s14+$0x20];
	v34 =	vmul.f32 v34, v58;
	[tilespmem:s11+$0x70] =	vst v33  }
0x1dd: {  	v25 =	vld [tilespmem:s14+$0xFFFFFFC0];
	v23 =	vmul.f32 v23, v58;
	[tilespmem:s14+$0xFFFFFF80] =	vst v28  }
0x1de: {  	v62 =	vld [tilespmem:s11+$0x110];
	v40 =	vmul.f32 v52, v58;
	[tilespmem:s14+$0xFFFFFF90] =	vst v34  }
0x1df: {  	v27 =	vld [tilespmem:s14+$0xFFFFFFD0];
	v58 =	vperm.xlane v22, v9;
	v28 =	vmul.f32 v61, v59;
	[tilespmem:s14+$0xFFFFFFA0] =	vst v23  }
0x1e0: {  	v26 =	vld [tilespmem:s14+$0xFFFFFFE0];
	v61 =	vmul.f32 v63, v59;
	v63 =	vperm.xlane v22, v8;
	[tilespmem:s14+$0xFFFFFFB0] =	vst v40  }
0x1e1: {  	v53 =	vld [tilespmem:s14+$0x70];
	v23 =	vperm.xlane v21, v11;
	v35 =	vmul.f32 v35, v58;
	[tilespmem:s11+$0x50] =	vst v28  }
0x1e2: {  	v30 =	vld [tilespmem:s14+$0x0];
	[tilespmem:s11+$0x60] =	vst v61;
	v25 =	vmul.f32 v25, v63  }
0x1e3: {  	v31 =	vld [tilespmem:s14+$0x10];
	v52 =	vmul.f32 v54, v23;
	[tilespmem:s14+$0x20] =	vst v35  }
0x1e4: {  	v60 =	vperm.xlane v22, v10;
	v24 =	vld [tilespmem:s14+$0x30];
	v27 =	vmul.f32 v27, v63;
	[tilespmem:s14+$0xFFFFFFC0] =	vst v25  }
0x1e5: {  	v41 =	vld [tilespmem:s11+$0x120];
	v26 =	vmul.f32 v26, v63;
	[tilespmem:s11+$0x80] =	vst v52  }
0x1e6: {  	v36 =	vld [tilespmem:s11+$0xA0];
	v33 =	vmul.f32 v53, v60;
	[tilespmem:s14+$0xFFFFFFD0] =	vst v27  }
0x1e7: {  	v29 =	vld [tilespmem:s14+$0xFFFFFFF0];
	v30 =	vmul.f32 v30, v58;
	[tilespmem:s14+$0xFFFFFFE0] =	vst v26  }
0x1e8: {  	v45 =	vld [tilespmem:s11+$0xB0];
	v31 =	vmul.f32 v31, v58;
	[tilespmem:s14+$0x70] =	vst v33  }
0x1e9: {  	v32 =	vld [tilespmem:s14+$0x40];
	v24 =	vmul.f32 v24, v58;
	[tilespmem:s14+$0x0] =	vst v30  }
0x1ea: {  	v43 =	vld [tilespmem:s11+$0xC0];
	v25 =	vmul.f32 v55, v23;
	[tilespmem:s14+$0x10] =	vst v31  }
0x1eb: {  	v37 =	vld [tilespmem:s11+$0xE0];
	v27 =	vmul.f32 v36, v23;
	[tilespmem:s14+$0x30] =	vst v24  }
0x1ec: {  	v56 =	vld [tilespmem:s11+$0x140];
	v29 =	vmul.f32 v29, v63;
	[tilespmem:s11+$0x90] =	vst v25  }
0x1ed: {  	v57 =	vld [tilespmem:s11+$0x150];
	v61 =	vperm.xlane v21, v13;
	v23 =	vmul.f32 v45, v23;
	[tilespmem:s11+$0xA0] =	vst v27  }
0x1ee: {  	v34 =	vld [tilespmem:s14+$0x60];
	v32 =	vmul.f32 v32, v60;
	[tilespmem:s14+$0xFFFFFFF0] =	vst v29  }
0x1ef: {  	v59 =	vld [tilespmem:s11+$0x160];
	v26 =	vperm.xlane v21, v12;
	v62 =	vmul.f32 v62, v61;
	[tilespmem:s11+$0xB0] =	vst v23  }
0x1f0: {  	v28 =	vld [tilespmem:s14+$0x50];
	v24 =	vmul.f32 v44, v61;
	[tilespmem:s14+$0x40] =	vst v32  }
0x1f1: {  	v54 =	vld [tilespmem:s11+$0x130];
	v29 =	vmul.f32 v43, v26;
	[tilespmem:s11+$0x110] =	vst v62  }
0x1f2: {  	v53 =	vld [tilespmem:s11+$0x1D0];
	v30 =	vmul.f32 v47, v26;
	[tilespmem:s11+$0x100] =	vst v24  }
0x1f3: {  	v58 =	vld [tilespmem:s14+$0x150];
	v31 =	vmul.f32 v37, v26;
	[tilespmem:s11+$0xC0] =	vst v29  }
0x1f4: {  	v55 =	vld [tilespmem:s14+$0x80];
	v26 =	vmul.f32 v38, v26;
	[tilespmem:s11+$0xD0] =	vst v30  }
0x1f5: {  	v63 =	vld [tilespmem:s11+$0x1C0];
	v28 =	vmul.f32 v28, v60;
	[tilespmem:s11+$0xE0] =	vst v31  }
0x1f6: {  	v25 =	vld [tilespmem:s14+$0x90];
	v24 =	vmul.f32 v34, v60;
	[tilespmem:s11+$0xF0] =	vst v26  }
0x1f7: {  	v52 =	vperm.xlane v22, v11;
	v27 =	vld [tilespmem:s14+$0xA0];
	v35 =	vmul.f32 v54, v61;
	[tilespmem:s14+$0x50] =	vst v28  }
0x1f8: {  	v23 =	vld [tilespmem:s14+$0xB0];
	v28 =	vmul.f32 v41, v61;
	[tilespmem:s14+$0x60] =	vst v24;
	v24 =	vperm.xlane v21, v14  }
0x1f9: {  	v43 =	vld [tilespmem:s11+$0x170];
	v39 =	vmul.f32 v55, v52;
	[tilespmem:s11+$0x130] =	vst v35  }
0x1fa: {  	v47 =	vld [tilespmem:s11+$0x180];
	[tilespmem:s11+$0x120] =	vst v28;
	v54 =	vmul.f32 v56, v24  }
0x1fb: {  	v37 =	vld [tilespmem:s11+$0x190];
	v25 =	vmul.f32 v25, v52;
	[tilespmem:s14+$0x80] =	vst v39  }
0x1fc: {  	v38 =	vld [tilespmem:s11+$0x1A0];
	v36 =	vmul.f32 v57, v24;
	[tilespmem:s11+$0x140] =	vst v54  }
0x1fd: {  	v29 =	vld [tilespmem:s14+$0xC0];
	v27 =	vmul.f32 v27, v52;
	[tilespmem:s14+$0x90] =	vst v25  }
0x1fe: {  	v30 =	vld [tilespmem:s14+$0xD0];
	v23 =	vmul.f32 v23, v52;
	[tilespmem:s11+$0x150] =	vst v36  }
0x1ff: {  	v21 =	vperm.xlane v21, v15;
	v61 =	vld [tilespmem:s14+$0x170];
	v25 =	vmul.f32 v59, v24;
	[tilespmem:s14+$0xA0] =	vst v27  }
0x200: {  	v26 =	vld [tilespmem:s11+$0x1B0];
	v24 =	vmul.f32 v43, v24;
	[tilespmem:s14+$0xB0] =	vst v23  }
0x201: {  	v31 =	vld [tilespmem:s14+$0xE0];
	v59 =	vperm.xlane v22, v12;
	v23 =	vmul.f32 v47, v21;
	[tilespmem:s11+$0x160] =	vst v25  }
0x202: {  	v44 =	vld [tilespmem:s14+$0xF0];
	v62 =	vperm.xlane v22, v14;
	v27 =	vmul.f32 v37, v21;
	[tilespmem:s11+$0x170] =	vst v24  }
0x203: {  	v60 =	vld [tilespmem:s14+$0x160];
	v25 =	vmul.f32 v29, v59;
	[tilespmem:s11+$0x180] =	vst v23  }
0x204: {  	v56 =	vld [tilespmem:s11+$0x1E0];
	v32 =	vmul.f32 v61, v62;
	v29 =	vmul.f32 v30, v59;
	[tilespmem:s11+$0x190] =	vst v27  }
0x205: {  	v55 =	vld [tilespmem:s14+$0x130];
	v30 =	vmul.f32 v26, v21;
	v23 =	vmul.f32 v63, v20;
	[tilespmem:s14+$0xC0] =	vst v25  }
0x206: {  	v28 =	vld [tilespmem:s14+$0x120];
	v25 =	vmul.f32 v38, v21;
	v21 =	vmul.f32 v31, v59;
	[tilespmem:s14+$0xD0] =	vst v29  }
0x207: {  	v57 =	vld [tilespmem:s14+$0x140];
	v29 =	vperm.xlane v22, v13;
	v22 =	vperm.xlane v22, v15;
	[tilespmem:s11+$0x1B0] =	vst v30  }
0x208: {  	v24 =	vld [tilespmem:s14+$0x180];
	v31 =	vmul.f32 v44, v59;
	v30 =	vmul.f32 v58, v62;
	[tilespmem:s11+$0x1C0] =	vst v23  }
0x209: {  	v26 =	vld [tilespmem:s14+$0x190];
	[tilespmem:s14+$0xE0] =	vst v21;
	v21 =	vmul.f32 v53, v20;
	v20 =	vmul.f32 v56, v20  }
0x20a: {  	v27 =	vld [tilespmem:s14+$0x1A0];
	[tilespmem:s11+$0x1A0] =	vst v25;
	v63 =	vmul.f32 v46, v29;
	v25 =	vmul.f32 v51, v29  }
0x20b: {  	s9 =	sor.u32 $0x200, s9;
	[tilespmem:s14+$0xF0] =	vst v31;
	v35 =	vmul.f32 v28, v29;
	v33 =	vmul.f32 v55, v29;
	v28 =	vld [tilespmem:s14+$0x1B0]  }
0x20c: {  	s16 =	simm.s32 $0x7100;
	s17 =	simm.s32 $0xC0;
	s18 =	simm.s32 $0x20;
	v34 =	vld [tilespmem:s14+$0x1C0];
	v29 =	vmul.f32 v57, v62;
	v31 =	vmul.f32 v60, v62;
	[tilespmem:s14+$0x100] =	vst v63  }
.LBB2_8:
0x20d: {  	p0 =	sne.s32 s17, $0x1C0;
	v36 =	vld.idx.msk [tilespmem:v19+s18+$0x0 ss:$0x1], $0xffff;
	[tilespmem:s14+$0x110] =	vst v25;
	v23 =	vmul.f32 v24, v22  }
0x20e: {  	[tilespmem:s14+$0x120] =	vst v35;
	v24 =	vmul.f32 v26, v22;
	v35 =	vld [tilespmem:s14+$0x1D0]  }
0x20f: {  	s14 =	sadd.s32 $0x400, s14;
	[tilespmem:s16+$0x130] =	vst v33;
	v25 =	vmul.f32 v27, v22;
	v33 =	vld [tilespmem:s16+$0x1E0]  }
0x210: {  	v26 =	vld [tilespmem:s14+$0x1F0];
	[tilespmem:s16+$0x140] =	vst v29;
	v22 =	vmul.f32 v28, v22  }
0x211: {  	v37 =	vld [tilespmem:s14+$0xFFFFFE00];
	[tilespmem:s16+$0x150] =	vst v30;
	v30 =	vmul.f32 v34, v18  }
0x212: {  	v34 =	vld [tilespmem:s14+$0xFFFFFE10];
	[tilespmem:s16+$0x160] =	vst v31  }
0x213: {  	v31 =	vperm.xlane v36, v1;
	v38 =	vperm.xlane v36, v16;
	v39 =	vld [tilespmem:s14+$0xFFFFFE20];
	[tilespmem:s16+$0x170] =	vst v32  }
0x214: {  	v40 =	vperm.xlane v36, v3;
	v32 =	vperm.xlane v36, v2;
	v41 =	vld [tilespmem:s14+$0xFFFFFE30];
	[tilespmem:s16+$0x180] =	vst v23  }
0x215: {  	v42 =	vperm.xlane v36, v4;
	v43 =	vld [tilespmem:s14+$0xFFFFFE40];
	v23 =	vmul.f32 v26, v38;
	[tilespmem:s16+$0x190] =	vst v24  }
0x216: {  	v44 =	vperm.xlane v36, v5;
	v45 =	vperm.xlane v36, v6;
	v46 =	vld [tilespmem:s14+$0xFFFFFE50];
	[tilespmem:s16+$0x1A0] =	vst v25  }
0x217: {  	v47 =	vperm.xlane v36, v7;
	v29 =	vperm.xlane v36, v8;
	v48 =	vld [tilespmem:s14+$0xFFFFFE60];
	[tilespmem:s14+$0x1F0] =	vst v23  }
0x218: {  	v28 =	vperm.xlane v36, v9;
	v27 =	vperm.xlane v36, v10;
	v49 =	vld [tilespmem:s14+$0xFFFFFE70];
	[tilespmem:s16+$0x1B0] =	vst v22  }
0x219: {  	v26 =	vperm.xlane v36, v11;
	v25 =	vperm.xlane v36, v12;
	v50 =	vld [tilespmem:s14+$0xFFFFFE80];
	[tilespmem:s16+$0x1C0] =	vst v30  }
0x21a: {  	v24 =	vperm.xlane v36, v13;
	v23 =	vperm.xlane v36, v14;
	v30 =	vld [tilespmem:s14+$0xFFFFFE90];
	[tilespmem:s11+$0x1D0] =	vst v21  }
0x21b: {  	v22 =	vperm.xlane v36, v15;
	v21 =	vmul.f32 v37, v31;
	v36 =	vld [tilespmem:s14+$0xFFFFFEA0];
	[tilespmem:s11+$0x1E0] =	vst v20;
	s11 =	smov.u32 s16;
	s16 =	smov.u32 s14  }
0x21c: {  	v20 =	vmul.f32 v34, v31;
	v34 =	vmul.f32 v39, v31;
	v37 =	vld [tilespmem:s14+$0xFFFFFEB0]  }
0x21d: {  	[tilespmem:s14+$0xFFFFFE00] =	vst v21;
	v21 =	vmul.f32 v41, v31;
	v31 =	vmul.f32 v43, v32;
	v39 =	vld [tilespmem:s14+$0xFFFFFEC0]  }
0x21e: {  	v41 =	vmul.f32 v48, v32;
	[tilespmem:s14+$0xFFFFFE10] =	vst v20;
	v20 =	vmul.f32 v46, v32;
	v43 =	vld [tilespmem:s14+$0xFFFFFED0]  }
0x21f: {  	v32 =	vmul.f32 v49, v32;
	[tilespmem:s14+$0xFFFFFE20] =	vst v34;
	v34 =	vmul.f32 v50, v40;
	v46 =	vld [tilespmem:s14+$0xFFFFFEE0]  }
0x220: {  	v30 =	vmul.f32 v30, v40;
	[tilespmem:s14+$0xFFFFFE30] =	vst v21;
	v36 =	vmul.f32 v36, v40;
	v48 =	vld [tilespmem:s14+$0xFFFFFEF0]  }
0x221: {  	v21 =	vmul.f32 v35, v18;
	[tilespmem:s14+$0xFFFFFE40] =	vst v31;
	v31 =	vmul.f32 v37, v40;
	v37 =	vld [tilespmem:s14+$0xFFFFFF00]  }
0x222: {  	[tilespmem:s14+$0xFFFFFE50] =	vst v20;
	v35 =	vmul.f32 v39, v42;
	v39 =	vld [tilespmem:s14+$0xFFFFFF10];
	v20 =	vmul.f32 v33, v18;
	v18 =	vmov v38  }
0x223: {  	[tilespmem:s14+$0xFFFFFE60] =	vst v41;
	v33 =	vmul.f32 v43, v42;
	v38 =	vld [tilespmem:s14+$0xFFFFFF20]  }
0x224: {  	[tilespmem:s14+$0xFFFFFE70] =	vst v32;
	v32 =	vmul.f32 v46, v42;
	v40 =	vld [tilespmem:s14+$0xFFFFFF30]  }
0x225: {  	[tilespmem:s14+$0xFFFFFE80] =	vst v34;
	v34 =	vmul.f32 v48, v42;
	v41 =	vld [tilespmem:s14+$0xFFFFFF40]  }
0x226: {  	[tilespmem:s14+$0xFFFFFE90] =	vst v30;
	v30 =	vmul.f32 v37, v44;
	v37 =	vld [tilespmem:s14+$0xFFFFFF50]  }
0x227: {  	[tilespmem:s14+$0xFFFFFEA0] =	vst v36;
	v36 =	vmul.f32 v39, v44;
	v39 =	vld [tilespmem:s14+$0xFFFFFF60]  }
0x228: {  	[tilespmem:s14+$0xFFFFFEB0] =	vst v31;
	v31 =	vmul.f32 v38, v44;
	v38 =	vld [tilespmem:s14+$0xFFFFFF70]  }
0x229: {  	[tilespmem:s14+$0xFFFFFEC0] =	vst v35;
	v35 =	vmul.f32 v40, v44;
	v40 =	vld [tilespmem:s14+$0xFFFFFF80]  }
0x22a: {  	[tilespmem:s14+$0xFFFFFED0] =	vst v33;
	v33 =	vmul.f32 v41, v45;
	v41 =	vld [tilespmem:s14+$0xFFFFFF90]  }
0x22b: {  	[tilespmem:s14+$0xFFFFFEE0] =	vst v32;
	v32 =	vmul.f32 v37, v45;
	v37 =	vld [tilespmem:s14+$0xFFFFFFA0]  }
0x22c: {  	[tilespmem:s14+$0xFFFFFEF0] =	vst v34;
	v34 =	vmul.f32 v39, v45;
	v39 =	vld [tilespmem:s14+$0xFFFFFFB0]  }
0x22d: {  	[tilespmem:s14+$0xFFFFFF00] =	vst v30;
	v30 =	vmul.f32 v38, v45;
	v38 =	vld [tilespmem:s14+$0xFFFFFFC0]  }
0x22e: {  	[tilespmem:s14+$0xFFFFFF10] =	vst v36;
	v36 =	vmul.f32 v40, v47;
	v40 =	vld [tilespmem:s14+$0xFFFFFFD0]  }
0x22f: {  	[tilespmem:s14+$0xFFFFFF20] =	vst v31;
	v31 =	vmul.f32 v41, v47;
	v41 =	vld [tilespmem:s14+$0xFFFFFFE0]  }
0x230: {  	[tilespmem:s14+$0xFFFFFF30] =	vst v35;
	v35 =	vmul.f32 v37, v47;
	v37 =	vld [tilespmem:s14+$0xFFFFFFF0]  }
0x231: {  	[tilespmem:s14+$0xFFFFFF40] =	vst v33;
	v33 =	vmul.f32 v39, v47;
	v39 =	vld [tilespmem:s14+$0x0]  }
0x232: {  	[tilespmem:s14+$0xFFFFFF50] =	vst v32;
	v32 =	vmul.f32 v38, v29;
	v38 =	vld [tilespmem:s14+$0x10]  }
0x233: {  	[tilespmem:s14+$0xFFFFFF60] =	vst v34;
	v34 =	vmul.f32 v40, v29;
	v40 =	vld [tilespmem:s14+$0x20]  }
0x234: {  	[tilespmem:s14+$0xFFFFFF70] =	vst v30;
	v30 =	vmul.f32 v41, v29;
	v41 =	vld [tilespmem:s14+$0x30]  }
0x235: {  	[tilespmem:s14+$0xFFFFFF80] =	vst v36;
	v29 =	vmul.f32 v37, v29;
	v36 =	vld [tilespmem:s14+$0x40]  }
0x236: {  	[tilespmem:s14+$0xFFFFFF90] =	vst v31;
	v31 =	vmul.f32 v39, v28;
	v37 =	vld [tilespmem:s14+$0x50]  }
0x237: {  	[tilespmem:s14+$0xFFFFFFA0] =	vst v35;
	v35 =	vmul.f32 v38, v28;
	v38 =	vld [tilespmem:s14+$0x60]  }
0x238: {  	[tilespmem:s14+$0xFFFFFFB0] =	vst v33;
	v33 =	vmul.f32 v40, v28;
	v39 =	vld [tilespmem:s14+$0x70]  }
0x239: {  	[tilespmem:s14+$0xFFFFFFC0] =	vst v32;
	v28 =	vmul.f32 v41, v28;
	v32 =	vld [tilespmem:s14+$0x80]  }
0x23a: {  	[tilespmem:s14+$0xFFFFFFD0] =	vst v34;
	v34 =	vmul.f32 v36, v27;
	v36 =	vld [tilespmem:s14+$0x90]  }
0x23b: {  	[tilespmem:s14+$0xFFFFFFE0] =	vst v30;
	v30 =	vmul.f32 v37, v27;
	v37 =	vld [tilespmem:s14+$0xA0]  }
0x23c: {  	[tilespmem:s14+$0xFFFFFFF0] =	vst v29;
	v29 =	vmul.f32 v38, v27;
	v38 =	vld [tilespmem:s14+$0xB0]  }
0x23d: {  	[tilespmem:s14+$0x0] =	vst v31;
	v27 =	vmul.f32 v39, v27;
	v31 =	vld [tilespmem:s14+$0xC0]  }
0x23e: {  	[tilespmem:s14+$0x10] =	vst v35;
	v32 =	vmul.f32 v32, v26;
	v35 =	vld [tilespmem:s14+$0xD0]  }
0x23f: {  	[tilespmem:s14+$0x20] =	vst v33;
	v33 =	vmul.f32 v36, v26;
	v36 =	vld [tilespmem:s14+$0xE0]  }
0x240: {  	[tilespmem:s14+$0x30] =	vst v28;
	v28 =	vmul.f32 v37, v26;
	v37 =	vld [tilespmem:s14+$0xF0]  }
0x241: {  	[tilespmem:s14+$0x40] =	vst v34;
	v26 =	vmul.f32 v38, v26;
	v34 =	vld [tilespmem:s14+$0x100]  }
0x242: {  	[tilespmem:s14+$0x50] =	vst v30;
	v30 =	vmul.f32 v31, v25;
	v31 =	vld [tilespmem:s14+$0x110]  }
0x243: {  	[tilespmem:s14+$0x60] =	vst v29;
	v29 =	vmul.f32 v35, v25;
	v35 =	vld [tilespmem:s14+$0x120]  }
0x244: {  	[tilespmem:s14+$0x70] =	vst v27;
	v27 =	vmul.f32 v36, v25;
	v36 =	vld [tilespmem:s14+$0x130]  }
0x245: {  	[tilespmem:s14+$0x80] =	vst v32;
	v32 =	vmul.f32 v37, v25;
	v37 =	vld [tilespmem:s14+$0x140]  }
0x246: {  	[tilespmem:s14+$0x90] =	vst v33;
	v34 =	vmul.f32 v34, v24;
	v38 =	vld [tilespmem:s14+$0x150]  }
0x247: {  	[tilespmem:s14+$0xA0] =	vst v28;
	v25 =	vmul.f32 v31, v24;
	v28 =	vld [tilespmem:s14+$0x160]  }
0x248: {  	[tilespmem:s14+$0xB0] =	vst v26;
	v35 =	vmul.f32 v35, v24;
	v39 =	vld [tilespmem:s14+$0x170]  }
.Ltmp2:
0x249: {  	[tilespmem:s14+$0xC0] =	vst v30;
	v33 =	vmul.f32 v36, v24;
	v24 =	vld [tilespmem:s14+$0x180];
	(pc) =	sbr.rel @p0 .LBB2_8-.Ltmp2, $4  }
0x24a: {  	[tilespmem:s14+$0xD0] =	vst v29;
	v29 =	vmul.f32 v37, v23;
	v26 =	vld [tilespmem:s14+$0x190]  }
0x24b: {  	[tilespmem:s14+$0xE0] =	vst v27;
	v30 =	vmul.f32 v38, v23;
	v27 =	vld [tilespmem:s14+$0x1A0]  }
0x24c: {  	[tilespmem:s14+$0xF0] =	vst v32;
	v31 =	vmul.f32 v28, v23;
	v28 =	vld [tilespmem:s14+$0x1B0]  }
0x24d: {  	s18 =	sshra.s32 s17, $0x2;
	s17 =	sadd.s32 $0x40, s17;
	[tilespmem:s14+$0x100] =	vst v34;
	v32 =	vmul.f32 v39, v23;
	v34 =	vld [tilespmem:s14+$0x1C0]  }
0x24e: {  	[tilespmem:s14+$0x110] =	vst v25  }
0x24f: {  	[tilespmem:s14+$0x120] =	vst v35  }
0x250: {  	[tilespmem:s11+$0x1D0] =	vst v21  }
0x251: {  	[tilespmem:s11+$0x1E0] =	vst v20  }
0x252: {  	v23 =	vld [tilespmem:s14+$0x1D0];
	[tilespmem:s16+$0x130] =	vst v33  }
0x253: {  	[tilespmem:s16+$0x140] =	vst v29  }
0x254: {  	[tilespmem:s16+$0x150] =	vst v30  }
0x255: {  	v25 =	vld.idx.msk [tilespmem:v19+s18+$0x0 ss:$0x1], $0xffff;
	v53 =	vmul.f32 v24, v22;
	[tilespmem:s16+$0x160] =	vst v31  }
0x256: {  	s18 =	sadd.s32 $0x400, s14;
	v19 =	vld [tilespmem:s16+$0x1E0];
	v26 =	vmul.f32 v26, v22;
	[tilespmem:s16+$0x170] =	vst v32  }
0x257: {  	v52 =	vld [tilespmem:s18+$0x1F0];
	v27 =	vmul.f32 v27, v22;
	[tilespmem:s16+$0x180] =	vst v53  }
0x258: {  	v54 =	vld [tilespmem:s18+$0xFFFFFE00];
	[tilespmem:s16+$0x190] =	vst v26;
	v56 =	vmul.f32 v28, v22  }
0x259: {  	v57 =	vld [tilespmem:s18+$0xFFFFFE10];
	[tilespmem:s16+$0x1A0] =	vst v27;
	v58 =	vmul.f32 v34, v18  }
0x25a: {  	v59 =	vld [tilespmem:s18+$0xFFFFFE20];
	v24 =	vperm.xlane v25, v16;
	[tilespmem:s16+$0x1B0] =	vst v56;
	v23 =	vmul.f32 v23, v18  }
0x25b: {  	v61 =	vld [tilespmem:s18+$0xFFFFFE30];
	v60 =	vperm.xlane v25, v1;
	[tilespmem:s16+$0x1C0] =	vst v58;
	v18 =	vmul.f32 v19, v18  }
0x25c: {  	v62 =	vld [tilespmem:s18+$0xFFFFFE40];
	v55 =	vmul.f32 v52, v24;
	[tilespmem:s16+$0x1D0] =	vst v23  }
0x25d: {  	v63 =	vld [tilespmem:s18+$0xFFFFFE50];
	v36 =	vmul.f32 v54, v60;
	[tilespmem:s16+$0x1E0] =	vst v18  }
0x25e: {  	v37 =	vld [tilespmem:s18+$0xFFFFFE60];
	v38 =	vmul.f32 v57, v60;
	[tilespmem:s18+$0x1F0] =	vst v55  }
0x25f: {  	v40 =	vld [tilespmem:s18+$0xFFFFFE70];
	v39 =	vperm.xlane v25, v2;
	v28 =	vmul.f32 v59, v60;
	[tilespmem:s18+$0xFFFFFE00] =	vst v36  }
0x260: {  	v41 =	vld [tilespmem:s18+$0xFFFFFE80];
	v30 =	vmul.f32 v61, v60;
	[tilespmem:s18+$0xFFFFFE10] =	vst v38  }
0x261: {  	v42 =	vld [tilespmem:s18+$0xFFFFFE90];
	v22 =	vmul.f32 v62, v39;
	[tilespmem:s18+$0xFFFFFE20] =	vst v28  }
0x262: {  	v45 =	vld [tilespmem:s18+$0xFFFFFEB0];
	v27 =	vmul.f32 v63, v39;
	[tilespmem:s18+$0xFFFFFE30] =	vst v30  }
0x263: {  	v46 =	vld [tilespmem:s18+$0xFFFFFEC0];
	v44 =	vperm.xlane v25, v3;
	v29 =	vmul.f32 v37, v39;
	[tilespmem:s18+$0xFFFFFE40] =	vst v22  }
0x264: {  	v50 =	vld [tilespmem:s18+$0xFFFFFEF0];
	v26 =	vmul.f32 v40, v39;
	[tilespmem:s18+$0xFFFFFE50] =	vst v27  }
0x265: {  	v43 =	vld [tilespmem:s18+$0xFFFFFEA0];
	v21 =	vmul.f32 v41, v44;
	[tilespmem:s18+$0xFFFFFE60] =	vst v29  }
0x266: {  	v47 =	vld [tilespmem:s18+$0xFFFFFED0];
	v49 =	vperm.xlane v25, v4;
	v20 =	vmul.f32 v42, v44;
	[tilespmem:s18+$0xFFFFFE70] =	vst v26  }
0x267: {  	v48 =	vld [tilespmem:s18+$0xFFFFFEE0];
	v51 =	vmul.f32 v45, v44;
	[tilespmem:s18+$0xFFFFFE80] =	vst v21  }
0x268: {  	v52 =	vld [tilespmem:s18+$0xFFFFFF00];
	v53 =	vmul.f32 v46, v49;
	[tilespmem:s18+$0xFFFFFE90] =	vst v20  }
0x269: {  	v54 =	vld [tilespmem:s18+$0xFFFFFF10];
	v58 =	vmul.f32 v50, v49;
	[tilespmem:s18+$0xFFFFFEB0] =	vst v51  }
0x26a: {  	v57 =	vld [tilespmem:s18+$0xFFFFFF30];
	v28 =	vmul.f32 v43, v44;
	[tilespmem:s18+$0xFFFFFEC0] =	vst v53  }
0x26b: {  	v56 =	vperm.xlane v25, v5;
	v59 =	vld [tilespmem:s18+$0xFFFFFF40];
	v27 =	vmul.f32 v47, v49;
	[tilespmem:s18+$0xFFFFFEF0] =	vst v58  }
0x26c: {  	v61 =	vld [tilespmem:s18+$0xFFFFFF50];
	v29 =	vmul.f32 v48, v49;
	[tilespmem:s18+$0xFFFFFEA0] =	vst v28  }
0x26d: {  	v62 =	vld [tilespmem:s18+$0xFFFFFF60];
	[tilespmem:s18+$0xFFFFFED0] =	vst v27;
	v60 =	vmul.f32 v52, v56  }
0x26e: {  	v63 =	vperm.xlane v25, v6;
	v37 =	vld [tilespmem:s18+$0xFFFFFF80];
	[tilespmem:s18+$0xFFFFFEE0] =	vst v29;
	v22 =	vmul.f32 v54, v56  }
0x26f: {  	v39 =	vld [tilespmem:s18+$0xFFFFFF90];
	v21 =	vmul.f32 v57, v56;
	[tilespmem:s18+$0xFFFFFF00] =	vst v60  }
0x270: {  	v41 =	vld [tilespmem:s18+$0xFFFFFFA0];
	v38 =	vmul.f32 v59, v63;
	[tilespmem:s18+$0xFFFFFF10] =	vst v22  }
0x271: {  	v42 =	vperm.xlane v25, v7;
	v55 =	vld [tilespmem:s18+$0xFFFFFF20];
	v40 =	vmul.f32 v61, v63;
	[tilespmem:s18+$0xFFFFFF30] =	vst v21  }
0x272: {  	v36 =	vld [tilespmem:s18+$0xFFFFFF70];
	v29 =	vmul.f32 v62, v63;
	[tilespmem:s18+$0xFFFFFF40] =	vst v38  }
0x273: {  	v43 =	vld [tilespmem:s18+$0xFFFFFFB0];
	v27 =	vmul.f32 v37, v42;
	[tilespmem:s18+$0xFFFFFF50] =	vst v40  }
0x274: {  	v44 =	vld [tilespmem:s18+$0xFFFFFFC0];
	v26 =	vmul.f32 v39, v42;
	[tilespmem:s18+$0xFFFFFF60] =	vst v29  }
0x275: {  	v46 =	vld [tilespmem:s18+$0xFFFFFFE0];
	v30 =	vmul.f32 v41, v42;
	[tilespmem:s18+$0xFFFFFF80] =	vst v27  }
0x276: {  	v49 =	vld [tilespmem:s18+$0x0];
	v28 =	vmul.f32 v55, v56;
	[tilespmem:s18+$0xFFFFFF90] =	vst v26  }
0x277: {  	v50 =	vld [tilespmem:s18+$0x10];
	v47 =	vperm.xlane v25, v8;
	v20 =	vmul.f32 v36, v63;
	[tilespmem:s18+$0xFFFFFFA0] =	vst v30  }
0x278: {  	v51 =	vld [tilespmem:s18+$0x20];
	v21 =	vmul.f32 v43, v42;
	[tilespmem:s18+$0xFFFFFF20] =	vst v28  }
0x279: {  	v45 =	vld [tilespmem:s18+$0xFFFFFFD0];
	v52 =	vperm.xlane v25, v9;
	v22 =	vmul.f32 v44, v47;
	[tilespmem:s18+$0xFFFFFF70] =	vst v20  }
0x27a: {  	v48 =	vld [tilespmem:s18+$0xFFFFFFF0];
	v29 =	vmul.f32 v46, v47;
	[tilespmem:s18+$0xFFFFFFB0] =	vst v21  }
0x27b: {  	v53 =	vld [tilespmem:s18+$0x30];
	v27 =	vmul.f32 v49, v52;
	[tilespmem:s18+$0xFFFFFFC0] =	vst v22  }
0x27c: {  	v54 =	vld [tilespmem:s18+$0x40];
	v26 =	vmul.f32 v50, v52;
	[tilespmem:s18+$0xFFFFFFE0] =	vst v29  }
0x27d: {  	v59 =	vld [tilespmem:s18+$0x80];
	v30 =	vmul.f32 v51, v52;
	[tilespmem:s18+$0x0] =	vst v27  }
0x27e: {  	v61 =	vld [tilespmem:s18+$0xA0];
	v28 =	vmul.f32 v45, v47;
	[tilespmem:s18+$0x10] =	vst v26  }
0x27f: {  	v58 =	vld [tilespmem:s18+$0x70];
	v57 =	vperm.xlane v25, v10;
	v20 =	vmul.f32 v48, v47;
	[tilespmem:s18+$0x20] =	vst v30  }
0x280: {  	v62 =	vperm.xlane v25, v11;
	v55 =	vld [tilespmem:s18+$0x50];
	v21 =	vmul.f32 v53, v52;
	[tilespmem:s18+$0xFFFFFFD0] =	vst v28  }
0x281: {  	v56 =	vld [tilespmem:s18+$0x60];
	v22 =	vmul.f32 v54, v57;
	[tilespmem:s18+$0xFFFFFFF0] =	vst v20  }
0x282: {  	v60 =	vld [tilespmem:s18+$0x90];
	v27 =	vmul.f32 v59, v62;
	[tilespmem:s18+$0x30] =	vst v21  }
0x283: {  	v63 =	vld [tilespmem:s18+$0xB0];
	v30 =	vmul.f32 v61, v62;
	[tilespmem:s18+$0x40] =	vst v22  }
0x284: {  	v36 =	vld [tilespmem:s18+$0xC0];
	v20 =	vmul.f32 v58, v57;
	[tilespmem:s18+$0x80] =	vst v27  }
0x285: {  	v41 =	vld [tilespmem:s18+$0x100];
	v28 =	vmul.f32 v55, v57;
	[tilespmem:s18+$0xA0] =	vst v30  }
0x286: {  	v43 =	vld [tilespmem:s18+$0x120];
	v29 =	vmul.f32 v56, v57;
	[tilespmem:s18+$0x70] =	vst v20  }
0x287: {  	v39 =	vperm.xlane v25, v12;
	v40 =	vld [tilespmem:s18+$0xF0];
	v26 =	vmul.f32 v60, v62;
	[tilespmem:s18+$0x50] =	vst v28  }
0x288: {  	v37 =	vld [tilespmem:s18+$0xD0];
	v44 =	vperm.xlane v25, v13;
	v21 =	vmul.f32 v63, v62;
	[tilespmem:s18+$0x60] =	vst v29  }
0x289: {  	v38 =	vld [tilespmem:s18+$0xE0];
	v22 =	vmul.f32 v36, v39;
	[tilespmem:s18+$0x90] =	vst v26  }
0x28a: {  	v42 =	vld [tilespmem:s18+$0x110];
	v27 =	vmul.f32 v41, v44;
	[tilespmem:s18+$0xB0] =	vst v21  }
0x28b: {  	v45 =	vld [tilespmem:s18+$0x130];
	v30 =	vmul.f32 v43, v44;
	[tilespmem:s18+$0xC0] =	vst v22  }
0x28c: {  	v46 =	vld [tilespmem:s18+$0x140];
	v20 =	vmul.f32 v40, v39;
	[tilespmem:s18+$0x100] =	vst v27  }
0x28d: {  	v48 =	vld [tilespmem:s18+$0x160];
	v28 =	vmul.f32 v37, v39;
	[tilespmem:s18+$0x120] =	vst v30  }
0x28e: {  	v51 =	vld [tilespmem:s18+$0x180];
	v29 =	vmul.f32 v38, v39;
	[tilespmem:s18+$0xF0] =	vst v20  }
0x28f: {  	v49 =	vperm.xlane v25, v14;
	v52 =	vld [tilespmem:s18+$0x190];
	v26 =	vmul.f32 v42, v44;
	[tilespmem:s18+$0xD0] =	vst v28  }
0x290: {  	v53 =	vld [tilespmem:s18+$0x1A0];
	v21 =	vmul.f32 v45, v44;
	[tilespmem:s18+$0xE0] =	vst v29  }
0x291: {  	v50 =	vld [tilespmem:s18+$0x170];
	v54 =	vperm.xlane v25, v15;
	v22 =	vmul.f32 v46, v49;
	[tilespmem:s18+$0x110] =	vst v26  }
0x292: {  	v59 =	vld [tilespmem:s18+$0x1D0];
	v55 =	vmul.f32 v48, v49;
	[tilespmem:s18+$0x130] =	vst v21  }
0x293: {  	v61 =	vld [tilespmem:s18+$0x1E0];
	v27 =	vmul.f32 v51, v54;
	[tilespmem:s18+$0x140] =	vst v22  }
0x294: {  	v47 =	vld [tilespmem:s18+$0x150];
	v58 =	vmul.f32 v52, v54;
	[tilespmem:s18+$0x160] =	vst v55  }
0x295: {  	v56 =	vld [tilespmem:s18+$0x1B0];
	v60 =	vmul.f32 v53, v54;
	[tilespmem:s18+$0x180] =	vst v27  }
0x296: {  	v57 =	vld [tilespmem:s18+$0x1C0];
	v20 =	vmul.f32 v50, v49;
	[tilespmem:s18+$0x190] =	vst v58  }
0x297: {  	v19 =	vmul.f32 v59, v24;
	[tilespmem:s18+$0x1A0] =	vst v60  }
0x298: {  	v18 =	vmul.f32 v61, v24;
	[tilespmem:s18+$0x170] =	vst v20  }
0x299: {  	v28 =	vmul.f32 v47, v49;
	[tilespmem:s18+$0x1D0] =	vst v19  }
0x29a: {  	v21 =	vmul.f32 v56, v54;
	[tilespmem:s18+$0x1E0] =	vst v18  }
0x29b: {  	v22 =	vmul.f32 v57, v24;
	[tilespmem:s18+$0x150] =	vst v28  }
0x29c: {  	[tilespmem:s18+$0x1B0] =	vst v21  }
0x29d: {  	s9 =	sshrl.u32 s9, $0x2;
	[tilespmem:s18+$0x1C0] =	vst v22  }
0x29e: {  	v18 =	vld [tilespmem:s9+$0x1900]  }
0x29f: {  	v19 =	vld [tilespmem:s9+$0x1910]  }
0x2a0: {  	v62 =	vld [tilespmem:s9+$0x1920]  }
0x2a1: {  	v21 =	vld [tilespmem:s9+$0x1930]  }
0x2a2: {  	v22 =	vld [tilespmem:s9+$0x1940]  }
0x2a3: {  	v23 =	vld [tilespmem:s9+$0x1950]  }
0x2a4: {  	v63 =	vld [tilespmem:s9+$0x1960]  }
0x2a5: {  	v25 =	vld [tilespmem:s9+$0x1970];
	[tilespmem:$0x8C80] =	vst v18  }
0x2a6: {  	[tilespmem:$0x8C90] =	vst v19  }
0x2a7: {  	[tilespmem:$0x8CA0] =	vst v62  }
0x2a8: {  	[tilespmem:$0x8CB0] =	vst v21  }
0x2a9: {  	[tilespmem:$0x8CC0] =	vst v22  }
0x2aa: {  	[tilespmem:$0x8CD0] =	vst v23  }
0x2ab: {  	p0 =	seq.s32 s20, $0x18;
	[tilespmem:$0x8CE0] =	vst v63  }
.Ltmp3:
0x2ac: {  	[tilespmem:$0x8CF0] =	vst v25;
	(pc) =	sbr.rel @p0 .LBB2_11-.Ltmp3, $4  }
0x2ad: {  	[spmem:s3] =	stream.indirect.scatter.add.f32 [tilespmem:s29], [sflag:$0x5], $0x40, s5, s25, $0xb8;
	[tilespmem:$0x12D00] =	vst v63  }
0x2ae: {  	_ =	swait.ge [sflag:s15], $0x2000  }
0x2af: {  	[sflag:s15] =	ssyncset.done $0x0  }
0x2b0: {  	[sflag:s15] =	ssyncadd.s32 $0xFFFFE000  }
0x2b1: {  	v18 =	vld [tilespmem:s7+$0x100]  }
0x2b2: {  	v19 =	vld [tilespmem:s7+$0x110]  }
0x2b3: {  	v20 =	vld [tilespmem:s7+$0x120]  }
0x2b4: {  	v21 =	vld [tilespmem:s7+$0x130]  }
0x2b5: {  	v22 =	vld [tilespmem:s7+$0x140]  }
0x2b6: {  	v23 =	vld [tilespmem:s7+$0x150]  }
0x2b7: {  	v24 =	vld [tilespmem:s7+$0x160];
	v18 =	vadd.s32 v17, v18  }
0x2b8: {  	v25 =	vld [tilespmem:s7+$0x170];
	[tilespmem:$0x8B00] =	vst v18;
	v18 =	vadd.s32 v17, v19  }
0x2b9: {  	[tilespmem:$0x8B10] =	vst v18;
	v18 =	vadd.s32 v17, v20  }
0x2ba: {  	[tilespmem:$0x8B20] =	vst v18;
	v18 =	vadd.s32 v17, v21  }
0x2bb: {  	[tilespmem:$0x8B30] =	vst v18;
	v18 =	vadd.s32 v17, v22  }
0x2bc: {  	[tilespmem:$0x8B40] =	vst v18;
	v18 =	vadd.s32 v17, v23  }
0x2bd: {  	[tilespmem:$0x8B50] =	vst v18;
	v18 =	vadd.s32 v17, v24  }
0x2be: {  	[tilespmem:$0x8B60] =	vst v18;
	v18 =	vadd.s32 v17, v25  }
0x2bf: {  	[tilespmem:$0x8B70] =	vst v18  }
0x2c0: {  	[tilespmem:s22], [sflag:$0x2] =	stream.indirect.gather [hbm4b:s8+s25], $0x40, s26, s25, $0xb8;
	[tilespmem:$0x12D00] =	vst v63  }
0x2c1: {  	_ =	swait.ge [sflag:s1], $0x2000  }
0x2c2: {  	[sflag:s1] =	ssyncset.done $0x0  }
0x2c3: {  	[sflag:s1] =	ssyncadd.s32 $0xFFFFE000  }
0x2c4: {  	v18 =	vld [tilespmem:s7+$0x180]  }
0x2c5: {  	v19 =	vld [tilespmem:s7+$0x190]  }
0x2c6: {  	v58 =	vld [tilespmem:s7+$0x1A0]  }
0x2c7: {  	v59 =	vld [tilespmem:s7+$0x1B0]  }
0x2c8: {  	v60 =	vld [tilespmem:s7+$0x1C0]  }
0x2c9: {  	v61 =	vld [tilespmem:s7+$0x1D0]  }
0x2ca: {  	v62 =	vld [tilespmem:s7+$0x1E0];
	v18 =	vadd.s32 v17, v18  }
0x2cb: {  	v63 =	vld [tilespmem:s7+$0x1F0];
	[tilespmem:$0x8B80] =	vst v18;
	v18 =	vadd.s32 v17, v19  }
0x2cc: {  	[tilespmem:$0x8B90] =	vst v18;
	v18 =	vadd.s32 v17, v58  }
0x2cd: {  	[tilespmem:$0x8BA0] =	vst v18;
	v18 =	vadd.s32 v17, v59  }
0x2ce: {  	[tilespmem:$0x8BB0] =	vst v18;
	v18 =	vadd.s32 v17, v60  }
.Ltmp4:
0x2cf: {  	[tilespmem:$0x8BC0] =	vst v18;
	v18 =	vadd.s32 v17, v61;
	(pc) =	sbr.rel .LBB2_5-.Ltmp4, $4  }
0x2d0: {  	[tilespmem:$0x8BD0] =	vst v18;
	v18 =	vadd.s32 v17, v62  }
0x2d1: {  	[tilespmem:$0x8BE0] =	vst v18;
	v18 =	vadd.s32 v17, v63  }
0x2d2: {  	s20 =	sadd.s32 $0x1, s20;
	s21 =	sadd.s32 $0x100, s21;
	s6 =	sadd.s32 $0x100, s6;
	[tilespmem:$0x8BF0] =	vst v18  }
0x2d3: {  	[tilespmem:s29], [sflag:$0x3] =	stream.indirect.gather [hbm4b:s8+s25], $0x40, s28, s25, $0xb8;
	[tilespmem:$0x12D00] =	vst v63  }
.LBB2_11:
0x2d4: {  	_ =	swait.ge [sflag:s1], $0x2000  }
0x2d5: {  	[sflag:s1] =	ssyncset.done $0x0  }
0x2d6: {  	[sflag:s1] =	ssyncadd.s32 $0xFFFFE000  }
0x2d7: {  	s6 =	smul.u32 $0xA0000, s2;
	[bflag:$0x0] =	sbarrier.arrive $0xFFFF  }
0x2d8: {  	s7 =	rddreg [dreg:$0x9]  }
0x2d9: {  	s6 =	sadd.s32 s7, s6;
	s7 =	simm.s32 $0x0  }
.LBB2_12:
0x2da: {  	s9 =	sshll.u32 s7, $0xD  }
0x2db: {  	s9 =	sadd.s32 s12, s9  }
0x2dc: {  	s11 =	sadd.s32 s9, s3  }
0x2dd: {  	[tilespmem:s22], [sflag:$0x6] =	stream.linear.gather [spmem:s11], $0x2000, $0x38;
	[tilespmem:$0x12D00] =	vst v63  }
0x2de: {  	_ =	swait.ge [sflag:s23], $0x2000  }
0x2df: {  	[sflag:s23] =	ssyncset.done $0x0  }
0x2e0: {  	s11 =	simm.s32 $0x0;
	[sflag:s23] =	ssyncadd.s32 $0xFFFFE000  }
0x2e1: {  	v19 =	vld [tilespmem:s11+$0x4B30]  }
0x2e2: {  	v20 =	vld [tilespmem:s11+$0x4B00]  }
0x2e3: {  	v18 =	vld [tilespmem:s11+$0x4B10]  }
0x2e4: {  	s14 =	simm.s32 $0x100;
	v17 =	vld [tilespmem:s11+$0x4B20]  }
.LBB2_13:
0x2e5: {  	p0 =	sne.s32 s14, $0x7F00  }
.Ltmp5:
0x2e6: {  	s16 =	sshra.s32 s14, $0x2;
	s14 =	sadd.s32 $0x100, s14;
	v21 =	vmax.f32 v19, $0.0e+00;
	(pc) =	sbr.rel @p0 .LBB2_13-.Ltmp5, $4  }
0x2e7: {  	v19 =	vld [tilespmem:s16+$0x4B30];
	v22 =	vmax.f32 v20, $0.0e+00;
	[tilespmem:s11+$0x4B30] =	vst v21  }
0x2e8: {  	v20 =	vld [tilespmem:s16+$0x4B00];
	[tilespmem:s11+$0x4B00] =	vst v22;
	v21 =	vmax.f32 v18, $0.0e+00  }
0x2e9: {  	v18 =	vld [tilespmem:s16+$0x4B10];
	[tilespmem:s11+$0x4B10] =	vst v21;
	v21 =	vmax.f32 v17, $0.0e+00  }
0x2ea: {  	v17 =	vld [tilespmem:s16+$0x4B20];
	[tilespmem:s11+$0x4B20] =	vst v21;
	s11 =	smov.u32 s16  }
0x2eb: {  	_ = 	snop  }
0x2ec: {  	v19 =	vmax.f32 v19, $0.0e+00  }
0x2ed: {  	v20 =	vmax.f32 v20, $0.0e+00;
	[tilespmem:s11+$0x4B30] =	vst v19  }
0x2ee: {  	s9 =	sadd.s32 s9, s6;
	s7 =	sadd.s32 $0x1, s7;
	[tilespmem:s11+$0x4B00] =	vst v20;
	v18 =	vmax.f32 v18, $0.0e+00  }
0x2ef: {  	s9 =	sshrl.u32 s9, $0x3;
	p0 =	sne.s32 s7, $0x5;
	[tilespmem:s11+$0x4B10] =	vst v18;
	v17 =	vmax.f32 v17, $0.0e+00  }
.Ltmp6:
0x2f0: {  	s9 =	sadd.s32 s10, s9;
	[tilespmem:s11+$0x4B20] =	vst v17;
	(pc) =	sbr.rel @p0 .LBB2_12-.Ltmp6, $4  }
0x2f1: {  	[hbm4b:s9+s4] =	stream.linear.scatter [tilespmem:s22], [sflag:$0x6], $0x2000, $0x38;
	[tilespmem:$0x12D00] =	vst v63  }
0x2f2: {  	_ =	swait.ge [sflag:s23], $0x2000  }
0x2f3: {  	[sflag:s23] =	ssyncset.done $0x0  }
0x2f4: {  	[sflag:s23] =	ssyncadd.s32 $0xFFFFE000  }
0x2f5: {  	s2 =	sadd.s32 $0x1, s2  }
0x2f6: {  	p0 =	sne.s32 s2, $0x5  }
.Ltmp7:
0x2f7: {  	_ = 	snop;
	(pc) =	sbr.rel @p0 .LBB2_2-.Ltmp7, $2  }
0x2f8: {  	_ =	sdelay $0x1  }
0x2f9: {  	[bflag:$0x0] =	sbarrier.arrive $0xFFFF;
	_ =	sdelay $0x1  }
0x2fa: {  	s6 =	rddreg [dreg:$0xe]  }
0x2fb: {  	s2 =	rddreg [dreg:$0xa];
	s6 =	sadd.s32 $0x1, s6  }
0x2fc: {  	p0 =	sne.s32 s6, s2  }
.Ltmp8:
0x2fd: {  	_ = 	snop;
	(pc) =	sbr.rel @p0 .LBB2_1-.Ltmp8, $1  }
0x2fe: {  	_ =	sdelay $0x3  }
0x2ff: {  	_ =	sfence.sel $0x180000  }
0x300: {  	[bflag:$0x0] =	sbarrier.arrive $0xFFFF  }
0x301: {  	_ =	strace $0x90000047  }
0x302: {  	s0 =	stileid.u32;
	[bflag:$0x2] =	sbarrier.arrive $0xFFFF  }
0x303: {  	p0 =	sne.s32 s0, $0x0;
	s0 =	rddreg [dreg:$0x4]  }
0x304: {  	s0 =	sadd.s32 @!p0 $0x100000, s0  }
0x305: {  	[sflag:s0] =	ssyncadd.tile.s32 @!p0 $0x1;
	_ =	shalt  }
.Lfunc_end2:
_tile_overlayer_lowered:
.L_overlay_start_2:
0x306: {  	(tag) =	ssettag $0x2  }
0x307: {  	s0 =	rddreg [dreg:$0x0];
	s2 =	stileid.u32  }
0x308: {  	s1 =	rddreg [dreg:$0x1];
	p0 =	sne.s32 s2, $0x0  }
0x309: {  	s3 =	rddreg [dreg:$0x2];
	[bflag:$0x3] =	sbarrier.arrive $0xFFFF;
	s2 =	simm.s32 @!p0 $0x1C06  }
0x30a: {  	[timem:s3], [sflag:s2] =	dma.local @!p0 [hbm:s0], s1  }
0x30b: {  	s0 =	simm.s32 @!p0 $0x6  }
0x30c: {  	_ =	swait.ge @!p0 [sflag:s0], s1  }
0x30d: {  	s1 =	ssub.s32 @!p0 $0x0, s1;
	[sflag:s0] =	ssyncset.done @!p0 $0x0  }
0x30e: {  	[sflag:s0] =	ssyncadd.s32 @!p0 s1  }
0x30f: {  	[bflag:$0x3] =	sbarrier.arrive $0xFFFF  }
0x310: {  	_ =	shalt  }

</sc_bundles>
